<compile_context>
chip_gen: v7x
topology: tpu7x:2x2x1
jax: 0.10.2.dev20260603
libtpu: 0.0.44.dev20260713+nightly
codegen_flags: <defaults>
</compile_context>

<pallas_src>
import functools

import jax
import jax.numpy as jnp
from jax import lax
from jax.experimental import pallas as pl
from jax.experimental.pallas import tpu as pltpu
from jax.experimental.pallas import tpu_sc as plsc

N = 10000
NP = 10240
D = 128
DO = 18
E = 320000
NC = 2
NS = 16
NW = NC * NS
EPW = E // NW
RPT = NP // NS

C = 40
CHUNKS = EPW // C
NB = 6
GRP = CHUNKS // NB
TAIL = CHUNKS - GRP * NB
TAILE = EPW - CHUNKS * C

CD = 128
DCHUNKS = EPW // CD
DTAILE = EPW - DCHUNKS * CD
ND = 8
DGRP = DCHUNKS // ND
DTAIL = DCHUNKS - DGRP * ND



def _sc_deg_body(dst_hbm, out_a, out_b, deg_sp, z_v, ones_v, didxt, *bufs):
    didx = bufs[0:ND]
    sem_i = bufs[ND:2 * ND]
    sem_s = bufs[2 * ND:3 * ND]
    cid = lax.axis_index("c")
    sid = lax.axis_index("s")
    gw = cid * NS + sid
    ebase = gw * EPW

    def zfill(i, _):
        z_v[pl.ds(i * 16, 16)] = jnp.zeros((16,), jnp.float32)
        return 0
    lax.fori_loop(0, RPT // 16, zfill, 0)

    def ofill(i, _):
        ones_v[pl.ds(i * 16, 16)] = jnp.ones((16,), jnp.float32)
        return 0
    lax.fori_loop(0, CD // 16, ofill, 0)

    pltpu.sync_copy(z_v, deg_sp.at[pl.ds(sid * RPT, RPT)])
    plsc.subcore_barrier()

    def drain_scatter(b):
        pltpu.make_async_copy(ones_v, deg_sp.at[didx[b]], sem_s[b]).wait()

    def run_chunks(base, nb, first):
        idescs = []
        for b in range(nb):
            if not first:
                drain_scatter(b)
            idescs.append(
                pltpu.async_copy(dst_hbm.at[pl.ds(base + b * CD, CD)],
                                 didx[b], sem_i[b]))
        for b in range(nb):
            idescs[b].wait()
            pltpu.async_copy(ones_v, deg_sp.at[didx[b]], sem_s[b],
                             add=True)

    def group(g, _):
        @pl.when(g == 0)
        def _():
            run_chunks(ebase, ND, True)

        @pl.when(g > 0)
        def _():
            run_chunks(ebase + g * ND * CD, ND, False)
        return 0
    lax.fori_loop(0, DGRP, group, 0)
    for b in range(ND):
        drain_scatter(b)
    if DTAIL:
        run_chunks(ebase + DGRP * ND * CD, DTAIL, True)
        for b in range(DTAIL):
            drain_scatter(b)
    if DTAILE:
        pltpu.sync_copy(dst_hbm.at[pl.ds(ebase + DCHUNKS * CD, DTAILE)],
                        didxt)
        pltpu.sync_copy(ones_v.at[pl.ds(0, DTAILE)], deg_sp.at[didxt],
                        add=True)

    plsc.subcore_barrier()
    pltpu.sync_copy(deg_sp.at[pl.ds(sid * RPT, RPT)], z_v)

    @pl.when(cid == 0)
    def _():
        pltpu.sync_copy(z_v, out_a.at[pl.ds(sid * RPT, RPT)])

    @pl.when(cid == 1)
    def _():
        pltpu.sync_copy(z_v, out_b.at[pl.ds(sid * RPT, RPT)])


@functools.cache
def _sc_deg():
    mesh = plsc.VectorSubcoreMesh(
        core_axis_name="c", subcore_axis_name="s",
        num_cores=NC, num_subcores=NS)
    return pl.kernel(
        _sc_deg_body,
        out_type=(
            jax.ShapeDtypeStruct((NP,), jnp.float32),
            jax.ShapeDtypeStruct((NP,), jnp.float32),
        ),
        mesh=mesh,
        scratch_types=(
            [pltpu.VMEM_SHARED((NP,), jnp.float32),
             pltpu.VMEM((RPT,), jnp.float32),
             pltpu.VMEM((CD,), jnp.float32),
             pltpu.VMEM((max(DTAILE, 8),), jnp.int32)]
            + [pltpu.VMEM((CD,), jnp.int32)] * ND
            + [pltpu.SemaphoreType.DMA] * (2 * ND)
        ),
    )


def _sc_agg_body(hs_hbm, src_hbm, dst_hbm, zer_hbm, out_hbm, acc_sp,
                 srcall, didxt, *bufs):
    didx = bufs[0:NB]
    rows = bufs[NB:2 * NB]
    sem_i = bufs[2 * NB:3 * NB]
    sem_r = bufs[3 * NB:4 * NB]
    sem_s = bufs[4 * NB:5 * NB]
    cid = lax.axis_index("c")
    sid = lax.axis_index("s")
    gw = cid * NS + sid
    ebase = gw * EPW

    pltpu.sync_copy(src_hbm.at[pl.ds(ebase, EPW)], srcall)

    pltpu.sync_copy(zer_hbm.at[pl.ds(sid * RPT, RPT)],
                    acc_sp.at[pl.ds(sid * RPT, RPT)])
    plsc.subcore_barrier()

    def drain_scatter(b):
        pltpu.make_async_copy(rows[b], acc_sp.at[didx[b]], sem_s[b]).wait()

    def run_chunks(off, base, nb, first):
        gdescs = []
        idescs = []
        for b in range(nb):
            if not first:
                drain_scatter(b)
            gdescs.append(
                pltpu.async_copy(
                    hs_hbm.at[srcall.at[pl.ds(off + b * C, C)]],
                    rows[b], sem_r[b]))
            idescs.append(
                pltpu.async_copy(dst_hbm.at[pl.ds(base + b * C, C)],
                                 didx[b], sem_i[b]))
        for b in range(nb):
            idescs[b].wait()
            gdescs[b].wait()
            pltpu.async_copy(rows[b], acc_sp.at[didx[b]], sem_s[b],
                             add=True)

    def group(g, _):
        @pl.when(g == 0)
        def _():
            run_chunks(0, ebase, NB, True)

        @pl.when(g > 0)
        def _():
            run_chunks(g * NB * C, ebase + g * NB * C, NB, False)
        return 0
    lax.fori_loop(0, GRP, group, 0)
    for b in range(NB):
        drain_scatter(b)
    toff = GRP * NB * C
    for t in range(TAIL):
        pltpu.sync_copy(dst_hbm.at[pl.ds(ebase + toff + t * C, C)], didx[t])
        pltpu.async_copy(hs_hbm.at[srcall.at[pl.ds(toff + t * C, C)]],
                         rows[t], sem_r[t]).wait()
        pltpu.sync_copy(rows[t], acc_sp.at[didx[t]], add=True)
    if TAILE:
        eoff = CHUNKS * C
        pltpu.sync_copy(dst_hbm.at[pl.ds(ebase + eoff, TAILE)], didxt)
        pltpu.async_copy(hs_hbm.at[srcall.at[pl.ds(eoff, TAILE)]],
                         rows[0].at[pl.ds(0, TAILE)], sem_r[0]).wait()
        pltpu.sync_copy(rows[0].at[pl.ds(0, TAILE)], acc_sp.at[didxt],
                        add=True)

    plsc.subcore_barrier()
    pltpu.sync_copy(acc_sp.at[pl.ds(sid * RPT, RPT)],
                    out_hbm.at[cid, pl.ds(sid * RPT, RPT)])


@functools.cache
def _sc_agg():
    mesh = plsc.VectorSubcoreMesh(
        core_axis_name="c", subcore_axis_name="s",
        num_cores=NC, num_subcores=NS)
    return pl.kernel(
        _sc_agg_body,
        out_type=jax.ShapeDtypeStruct((NC, NP, D), jnp.float32),
        mesh=mesh,
        scratch_types=(
            [pltpu.VMEM_SHARED((NP, D), jnp.float32),
             pltpu.VMEM((EPW,), jnp.int32),
             pltpu.VMEM((max(TAILE, 8),), jnp.int32)]
            + [pltpu.VMEM((C,), jnp.int32)] * NB
            + [pltpu.VMEM((C, D), jnp.float32)] * NB
            + [pltpu.SemaphoreType.DMA] * (3 * NB)
        ),
    )



R = 2560
G = NP // R


def _tc_emb_body(x_ref, we_ref, be_ref, h0_ref):
    h0_ref[...] = jnp.dot(x_ref[...], we_ref[...],
                          preferred_element_type=jnp.float32) + be_ref[...]


_tc_emb = pl.pallas_call(
    _tc_emb_body,
    grid=(G,),
    in_specs=[
        pl.BlockSpec((R, D), lambda i: (i, 0)),
        pl.BlockSpec((D, D), lambda i: (0, 0)),
        pl.BlockSpec((1, D), lambda i: (0, 0)),
    ],
    out_specs=pl.BlockSpec((R, D), lambda i: (i, 0)),
    out_shape=jax.ShapeDtypeStruct((NP, D), jnp.float32),
)


def _tc_pre_body(h0_ref, w1_ref, da_ref, db_ref, hs_ref, dinv_ref):
    dinv = lax.rsqrt(da_ref[...] + db_ref[...] + 1.0)
    hs_ref[...] = jnp.dot(h0_ref[...], w1_ref[...],
                          preferred_element_type=jnp.float32) * dinv
    dinv_ref[...] = dinv


_tc_pre = pl.pallas_call(
    _tc_pre_body,
    grid=(G,),
    in_specs=[
        pl.BlockSpec((R, D), lambda i: (i, 0)),
        pl.BlockSpec((D, D), lambda i: (0, 0)),
        pl.BlockSpec((R, 1), lambda i: (i, 0)),
        pl.BlockSpec((R, 1), lambda i: (i, 0)),
    ],
    out_specs=[
        pl.BlockSpec((R, D), lambda i: (i, 0)),
        pl.BlockSpec((R, 1), lambda i: (i, 0)),
    ],
    out_shape=[
        jax.ShapeDtypeStruct((NP, D), jnp.float32),
        jax.ShapeDtypeStruct((NP, 1), jnp.float32),
    ],
)


def _tc_mid_body(agg_ref, hs_ref, dinv_ref, b_ref, w_ref, out_ref):
    a = agg_ref[...]
    dinv = dinv_ref[...]
    h = (a[0] + a[1] + hs_ref[...]) * dinv + b_ref[...]
    out_ref[...] = jnp.dot(h, w_ref[...],
                           preferred_element_type=jnp.float32) * dinv


_tc_mid = pl.pallas_call(
    _tc_mid_body,
    grid=(G,),
    in_specs=[
        pl.BlockSpec((NC, R, D), lambda i: (0, i, 0)),
        pl.BlockSpec((R, D), lambda i: (i, 0)),
        pl.BlockSpec((R, 1), lambda i: (i, 0)),
        pl.BlockSpec((1, D), lambda i: (0, 0)),
        pl.BlockSpec((D, D), lambda i: (0, 0)),
    ],
    out_specs=pl.BlockSpec((R, D), lambda i: (i, 0)),
    out_shape=jax.ShapeDtypeStruct((NP, D), jnp.float32),
)


def _tc_dec_body(agg_ref, hs_ref, dinv_ref, b_ref, wd_ref, bd_ref, out_ref):
    a = agg_ref[...]
    h = (a[0] + a[1] + hs_ref[...]) * dinv_ref[...] + b_ref[...]
    out_ref[...] = jnp.dot(h, wd_ref[...],
                           preferred_element_type=jnp.float32) + bd_ref[...]


_tc_dec = pl.pallas_call(
    _tc_dec_body,
    grid=(G,),
    in_specs=[
        pl.BlockSpec((NC, R, D), lambda i: (0, i, 0)),
        pl.BlockSpec((R, D), lambda i: (i, 0)),
        pl.BlockSpec((R, 1), lambda i: (i, 0)),
        pl.BlockSpec((1, D), lambda i: (0, 0)),
        pl.BlockSpec((D, DO), lambda i: (0, 0)),
        pl.BlockSpec((1, DO), lambda i: (0, 0)),
    ],
    out_specs=pl.BlockSpec((R, DO), lambda i: (i, 0)),
    out_shape=jax.ShapeDtypeStruct((NP, DO), jnp.float32),
)



def kernel(x, edge_index, w_emb, b_emb, w1, b1, w2, b2, w3, b3, w_dec, b_dec):
    xp = jnp.pad(x, ((0, NP - N), (0, 0)))
    src = edge_index[0]
    dst = edge_index[1]
    zer = jnp.zeros((NP, D), jnp.float32)

    deg_a, deg_b = _sc_deg()(dst)
    h0 = _tc_emb(xp, w_emb, b_emb.reshape(1, D))
    da = deg_a.reshape(NP, 1)
    db = deg_b.reshape(NP, 1)

    hs, dinv = _tc_pre(h0, w1, da, db)
    agg = _sc_agg()(hs, src, dst, zer)
    hs = _tc_mid(agg, hs, dinv, b1.reshape(1, D), w2)
    agg = _sc_agg()(hs, src, dst, zer)
    hs = _tc_mid(agg, hs, dinv, b2.reshape(1, D), w3)
    agg = _sc_agg()(hs, src, dst, zer)
    out = _tc_dec(agg, hs, dinv, b3.reshape(1, D), w_dec, b_dec.reshape(1, DO))
    return out[:N]

# --- scband reference (transcript-rebuilt; emitter-appended) ---
"""Pipeline reference for scband-gnn-24189255811083 (READ-ONLY COPY).

The authoritative reference and input builder live on the scoring server;
editing this copy changes nothing except your own understanding.
"""

import jax, jax.numpy as jnp
import numpy as np

N = 10000
E = 320000
D_IN = 128
D_H = 128
D_OUT = 18


def setup_inputs(seed: int = 0) -> dict:
    key = jax.random.key(seed)
    ks = jax.random.split(key, 12)
    x = jax.random.normal(ks[0], (N, D_IN), dtype=jnp.float32)
    edge_index = jax.random.randint(ks[1], (2, E), 0, N, dtype=jnp.int32)
    s = 1.0 / np.sqrt(D_H)
    w_emb = jax.random.normal(ks[2], (D_IN, D_H), dtype=jnp.float32) * s
    b_emb = jnp.zeros((D_H,), dtype=jnp.float32)
    w1 = jax.random.normal(ks[3], (D_H, D_H), dtype=jnp.float32) * s
    b1 = jnp.zeros((D_H,), dtype=jnp.float32)
    w2 = jax.random.normal(ks[4], (D_H, D_H), dtype=jnp.float32) * s
    b2 = jnp.zeros((D_H,), dtype=jnp.float32)
    w3 = jax.random.normal(ks[5], (D_H, D_H), dtype=jnp.float32) * s
    b3 = jnp.zeros((D_H,), dtype=jnp.float32)
    w_dec = jax.random.normal(ks[6], (D_H, D_OUT), dtype=jnp.float32) * s
    b_dec = jnp.zeros((D_OUT,), dtype=jnp.float32)
    return {"x": x, "edge_index": edge_index, "w_emb": w_emb, "b_emb": b_emb,
            "w1": w1, "b1": b1, "w2": w2, "b2": b2, "w3": w3, "b3": b3,
            "w_dec": w_dec, "b_dec": b_dec}


def reference(x, edge_index, w_emb, b_emb, w1, b1, w2, b2, w3, b3, w_dec, b_dec):
    # emb: Linear(input_dim, hidden_dim)
    h = x @ w_emb + b_emb
    # GCNConv with self-loops and symmetric normalization (PyG default)
    loop = jnp.arange(N, dtype=edge_index.dtype)
    src = jnp.concatenate([edge_index[0], loop])
    dst = jnp.concatenate([edge_index[1], loop])
    deg = jnp.zeros((N,), dtype=jnp.float32).at[dst].add(1.0)
    dinv = jnp.where(deg > 0, 1.0 / jnp.sqrt(deg), 0.0)
    norm = dinv[src] * dinv[dst]
    for w, b in ((w1, b1), (w2, b2), (w3, b3)):
        hw = h @ w
        msg = hw[src] * norm[:, None]
        h = jax.ops.segment_sum(msg, dst, num_segments=N) + b
    # dec: Linear(hidden_dim, output_dim)
    return h @ w_dec + b_dec

if __name__ == "__main__":
    import jax
    _d = setup_inputs()
    print(jax.jit(kernel)(*tuple(_d.values())))

</pallas_src>

<mosaic_0001>
#map = affine_map<(d0, d1) -> (0, 0)>
#map1 = affine_map<(d0, d1) -> (0)>
#map2 = affine_map<(d0, d1) -> (0, 0, 0)>
module attributes {stable_mosaic.version = 14 : i64} {
  func.func @_sc_agg_body(%arg0: i32, %arg1: i32, %arg2: memref<10240x128xf32, #tpu.memory_space<hbm>>, %arg3: memref<320000xi32, #tpu.memory_space<hbm>>, %arg4: memref<320000xi32, #tpu.memory_space<hbm>>, %arg5: memref<10240x128xf32, #tpu.memory_space<hbm>>, %arg6: memref<2x10240x128xf32, #tpu.memory_space<hbm>>, %arg7: memref<10240x128xf32, #tpu.memory_space<vmem_shared>>, %arg8: memref<10000xi32, #tpu.memory_space<vmem>>, %arg9: memref<8xi32, #tpu.memory_space<vmem>>, %arg10: memref<40xi32, #tpu.memory_space<vmem>>, %arg11: memref<40xi32, #tpu.memory_space<vmem>>, %arg12: memref<40xi32, #tpu.memory_space<vmem>>, %arg13: memref<40xi32, #tpu.memory_space<vmem>>, %arg14: memref<40xi32, #tpu.memory_space<vmem>>, %arg15: memref<40xi32, #tpu.memory_space<vmem>>, %arg16: memref<40x128xf32, #tpu.memory_space<vmem>>, %arg17: memref<40x128xf32, #tpu.memory_space<vmem>>, %arg18: memref<40x128xf32, #tpu.memory_space<vmem>>, %arg19: memref<40x128xf32, #tpu.memory_space<vmem>>, %arg20: memref<40x128xf32, #tpu.memory_space<vmem>>, %arg21: memref<40x128xf32, #tpu.memory_space<vmem>>, %arg22: memref<!tpu.dma_semaphore, #tpu.memory_space<semaphore_mem>>, %arg23: memref<!tpu.dma_semaphore, #tpu.memory_space<semaphore_mem>>, %arg24: memref<!tpu.dma_semaphore, #tpu.memory_space<semaphore_mem>>, %arg25: memref<!tpu.dma_semaphore, #tpu.memory_space<semaphore_mem>>, %arg26: memref<!tpu.dma_semaphore, #tpu.memory_space<semaphore_mem>>, %arg27: memref<!tpu.dma_semaphore, #tpu.memory_space<semaphore_mem>>, %arg28: memref<!tpu.dma_semaphore, #tpu.memory_space<semaphore_mem>>, %arg29: memref<!tpu.dma_semaphore, #tpu.memory_space<semaphore_mem>>, %arg30: memref<!tpu.dma_semaphore, #tpu.memory_space<semaphore_mem>>, %arg31: memref<!tpu.dma_semaphore, #tpu.memory_space<semaphore_mem>>, %arg32: memref<!tpu.dma_semaphore, #tpu.memory_space<semaphore_mem>>, %arg33: memref<!tpu.dma_semaphore, #tpu.memory_space<semaphore_mem>>, %arg34: memref<!tpu.dma_semaphore, #tpu.memory_space<semaphore_mem>>, %arg35: memref<!tpu.dma_semaphore, #tpu.memory_space<semaphore_mem>>, %arg36: memref<!tpu.dma_semaphore, #tpu.memory_space<semaphore_mem>>, %arg37: memref<!tpu.dma_semaphore, #tpu.memory_space<semaphore_mem>>, %arg38: memref<!tpu.dma_semaphore, #tpu.memory_space<semaphore_mem>>, %arg39: memref<!tpu.dma_semaphore, #tpu.memory_space<semaphore_mem>>) attributes {dimension_semantics = [#tpu.dimension_semantics<core_parallel>, #tpu.dimension_semantics<subcore_parallel>], iteration_bounds = array<i64: 2, 16>, scalar_prefetch = 0 : i64, scratch_operands = 33 : i64, tpu.core_type = #tpu.core_type<sc_vector_subcore>, window_params = [{transform_indices = #map}, {transform_indices = #map1}, {transform_indices = #map1}, {transform_indices = #map}, {transform_indices = #map2}]} {
    %mul3A = arith.constant 16 : i32
    %mul3A_0 = arith.muli %arg0, %mul3A : i32
    %add3A = arith.addi %mul3A_0, %arg1 : i32
    %mul3A_1 = arith.constant 10000 : i32
    %mul3A_2 = arith.muli %add3A, %mul3A_1 : i32
    "tpu.region"() ({
      %run_scoped3A = tpu.sem_alloc : memref<!tpu.dma_semaphore, #tpu.memory_space<semaphore_mem>>
      %dma_start3A_90 = tpu.memref_slice %arg3[%mul3A_2] : memref<320000xi32, #tpu.memory_space<hbm>> -> memref<10000xi32, #tpu.memory_space<hbm>>
      %dma_start3A_91 = tpu.memref_slice %arg3[%mul3A_2] : memref<320000xi32, #tpu.memory_space<hbm>> -> memref<10000xi32, #tpu.memory_space<hbm>>
      tpu.enqueue_dma source(%dma_start3A_91 : memref<10000xi32, #tpu.memory_space<hbm>>) target(%arg8 : memref<10000xi32, #tpu.memory_space<vmem>>) target_semaphore(%run_scoped3A : memref<!tpu.dma_semaphore, #tpu.memory_space<semaphore_mem>>)
      %dma_wait3A_92 = tpu.memref_slice %arg3[%mul3A_2] : memref<320000xi32, #tpu.memory_space<hbm>> -> memref<10000xi32, #tpu.memory_space<hbm>>
      %dma_wait3A_93 = tpu.memref_slice %arg3[%mul3A_2] : memref<320000xi32, #tpu.memory_space<hbm>> -> memref<10000xi32, #tpu.memory_space<hbm>>
      tpu.wait_dma2 semaphore(%run_scoped3A : memref<!tpu.dma_semaphore, #tpu.memory_space<semaphore_mem>>) src(%dma_wait3A_93 : memref<10000xi32, #tpu.memory_space<hbm>>) dst(%arg8 : memref<10000xi32, #tpu.memory_space<vmem>>)
      tpu.yield
    }) : () -> ()
    %mul3A_3 = arith.constant 640 : i32
    %mul3A_4 = arith.muli %arg1, %mul3A_3 : i32
    %mul3A_5 = arith.constant 640 : i32
    %mul3A_6 = arith.muli %arg1, %mul3A_5 : i32
    "tpu.region"() ({
      %run_scoped3A = tpu.sem_alloc : memref<!tpu.dma_semaphore, #tpu.memory_space<semaphore_mem>>
      %dma_start3A_90 = arith.constant 0 : i32
      %dma_start3A_91 = tpu.memref_slice %arg7[%mul3A_6, %dma_start3A_90] : memref<10240x128xf32, #tpu.memory_space<vmem_shared>> -> memref<640x128xf32, #tpu.memory_space<vmem_shared>>
      %dma_start3A_92 = arith.constant 0 : i32
      %dma_start3A_93 = tpu.memref_slice %arg5[%mul3A_4, %dma_start3A_92] : memref<10240x128xf32, #tpu.memory_space<hbm>> -> memref<640x128xf32, #tpu.memory_space<hbm>>
      tpu.enqueue_dma source(%dma_start3A_93 : memref<640x128xf32, #tpu.memory_space<hbm>>) target(%dma_start3A_91 : memref<640x128xf32, #tpu.memory_space<vmem_shared>>) target_semaphore(%run_scoped3A : memref<!tpu.dma_semaphore, #tpu.memory_space<semaphore_mem>>)
      %dma_wait3A_94 = arith.constant 0 : i32
      %dma_wait3A_95 = tpu.memref_slice %arg7[%mul3A_6, %dma_wait3A_94] : memref<10240x128xf32, #tpu.memory_space<vmem_shared>> -> memref<640x128xf32, #tpu.memory_space<vmem_shared>>
      %dma_wait3A_96 = arith.constant 0 : i32
      %dma_wait3A_97 = tpu.memref_slice %arg5[%mul3A_4, %dma_wait3A_96] : memref<10240x128xf32, #tpu.memory_space<hbm>> -> memref<640x128xf32, #tpu.memory_space<hbm>>
      tpu.wait_dma2 semaphore(%run_scoped3A : memref<!tpu.dma_semaphore, #tpu.memory_space<semaphore_mem>>) src(%dma_wait3A_97 : memref<640x128xf32, #tpu.memory_space<hbm>>) dst(%dma_wait3A_95 : memref<640x128xf32, #tpu.memory_space<vmem_shared>>)
      tpu.yield
    }) : () -> ()
    %barrier3A = arith.constant 0 : index
    tpu.barrier barrier_id(%barrier3A)
    %scan3A = arith.constant 0 : i32
    %scan3A_7 = arith.constant 0 : i32
    %scan3A_8 = arith.constant 41 : i32
    %scan3A_9 = arith.addi %scan3A_7, %scan3A_8 : i32
    %scan3A_10 = arith.constant 1 : i32
    %scan3A_11 = scf.for %scan3A_90 = %scan3A_7 to %scan3A_9 step %scan3A_10 iter_args(%scan3A_91 = %scan3A) -> (i32)  : i32 {
      %eq3A = arith.constant 0 : i32
      %eq3A_92 = arith.cmpi eq, %scan3A_90, %eq3A : i32
      %convert_element_type3A = arith.extui %eq3A_92 : i1 to i32
      %cond3A = arith.constant 0 : i32
      %cond3A_93 = arith.cmpi ne, %convert_element_type3A, %cond3A : i32
      scf.if %cond3A_93 {
        %dma_start3A_99 = arith.constant 0 : i32
        %dma_start3A_100 = tpu.memref_slice %arg8[%dma_start3A_99] : memref<10000xi32, #tpu.memory_space<vmem>> -> memref<40xi32, #tpu.memory_space<vmem>>
        %dma_start3A_101 = arith.constant 0 : i32
        %dma_start3A_102 = arith.constant 0 : i32
        %dma_start3A_103 = tpu.memref_slice %arg2[%dma_start3A_101, %dma_start3A_102] : memref<10240x128xf32, #tpu.memory_space<hbm>> -> memref<10240x128xf32, #tpu.memory_space<hbm>>
        tpu.enqueue_indirect_dma source(%dma_start3A_103 : memref<10240x128xf32, #tpu.memory_space<hbm>>) target(%arg16 : memref<40x128xf32, #tpu.memory_space<vmem>>) offsets(%dma_start3A_100 : memref<40xi32, #tpu.memory_space<vmem>>) semaphore(%arg28 : memref<!tpu.dma_semaphore, #tpu.memory_space<semaphore_mem>>)
        %add3A_104 = arith.constant 0 : i32
        %add3A_105 = arith.addi %mul3A_2, %add3A_104 : i32
        %dma_start3A_106 = tpu.memref_slice %arg4[%add3A_105] : memref<320000xi32, #tpu.memory_space<hbm>> -> memref<40xi32, #tpu.memory_space<hbm>>
        %dma_start3A_107 = tpu.memref_slice %arg4[%add3A_105] : memref<320000xi32, #tpu.memory_space<hbm>> -> memref<40xi32, #tpu.memory_space<hbm>>
        tpu.enqueue_dma source(%dma_start3A_107 : memref<40xi32, #tpu.memory_space<hbm>>) target(%arg10 : memref<40xi32, #tpu.memory_space<vmem>>) target_semaphore(%arg22 : memref<!tpu.dma_semaphore, #tpu.memory_space<semaphore_mem>>)
        %dma_start3A_108 = arith.constant 40 : i32
        %dma_start3A_109 = tpu.memref_slice %arg8[%dma_start3A_108] : memref<10000xi32, #tpu.memory_space<vmem>> -> memref<40xi32, #tpu.memory_space<vmem>>
        %dma_start3A_110 = arith.constant 0 : i32
        %dma_start3A_111 = arith.constant 0 : i32
        %dma_start3A_112 = tpu.memref_slice %arg2[%dma_start3A_110, %dma_start3A_111] : memref<10240x128xf32, #tpu.memory_space<hbm>> -> memref<10240x128xf32, #tpu.memory_space<hbm>>
        tpu.enqueue_indirect_dma source(%dma_start3A_112 : memref<10240x128xf32, #tpu.memory_space<hbm>>) target(%arg17 : memref<40x128xf32, #tpu.memory_space<vmem>>) offsets(%dma_start3A_109 : memref<40xi32, #tpu.memory_space<vmem>>) semaphore(%arg29 : memref<!tpu.dma_semaphore, #tpu.memory_space<semaphore_mem>>)
        %add3A_113 = arith.constant 40 : i32
        %add3A_114 = arith.addi %mul3A_2, %add3A_113 : i32
        %dma_start3A_115 = tpu.memref_slice %arg4[%add3A_114] : memref<320000xi32, #tpu.memory_space<hbm>> -> memref<40xi32, #tpu.memory_space<hbm>>
        %dma_start3A_116 = tpu.memref_slice %arg4[%add3A_114] : memref<320000xi32, #tpu.memory_space<hbm>> -> memref<40xi32, #tpu.memory_space<hbm>>
        tpu.enqueue_dma source(%dma_start3A_116 : memref<40xi32, #tpu.memory_space<hbm>>) target(%arg11 : memref<40xi32, #tpu.memory_space<vmem>>) target_semaphore(%arg23 : memref<!tpu.dma_semaphore, #tpu.memory_space<semaphore_mem>>)
        %dma_start3A_117 = arith.constant 80 : i32
        %dma_start3A_118 = tpu.memref_slice %arg8[%dma_start3A_117] : memref<10000xi32, #tpu.memory_space<vmem>> -> memref<40xi32, #tpu.memory_space<vmem>>
        %dma_start3A_119 = arith.constant 0 : i32
        %dma_start3A_120 = arith.constant 0 : i32
        %dma_start3A_121 = tpu.memref_slice %arg2[%dma_start3A_119, %dma_start3A_120] : memref<10240x128xf32, #tpu.memory_space<hbm>> -> memref<10240x128xf32, #tpu.memory_space<hbm>>
        tpu.enqueue_indirect_dma source(%dma_start3A_121 : memref<10240x128xf32, #tpu.memory_space<hbm>>) target(%arg18 : memref<40x128xf32, #tpu.memory_space<vmem>>) offsets(%dma_start3A_118 : memref<40xi32, #tpu.memory_space<vmem>>) semaphore(%arg30 : memref<!tpu.dma_semaphore, #tpu.memory_space<semaphore_mem>>)
        %add3A_122 = arith.constant 80 : i32
        %add3A_123 = arith.addi %mul3A_2, %add3A_122 : i32
        %dma_start3A_124 = tpu.memref_slice %arg4[%add3A_123] : memref<320000xi32, #tpu.memory_space<hbm>> -> memref<40xi32, #tpu.memory_space<hbm>>
        %dma_start3A_125 = tpu.memref_slice %arg4[%add3A_123] : memref<320000xi32, #tpu.memory_space<hbm>> -> memref<40xi32, #tpu.memory_space<hbm>>
        tpu.enqueue_dma source(%dma_start3A_125 : memref<40xi32, #tpu.memory_space<hbm>>) target(%arg12 : memref<40xi32, #tpu.memory_space<vmem>>) target_semaphore(%arg24 : memref<!tpu.dma_semaphore, #tpu.memory_space<semaphore_mem>>)
        %dma_start3A_126 = arith.constant 120 : i32
        %dma_start3A_127 = tpu.memref_slice %arg8[%dma_start3A_126] : memref<10000xi32, #tpu.memory_space<vmem>> -> memref<40xi32, #tpu.memory_space<vmem>>
        %dma_start3A_128 = arith.constant 0 : i32
        %dma_start3A_129 = arith.constant 0 : i32
        %dma_start3A_130 = tpu.memref_slice %arg2[%dma_start3A_128, %dma_start3A_129] : memref<10240x128xf32, #tpu.memory_space<hbm>> -> memref<10240x128xf32, #tpu.memory_space<hbm>>
        tpu.enqueue_indirect_dma source(%dma_start3A_130 : memref<10240x128xf32, #tpu.memory_space<hbm>>) target(%arg19 : memref<40x128xf32, #tpu.memory_space<vmem>>) offsets(%dma_start3A_127 : memref<40xi32, #tpu.memory_space<vmem>>) semaphore(%arg31 : memref<!tpu.dma_semaphore, #tpu.memory_space<semaphore_mem>>)
        %add3A_131 = arith.constant 120 : i32
        %add3A_132 = arith.addi %mul3A_2, %add3A_131 : i32
        %dma_start3A_133 = tpu.memref_slice %arg4[%add3A_132] : memref<320000xi32, #tpu.memory_space<hbm>> -> memref<40xi32, #tpu.memory_space<hbm>>
        %dma_start3A_134 = tpu.memref_slice %arg4[%add3A_132] : memref<320000xi32, #tpu.memory_space<hbm>> -> memref<40xi32, #tpu.memory_space<hbm>>
        tpu.enqueue_dma source(%dma_start3A_134 : memref<40xi32, #tpu.memory_space<hbm>>) target(%arg13 : memref<40xi32, #tpu.memory_space<vmem>>) target_semaphore(%arg25 : memref<!tpu.dma_semaphore, #tpu.memory_space<semaphore_mem>>)
        %dma_start3A_135 = arith.constant 160 : i32
        %dma_start3A_136 = tpu.memref_slice %arg8[%dma_start3A_135] : memref<10000xi32, #tpu.memory_space<vmem>> -> memref<40xi32, #tpu.memory_space<vmem>>
        %dma_start3A_137 = arith.constant 0 : i32
        %dma_start3A_138 = arith.constant 0 : i32
        %dma_start3A_139 = tpu.memref_slice %arg2[%dma_start3A_137, %dma_start3A_138] : memref<10240x128xf32, #tpu.memory_space<hbm>> -> memref<10240x128xf32, #tpu.memory_space<hbm>>
        tpu.enqueue_indirect_dma source(%dma_start3A_139 : memref<10240x128xf32, #tpu.memory_space<hbm>>) target(%arg20 : memref<40x128xf32, #tpu.memory_space<vmem>>) offsets(%dma_start3A_136 : memref<40xi32, #tpu.memory_space<vmem>>) semaphore(%arg32 : memref<!tpu.dma_semaphore, #tpu.memory_space<semaphore_mem>>)
        %add3A_140 = arith.constant 160 : i32
        %add3A_141 = arith.addi %mul3A_2, %add3A_140 : i32
        %dma_start3A_142 = tpu.memref_slice %arg4[%add3A_141] : memref<320000xi32, #tpu.memory_space<hbm>> -> memref<40xi32, #tpu.memory_space<hbm>>
        %dma_start3A_143 = tpu.memref_slice %arg4[%add3A_141] : memref<320000xi32, #tpu.memory_space<hbm>> -> memref<40xi32, #tpu.memory_space<hbm>>
        tpu.enqueue_dma source(%dma_start3A_143 : memref<40xi32, #tpu.memory_space<hbm>>) target(%arg14 : memref<40xi32, #tpu.memory_space<vmem>>) target_semaphore(%arg26 : memref<!tpu.dma_semaphore, #tpu.memory_space<semaphore_mem>>)
        %dma_start3A_144 = arith.constant 200 : i32
        %dma_start3A_145 = tpu.memref_slice %arg8[%dma_start3A_144] : memref<10000xi32, #tpu.memory_space<vmem>> -> memref<40xi32, #tpu.memory_space<vmem>>
        %dma_start3A_146 = arith.constant 0 : i32
        %dma_start3A_147 = arith.constant 0 : i32
        %dma_start3A_148 = tpu.memref_slice %arg2[%dma_start3A_146, %dma_start3A_147] : memref<10240x128xf32, #tpu.memory_space<hbm>> -> memref<10240x128xf32, #tpu.memory_space<hbm>>
        tpu.enqueue_indirect_dma source(%dma_start3A_148 : memref<10240x128xf32, #tpu.memory_space<hbm>>) target(%arg21 : memref<40x128xf32, #tpu.memory_space<vmem>>) offsets(%dma_start3A_145 : memref<40xi32, #tpu.memory_space<vmem>>) semaphore(%arg33 : memref<!tpu.dma_semaphore, #tpu.memory_space<semaphore_mem>>)
        %add3A_149 = arith.constant 200 : i32
        %add3A_150 = arith.addi %mul3A_2, %add3A_149 : i32
        %dma_start3A_151 = tpu.memref_slice %arg4[%add3A_150] : memref<320000xi32, #tpu.memory_space<hbm>> -> memref<40xi32, #tpu.memory_space<hbm>>
        %dma_start3A_152 = tpu.memref_slice %arg4[%add3A_150] : memref<320000xi32, #tpu.memory_space<hbm>> -> memref<40xi32, #tpu.memory_space<hbm>>
        tpu.enqueue_dma source(%dma_start3A_152 : memref<40xi32, #tpu.memory_space<hbm>>) target(%arg15 : memref<40xi32, #tpu.memory_space<vmem>>) target_semaphore(%arg27 : memref<!tpu.dma_semaphore, #tpu.memory_space<semaphore_mem>>)
        %dma_wait3A_153 = tpu.memref_slice %arg4[%add3A_105] : memref<320000xi32, #tpu.memory_space<hbm>> -> memref<40xi32, #tpu.memory_space<hbm>>
        %dma_wait3A_154 = tpu.memref_slice %arg4[%add3A_105] : memref<320000xi32, #tpu.memory_space<hbm>> -> memref<40xi32, #tpu.memory_space<hbm>>
        tpu.wait_dma2 semaphore(%arg22 : memref<!tpu.dma_semaphore, #tpu.memory_space<semaphore_mem>>) src(%dma_wait3A_154 : memref<40xi32, #tpu.memory_space<hbm>>) dst(%arg10 : memref<40xi32, #tpu.memory_space<vmem>>)
        %dma_wait3A_155 = arith.constant 0 : i32
        %dma_wait3A_156 = tpu.memref_slice %arg8[%dma_wait3A_155] : memref<10000xi32, #tpu.memory_space<vmem>> -> memref<40xi32, #tpu.memory_space<vmem>>
        %dma_wait3A_157 = arith.constant 0 : i32
        %dma_wait3A_158 = arith.constant 0 : i32
        %dma_wait3A_159 = tpu.memref_slice %arg2[%dma_wait3A_157, %dma_wait3A_158] : memref<10240x128xf32, #tpu.memory_space<hbm>> -> memref<10240x128xf32, #tpu.memory_space<hbm>>
        tpu.wait_indirect_dma semaphore(%arg28 : memref<!tpu.dma_semaphore, #tpu.memory_space<semaphore_mem>>) src(%dma_wait3A_159 : memref<10240x128xf32, #tpu.memory_space<hbm>>) dst(%arg16 : memref<40x128xf32, #tpu.memory_space<vmem>>)
        %dma_start3A_160 = arith.constant 0 : i32
        %dma_start3A_161 = arith.constant 0 : i32
        %dma_start3A_162 = tpu.memref_slice %arg7[%dma_start3A_160, %dma_start3A_161] : memref<10240x128xf32, #tpu.memory_space<vmem_shared>> -> memref<10240x128xf32, #tpu.memory_space<vmem_shared>>
        tpu.enqueue_indirect_dma source(%arg16 : memref<40x128xf32, #tpu.memory_space<vmem>>) target(%dma_start3A_162 : memref<10240x128xf32, #tpu.memory_space<vmem_shared>>) offsets(%arg10 : memref<40xi32, #tpu.memory_space<vmem>>) semaphore(%arg34 : memref<!tpu.dma_semaphore, #tpu.memory_space<semaphore_mem>>) {add = true}
        %dma_wait3A_163 = tpu.memref_slice %arg4[%add3A_114] : memref<320000xi32, #tpu.memory_space<hbm>> -> memref<40xi32, #tpu.memory_space<hbm>>
        %dma_wait3A_164 = tpu.memref_slice %arg4[%add3A_114] : memref<320000xi32, #tpu.memory_space<hbm>> -> memref<40xi32, #tpu.memory_space<hbm>>
        tpu.wait_dma2 semaphore(%arg23 : memref<!tpu.dma_semaphore, #tpu.memory_space<semaphore_mem>>) src(%dma_wait3A_164 : memref<40xi32, #tpu.memory_space<hbm>>) dst(%arg11 : memref<40xi32, #tpu.memory_space<vmem>>)
        %dma_wait3A_165 = arith.constant 40 : i32
        %dma_wait3A_166 = tpu.memref_slice %arg8[%dma_wait3A_165] : memref<10000xi32, #tpu.memory_space<vmem>> -> memref<40xi32, #tpu.memory_space<vmem>>
        %dma_wait3A_167 = arith.constant 0 : i32
        %dma_wait3A_168 = arith.constant 0 : i32
        %dma_wait3A_169 = tpu.memref_slice %arg2[%dma_wait3A_167, %dma_wait3A_168] : memref<10240x128xf32, #tpu.memory_space<hbm>> -> memref<10240x128xf32, #tpu.memory_space<hbm>>
        tpu.wait_indirect_dma semaphore(%arg29 : memref<!tpu.dma_semaphore, #tpu.memory_space<semaphore_mem>>) src(%dma_wait3A_169 : memref<10240x128xf32, #tpu.memory_space<hbm>>) dst(%arg17 : memref<40x128xf32, #tpu.memory_space<vmem>>)
        %dma_start3A_170 = arith.constant 0 : i32
        %dma_start3A_171 = arith.constant 0 : i32
        %dma_start3A_172 = tpu.memref_slice %arg7[%dma_start3A_170, %dma_start3A_171] : memref<10240x128xf32, #tpu.memory_space<vmem_shared>> -> memref<10240x128xf32, #tpu.memory_space<vmem_shared>>
        tpu.enqueue_indirect_dma source(%arg17 : memref<40x128xf32, #tpu.memory_space<vmem>>) target(%dma_start3A_172 : memref<10240x128xf32, #tpu.memory_space<vmem_shared>>) offsets(%arg11 : memref<40xi32, #tpu.memory_space<vmem>>) semaphore(%arg35 : memref<!tpu.dma_semaphore, #tpu.memory_space<semaphore_mem>>) {add = true}
        %dma_wait3A_173 = tpu.memref_slice %arg4[%add3A_123] : memref<320000xi32, #tpu.memory_space<hbm>> -> memref<40xi32, #tpu.memory_space<hbm>>
        %dma_wait3A_174 = tpu.memref_slice %arg4[%add3A_123] : memref<320000xi32, #tpu.memory_space<hbm>> -> memref<40xi32, #tpu.memory_space<hbm>>
        tpu.wait_dma2 semaphore(%arg24 : memref<!tpu.dma_semaphore, #tpu.memory_space<semaphore_mem>>) src(%dma_wait3A_174 : memref<40xi32, #tpu.memory_space<hbm>>) dst(%arg12 : memref<40xi32, #tpu.memory_space<vmem>>)
        %dma_wait3A_175 = arith.constant 80 : i32
        %dma_wait3A_176 = tpu.memref_slice %arg8[%dma_wait3A_175] : memref<10000xi32, #tpu.memory_space<vmem>> -> memref<40xi32, #tpu.memory_space<vmem>>
        %dma_wait3A_177 = arith.constant 0 : i32
        %dma_wait3A_178 = arith.constant 0 : i32
        %dma_wait3A_179 = tpu.memref_slice %arg2[%dma_wait3A_177, %dma_wait3A_178] : memref<10240x128xf32, #tpu.memory_space<hbm>> -> memref<10240x128xf32, #tpu.memory_space<hbm>>
        tpu.wait_indirect_dma semaphore(%arg30 : memref<!tpu.dma_semaphore, #tpu.memory_space<semaphore_mem>>) src(%dma_wait3A_179 : memref<10240x128xf32, #tpu.memory_space<hbm>>) dst(%arg18 : memref<40x128xf32, #tpu.memory_space<vmem>>)
        %dma_start3A_180 = arith.constant 0 : i32
        %dma_start3A_181 = arith.constant 0 : i32
        %dma_start3A_182 = tpu.memref_slice %arg7[%dma_start3A_180, %dma_start3A_181] : memref<10240x128xf32, #tpu.memory_space<vmem_shared>> -> memref<10240x128xf32, #tpu.memory_space<vmem_shared>>
        tpu.enqueue_indirect_dma source(%arg18 : memref<40x128xf32, #tpu.memory_space<vmem>>) target(%dma_start3A_182 : memref<10240x128xf32, #tpu.memory_space<vmem_shared>>) offsets(%arg12 : memref<40xi32, #tpu.memory_space<vmem>>) semaphore(%arg36 : memref<!tpu.dma_semaphore, #tpu.memory_space<semaphore_mem>>) {add = true}
        %dma_wait3A_183 = tpu.memref_slice %arg4[%add3A_132] : memref<320000xi32, #tpu.memory_space<hbm>> -> memref<40xi32, #tpu.memory_space<hbm>>
        %dma_wait3A_184 = tpu.memref_slice %arg4[%add3A_132] : memref<320000xi32, #tpu.memory_space<hbm>> -> memref<40xi32, #tpu.memory_space<hbm>>
        tpu.wait_dma2 semaphore(%arg25 : memref<!tpu.dma_semaphore, #tpu.memory_space<semaphore_mem>>) src(%dma_wait3A_184 : memref<40xi32, #tpu.memory_space<hbm>>) dst(%arg13 : memref<40xi32, #tpu.memory_space<vmem>>)
        %dma_wait3A_185 = arith.constant 120 : i32
        %dma_wait3A_186 = tpu.memref_slice %arg8[%dma_wait3A_185] : memref<10000xi32, #tpu.memory_space<vmem>> -> memref<40xi32, #tpu.memory_space<vmem>>
        %dma_wait3A_187 = arith.constant 0 : i32
        %dma_wait3A_188 = arith.constant 0 : i32
        %dma_wait3A_189 = tpu.memref_slice %arg2[%dma_wait3A_187, %dma_wait3A_188] : memref<10240x128xf32, #tpu.memory_space<hbm>> -> memref<10240x128xf32, #tpu.memory_space<hbm>>
        tpu.wait_indirect_dma semaphore(%arg31 : memref<!tpu.dma_semaphore, #tpu.memory_space<semaphore_mem>>) src(%dma_wait3A_189 : memref<10240x128xf32, #tpu.memory_space<hbm>>) dst(%arg19 : memref<40x128xf32, #tpu.memory_space<vmem>>)
        %dma_start3A_190 = arith.constant 0 : i32
        %dma_start3A_191 = arith.constant 0 : i32
        %dma_start3A_192 = tpu.memref_slice %arg7[%dma_start3A_190, %dma_start3A_191] : memref<10240x128xf32, #tpu.memory_space<vmem_shared>> -> memref<10240x128xf32, #tpu.memory_space<vmem_shared>>
        tpu.enqueue_indirect_dma source(%arg19 : memref<40x128xf32, #tpu.memory_space<vmem>>) target(%dma_start3A_192 : memref<10240x128xf32, #tpu.memory_space<vmem_shared>>) offsets(%arg13 : memref<40xi32, #tpu.memory_space<vmem>>) semaphore(%arg37 : memref<!tpu.dma_semaphore, #tpu.memory_space<semaphore_mem>>) {add = true}
        %dma_wait3A_193 = tpu.memref_slice %arg4[%add3A_141] : memref<320000xi32, #tpu.memory_space<hbm>> -> memref<40xi32, #tpu.memory_space<hbm>>
        %dma_wait3A_194 = tpu.memref_slice %arg4[%add3A_141] : memref<320000xi32, #tpu.memory_space<hbm>> -> memref<40xi32, #tpu.memory_space<hbm>>
        tpu.wait_dma2 semaphore(%arg26 : memref<!tpu.dma_semaphore, #tpu.memory_space<semaphore_mem>>) src(%dma_wait3A_194 : memref<40xi32, #tpu.memory_space<hbm>>) dst(%arg14 : memref<40xi32, #tpu.memory_space<vmem>>)
        %dma_wait3A_195 = arith.constant 160 : i32
        %dma_wait3A_196 = tpu.memref_slice %arg8[%dma_wait3A_195] : memref<10000xi32, #tpu.memory_space<vmem>> -> memref<40xi32, #tpu.memory_space<vmem>>
        %dma_wait3A_197 = arith.constant 0 : i32
        %dma_wait3A_198 = arith.constant 0 : i32
        %dma_wait3A_199 = tpu.memref_slice %arg2[%dma_wait3A_197, %dma_wait3A_198] : memref<10240x128xf32, #tpu.memory_space<hbm>> -> memref<10240x128xf32, #tpu.memory_space<hbm>>
        tpu.wait_indirect_dma semaphore(%arg32 : memref<!tpu.dma_semaphore, #tpu.memory_space<semaphore_mem>>) src(%dma_wait3A_199 : memref<10240x128xf32, #tpu.memory_space<hbm>>) dst(%arg20 : memref<40x128xf32, #tpu.memory_space<vmem>>)
        %dma_start3A_200 = arith.constant 0 : i32
        %dma_start3A_201 = arith.constant 0 : i32
        %dma_start3A_202 = tpu.memref_slice %arg7[%dma_start3A_200, %dma_start3A_201] : memref<10240x128xf32, #tpu.memory_space<vmem_shared>> -> memref<10240x128xf32, #tpu.memory_space<vmem_shared>>
        tpu.enqueue_indirect_dma source(%arg20 : memref<40x128xf32, #tpu.memory_space<vmem>>) target(%dma_start3A_202 : memref<10240x128xf32, #tpu.memory_space<vmem_shared>>) offsets(%arg14 : memref<40xi32, #tpu.memory_space<vmem>>) semaphore(%arg38 : memref<!tpu.dma_semaphore, #tpu.memory_space<semaphore_mem>>) {add = true}
        %dma_wait3A_203 = tpu.memref_slice %arg4[%add3A_150] : memref<320000xi32, #tpu.memory_space<hbm>> -> memref<40xi32, #tpu.memory_space<hbm>>
        %dma_wait3A_204 = tpu.memref_slice %arg4[%add3A_150] : memref<320000xi32, #tpu.memory_space<hbm>> -> memref<40xi32, #tpu.memory_space<hbm>>
        tpu.wait_dma2 semaphore(%arg27 : memref<!tpu.dma_semaphore, #tpu.memory_space<semaphore_mem>>) src(%dma_wait3A_204 : memref<40xi32, #tpu.memory_space<hbm>>) dst(%arg15 : memref<40xi32, #tpu.memory_space<vmem>>)
        %dma_wait3A_205 = arith.constant 200 : i32
        %dma_wait3A_206 = tpu.memref_slice %arg8[%dma_wait3A_205] : memref<10000xi32, #tpu.memory_space<vmem>> -> memref<40xi32, #tpu.memory_space<vmem>>
        %dma_wait3A_207 = arith.constant 0 : i32
        %dma_wait3A_208 = arith.constant 0 : i32
        %dma_wait3A_209 = tpu.memref_slice %arg2[%dma_wait3A_207, %dma_wait3A_208] : memref<10240x128xf32, #tpu.memory_space<hbm>> -> memref<10240x128xf32, #tpu.memory_space<hbm>>
        tpu.wait_indirect_dma semaphore(%arg33 : memref<!tpu.dma_semaphore, #tpu.memory_space<semaphore_mem>>) src(%dma_wait3A_209 : memref<10240x128xf32, #tpu.memory_space<hbm>>) dst(%arg21 : memref<40x128xf32, #tpu.memory_space<vmem>>)
        %dma_start3A_210 = arith.constant 0 : i32
        %dma_start3A_211 = arith.constant 0 : i32
        %dma_start3A_212 = tpu.memref_slice %arg7[%dma_start3A_210, %dma_start3A_211] : memref<10240x128xf32, #tpu.memory_space<vmem_shared>> -> memref<10240x128xf32, #tpu.memory_space<vmem_shared>>
        tpu.enqueue_indirect_dma source(%arg21 : memref<40x128xf32, #tpu.memory_space<vmem>>) target(%dma_start3A_212 : memref<10240x128xf32, #tpu.memory_space<vmem_shared>>) offsets(%arg15 : memref<40xi32, #tpu.memory_space<vmem>>) semaphore(%arg39 : memref<!tpu.dma_semaphore, #tpu.memory_space<semaphore_mem>>) {add = true}
      } else {
      }
      %gt3A = arith.constant 0 : i32
      %gt3A_94 = arith.cmpi sgt, %scan3A_90, %gt3A : i32
      %convert_element_type3A_95 = arith.extui %gt3A_94 : i1 to i32
      %cond3A_96 = arith.constant 0 : i32
      %cond3A_97 = arith.cmpi ne, %convert_element_type3A_95, %cond3A_96 : i32
      scf.if %cond3A_97 {
        %mul3A_99 = arith.constant 6 : i32
        %mul3A_100 = arith.muli %scan3A_90, %mul3A_99 : i32
        %mul3A_101 = arith.constant 40 : i32
        %mul3A_102 = arith.muli %mul3A_100, %mul3A_101 : i32
        %mul3A_103 = arith.constant 6 : i32
        %mul3A_104 = arith.muli %scan3A_90, %mul3A_103 : i32
        %mul3A_105 = arith.constant 40 : i32
        %mul3A_106 = arith.muli %mul3A_104, %mul3A_105 : i32
        %add3A_107 = arith.addi %mul3A_2, %mul3A_106 : i32
        %dma_wait3A_108 = arith.constant 0 : i32
        %dma_wait3A_109 = arith.constant 0 : i32
        %dma_wait3A_110 = tpu.memref_slice %arg7[%dma_wait3A_108, %dma_wait3A_109] : memref<10240x128xf32, #tpu.memory_space<vmem_shared>> -> memref<10240x128xf32, #tpu.memory_space<vmem_shared>>
        tpu.wait_indirect_dma semaphore(%arg34 : memref<!tpu.dma_semaphore, #tpu.memory_space<semaphore_mem>>) src(%arg16 : memref<40x128xf32, #tpu.memory_space<vmem>>) dst(%dma_wait3A_110 : memref<10240x128xf32, #tpu.memory_space<vmem_shared>>)
        %add3A_111 = arith.constant 0 : i32
        %add3A_112 = arith.addi %mul3A_102, %add3A_111 : i32
        %dma_start3A_113 = tpu.memref_slice %arg8[%add3A_112] : memref<10000xi32, #tpu.memory_space<vmem>> -> memref<40xi32, #tpu.memory_space<vmem>>
        %dma_start3A_114 = arith.constant 0 : i32
        %dma_start3A_115 = arith.constant 0 : i32
        %dma_start3A_116 = tpu.memref_slice %arg2[%dma_start3A_114, %dma_start3A_115] : memref<10240x128xf32, #tpu.memory_space<hbm>> -> memref<10240x128xf32, #tpu.memory_space<hbm>>
        tpu.enqueue_indirect_dma source(%dma_start3A_116 : memref<10240x128xf32, #tpu.memory_space<hbm>>) target(%arg16 : memref<40x128xf32, #tpu.memory_space<vmem>>) offsets(%dma_start3A_113 : memref<40xi32, #tpu.memory_space<vmem>>) semaphore(%arg28 : memref<!tpu.dma_semaphore, #tpu.memory_space<semaphore_mem>>)
        %add3A_117 = arith.constant 0 : i32
        %add3A_118 = arith.addi %add3A_107, %add3A_117 : i32
        %dma_start3A_119 = tpu.memref_slice %arg4[%add3A_118] : memref<320000xi32, #tpu.memory_space<hbm>> -> memref<40xi32, #tpu.memory_space<hbm>>
        %dma_start3A_120 = tpu.memref_slice %arg4[%add3A_118] : memref<320000xi32, #tpu.memory_space<hbm>> -> memref<40xi32, #tpu.memory_space<hbm>>
        tpu.enqueue_dma source(%dma_start3A_120 : memref<40xi32, #tpu.memory_space<hbm>>) target(%arg10 : memref<40xi32, #tpu.memory_space<vmem>>) target_semaphore(%arg22 : memref<!tpu.dma_semaphore, #tpu.memory_space<semaphore_mem>>)
        %dma_wait3A_121 = arith.constant 0 : i32
        %dma_wait3A_122 = arith.constant 0 : i32
        %dma_wait3A_123 = tpu.memref_slice %arg7[%dma_wait3A_121, %dma_wait3A_122] : memref<10240x128xf32, #tpu.memory_space<vmem_shared>> -> memref<10240x128xf32, #tpu.memory_space<vmem_shared>>
        tpu.wait_indirect_dma semaphore(%arg35 : memref<!tpu.dma_semaphore, #tpu.memory_space<semaphore_mem>>) src(%arg17 : memref<40x128xf32, #tpu.memory_space<vmem>>) dst(%dma_wait3A_123 : memref<10240x128xf32, #tpu.memory_space<vmem_shared>>)
        %add3A_124 = arith.constant 40 : i32
        %add3A_125 = arith.addi %mul3A_102, %add3A_124 : i32
        %dma_start3A_126 = tpu.memref_slice %arg8[%add3A_125] : memref<10000xi32, #tpu.memory_space<vmem>> -> memref<40xi32, #tpu.memory_space<vmem>>
        %dma_start3A_127 = arith.constant 0 : i32
        %dma_start3A_128 = arith.constant 0 : i32
        %dma_start3A_129 = tpu.memref_slice %arg2[%dma_start3A_127, %dma_start3A_128] : memref<10240x128xf32, #tpu.memory_space<hbm>> -> memref<10240x128xf32, #tpu.memory_space<hbm>>
        tpu.enqueue_indirect_dma source(%dma_start3A_129 : memref<10240x128xf32, #tpu.memory_space<hbm>>) target(%arg17 : memref<40x128xf32, #tpu.memory_space<vmem>>) offsets(%dma_start3A_126 : memref<40xi32, #tpu.memory_space<vmem>>) semaphore(%arg29 : memref<!tpu.dma_semaphore, #tpu.memory_space<semaphore_mem>>)
        %add3A_130 = arith.constant 40 : i32
        %add3A_131 = arith.addi %add3A_107, %add3A_130 : i32
        %dma_start3A_132 = tpu.memref_slice %arg4[%add3A_131] : memref<320000xi32, #tpu.memory_space<hbm>> -> memref<40xi32, #tpu.memory_space<hbm>>
        %dma_start3A_133 = tpu.memref_slice %arg4[%add3A_131] : memref<320000xi32, #tpu.memory_space<hbm>> -> memref<40xi32, #tpu.memory_space<hbm>>
        tpu.enqueue_dma source(%dma_start3A_133 : memref<40xi32, #tpu.memory_space<hbm>>) target(%arg11 : memref<40xi32, #tpu.memory_space<vmem>>) target_semaphore(%arg23 : memref<!tpu.dma_semaphore, #tpu.memory_space<semaphore_mem>>)
        %dma_wait3A_134 = arith.constant 0 : i32
        %dma_wait3A_135 = arith.constant 0 : i32
        %dma_wait3A_136 = tpu.memref_slice %arg7[%dma_wait3A_134, %dma_wait3A_135] : memref<10240x128xf32, #tpu.memory_space<vmem_shared>> -> memref<10240x128xf32, #tpu.memory_space<vmem_shared>>
        tpu.wait_indirect_dma semaphore(%arg36 : memref<!tpu.dma_semaphore, #tpu.memory_space<semaphore_mem>>) src(%arg18 : memref<40x128xf32, #tpu.memory_space<vmem>>) dst(%dma_wait3A_136 : memref<10240x128xf32, #tpu.memory_space<vmem_shared>>)
        %add3A_137 = arith.constant 80 : i32
        %add3A_138 = arith.addi %mul3A_102, %add3A_137 : i32
        %dma_start3A_139 = tpu.memref_slice %arg8[%add3A_138] : memref<10000xi32, #tpu.memory_space<vmem>> -> memref<40xi32, #tpu.memory_space<vmem>>
        %dma_start3A_140 = arith.constant 0 : i32
        %dma_start3A_141 = arith.constant 0 : i32
        %dma_start3A_142 = tpu.memref_slice %arg2[%dma_start3A_140, %dma_start3A_141] : memref<10240x128xf32, #tpu.memory_space<hbm>> -> memref<10240x128xf32, #tpu.memory_space<hbm>>
        tpu.enqueue_indirect_dma source(%dma_start3A_142 : memref<10240x128xf32, #tpu.memory_space<hbm>>) target(%arg18 : memref<40x128xf32, #tpu.memory_space<vmem>>) offsets(%dma_start3A_139 : memref<40xi32, #tpu.memory_space<vmem>>) semaphore(%arg30 : memref<!tpu.dma_semaphore, #tpu.memory_space<semaphore_mem>>)
        %add3A_143 = arith.constant 80 : i32
        %add3A_144 = arith.addi %add3A_107, %add3A_143 : i32
        %dma_start3A_145 = tpu.memref_slice %arg4[%add3A_144] : memref<320000xi32, #tpu.memory_space<hbm>> -> memref<40xi32, #tpu.memory_space<hbm>>
        %dma_start3A_146 = tpu.memref_slice %arg4[%add3A_144] : memref<320000xi32, #tpu.memory_space<hbm>> -> memref<40xi32, #tpu.memory_space<hbm>>
        tpu.enqueue_dma source(%dma_start3A_146 : memref<40xi32, #tpu.memory_space<hbm>>) target(%arg12 : memref<40xi32, #tpu.memory_space<vmem>>) target_semaphore(%arg24 : memref<!tpu.dma_semaphore, #tpu.memory_space<semaphore_mem>>)
        %dma_wait3A_147 = arith.constant 0 : i32
        %dma_wait3A_148 = arith.constant 0 : i32
        %dma_wait3A_149 = tpu.memref_slice %arg7[%dma_wait3A_147, %dma_wait3A_148] : memref<10240x128xf32, #tpu.memory_space<vmem_shared>> -> memref<10240x128xf32, #tpu.memory_space<vmem_shared>>
        tpu.wait_indirect_dma semaphore(%arg37 : memref<!tpu.dma_semaphore, #tpu.memory_space<semaphore_mem>>) src(%arg19 : memref<40x128xf32, #tpu.memory_space<vmem>>) dst(%dma_wait3A_149 : memref<10240x128xf32, #tpu.memory_space<vmem_shared>>)
        %add3A_150 = arith.constant 120 : i32
        %add3A_151 = arith.addi %mul3A_102, %add3A_150 : i32
        %dma_start3A_152 = tpu.memref_slice %arg8[%add3A_151] : memref<10000xi32, #tpu.memory_space<vmem>> -> memref<40xi32, #tpu.memory_space<vmem>>
        %dma_start3A_153 = arith.constant 0 : i32
        %dma_start3A_154 = arith.constant 0 : i32
        %dma_start3A_155 = tpu.memref_slice %arg2[%dma_start3A_153, %dma_start3A_154] : memref<10240x128xf32, #tpu.memory_space<hbm>> -> memref<10240x128xf32, #tpu.memory_space<hbm>>
        tpu.enqueue_indirect_dma source(%dma_start3A_155 : memref<10240x128xf32, #tpu.memory_space<hbm>>) target(%arg19 : memref<40x128xf32, #tpu.memory_space<vmem>>) offsets(%dma_start3A_152 : memref<40xi32, #tpu.memory_space<vmem>>) semaphore(%arg31 : memref<!tpu.dma_semaphore, #tpu.memory_space<semaphore_mem>>)
        %add3A_156 = arith.constant 120 : i32
        %add3A_157 = arith.addi %add3A_107, %add3A_156 : i32
        %dma_start3A_158 = tpu.memref_slice %arg4[%add3A_157] : memref<320000xi32, #tpu.memory_space<hbm>> -> memref<40xi32, #tpu.memory_space<hbm>>
        %dma_start3A_159 = tpu.memref_slice %arg4[%add3A_157] : memref<320000xi32, #tpu.memory_space<hbm>> -> memref<40xi32, #tpu.memory_space<hbm>>
        tpu.enqueue_dma source(%dma_start3A_159 : memref<40xi32, #tpu.memory_space<hbm>>) target(%arg13 : memref<40xi32, #tpu.memory_space<vmem>>) target_semaphore(%arg25 : memref<!tpu.dma_semaphore, #tpu.memory_space<semaphore_mem>>)
        %dma_wait3A_160 = arith.constant 0 : i32
        %dma_wait3A_161 = arith.constant 0 : i32
        %dma_wait3A_162 = tpu.memref_slice %arg7[%dma_wait3A_160, %dma_wait3A_161] : memref<10240x128xf32, #tpu.memory_space<vmem_shared>> -> memref<10240x128xf32, #tpu.memory_space<vmem_shared>>
        tpu.wait_indirect_dma semaphore(%arg38 : memref<!tpu.dma_semaphore, #tpu.memory_space<semaphore_mem>>) src(%arg20 : memref<40x128xf32, #tpu.memory_space<vmem>>) dst(%dma_wait3A_162 : memref<10240x128xf32, #tpu.memory_space<vmem_shared>>)
        %add3A_163 = arith.constant 160 : i32
        %add3A_164 = arith.addi %mul3A_102, %add3A_163 : i32
        %dma_start3A_165 = tpu.memref_slice %arg8[%add3A_164] : memref<10000xi32, #tpu.memory_space<vmem>> -> memref<40xi32, #tpu.memory_space<vmem>>
        %dma_start3A_166 = arith.constant 0 : i32
        %dma_start3A_167 = arith.constant 0 : i32
        %dma_start3A_168 = tpu.memref_slice %arg2[%dma_start3A_166, %dma_start3A_167] : memref<10240x128xf32, #tpu.memory_space<hbm>> -> memref<10240x128xf32, #tpu.memory_space<hbm>>
        tpu.enqueue_indirect_dma source(%dma_start3A_168 : memref<10240x128xf32, #tpu.memory_space<hbm>>) target(%arg20 : memref<40x128xf32, #tpu.memory_space<vmem>>) offsets(%dma_start3A_165 : memref<40xi32, #tpu.memory_space<vmem>>) semaphore(%arg32 : memref<!tpu.dma_semaphore, #tpu.memory_space<semaphore_mem>>)
        %add3A_169 = arith.constant 160 : i32
        %add3A_170 = arith.addi %add3A_107, %add3A_169 : i32
        %dma_start3A_171 = tpu.memref_slice %arg4[%add3A_170] : memref<320000xi32, #tpu.memory_space<hbm>> -> memref<40xi32, #tpu.memory_space<hbm>>
        %dma_start3A_172 = tpu.memref_slice %arg4[%add3A_170] : memref<320000xi32, #tpu.memory_space<hbm>> -> memref<40xi32, #tpu.memory_space<hbm>>
        tpu.enqueue_dma source(%dma_start3A_172 : memref<40xi32, #tpu.memory_space<hbm>>) target(%arg14 : memref<40xi32, #tpu.memory_space<vmem>>) target_semaphore(%arg26 : memref<!tpu.dma_semaphore, #tpu.memory_space<semaphore_mem>>)
        %dma_wait3A_173 = arith.constant 0 : i32
        %dma_wait3A_174 = arith.constant 0 : i32
        %dma_wait3A_175 = tpu.memref_slice %arg7[%dma_wait3A_173, %dma_wait3A_174] : memref<10240x128xf32, #tpu.memory_space<vmem_shared>> -> memref<10240x128xf32, #tpu.memory_space<vmem_shared>>
        tpu.wait_indirect_dma semaphore(%arg39 : memref<!tpu.dma_semaphore, #tpu.memory_space<semaphore_mem>>) src(%arg21 : memref<40x128xf32, #tpu.memory_space<vmem>>) dst(%dma_wait3A_175 : memref<10240x128xf32, #tpu.memory_space<vmem_shared>>)
        %add3A_176 = arith.constant 200 : i32
        %add3A_177 = arith.addi %mul3A_102, %add3A_176 : i32
        %dma_start3A_178 = tpu.memref_slice %arg8[%add3A_177] : memref<10000xi32, #tpu.memory_space<vmem>> -> memref<40xi32, #tpu.memory_space<vmem>>
        %dma_start3A_179 = arith.constant 0 : i32
        %dma_start3A_180 = arith.constant 0 : i32
        %dma_start3A_181 = tpu.memref_slice %arg2[%dma_start3A_179, %dma_start3A_180] : memref<10240x128xf32, #tpu.memory_space<hbm>> -> memref<10240x128xf32, #tpu.memory_space<hbm>>
        tpu.enqueue_indirect_dma source(%dma_start3A_181 : memref<10240x128xf32, #tpu.memory_space<hbm>>) target(%arg21 : memref<40x128xf32, #tpu.memory_space<vmem>>) offsets(%dma_start3A_178 : memref<40xi32, #tpu.memory_space<vmem>>) semaphore(%arg33 : memref<!tpu.dma_semaphore, #tpu.memory_space<semaphore_mem>>)
        %add3A_182 = arith.constant 200 : i32
        %add3A_183 = arith.addi %add3A_107, %add3A_182 : i32
        %dma_start3A_184 = tpu.memref_slice %arg4[%add3A_183] : memref<320000xi32, #tpu.memory_space<hbm>> -> memref<40xi32, #tpu.memory_space<hbm>>
        %dma_start3A_185 = tpu.memref_slice %arg4[%add3A_183] : memref<320000xi32, #tpu.memory_space<hbm>> -> memref<40xi32, #tpu.memory_space<hbm>>
        tpu.enqueue_dma source(%dma_start3A_185 : memref<40xi32, #tpu.memory_space<hbm>>) target(%arg15 : memref<40xi32, #tpu.memory_space<vmem>>) target_semaphore(%arg27 : memref<!tpu.dma_semaphore, #tpu.memory_space<semaphore_mem>>)
        %dma_wait3A_186 = tpu.memref_slice %arg4[%add3A_118] : memref<320000xi32, #tpu.memory_space<hbm>> -> memref<40xi32, #tpu.memory_space<hbm>>
        %dma_wait3A_187 = tpu.memref_slice %arg4[%add3A_118] : memref<320000xi32, #tpu.memory_space<hbm>> -> memref<40xi32, #tpu.memory_space<hbm>>
        tpu.wait_dma2 semaphore(%arg22 : memref<!tpu.dma_semaphore, #tpu.memory_space<semaphore_mem>>) src(%dma_wait3A_187 : memref<40xi32, #tpu.memory_space<hbm>>) dst(%arg10 : memref<40xi32, #tpu.memory_space<vmem>>)
        %dma_wait3A_188 = tpu.memref_slice %arg8[%add3A_112] : memref<10000xi32, #tpu.memory_space<vmem>> -> memref<40xi32, #tpu.memory_space<vmem>>
        %dma_wait3A_189 = arith.constant 0 : i32
        %dma_wait3A_190 = arith.constant 0 : i32
        %dma_wait3A_191 = tpu.memref_slice %arg2[%dma_wait3A_189, %dma_wait3A_190] : memref<10240x128xf32, #tpu.memory_space<hbm>> -> memref<10240x128xf32, #tpu.memory_space<hbm>>
        tpu.wait_indirect_dma semaphore(%arg28 : memref<!tpu.dma_semaphore, #tpu.memory_space<semaphore_mem>>) src(%dma_wait3A_191 : memref<10240x128xf32, #tpu.memory_space<hbm>>) dst(%arg16 : memref<40x128xf32, #tpu.memory_space<vmem>>)
        %dma_start3A_192 = arith.constant 0 : i32
        %dma_start3A_193 = arith.constant 0 : i32
        %dma_start3A_194 = tpu.memref_slice %arg7[%dma_start3A_192, %dma_start3A_193] : memref<10240x128xf32, #tpu.memory_space<vmem_shared>> -> memref<10240x128xf32, #tpu.memory_space<vmem_shared>>
        tpu.enqueue_indirect_dma source(%arg16 : memref<40x128xf32, #tpu.memory_space<vmem>>) target(%dma_start3A_194 : memref<10240x128xf32, #tpu.memory_space<vmem_shared>>) offsets(%arg10 : memref<40xi32, #tpu.memory_space<vmem>>) semaphore(%arg34 : memref<!tpu.dma_semaphore, #tpu.memory_space<semaphore_mem>>) {add = true}
        %dma_wait3A_195 = tpu.memref_slice %arg4[%add3A_131] : memref<320000xi32, #tpu.memory_space<hbm>> -> memref<40xi32, #tpu.memory_space<hbm>>
        %dma_wait3A_196 = tpu.memref_slice %arg4[%add3A_131] : memref<320000xi32, #tpu.memory_space<hbm>> -> memref<40xi32, #tpu.memory_space<hbm>>
        tpu.wait_dma2 semaphore(%arg23 : memref<!tpu.dma_semaphore, #tpu.memory_space<semaphore_mem>>) src(%dma_wait3A_196 : memref<40xi32, #tpu.memory_space<hbm>>) dst(%arg11 : memref<40xi32, #tpu.memory_space<vmem>>)
        %dma_wait3A_197 = tpu.memref_slice %arg8[%add3A_125] : memref<10000xi32, #tpu.memory_space<vmem>> -> memref<40xi32, #tpu.memory_space<vmem>>
        %dma_wait3A_198 = arith.constant 0 : i32
        %dma_wait3A_199 = arith.constant 0 : i32
        %dma_wait3A_200 = tpu.memref_slice %arg2[%dma_wait3A_198, %dma_wait3A_199] : memref<10240x128xf32, #tpu.memory_space<hbm>> -> memref<10240x128xf32, #tpu.memory_space<hbm>>
        tpu.wait_indirect_dma semaphore(%arg29 : memref<!tpu.dma_semaphore, #tpu.memory_space<semaphore_mem>>) src(%dma_wait3A_200 : memref<10240x128xf32, #tpu.memory_space<hbm>>) dst(%arg17 : memref<40x128xf32, #tpu.memory_space<vmem>>)
        %dma_start3A_201 = arith.constant 0 : i32
        %dma_start3A_202 = arith.constant 0 : i32
        %dma_start3A_203 = tpu.memref_slice %arg7[%dma_start3A_201, %dma_start3A_202] : memref<10240x128xf32, #tpu.memory_space<vmem_shared>> -> memref<10240x128xf32, #tpu.memory_space<vmem_shared>>
        tpu.enqueue_indirect_dma source(%arg17 : memref<40x128xf32, #tpu.memory_space<vmem>>) target(%dma_start3A_203 : memref<10240x128xf32, #tpu.memory_space<vmem_shared>>) offsets(%arg11 : memref<40xi32, #tpu.memory_space<vmem>>) semaphore(%arg35 : memref<!tpu.dma_semaphore, #tpu.memory_space<semaphore_mem>>) {add = true}
        %dma_wait3A_204 = tpu.memref_slice %arg4[%add3A_144] : memref<320000xi32, #tpu.memory_space<hbm>> -> memref<40xi32, #tpu.memory_space<hbm>>
        %dma_wait3A_205 = tpu.memref_slice %arg4[%add3A_144] : memref<320000xi32, #tpu.memory_space<hbm>> -> memref<40xi32, #tpu.memory_space<hbm>>
        tpu.wait_dma2 semaphore(%arg24 : memref<!tpu.dma_semaphore, #tpu.memory_space<semaphore_mem>>) src(%dma_wait3A_205 : memref<40xi32, #tpu.memory_space<hbm>>) dst(%arg12 : memref<40xi32, #tpu.memory_space<vmem>>)
        %dma_wait3A_206 = tpu.memref_slice %arg8[%add3A_138] : memref<10000xi32, #tpu.memory_space<vmem>> -> memref<40xi32, #tpu.memory_space<vmem>>
        %dma_wait3A_207 = arith.constant 0 : i32
        %dma_wait3A_208 = arith.constant 0 : i32
        %dma_wait3A_209 = tpu.memref_slice %arg2[%dma_wait3A_207, %dma_wait3A_208] : memref<10240x128xf32, #tpu.memory_space<hbm>> -> memref<10240x128xf32, #tpu.memory_space<hbm>>
        tpu.wait_indirect_dma semaphore(%arg30 : memref<!tpu.dma_semaphore, #tpu.memory_space<semaphore_mem>>) src(%dma_wait3A_209 : memref<10240x128xf32, #tpu.memory_space<hbm>>) dst(%arg18 : memref<40x128xf32, #tpu.memory_space<vmem>>)
        %dma_start3A_210 = arith.constant 0 : i32
        %dma_start3A_211 = arith.constant 0 : i32
        %dma_start3A_212 = tpu.memref_slice %arg7[%dma_start3A_210, %dma_start3A_211] : memref<10240x128xf32, #tpu.memory_space<vmem_shared>> -> memref<10240x128xf32, #tpu.memory_space<vmem_shared>>
        tpu.enqueue_indirect_dma source(%arg18 : memref<40x128xf32, #tpu.memory_space<vmem>>) target(%dma_start3A_212 : memref<10240x128xf32, #tpu.memory_space<vmem_shared>>) offsets(%arg12 : memref<40xi32, #tpu.memory_space<vmem>>) semaphore(%arg36 : memref<!tpu.dma_semaphore, #tpu.memory_space<semaphore_mem>>) {add = true}
        %dma_wait3A_213 = tpu.memref_slice %arg4[%add3A_157] : memref<320000xi32, #tpu.memory_space<hbm>> -> memref<40xi32, #tpu.memory_space<hbm>>
        %dma_wait3A_214 = tpu.memref_slice %arg4[%add3A_157] : memref<320000xi32, #tpu.memory_space<hbm>> -> memref<40xi32, #tpu.memory_space<hbm>>
        tpu.wait_dma2 semaphore(%arg25 : memref<!tpu.dma_semaphore, #tpu.memory_space<semaphore_mem>>) src(%dma_wait3A_214 : memref<40xi32, #tpu.memory_space<hbm>>) dst(%arg13 : memref<40xi32, #tpu.memory_space<vmem>>)
        %dma_wait3A_215 = tpu.memref_slice %arg8[%add3A_151] : memref<10000xi32, #tpu.memory_space<vmem>> -> memref<40xi32, #tpu.memory_space<vmem>>
        %dma_wait3A_216 = arith.constant 0 : i32
        %dma_wait3A_217 = arith.constant 0 : i32
        %dma_wait3A_218 = tpu.memref_slice %arg2[%dma_wait3A_216, %dma_wait3A_217] : memref<10240x128xf32, #tpu.memory_space<hbm>> -> memref<10240x128xf32, #tpu.memory_space<hbm>>
        tpu.wait_indirect_dma semaphore(%arg31 : memref<!tpu.dma_semaphore, #tpu.memory_space<semaphore_mem>>) src(%dma_wait3A_218 : memref<10240x128xf32, #tpu.memory_space<hbm>>) dst(%arg19 : memref<40x128xf32, #tpu.memory_space<vmem>>)
        %dma_start3A_219 = arith.constant 0 : i32
        %dma_start3A_220 = arith.constant 0 : i32
        %dma_start3A_221 = tpu.memref_slice %arg7[%dma_start3A_219, %dma_start3A_220] : memref<10240x128xf32, #tpu.memory_space<vmem_shared>> -> memref<10240x128xf32, #tpu.memory_space<vmem_shared>>
        tpu.enqueue_indirect_dma source(%arg19 : memref<40x128xf32, #tpu.memory_space<vmem>>) target(%dma_start3A_221 : memref<10240x128xf32, #tpu.memory_space<vmem_shared>>) offsets(%arg13 : memref<40xi32, #tpu.memory_space<vmem>>) semaphore(%arg37 : memref<!tpu.dma_semaphore, #tpu.memory_space<semaphore_mem>>) {add = true}
        %dma_wait3A_222 = tpu.memref_slice %arg4[%add3A_170] : memref<320000xi32, #tpu.memory_space<hbm>> -> memref<40xi32, #tpu.memory_space<hbm>>
        %dma_wait3A_223 = tpu.memref_slice %arg4[%add3A_170] : memref<320000xi32, #tpu.memory_space<hbm>> -> memref<40xi32, #tpu.memory_space<hbm>>
        tpu.wait_dma2 semaphore(%arg26 : memref<!tpu.dma_semaphore, #tpu.memory_space<semaphore_mem>>) src(%dma_wait3A_223 : memref<40xi32, #tpu.memory_space<hbm>>) dst(%arg14 : memref<40xi32, #tpu.memory_space<vmem>>)
        %dma_wait3A_224 = tpu.memref_slice %arg8[%add3A_164] : memref<10000xi32, #tpu.memory_space<vmem>> -> memref<40xi32, #tpu.memory_space<vmem>>
        %dma_wait3A_225 = arith.constant 0 : i32
        %dma_wait3A_226 = arith.constant 0 : i32
        %dma_wait3A_227 = tpu.memref_slice %arg2[%dma_wait3A_225, %dma_wait3A_226] : memref<10240x128xf32, #tpu.memory_space<hbm>> -> memref<10240x128xf32, #tpu.memory_space<hbm>>
        tpu.wait_indirect_dma semaphore(%arg32 : memref<!tpu.dma_semaphore, #tpu.memory_space<semaphore_mem>>) src(%dma_wait3A_227 : memref<10240x128xf32, #tpu.memory_space<hbm>>) dst(%arg20 : memref<40x128xf32, #tpu.memory_space<vmem>>)
        %dma_start3A_228 = arith.constant 0 : i32
        %dma_start3A_229 = arith.constant 0 : i32
        %dma_start3A_230 = tpu.memref_slice %arg7[%dma_start3A_228, %dma_start3A_229] : memref<10240x128xf32, #tpu.memory_space<vmem_shared>> -> memref<10240x128xf32, #tpu.memory_space<vmem_shared>>
        tpu.enqueue_indirect_dma source(%arg20 : memref<40x128xf32, #tpu.memory_space<vmem>>) target(%dma_start3A_230 : memref<10240x128xf32, #tpu.memory_space<vmem_shared>>) offsets(%arg14 : memref<40xi32, #tpu.memory_space<vmem>>) semaphore(%arg38 : memref<!tpu.dma_semaphore, #tpu.memory_space<semaphore_mem>>) {add = true}
        %dma_wait3A_231 = tpu.memref_slice %arg4[%add3A_183] : memref<320000xi32, #tpu.memory_space<hbm>> -> memref<40xi32, #tpu.memory_space<hbm>>
        %dma_wait3A_232 = tpu.memref_slice %arg4[%add3A_183] : memref<320000xi32, #tpu.memory_space<hbm>> -> memref<40xi32, #tpu.memory_space<hbm>>
        tpu.wait_dma2 semaphore(%arg27 : memref<!tpu.dma_semaphore, #tpu.memory_space<semaphore_mem>>) src(%dma_wait3A_232 : memref<40xi32, #tpu.memory_space<hbm>>) dst(%arg15 : memref<40xi32, #tpu.memory_space<vmem>>)
        %dma_wait3A_233 = tpu.memref_slice %arg8[%add3A_177] : memref<10000xi32, #tpu.memory_space<vmem>> -> memref<40xi32, #tpu.memory_space<vmem>>
        %dma_wait3A_234 = arith.constant 0 : i32
        %dma_wait3A_235 = arith.constant 0 : i32
        %dma_wait3A_236 = tpu.memref_slice %arg2[%dma_wait3A_234, %dma_wait3A_235] : memref<10240x128xf32, #tpu.memory_space<hbm>> -> memref<10240x128xf32, #tpu.memory_space<hbm>>
        tpu.wait_indirect_dma semaphore(%arg33 : memref<!tpu.dma_semaphore, #tpu.memory_space<semaphore_mem>>) src(%dma_wait3A_236 : memref<10240x128xf32, #tpu.memory_space<hbm>>) dst(%arg21 : memref<40x128xf32, #tpu.memory_space<vmem>>)
        %dma_start3A_237 = arith.constant 0 : i32
        %dma_start3A_238 = arith.constant 0 : i32
        %dma_start3A_239 = tpu.memref_slice %arg7[%dma_start3A_237, %dma_start3A_238] : memref<10240x128xf32, #tpu.memory_space<vmem_shared>> -> memref<10240x128xf32, #tpu.memory_space<vmem_shared>>
        tpu.enqueue_indirect_dma source(%arg21 : memref<40x128xf32, #tpu.memory_space<vmem>>) target(%dma_start3A_239 : memref<10240x128xf32, #tpu.memory_space<vmem_shared>>) offsets(%arg15 : memref<40xi32, #tpu.memory_space<vmem>>) semaphore(%arg39 : memref<!tpu.dma_semaphore, #tpu.memory_space<semaphore_mem>>) {add = true}
      } else {
      }
      %scan3A_98 = arith.constant 0 : i32
      scf.yield %scan3A_98 : i32
    }
    %scan3A_12 = arith.constant 41 : i32
    %dma_wait3A = arith.constant 0 : i32
    %dma_wait3A_13 = arith.constant 0 : i32
    %dma_wait3A_14 = tpu.memref_slice %arg7[%dma_wait3A, %dma_wait3A_13] : memref<10240x128xf32, #tpu.memory_space<vmem_shared>> -> memref<10240x128xf32, #tpu.memory_space<vmem_shared>>
    tpu.wait_indirect_dma semaphore(%arg34 : memref<!tpu.dma_semaphore, #tpu.memory_space<semaphore_mem>>) src(%arg16 : memref<40x128xf32, #tpu.memory_space<vmem>>) dst(%dma_wait3A_14 : memref<10240x128xf32, #tpu.memory_space<vmem_shared>>)
    %dma_wait3A_15 = arith.constant 0 : i32
    %dma_wait3A_16 = arith.constant 0 : i32
    %dma_wait3A_17 = tpu.memref_slice %arg7[%dma_wait3A_15, %dma_wait3A_16] : memref<10240x128xf32, #tpu.memory_space<vmem_shared>> -> memref<10240x128xf32, #tpu.memory_space<vmem_shared>>
    tpu.wait_indirect_dma semaphore(%arg35 : memref<!tpu.dma_semaphore, #tpu.memory_space<semaphore_mem>>) src(%arg17 : memref<40x128xf32, #tpu.memory_space<vmem>>) dst(%dma_wait3A_17 : memref<10240x128xf32, #tpu.memory_space<vmem_shared>>)
    %dma_wait3A_18 = arith.constant 0 : i32
    %dma_wait3A_19 = arith.constant 0 : i32
    %dma_wait3A_20 = tpu.memref_slice %arg7[%dma_wait3A_18, %dma_wait3A_19] : memref<10240x128xf32, #tpu.memory_space<vmem_shared>> -> memref<10240x128xf32, #tpu.memory_space<vmem_shared>>
    tpu.wait_indirect_dma semaphore(%arg36 : memref<!tpu.dma_semaphore, #tpu.memory_space<semaphore_mem>>) src(%arg18 : memref<40x128xf32, #tpu.memory_space<vmem>>) dst(%dma_wait3A_20 : memref<10240x128xf32, #tpu.memory_space<vmem_shared>>)
    %dma_wait3A_21 = arith.constant 0 : i32
    %dma_wait3A_22 = arith.constant 0 : i32
    %dma_wait3A_23 = tpu.memref_slice %arg7[%dma_wait3A_21, %dma_wait3A_22] : memref<10240x128xf32, #tpu.memory_space<vmem_shared>> -> memref<10240x128xf32, #tpu.memory_space<vmem_shared>>
    tpu.wait_indirect_dma semaphore(%arg37 : memref<!tpu.dma_semaphore, #tpu.memory_space<semaphore_mem>>) src(%arg19 : memref<40x128xf32, #tpu.memory_space<vmem>>) dst(%dma_wait3A_23 : memref<10240x128xf32, #tpu.memory_space<vmem_shared>>)
    %dma_wait3A_24 = arith.constant 0 : i32
    %dma_wait3A_25 = arith.constant 0 : i32
    %dma_wait3A_26 = tpu.memref_slice %arg7[%dma_wait3A_24, %dma_wait3A_25] : memref<10240x128xf32, #tpu.memory_space<vmem_shared>> -> memref<10240x128xf32, #tpu.memory_space<vmem_shared>>
    tpu.wait_indirect_dma semaphore(%arg38 : memref<!tpu.dma_semaphore, #tpu.memory_space<semaphore_mem>>) src(%arg20 : memref<40x128xf32, #tpu.memory_space<vmem>>) dst(%dma_wait3A_26 : memref<10240x128xf32, #tpu.memory_space<vmem_shared>>)
    %dma_wait3A_27 = arith.constant 0 : i32
    %dma_wait3A_28 = arith.constant 0 : i32
    %dma_wait3A_29 = tpu.memref_slice %arg7[%dma_wait3A_27, %dma_wait3A_28] : memref<10240x128xf32, #tpu.memory_space<vmem_shared>> -> memref<10240x128xf32, #tpu.memory_space<vmem_shared>>
    tpu.wait_indirect_dma semaphore(%arg39 : memref<!tpu.dma_semaphore, #tpu.memory_space<semaphore_mem>>) src(%arg21 : memref<40x128xf32, #tpu.memory_space<vmem>>) dst(%dma_wait3A_29 : memref<10240x128xf32, #tpu.memory_space<vmem_shared>>)
    %add3A_30 = arith.constant 9840 : i32
    %add3A_31 = arith.addi %mul3A_2, %add3A_30 : i32
    %add3A_32 = arith.constant 0 : i32
    %add3A_33 = arith.addi %add3A_31, %add3A_32 : i32
    "tpu.region"() ({
      %run_scoped3A = tpu.sem_alloc : memref<!tpu.dma_semaphore, #tpu.memory_space<semaphore_mem>>
      %dma_start3A_90 = tpu.memref_slice %arg4[%add3A_33] : memref<320000xi32, #tpu.memory_space<hbm>> -> memref<40xi32, #tpu.memory_space<hbm>>
      %dma_start3A_91 = tpu.memref_slice %arg4[%add3A_33] : memref<320000xi32, #tpu.memory_space<hbm>> -> memref<40xi32, #tpu.memory_space<hbm>>
      tpu.enqueue_dma source(%dma_start3A_91 : memref<40xi32, #tpu.memory_space<hbm>>) target(%arg10 : memref<40xi32, #tpu.memory_space<vmem>>) target_semaphore(%run_scoped3A : memref<!tpu.dma_semaphore, #tpu.memory_space<semaphore_mem>>)
      %dma_wait3A_92 = tpu.memref_slice %arg4[%add3A_33] : memref<320000xi32, #tpu.memory_space<hbm>> -> memref<40xi32, #tpu.memory_space<hbm>>
      %dma_wait3A_93 = tpu.memref_slice %arg4[%add3A_33] : memref<320000xi32, #tpu.memory_space<hbm>> -> memref<40xi32, #tpu.memory_space<hbm>>
      tpu.wait_dma2 semaphore(%run_scoped3A : memref<!tpu.dma_semaphore, #tpu.memory_space<semaphore_mem>>) src(%dma_wait3A_93 : memref<40xi32, #tpu.memory_space<hbm>>) dst(%arg10 : memref<40xi32, #tpu.memory_space<vmem>>)
      tpu.yield
    }) : () -> ()
    %dma_start3A = arith.constant 9840 : i32
    %dma_start3A_34 = tpu.memref_slice %arg8[%dma_start3A] : memref<10000xi32, #tpu.memory_space<vmem>> -> memref<40xi32, #tpu.memory_space<vmem>>
    %dma_start3A_35 = arith.constant 0 : i32
    %dma_start3A_36 = arith.constant 0 : i32
    %dma_start3A_37 = tpu.memref_slice %arg2[%dma_start3A_35, %dma_start3A_36] : memref<10240x128xf32, #tpu.memory_space<hbm>> -> memref<10240x128xf32, #tpu.memory_space<hbm>>
    tpu.enqueue_indirect_dma source(%dma_start3A_37 : memref<10240x128xf32, #tpu.memory_space<hbm>>) target(%arg16 : memref<40x128xf32, #tpu.memory_space<vmem>>) offsets(%dma_start3A_34 : memref<40xi32, #tpu.memory_space<vmem>>) semaphore(%arg28 : memref<!tpu.dma_semaphore, #tpu.memory_space<semaphore_mem>>)
    %dma_wait3A_38 = arith.constant 9840 : i32
    %dma_wait3A_39 = tpu.memref_slice %arg8[%dma_wait3A_38] : memref<10000xi32, #tpu.memory_space<vmem>> -> memref<40xi32, #tpu.memory_space<vmem>>
    %dma_wait3A_40 = arith.constant 0 : i32
    %dma_wait3A_41 = arith.constant 0 : i32
    %dma_wait3A_42 = tpu.memref_slice %arg2[%dma_wait3A_40, %dma_wait3A_41] : memref<10240x128xf32, #tpu.memory_space<hbm>> -> memref<10240x128xf32, #tpu.memory_space<hbm>>
    tpu.wait_indirect_dma semaphore(%arg28 : memref<!tpu.dma_semaphore, #tpu.memory_space<semaphore_mem>>) src(%dma_wait3A_42 : memref<10240x128xf32, #tpu.memory_space<hbm>>) dst(%arg16 : memref<40x128xf32, #tpu.memory_space<vmem>>)
    "tpu.region"() ({
      %run_scoped3A = tpu.sem_alloc : memref<!tpu.dma_semaphore, #tpu.memory_space<semaphore_mem>>
      %dma_start3A_90 = arith.constant 0 : i32
      %dma_start3A_91 = arith.constant 0 : i32
      %dma_start3A_92 = tpu.memref_slice %arg7[%dma_start3A_90, %dma_start3A_91] : memref<10240x128xf32, #tpu.memory_space<vmem_shared>> -> memref<10240x128xf32, #tpu.memory_space<vmem_shared>>
      tpu.enqueue_indirect_dma source(%arg16 : memref<40x128xf32, #tpu.memory_space<vmem>>) target(%dma_start3A_92 : memref<10240x128xf32, #tpu.memory_space<vmem_shared>>) offsets(%arg10 : memref<40xi32, #tpu.memory_space<vmem>>) semaphore(%run_scoped3A : memref<!tpu.dma_semaphore, #tpu.memory_space<semaphore_mem>>) {add = true}
      %dma_wait3A_93 = arith.constant 0 : i32
      %dma_wait3A_94 = arith.constant 0 : i32
      %dma_wait3A_95 = tpu.memref_slice %arg7[%dma_wait3A_93, %dma_wait3A_94] : memref<10240x128xf32, #tpu.memory_space<vmem_shared>> -> memref<10240x128xf32, #tpu.memory_space<vmem_shared>>
      tpu.wait_indirect_dma semaphore(%run_scoped3A : memref<!tpu.dma_semaphore, #tpu.memory_space<semaphore_mem>>) src(%arg16 : memref<40x128xf32, #tpu.memory_space<vmem>>) dst(%dma_wait3A_95 : memref<10240x128xf32, #tpu.memory_space<vmem_shared>>)
      tpu.yield
    }) : () -> ()
    %add3A_43 = arith.constant 9840 : i32
    %add3A_44 = arith.addi %mul3A_2, %add3A_43 : i32
    %add3A_45 = arith.constant 40 : i32
    %add3A_46 = arith.addi %add3A_44, %add3A_45 : i32
    "tpu.region"() ({
      %run_scoped3A = tpu.sem_alloc : memref<!tpu.dma_semaphore, #tpu.memory_space<semaphore_mem>>
      %dma_start3A_90 = tpu.memref_slice %arg4[%add3A_46] : memref<320000xi32, #tpu.memory_space<hbm>> -> memref<40xi32, #tpu.memory_space<hbm>>
      %dma_start3A_91 = tpu.memref_slice %arg4[%add3A_46] : memref<320000xi32, #tpu.memory_space<hbm>> -> memref<40xi32, #tpu.memory_space<hbm>>
      tpu.enqueue_dma source(%dma_start3A_91 : memref<40xi32, #tpu.memory_space<hbm>>) target(%arg11 : memref<40xi32, #tpu.memory_space<vmem>>) target_semaphore(%run_scoped3A : memref<!tpu.dma_semaphore, #tpu.memory_space<semaphore_mem>>)
      %dma_wait3A_92 = tpu.memref_slice %arg4[%add3A_46] : memref<320000xi32, #tpu.memory_space<hbm>> -> memref<40xi32, #tpu.memory_space<hbm>>
      %dma_wait3A_93 = tpu.memref_slice %arg4[%add3A_46] : memref<320000xi32, #tpu.memory_space<hbm>> -> memref<40xi32, #tpu.memory_space<hbm>>
      tpu.wait_dma2 semaphore(%run_scoped3A : memref<!tpu.dma_semaphore, #tpu.memory_space<semaphore_mem>>) src(%dma_wait3A_93 : memref<40xi32, #tpu.memory_space<hbm>>) dst(%arg11 : memref<40xi32, #tpu.memory_space<vmem>>)
      tpu.yield
    }) : () -> ()
    %dma_start3A_47 = arith.constant 9880 : i32
    %dma_start3A_48 = tpu.memref_slice %arg8[%dma_start3A_47] : memref<10000xi32, #tpu.memory_space<vmem>> -> memref<40xi32, #tpu.memory_space<vmem>>
    %dma_start3A_49 = arith.constant 0 : i32
    %dma_start3A_50 = arith.constant 0 : i32
    %dma_start3A_51 = tpu.memref_slice %arg2[%dma_start3A_49, %dma_start3A_50] : memref<10240x128xf32, #tpu.memory_space<hbm>> -> memref<10240x128xf32, #tpu.memory_space<hbm>>
    tpu.enqueue_indirect_dma source(%dma_start3A_51 : memref<10240x128xf32, #tpu.memory_space<hbm>>) target(%arg17 : memref<40x128xf32, #tpu.memory_space<vmem>>) offsets(%dma_start3A_48 : memref<40xi32, #tpu.memory_space<vmem>>) semaphore(%arg29 : memref<!tpu.dma_semaphore, #tpu.memory_space<semaphore_mem>>)
    %dma_wait3A_52 = arith.constant 9880 : i32
    %dma_wait3A_53 = tpu.memref_slice %arg8[%dma_wait3A_52] : memref<10000xi32, #tpu.memory_space<vmem>> -> memref<40xi32, #tpu.memory_space<vmem>>
    %dma_wait3A_54 = arith.constant 0 : i32
    %dma_wait3A_55 = arith.constant 0 : i32
    %dma_wait3A_56 = tpu.memref_slice %arg2[%dma_wait3A_54, %dma_wait3A_55] : memref<10240x128xf32, #tpu.memory_space<hbm>> -> memref<10240x128xf32, #tpu.memory_space<hbm>>
    tpu.wait_indirect_dma semaphore(%arg29 : memref<!tpu.dma_semaphore, #tpu.memory_space<semaphore_mem>>) src(%dma_wait3A_56 : memref<10240x128xf32, #tpu.memory_space<hbm>>) dst(%arg17 : memref<40x128xf32, #tpu.memory_space<vmem>>)
    "tpu.region"() ({
      %run_scoped3A = tpu.sem_alloc : memref<!tpu.dma_semaphore, #tpu.memory_space<semaphore_mem>>
      %dma_start3A_90 = arith.constant 0 : i32
      %dma_start3A_91 = arith.constant 0 : i32
      %dma_start3A_92 = tpu.memref_slice %arg7[%dma_start3A_90, %dma_start3A_91] : memref<10240x128xf32, #tpu.memory_space<vmem_shared>> -> memref<10240x128xf32, #tpu.memory_space<vmem_shared>>
      tpu.enqueue_indirect_dma source(%arg17 : memref<40x128xf32, #tpu.memory_space<vmem>>) target(%dma_start3A_92 : memref<10240x128xf32, #tpu.memory_space<vmem_shared>>) offsets(%arg11 : memref<40xi32, #tpu.memory_space<vmem>>) semaphore(%run_scoped3A : memref<!tpu.dma_semaphore, #tpu.memory_space<semaphore_mem>>) {add = true}
      %dma_wait3A_93 = arith.constant 0 : i32
      %dma_wait3A_94 = arith.constant 0 : i32
      %dma_wait3A_95 = tpu.memref_slice %arg7[%dma_wait3A_93, %dma_wait3A_94] : memref<10240x128xf32, #tpu.memory_space<vmem_shared>> -> memref<10240x128xf32, #tpu.memory_space<vmem_shared>>
      tpu.wait_indirect_dma semaphore(%run_scoped3A : memref<!tpu.dma_semaphore, #tpu.memory_space<semaphore_mem>>) src(%arg17 : memref<40x128xf32, #tpu.memory_space<vmem>>) dst(%dma_wait3A_95 : memref<10240x128xf32, #tpu.memory_space<vmem_shared>>)
      tpu.yield
    }) : () -> ()
    %add3A_57 = arith.constant 9840 : i32
    %add3A_58 = arith.addi %mul3A_2, %add3A_57 : i32
    %add3A_59 = arith.constant 80 : i32
    %add3A_60 = arith.addi %add3A_58, %add3A_59 : i32
    "tpu.region"() ({
      %run_scoped3A = tpu.sem_alloc : memref<!tpu.dma_semaphore, #tpu.memory_space<semaphore_mem>>
      %dma_start3A_90 = tpu.memref_slice %arg4[%add3A_60] : memref<320000xi32, #tpu.memory_space<hbm>> -> memref<40xi32, #tpu.memory_space<hbm>>
      %dma_start3A_91 = tpu.memref_slice %arg4[%add3A_60] : memref<320000xi32, #tpu.memory_space<hbm>> -> memref<40xi32, #tpu.memory_space<hbm>>
      tpu.enqueue_dma source(%dma_start3A_91 : memref<40xi32, #tpu.memory_space<hbm>>) target(%arg12 : memref<40xi32, #tpu.memory_space<vmem>>) target_semaphore(%run_scoped3A : memref<!tpu.dma_semaphore, #tpu.memory_space<semaphore_mem>>)
      %dma_wait3A_92 = tpu.memref_slice %arg4[%add3A_60] : memref<320000xi32, #tpu.memory_space<hbm>> -> memref<40xi32, #tpu.memory_space<hbm>>
      %dma_wait3A_93 = tpu.memref_slice %arg4[%add3A_60] : memref<320000xi32, #tpu.memory_space<hbm>> -> memref<40xi32, #tpu.memory_space<hbm>>
      tpu.wait_dma2 semaphore(%run_scoped3A : memref<!tpu.dma_semaphore, #tpu.memory_space<semaphore_mem>>) src(%dma_wait3A_93 : memref<40xi32, #tpu.memory_space<hbm>>) dst(%arg12 : memref<40xi32, #tpu.memory_space<vmem>>)
      tpu.yield
    }) : () -> ()
    %dma_start3A_61 = arith.constant 9920 : i32
    %dma_start3A_62 = tpu.memref_slice %arg8[%dma_start3A_61] : memref<10000xi32, #tpu.memory_space<vmem>> -> memref<40xi32, #tpu.memory_space<vmem>>
    %dma_start3A_63 = arith.constant 0 : i32
    %dma_start3A_64 = arith.constant 0 : i32
    %dma_start3A_65 = tpu.memref_slice %arg2[%dma_start3A_63, %dma_start3A_64] : memref<10240x128xf32, #tpu.memory_space<hbm>> -> memref<10240x128xf32, #tpu.memory_space<hbm>>
    tpu.enqueue_indirect_dma source(%dma_start3A_65 : memref<10240x128xf32, #tpu.memory_space<hbm>>) target(%arg18 : memref<40x128xf32, #tpu.memory_space<vmem>>) offsets(%dma_start3A_62 : memref<40xi32, #tpu.memory_space<vmem>>) semaphore(%arg30 : memref<!tpu.dma_semaphore, #tpu.memory_space<semaphore_mem>>)
    %dma_wait3A_66 = arith.constant 9920 : i32
    %dma_wait3A_67 = tpu.memref_slice %arg8[%dma_wait3A_66] : memref<10000xi32, #tpu.memory_space<vmem>> -> memref<40xi32, #tpu.memory_space<vmem>>
    %dma_wait3A_68 = arith.constant 0 : i32
    %dma_wait3A_69 = arith.constant 0 : i32
    %dma_wait3A_70 = tpu.memref_slice %arg2[%dma_wait3A_68, %dma_wait3A_69] : memref<10240x128xf32, #tpu.memory_space<hbm>> -> memref<10240x128xf32, #tpu.memory_space<hbm>>
    tpu.wait_indirect_dma semaphore(%arg30 : memref<!tpu.dma_semaphore, #tpu.memory_space<semaphore_mem>>) src(%dma_wait3A_70 : memref<10240x128xf32, #tpu.memory_space<hbm>>) dst(%arg18 : memref<40x128xf32, #tpu.memory_space<vmem>>)
    "tpu.region"() ({
      %run_scoped3A = tpu.sem_alloc : memref<!tpu.dma_semaphore, #tpu.memory_space<semaphore_mem>>
      %dma_start3A_90 = arith.constant 0 : i32
      %dma_start3A_91 = arith.constant 0 : i32
      %dma_start3A_92 = tpu.memref_slice %arg7[%dma_start3A_90, %dma_start3A_91] : memref<10240x128xf32, #tpu.memory_space<vmem_shared>> -> memref<10240x128xf32, #tpu.memory_space<vmem_shared>>
      tpu.enqueue_indirect_dma source(%arg18 : memref<40x128xf32, #tpu.memory_space<vmem>>) target(%dma_start3A_92 : memref<10240x128xf32, #tpu.memory_space<vmem_shared>>) offsets(%arg12 : memref<40xi32, #tpu.memory_space<vmem>>) semaphore(%run_scoped3A : memref<!tpu.dma_semaphore, #tpu.memory_space<semaphore_mem>>) {add = true}
      %dma_wait3A_93 = arith.constant 0 : i32
      %dma_wait3A_94 = arith.constant 0 : i32
      %dma_wait3A_95 = tpu.memref_slice %arg7[%dma_wait3A_93, %dma_wait3A_94] : memref<10240x128xf32, #tpu.memory_space<vmem_shared>> -> memref<10240x128xf32, #tpu.memory_space<vmem_shared>>
      tpu.wait_indirect_dma semaphore(%run_scoped3A : memref<!tpu.dma_semaphore, #tpu.memory_space<semaphore_mem>>) src(%arg18 : memref<40x128xf32, #tpu.memory_space<vmem>>) dst(%dma_wait3A_95 : memref<10240x128xf32, #tpu.memory_space<vmem_shared>>)
      tpu.yield
    }) : () -> ()
    %add3A_71 = arith.constant 9840 : i32
    %add3A_72 = arith.addi %mul3A_2, %add3A_71 : i32
    %add3A_73 = arith.constant 120 : i32
    %add3A_74 = arith.addi %add3A_72, %add3A_73 : i32
    "tpu.region"() ({
      %run_scoped3A = tpu.sem_alloc : memref<!tpu.dma_semaphore, #tpu.memory_space<semaphore_mem>>
      %dma_start3A_90 = tpu.memref_slice %arg4[%add3A_74] : memref<320000xi32, #tpu.memory_space<hbm>> -> memref<40xi32, #tpu.memory_space<hbm>>
      %dma_start3A_91 = tpu.memref_slice %arg4[%add3A_74] : memref<320000xi32, #tpu.memory_space<hbm>> -> memref<40xi32, #tpu.memory_space<hbm>>
      tpu.enqueue_dma source(%dma_start3A_91 : memref<40xi32, #tpu.memory_space<hbm>>) target(%arg13 : memref<40xi32, #tpu.memory_space<vmem>>) target_semaphore(%run_scoped3A : memref<!tpu.dma_semaphore, #tpu.memory_space<semaphore_mem>>)
      %dma_wait3A_92 = tpu.memref_slice %arg4[%add3A_74] : memref<320000xi32, #tpu.memory_space<hbm>> -> memref<40xi32, #tpu.memory_space<hbm>>
      %dma_wait3A_93 = tpu.memref_slice %arg4[%add3A_74] : memref<320000xi32, #tpu.memory_space<hbm>> -> memref<40xi32, #tpu.memory_space<hbm>>
      tpu.wait_dma2 semaphore(%run_scoped3A : memref<!tpu.dma_semaphore, #tpu.memory_space<semaphore_mem>>) src(%dma_wait3A_93 : memref<40xi32, #tpu.memory_space<hbm>>) dst(%arg13 : memref<40xi32, #tpu.memory_space<vmem>>)
      tpu.yield
    }) : () -> ()
    %dma_start3A_75 = arith.constant 9960 : i32
    %dma_start3A_76 = tpu.memref_slice %arg8[%dma_start3A_75] : memref<10000xi32, #tpu.memory_space<vmem>> -> memref<40xi32, #tpu.memory_space<vmem>>
    %dma_start3A_77 = arith.constant 0 : i32
    %dma_start3A_78 = arith.constant 0 : i32
    %dma_start3A_79 = tpu.memref_slice %arg2[%dma_start3A_77, %dma_start3A_78] : memref<10240x128xf32, #tpu.memory_space<hbm>> -> memref<10240x128xf32, #tpu.memory_space<hbm>>
    tpu.enqueue_indirect_dma source(%dma_start3A_79 : memref<10240x128xf32, #tpu.memory_space<hbm>>) target(%arg19 : memref<40x128xf32, #tpu.memory_space<vmem>>) offsets(%dma_start3A_76 : memref<40xi32, #tpu.memory_space<vmem>>) semaphore(%arg31 : memref<!tpu.dma_semaphore, #tpu.memory_space<semaphore_mem>>)
    %dma_wait3A_80 = arith.constant 9960 : i32
    %dma_wait3A_81 = tpu.memref_slice %arg8[%dma_wait3A_80] : memref<10000xi32, #tpu.memory_space<vmem>> -> memref<40xi32, #tpu.memory_space<vmem>>
    %dma_wait3A_82 = arith.constant 0 : i32
    %dma_wait3A_83 = arith.constant 0 : i32
    %dma_wait3A_84 = tpu.memref_slice %arg2[%dma_wait3A_82, %dma_wait3A_83] : memref<10240x128xf32, #tpu.memory_space<hbm>> -> memref<10240x128xf32, #tpu.memory_space<hbm>>
    tpu.wait_indirect_dma semaphore(%arg31 : memref<!tpu.dma_semaphore, #tpu.memory_space<semaphore_mem>>) src(%dma_wait3A_84 : memref<10240x128xf32, #tpu.memory_space<hbm>>) dst(%arg19 : memref<40x128xf32, #tpu.memory_space<vmem>>)
    "tpu.region"() ({
      %run_scoped3A = tpu.sem_alloc : memref<!tpu.dma_semaphore, #tpu.memory_space<semaphore_mem>>
      %dma_start3A_90 = arith.constant 0 : i32
      %dma_start3A_91 = arith.constant 0 : i32
      %dma_start3A_92 = tpu.memref_slice %arg7[%dma_start3A_90, %dma_start3A_91] : memref<10240x128xf32, #tpu.memory_space<vmem_shared>> -> memref<10240x128xf32, #tpu.memory_space<vmem_shared>>
      tpu.enqueue_indirect_dma source(%arg19 : memref<40x128xf32, #tpu.memory_space<vmem>>) target(%dma_start3A_92 : memref<10240x128xf32, #tpu.memory_space<vmem_shared>>) offsets(%arg13 : memref<40xi32, #tpu.memory_space<vmem>>) semaphore(%run_scoped3A : memref<!tpu.dma_semaphore, #tpu.memory_space<semaphore_mem>>) {add = true}
      %dma_wait3A_93 = arith.constant 0 : i32
      %dma_wait3A_94 = arith.constant 0 : i32
      %dma_wait3A_95 = tpu.memref_slice %arg7[%dma_wait3A_93, %dma_wait3A_94] : memref<10240x128xf32, #tpu.memory_space<vmem_shared>> -> memref<10240x128xf32, #tpu.memory_space<vmem_shared>>
      tpu.wait_indirect_dma semaphore(%run_scoped3A : memref<!tpu.dma_semaphore, #tpu.memory_space<semaphore_mem>>) src(%arg19 : memref<40x128xf32, #tpu.memory_space<vmem>>) dst(%dma_wait3A_95 : memref<10240x128xf32, #tpu.memory_space<vmem_shared>>)
      tpu.yield
    }) : () -> ()
    %barrier3A_85 = arith.constant 0 : index
    tpu.barrier barrier_id(%barrier3A_85)
    %mul3A_86 = arith.constant 640 : i32
    %mul3A_87 = arith.muli %arg1, %mul3A_86 : i32
    %mul3A_88 = arith.constant 640 : i32
    %mul3A_89 = arith.muli %arg1, %mul3A_88 : i32
    "tpu.region"() ({
      %run_scoped3A = tpu.sem_alloc : memref<!tpu.dma_semaphore, #tpu.memory_space<semaphore_mem>>
      %dma_start3A_90 = arith.constant 0 : i32
      %dma_start3A_91 = tpu.memref_slice %arg6[%arg0, %mul3A_89, %dma_start3A_90] : memref<2x10240x128xf32, #tpu.memory_space<hbm>> -> memref<1x640x128xf32, #tpu.memory_space<hbm>>
      %dma_start3A_92 = tpu.memref_squeeze %dma_start3A_91 : memref<1x640x128xf32, #tpu.memory_space<hbm>> -> memref<640x128xf32, #tpu.memory_space<hbm>>
      %dma_start3A_93 = arith.constant 0 : i32
      %dma_start3A_94 = tpu.memref_slice %arg7[%mul3A_87, %dma_start3A_93] : memref<10240x128xf32, #tpu.memory_space<vmem_shared>> -> memref<640x128xf32, #tpu.memory_space<vmem_shared>>
      tpu.enqueue_dma source(%dma_start3A_94 : memref<640x128xf32, #tpu.memory_space<vmem_shared>>) target(%dma_start3A_92 : memref<640x128xf32, #tpu.memory_space<hbm>>) target_semaphore(%run_scoped3A : memref<!tpu.dma_semaphore, #tpu.memory_space<semaphore_mem>>)
      %dma_wait3A_95 = arith.constant 0 : i32
      %dma_wait3A_96 = tpu.memref_slice %arg6[%arg0, %mul3A_89, %dma_wait3A_95] : memref<2x10240x128xf32, #tpu.memory_space<hbm>> -> memref<1x640x128xf32, #tpu.memory_space<hbm>>
      %dma_wait3A_97 = tpu.memref_squeeze %dma_wait3A_96 : memref<1x640x128xf32, #tpu.memory_space<hbm>> -> memref<640x128xf32, #tpu.memory_space<hbm>>
      %dma_wait3A_98 = arith.constant 0 : i32
      %dma_wait3A_99 = tpu.memref_slice %arg7[%mul3A_87, %dma_wait3A_98] : memref<10240x128xf32, #tpu.memory_space<vmem_shared>> -> memref<640x128xf32, #tpu.memory_space<vmem_shared>>
      tpu.wait_dma2 semaphore(%run_scoped3A : memref<!tpu.dma_semaphore, #tpu.memory_space<semaphore_mem>>) src(%dma_wait3A_99 : memref<640x128xf32, #tpu.memory_space<vmem_shared>>) dst(%dma_wait3A_97 : memref<640x128xf32, #tpu.memory_space<hbm>>)
      tpu.yield
    }) : () -> ()
    return
  }
}

#map = affine_map<(d0, d1) -> (0)>
module attributes {stable_mosaic.version = 14 : i64} {
  func.func @_sc_deg_body(%arg0: i32, %arg1: i32, %arg2: memref<320000xi32, #tpu.memory_space<hbm>>, %arg3: memref<10240xf32, #tpu.memory_space<hbm>>, %arg4: memref<10240xf32, #tpu.memory_space<hbm>>, %arg5: memref<10240xf32, #tpu.memory_space<vmem_shared>>, %arg6: memref<640xf32, #tpu.memory_space<vmem>>, %arg7: memref<128xf32, #tpu.memory_space<vmem>>, %arg8: memref<16xi32, #tpu.memory_space<vmem>>, %arg9: memref<128xi32, #tpu.memory_space<vmem>>, %arg10: memref<128xi32, #tpu.memory_space<vmem>>, %arg11: memref<128xi32, #tpu.memory_space<vmem>>, %arg12: memref<128xi32, #tpu.memory_space<vmem>>, %arg13: memref<128xi32, #tpu.memory_space<vmem>>, %arg14: memref<128xi32, #tpu.memory_space<vmem>>, %arg15: memref<128xi32, #tpu.memory_space<vmem>>, %arg16: memref<128xi32, #tpu.memory_space<vmem>>, %arg17: memref<!tpu.dma_semaphore, #tpu.memory_space<semaphore_mem>>, %arg18: memref<!tpu.dma_semaphore, #tpu.memory_space<semaphore_mem>>, %arg19: memref<!tpu.dma_semaphore, #tpu.memory_space<semaphore_mem>>, %arg20: memref<!tpu.dma_semaphore, #tpu.memory_space<semaphore_mem>>, %arg21: memref<!tpu.dma_semaphore, #tpu.memory_space<semaphore_mem>>, %arg22: memref<!tpu.dma_semaphore, #tpu.memory_space<semaphore_mem>>, %arg23: memref<!tpu.dma_semaphore, #tpu.memory_space<semaphore_mem>>, %arg24: memref<!tpu.dma_semaphore, #tpu.memory_space<semaphore_mem>>, %arg25: memref<!tpu.dma_semaphore, #tpu.memory_space<semaphore_mem>>, %arg26: memref<!tpu.dma_semaphore, #tpu.memory_space<semaphore_mem>>, %arg27: memref<!tpu.dma_semaphore, #tpu.memory_space<semaphore_mem>>, %arg28: memref<!tpu.dma_semaphore, #tpu.memory_space<semaphore_mem>>, %arg29: memref<!tpu.dma_semaphore, #tpu.memory_space<semaphore_mem>>, %arg30: memref<!tpu.dma_semaphore, #tpu.memory_space<semaphore_mem>>, %arg31: memref<!tpu.dma_semaphore, #tpu.memory_space<semaphore_mem>>, %arg32: memref<!tpu.dma_semaphore, #tpu.memory_space<semaphore_mem>>) attributes {dimension_semantics = [#tpu.dimension_semantics<core_parallel>, #tpu.dimension_semantics<subcore_parallel>], iteration_bounds = array<i64: 2, 16>, scalar_prefetch = 0 : i64, scratch_operands = 28 : i64, tpu.core_type = #tpu.core_type<sc_vector_subcore>, window_params = [{transform_indices = #map}, {transform_indices = #map}, {transform_indices = #map}]} {
    %mul3A = arith.constant 16 : i32
    %mul3A_0 = arith.muli %arg0, %mul3A : i32
    %add3A = arith.addi %mul3A_0, %arg1 : i32
    %mul3A_1 = arith.constant 10000 : i32
    %mul3A_2 = arith.muli %add3A, %mul3A_1 : i32
    %scan3A = arith.constant 0 : i32
    %scan3A_3 = arith.constant 0 : i32
    %scan3A_4 = arith.constant 40 : i32
    %scan3A_5 = arith.addi %scan3A_3, %scan3A_4 : i32
    %scan3A_6 = arith.constant 1 : i32
    %scan3A_7 = scf.for %scan3A_113 = %scan3A_3 to %scan3A_5 step %scan3A_6 iter_args(%scan3A_114 = %scan3A) -> (i32)  : i32 {
      %broadcast_in_dim3A = arith.constant 0.000000e+00 : f32
      %broadcast_in_dim3A_115 = vector.broadcast %broadcast_in_dim3A : f32 to vector<16xf32>
      %mul3A_116 = arith.constant 16 : i32
      %mul3A_117 = arith.muli %scan3A_113, %mul3A_116 : i32
      %swap3A = arith.index_cast %mul3A_117 : i32 to index
      %swap3A_118 = tpu.vector_load %arg6[%swap3A] {strides = array<i32>} : memref<640xf32, #tpu.memory_space<vmem>>, vector<16xf32>,
      %swap3A_119 = vector.shape_cast %swap3A_118 : vector<16xf32> to vector<16xf32>
      %swap3A_120 = vector.shape_cast %broadcast_in_dim3A_115 : vector<16xf32> to vector<16xf32>
      tpu.vector_store %arg6[%swap3A], %swap3A_120 {strides = array<i32>} : memref<640xf32, #tpu.memory_space<vmem>>, vector<16xf32>,
      %scan3A_121 = arith.constant 0 : i32
      scf.yield %scan3A_121 : i32
    }
    %scan3A_8 = arith.constant 40 : i32
    %scan3A_9 = arith.constant 0 : i32
    %scan3A_10 = arith.constant 0 : i32
    %scan3A_11 = arith.constant 8 : i32
    %scan3A_12 = arith.addi %scan3A_10, %scan3A_11 : i32
    %scan3A_13 = arith.constant 1 : i32
    %scan3A_14 = scf.for %scan3A_113 = %scan3A_10 to %scan3A_12 step %scan3A_13 iter_args(%scan3A_114 = %scan3A_9) -> (i32)  : i32 {
      %broadcast_in_dim3A = arith.constant 1.000000e+00 : f32
      %broadcast_in_dim3A_115 = vector.broadcast %broadcast_in_dim3A : f32 to vector<16xf32>
      %mul3A_116 = arith.constant 16 : i32
      %mul3A_117 = arith.muli %scan3A_113, %mul3A_116 : i32
      %swap3A = arith.index_cast %mul3A_117 : i32 to index
      %swap3A_118 = tpu.vector_load %arg7[%swap3A] {strides = array<i32>} : memref<128xf32, #tpu.memory_space<vmem>>, vector<16xf32>,
      %swap3A_119 = vector.shape_cast %swap3A_118 : vector<16xf32> to vector<16xf32>
      %swap3A_120 = vector.shape_cast %broadcast_in_dim3A_115 : vector<16xf32> to vector<16xf32>
      tpu.vector_store %arg7[%swap3A], %swap3A_120 {strides = array<i32>} : memref<128xf32, #tpu.memory_space<vmem>>, vector<16xf32>,
      %scan3A_121 = arith.constant 0 : i32
      scf.yield %scan3A_121 : i32
    }
    %scan3A_15 = arith.constant 8 : i32
    %mul3A_16 = arith.constant 640 : i32
    %mul3A_17 = arith.muli %arg1, %mul3A_16 : i32
    "tpu.region"() ({
      %run_scoped3A = tpu.sem_alloc : memref<!tpu.dma_semaphore, #tpu.memory_space<semaphore_mem>>
      %dma_start3A_113 = tpu.memref_slice %arg5[%mul3A_17] : memref<10240xf32, #tpu.memory_space<vmem_shared>> -> memref<640xf32, #tpu.memory_space<vmem_shared>>
      %dma_start3A_114 = tpu.memref_slice %arg5[%mul3A_17] : memref<10240xf32, #tpu.memory_space<vmem_shared>> -> memref<640xf32, #tpu.memory_space<vmem_shared>>
      tpu.enqueue_dma source(%arg6 : memref<640xf32, #tpu.memory_space<vmem>>) target(%dma_start3A_114 : memref<640xf32, #tpu.memory_space<vmem_shared>>) target_semaphore(%run_scoped3A : memref<!tpu.dma_semaphore, #tpu.memory_space<semaphore_mem>>)
      %dma_wait3A_115 = tpu.memref_slice %arg5[%mul3A_17] : memref<10240xf32, #tpu.memory_space<vmem_shared>> -> memref<640xf32, #tpu.memory_space<vmem_shared>>
      %dma_wait3A_116 = tpu.memref_slice %arg5[%mul3A_17] : memref<10240xf32, #tpu.memory_space<vmem_shared>> -> memref<640xf32, #tpu.memory_space<vmem_shared>>
      tpu.wait_dma2 semaphore(%run_scoped3A : memref<!tpu.dma_semaphore, #tpu.memory_space<semaphore_mem>>) src(%arg6 : memref<640xf32, #tpu.memory_space<vmem>>) dst(%dma_wait3A_116 : memref<640xf32, #tpu.memory_space<vmem_shared>>)
      tpu.yield
    }) : () -> ()
    %barrier3A = arith.constant 0 : index
    tpu.barrier barrier_id(%barrier3A)
    %scan3A_18 = arith.constant 0 : i32
    %scan3A_19 = arith.constant 0 : i32
    %scan3A_20 = arith.constant 9 : i32
    %scan3A_21 = arith.addi %scan3A_19, %scan3A_20 : i32
    %scan3A_22 = arith.constant 1 : i32
    %scan3A_23 = scf.for %scan3A_113 = %scan3A_19 to %scan3A_21 step %scan3A_22 iter_args(%scan3A_114 = %scan3A_18) -> (i32)  : i32 {
      %eq3A_115 = arith.constant 0 : i32
      %eq3A_116 = arith.cmpi eq, %scan3A_113, %eq3A_115 : i32
      %convert_element_type3A_117 = arith.extui %eq3A_116 : i1 to i32
      %cond3A_118 = arith.constant 0 : i32
      %cond3A_119 = arith.cmpi ne, %convert_element_type3A_117, %cond3A_118 : i32
      scf.if %cond3A_119 {
        %add3A_125 = arith.constant 0 : i32
        %add3A_126 = arith.addi %mul3A_2, %add3A_125 : i32
        %dma_start3A_127 = tpu.memref_slice %arg2[%add3A_126] : memref<320000xi32, #tpu.memory_space<hbm>> -> memref<128xi32, #tpu.memory_space<hbm>>
        %dma_start3A_128 = tpu.memref_slice %arg2[%add3A_126] : memref<320000xi32, #tpu.memory_space<hbm>> -> memref<128xi32, #tpu.memory_space<hbm>>
        tpu.enqueue_dma source(%dma_start3A_128 : memref<128xi32, #tpu.memory_space<hbm>>) target(%arg9 : memref<128xi32, #tpu.memory_space<vmem>>) target_semaphore(%arg17 : memref<!tpu.dma_semaphore, #tpu.memory_space<semaphore_mem>>)
        %add3A_129 = arith.constant 128 : i32
        %add3A_130 = arith.addi %mul3A_2, %add3A_129 : i32
        %dma_start3A_131 = tpu.memref_slice %arg2[%add3A_130] : memref<320000xi32, #tpu.memory_space<hbm>> -> memref<128xi32, #tpu.memory_space<hbm>>
        %dma_start3A_132 = tpu.memref_slice %arg2[%add3A_130] : memref<320000xi32, #tpu.memory_space<hbm>> -> memref<128xi32, #tpu.memory_space<hbm>>
        tpu.enqueue_dma source(%dma_start3A_132 : memref<128xi32, #tpu.memory_space<hbm>>) target(%arg10 : memref<128xi32, #tpu.memory_space<vmem>>) target_semaphore(%arg18 : memref<!tpu.dma_semaphore, #tpu.memory_space<semaphore_mem>>)
        %add3A_133 = arith.constant 256 : i32
        %add3A_134 = arith.addi %mul3A_2, %add3A_133 : i32
        %dma_start3A_135 = tpu.memref_slice %arg2[%add3A_134] : memref<320000xi32, #tpu.memory_space<hbm>> -> memref<128xi32, #tpu.memory_space<hbm>>
        %dma_start3A_136 = tpu.memref_slice %arg2[%add3A_134] : memref<320000xi32, #tpu.memory_space<hbm>> -> memref<128xi32, #tpu.memory_space<hbm>>
        tpu.enqueue_dma source(%dma_start3A_136 : memref<128xi32, #tpu.memory_space<hbm>>) target(%arg11 : memref<128xi32, #tpu.memory_space<vmem>>) target_semaphore(%arg19 : memref<!tpu.dma_semaphore, #tpu.memory_space<semaphore_mem>>)
        %add3A_137 = arith.constant 384 : i32
        %add3A_138 = arith.addi %mul3A_2, %add3A_137 : i32
        %dma_start3A_139 = tpu.memref_slice %arg2[%add3A_138] : memref<320000xi32, #tpu.memory_space<hbm>> -> memref<128xi32, #tpu.memory_space<hbm>>
        %dma_start3A_140 = tpu.memref_slice %arg2[%add3A_138] : memref<320000xi32, #tpu.memory_space<hbm>> -> memref<128xi32, #tpu.memory_space<hbm>>
        tpu.enqueue_dma source(%dma_start3A_140 : memref<128xi32, #tpu.memory_space<hbm>>) target(%arg12 : memref<128xi32, #tpu.memory_space<vmem>>) target_semaphore(%arg20 : memref<!tpu.dma_semaphore, #tpu.memory_space<semaphore_mem>>)
        %add3A_141 = arith.constant 512 : i32
        %add3A_142 = arith.addi %mul3A_2, %add3A_141 : i32
        %dma_start3A_143 = tpu.memref_slice %arg2[%add3A_142] : memref<320000xi32, #tpu.memory_space<hbm>> -> memref<128xi32, #tpu.memory_space<hbm>>
        %dma_start3A_144 = tpu.memref_slice %arg2[%add3A_142] : memref<320000xi32, #tpu.memory_space<hbm>> -> memref<128xi32, #tpu.memory_space<hbm>>
        tpu.enqueue_dma source(%dma_start3A_144 : memref<128xi32, #tpu.memory_space<hbm>>) target(%arg13 : memref<128xi32, #tpu.memory_space<vmem>>) target_semaphore(%arg21 : memref<!tpu.dma_semaphore, #tpu.memory_space<semaphore_mem>>)
        %add3A_145 = arith.constant 640 : i32
        %add3A_146 = arith.addi %mul3A_2, %add3A_145 : i32
        %dma_start3A_147 = tpu.memref_slice %arg2[%add3A_146] : memref<320000xi32, #tpu.memory_space<hbm>> -> memref<128xi32, #tpu.memory_space<hbm>>
        %dma_start3A_148 = tpu.memref_slice %arg2[%add3A_146] : memref<320000xi32, #tpu.memory_space<hbm>> -> memref<128xi32, #tpu.memory_space<hbm>>
        tpu.enqueue_dma source(%dma_start3A_148 : memref<128xi32, #tpu.memory_space<hbm>>) target(%arg14 : memref<128xi32, #tpu.memory_space<vmem>>) target_semaphore(%arg22 : memref<!tpu.dma_semaphore, #tpu.memory_space<semaphore_mem>>)
        %add3A_149 = arith.constant 768 : i32
        %add3A_150 = arith.addi %mul3A_2, %add3A_149 : i32
        %dma_start3A_151 = tpu.memref_slice %arg2[%add3A_150] : memref<320000xi32, #tpu.memory_space<hbm>> -> memref<128xi32, #tpu.memory_space<hbm>>
        %dma_start3A_152 = tpu.memref_slice %arg2[%add3A_150] : memref<320000xi32, #tpu.memory_space<hbm>> -> memref<128xi32, #tpu.memory_space<hbm>>
        tpu.enqueue_dma source(%dma_start3A_152 : memref<128xi32, #tpu.memory_space<hbm>>) target(%arg15 : memref<128xi32, #tpu.memory_space<vmem>>) target_semaphore(%arg23 : memref<!tpu.dma_semaphore, #tpu.memory_space<semaphore_mem>>)
        %add3A_153 = arith.constant 896 : i32
        %add3A_154 = arith.addi %mul3A_2, %add3A_153 : i32
        %dma_start3A_155 = tpu.memref_slice %arg2[%add3A_154] : memref<320000xi32, #tpu.memory_space<hbm>> -> memref<128xi32, #tpu.memory_space<hbm>>
        %dma_start3A_156 = tpu.memref_slice %arg2[%add3A_154] : memref<320000xi32, #tpu.memory_space<hbm>> -> memref<128xi32, #tpu.memory_space<hbm>>
        tpu.enqueue_dma source(%dma_start3A_156 : memref<128xi32, #tpu.memory_space<hbm>>) target(%arg16 : memref<128xi32, #tpu.memory_space<vmem>>) target_semaphore(%arg24 : memref<!tpu.dma_semaphore, #tpu.memory_space<semaphore_mem>>)
        %dma_wait3A_157 = tpu.memref_slice %arg2[%add3A_126] : memref<320000xi32, #tpu.memory_space<hbm>> -> memref<128xi32, #tpu.memory_space<hbm>>
        %dma_wait3A_158 = tpu.memref_slice %arg2[%add3A_126] : memref<320000xi32, #tpu.memory_space<hbm>> -> memref<128xi32, #tpu.memory_space<hbm>>
        tpu.wait_dma2 semaphore(%arg17 : memref<!tpu.dma_semaphore, #tpu.memory_space<semaphore_mem>>) src(%dma_wait3A_158 : memref<128xi32, #tpu.memory_space<hbm>>) dst(%arg9 : memref<128xi32, #tpu.memory_space<vmem>>)
        %dma_start3A_159 = arith.constant 0 : i32
        %dma_start3A_160 = tpu.memref_slice %arg5[%dma_start3A_159] : memref<10240xf32, #tpu.memory_space<vmem_shared>> -> memref<10240xf32, #tpu.memory_space<vmem_shared>>
        tpu.enqueue_indirect_dma source(%arg7 : memref<128xf32, #tpu.memory_space<vmem>>) target(%dma_start3A_160 : memref<10240xf32, #tpu.memory_space<vmem_shared>>) offsets(%arg9 : memref<128xi32, #tpu.memory_space<vmem>>) semaphore(%arg25 : memref<!tpu.dma_semaphore, #tpu.memory_space<semaphore_mem>>) {add = true}
        %dma_wait3A_161 = tpu.memref_slice %arg2[%add3A_130] : memref<320000xi32, #tpu.memory_space<hbm>> -> memref<128xi32, #tpu.memory_space<hbm>>
        %dma_wait3A_162 = tpu.memref_slice %arg2[%add3A_130] : memref<320000xi32, #tpu.memory_space<hbm>> -> memref<128xi32, #tpu.memory_space<hbm>>
        tpu.wait_dma2 semaphore(%arg18 : memref<!tpu.dma_semaphore, #tpu.memory_space<semaphore_mem>>) src(%dma_wait3A_162 : memref<128xi32, #tpu.memory_space<hbm>>) dst(%arg10 : memref<128xi32, #tpu.memory_space<vmem>>)
        %dma_start3A_163 = arith.constant 0 : i32
        %dma_start3A_164 = tpu.memref_slice %arg5[%dma_start3A_163] : memref<10240xf32, #tpu.memory_space<vmem_shared>> -> memref<10240xf32, #tpu.memory_space<vmem_shared>>
        tpu.enqueue_indirect_dma source(%arg7 : memref<128xf32, #tpu.memory_space<vmem>>) target(%dma_start3A_164 : memref<10240xf32, #tpu.memory_space<vmem_shared>>) offsets(%arg10 : memref<128xi32, #tpu.memory_space<vmem>>) semaphore(%arg26 : memref<!tpu.dma_semaphore, #tpu.memory_space<semaphore_mem>>) {add = true}
        %dma_wait3A_165 = tpu.memref_slice %arg2[%add3A_134] : memref<320000xi32, #tpu.memory_space<hbm>> -> memref<128xi32, #tpu.memory_space<hbm>>
        %dma_wait3A_166 = tpu.memref_slice %arg2[%add3A_134] : memref<320000xi32, #tpu.memory_space<hbm>> -> memref<128xi32, #tpu.memory_space<hbm>>
        tpu.wait_dma2 semaphore(%arg19 : memref<!tpu.dma_semaphore, #tpu.memory_space<semaphore_mem>>) src(%dma_wait3A_166 : memref<128xi32, #tpu.memory_space<hbm>>) dst(%arg11 : memref<128xi32, #tpu.memory_space<vmem>>)
        %dma_start3A_167 = arith.constant 0 : i32
        %dma_start3A_168 = tpu.memref_slice %arg5[%dma_start3A_167] : memref<10240xf32, #tpu.memory_space<vmem_shared>> -> memref<10240xf32, #tpu.memory_space<vmem_shared>>
        tpu.enqueue_indirect_dma source(%arg7 : memref<128xf32, #tpu.memory_space<vmem>>) target(%dma_start3A_168 : memref<10240xf32, #tpu.memory_space<vmem_shared>>) offsets(%arg11 : memref<128xi32, #tpu.memory_space<vmem>>) semaphore(%arg27 : memref<!tpu.dma_semaphore, #tpu.memory_space<semaphore_mem>>) {add = true}
        %dma_wait3A_169 = tpu.memref_slice %arg2[%add3A_138] : memref<320000xi32, #tpu.memory_space<hbm>> -> memref<128xi32, #tpu.memory_space<hbm>>
        %dma_wait3A_170 = tpu.memref_slice %arg2[%add3A_138] : memref<320000xi32, #tpu.memory_space<hbm>> -> memref<128xi32, #tpu.memory_space<hbm>>
        tpu.wait_dma2 semaphore(%arg20 : memref<!tpu.dma_semaphore, #tpu.memory_space<semaphore_mem>>) src(%dma_wait3A_170 : memref<128xi32, #tpu.memory_space<hbm>>) dst(%arg12 : memref<128xi32, #tpu.memory_space<vmem>>)
        %dma_start3A_171 = arith.constant 0 : i32
        %dma_start3A_172 = tpu.memref_slice %arg5[%dma_start3A_171] : memref<10240xf32, #tpu.memory_space<vmem_shared>> -> memref<10240xf32, #tpu.memory_space<vmem_shared>>
        tpu.enqueue_indirect_dma source(%arg7 : memref<128xf32, #tpu.memory_space<vmem>>) target(%dma_start3A_172 : memref<10240xf32, #tpu.memory_space<vmem_shared>>) offsets(%arg12 : memref<128xi32, #tpu.memory_space<vmem>>) semaphore(%arg28 : memref<!tpu.dma_semaphore, #tpu.memory_space<semaphore_mem>>) {add = true}
        %dma_wait3A_173 = tpu.memref_slice %arg2[%add3A_142] : memref<320000xi32, #tpu.memory_space<hbm>> -> memref<128xi32, #tpu.memory_space<hbm>>
        %dma_wait3A_174 = tpu.memref_slice %arg2[%add3A_142] : memref<320000xi32, #tpu.memory_space<hbm>> -> memref<128xi32, #tpu.memory_space<hbm>>
        tpu.wait_dma2 semaphore(%arg21 : memref<!tpu.dma_semaphore, #tpu.memory_space<semaphore_mem>>) src(%dma_wait3A_174 : memref<128xi32, #tpu.memory_space<hbm>>) dst(%arg13 : memref<128xi32, #tpu.memory_space<vmem>>)
        %dma_start3A_175 = arith.constant 0 : i32
        %dma_start3A_176 = tpu.memref_slice %arg5[%dma_start3A_175] : memref<10240xf32, #tpu.memory_space<vmem_shared>> -> memref<10240xf32, #tpu.memory_space<vmem_shared>>
        tpu.enqueue_indirect_dma source(%arg7 : memref<128xf32, #tpu.memory_space<vmem>>) target(%dma_start3A_176 : memref<10240xf32, #tpu.memory_space<vmem_shared>>) offsets(%arg13 : memref<128xi32, #tpu.memory_space<vmem>>) semaphore(%arg29 : memref<!tpu.dma_semaphore, #tpu.memory_space<semaphore_mem>>) {add = true}
        %dma_wait3A_177 = tpu.memref_slice %arg2[%add3A_146] : memref<320000xi32, #tpu.memory_space<hbm>> -> memref<128xi32, #tpu.memory_space<hbm>>
        %dma_wait3A_178 = tpu.memref_slice %arg2[%add3A_146] : memref<320000xi32, #tpu.memory_space<hbm>> -> memref<128xi32, #tpu.memory_space<hbm>>
        tpu.wait_dma2 semaphore(%arg22 : memref<!tpu.dma_semaphore, #tpu.memory_space<semaphore_mem>>) src(%dma_wait3A_178 : memref<128xi32, #tpu.memory_space<hbm>>) dst(%arg14 : memref<128xi32, #tpu.memory_space<vmem>>)
        %dma_start3A_179 = arith.constant 0 : i32
        %dma_start3A_180 = tpu.memref_slice %arg5[%dma_start3A_179] : memref<10240xf32, #tpu.memory_space<vmem_shared>> -> memref<10240xf32, #tpu.memory_space<vmem_shared>>
        tpu.enqueue_indirect_dma source(%arg7 : memref<128xf32, #tpu.memory_space<vmem>>) target(%dma_start3A_180 : memref<10240xf32, #tpu.memory_space<vmem_shared>>) offsets(%arg14 : memref<128xi32, #tpu.memory_space<vmem>>) semaphore(%arg30 : memref<!tpu.dma_semaphore, #tpu.memory_space<semaphore_mem>>) {add = true}
        %dma_wait3A_181 = tpu.memref_slice %arg2[%add3A_150] : memref<320000xi32, #tpu.memory_space<hbm>> -> memref<128xi32, #tpu.memory_space<hbm>>
        %dma_wait3A_182 = tpu.memref_slice %arg2[%add3A_150] : memref<320000xi32, #tpu.memory_space<hbm>> -> memref<128xi32, #tpu.memory_space<hbm>>
        tpu.wait_dma2 semaphore(%arg23 : memref<!tpu.dma_semaphore, #tpu.memory_space<semaphore_mem>>) src(%dma_wait3A_182 : memref<128xi32, #tpu.memory_space<hbm>>) dst(%arg15 : memref<128xi32, #tpu.memory_space<vmem>>)
        %dma_start3A_183 = arith.constant 0 : i32
        %dma_start3A_184 = tpu.memref_slice %arg5[%dma_start3A_183] : memref<10240xf32, #tpu.memory_space<vmem_shared>> -> memref<10240xf32, #tpu.memory_space<vmem_shared>>
        tpu.enqueue_indirect_dma source(%arg7 : memref<128xf32, #tpu.memory_space<vmem>>) target(%dma_start3A_184 : memref<10240xf32, #tpu.memory_space<vmem_shared>>) offsets(%arg15 : memref<128xi32, #tpu.memory_space<vmem>>) semaphore(%arg31 : memref<!tpu.dma_semaphore, #tpu.memory_space<semaphore_mem>>) {add = true}
        %dma_wait3A_185 = tpu.memref_slice %arg2[%add3A_154] : memref<320000xi32, #tpu.memory_space<hbm>> -> memref<128xi32, #tpu.memory_space<hbm>>
        %dma_wait3A_186 = tpu.memref_slice %arg2[%add3A_154] : memref<320000xi32, #tpu.memory_space<hbm>> -> memref<128xi32, #tpu.memory_space<hbm>>
        tpu.wait_dma2 semaphore(%arg24 : memref<!tpu.dma_semaphore, #tpu.memory_space<semaphore_mem>>) src(%dma_wait3A_186 : memref<128xi32, #tpu.memory_space<hbm>>) dst(%arg16 : memref<128xi32, #tpu.memory_space<vmem>>)
        %dma_start3A_187 = arith.constant 0 : i32
        %dma_start3A_188 = tpu.memref_slice %arg5[%dma_start3A_187] : memref<10240xf32, #tpu.memory_space<vmem_shared>> -> memref<10240xf32, #tpu.memory_space<vmem_shared>>
        tpu.enqueue_indirect_dma source(%arg7 : memref<128xf32, #tpu.memory_space<vmem>>) target(%dma_start3A_188 : memref<10240xf32, #tpu.memory_space<vmem_shared>>) offsets(%arg16 : memref<128xi32, #tpu.memory_space<vmem>>) semaphore(%arg32 : memref<!tpu.dma_semaphore, #tpu.memory_space<semaphore_mem>>) {add = true}
      } else {
      }
      %gt3A = arith.constant 0 : i32
      %gt3A_120 = arith.cmpi sgt, %scan3A_113, %gt3A : i32
      %convert_element_type3A_121 = arith.extui %gt3A_120 : i1 to i32
      %cond3A_122 = arith.constant 0 : i32
      %cond3A_123 = arith.cmpi ne, %convert_element_type3A_121, %cond3A_122 : i32
      scf.if %cond3A_123 {
        %mul3A_125 = arith.constant 8 : i32
        %mul3A_126 = arith.muli %scan3A_113, %mul3A_125 : i32
        %mul3A_127 = arith.constant 128 : i32
        %mul3A_128 = arith.muli %mul3A_126, %mul3A_127 : i32
        %add3A_129 = arith.addi %mul3A_2, %mul3A_128 : i32
        %dma_wait3A_130 = arith.constant 0 : i32
        %dma_wait3A_131 = tpu.memref_slice %arg5[%dma_wait3A_130] : memref<10240xf32, #tpu.memory_space<vmem_shared>> -> memref<10240xf32, #tpu.memory_space<vmem_shared>>
        tpu.wait_indirect_dma semaphore(%arg25 : memref<!tpu.dma_semaphore, #tpu.memory_space<semaphore_mem>>) src(%arg7 : memref<128xf32, #tpu.memory_space<vmem>>) dst(%dma_wait3A_131 : memref<10240xf32, #tpu.memory_space<vmem_shared>>)
        %add3A_132 = arith.constant 0 : i32
        %add3A_133 = arith.addi %add3A_129, %add3A_132 : i32
        %dma_start3A_134 = tpu.memref_slice %arg2[%add3A_133] : memref<320000xi32, #tpu.memory_space<hbm>> -> memref<128xi32, #tpu.memory_space<hbm>>
        %dma_start3A_135 = tpu.memref_slice %arg2[%add3A_133] : memref<320000xi32, #tpu.memory_space<hbm>> -> memref<128xi32, #tpu.memory_space<hbm>>
        tpu.enqueue_dma source(%dma_start3A_135 : memref<128xi32, #tpu.memory_space<hbm>>) target(%arg9 : memref<128xi32, #tpu.memory_space<vmem>>) target_semaphore(%arg17 : memref<!tpu.dma_semaphore, #tpu.memory_space<semaphore_mem>>)
        %dma_wait3A_136 = arith.constant 0 : i32
        %dma_wait3A_137 = tpu.memref_slice %arg5[%dma_wait3A_136] : memref<10240xf32, #tpu.memory_space<vmem_shared>> -> memref<10240xf32, #tpu.memory_space<vmem_shared>>
        tpu.wait_indirect_dma semaphore(%arg26 : memref<!tpu.dma_semaphore, #tpu.memory_space<semaphore_mem>>) src(%arg7 : memref<128xf32, #tpu.memory_space<vmem>>) dst(%dma_wait3A_137 : memref<10240xf32, #tpu.memory_space<vmem_shared>>)
        %add3A_138 = arith.constant 128 : i32
        %add3A_139 = arith.addi %add3A_129, %add3A_138 : i32
        %dma_start3A_140 = tpu.memref_slice %arg2[%add3A_139] : memref<320000xi32, #tpu.memory_space<hbm>> -> memref<128xi32, #tpu.memory_space<hbm>>
        %dma_start3A_141 = tpu.memref_slice %arg2[%add3A_139] : memref<320000xi32, #tpu.memory_space<hbm>> -> memref<128xi32, #tpu.memory_space<hbm>>
        tpu.enqueue_dma source(%dma_start3A_141 : memref<128xi32, #tpu.memory_space<hbm>>) target(%arg10 : memref<128xi32, #tpu.memory_space<vmem>>) target_semaphore(%arg18 : memref<!tpu.dma_semaphore, #tpu.memory_space<semaphore_mem>>)
        %dma_wait3A_142 = arith.constant 0 : i32
        %dma_wait3A_143 = tpu.memref_slice %arg5[%dma_wait3A_142] : memref<10240xf32, #tpu.memory_space<vmem_shared>> -> memref<10240xf32, #tpu.memory_space<vmem_shared>>
        tpu.wait_indirect_dma semaphore(%arg27 : memref<!tpu.dma_semaphore, #tpu.memory_space<semaphore_mem>>) src(%arg7 : memref<128xf32, #tpu.memory_space<vmem>>) dst(%dma_wait3A_143 : memref<10240xf32, #tpu.memory_space<vmem_shared>>)
        %add3A_144 = arith.constant 256 : i32
        %add3A_145 = arith.addi %add3A_129, %add3A_144 : i32
        %dma_start3A_146 = tpu.memref_slice %arg2[%add3A_145] : memref<320000xi32, #tpu.memory_space<hbm>> -> memref<128xi32, #tpu.memory_space<hbm>>
        %dma_start3A_147 = tpu.memref_slice %arg2[%add3A_145] : memref<320000xi32, #tpu.memory_space<hbm>> -> memref<128xi32, #tpu.memory_space<hbm>>
        tpu.enqueue_dma source(%dma_start3A_147 : memref<128xi32, #tpu.memory_space<hbm>>) target(%arg11 : memref<128xi32, #tpu.memory_space<vmem>>) target_semaphore(%arg19 : memref<!tpu.dma_semaphore, #tpu.memory_space<semaphore_mem>>)
        %dma_wait3A_148 = arith.constant 0 : i32
        %dma_wait3A_149 = tpu.memref_slice %arg5[%dma_wait3A_148] : memref<10240xf32, #tpu.memory_space<vmem_shared>> -> memref<10240xf32, #tpu.memory_space<vmem_shared>>
        tpu.wait_indirect_dma semaphore(%arg28 : memref<!tpu.dma_semaphore, #tpu.memory_space<semaphore_mem>>) src(%arg7 : memref<128xf32, #tpu.memory_space<vmem>>) dst(%dma_wait3A_149 : memref<10240xf32, #tpu.memory_space<vmem_shared>>)
        %add3A_150 = arith.constant 384 : i32
        %add3A_151 = arith.addi %add3A_129, %add3A_150 : i32
        %dma_start3A_152 = tpu.memref_slice %arg2[%add3A_151] : memref<320000xi32, #tpu.memory_space<hbm>> -> memref<128xi32, #tpu.memory_space<hbm>>
        %dma_start3A_153 = tpu.memref_slice %arg2[%add3A_151] : memref<320000xi32, #tpu.memory_space<hbm>> -> memref<128xi32, #tpu.memory_space<hbm>>
        tpu.enqueue_dma source(%dma_start3A_153 : memref<128xi32, #tpu.memory_space<hbm>>) target(%arg12 : memref<128xi32, #tpu.memory_space<vmem>>) target_semaphore(%arg20 : memref<!tpu.dma_semaphore, #tpu.memory_space<semaphore_mem>>)
        %dma_wait3A_154 = arith.constant 0 : i32
        %dma_wait3A_155 = tpu.memref_slice %arg5[%dma_wait3A_154] : memref<10240xf32, #tpu.memory_space<vmem_shared>> -> memref<10240xf32, #tpu.memory_space<vmem_shared>>
        tpu.wait_indirect_dma semaphore(%arg29 : memref<!tpu.dma_semaphore, #tpu.memory_space<semaphore_mem>>) src(%arg7 : memref<128xf32, #tpu.memory_space<vmem>>) dst(%dma_wait3A_155 : memref<10240xf32, #tpu.memory_space<vmem_shared>>)
        %add3A_156 = arith.constant 512 : i32
        %add3A_157 = arith.addi %add3A_129, %add3A_156 : i32
        %dma_start3A_158 = tpu.memref_slice %arg2[%add3A_157] : memref<320000xi32, #tpu.memory_space<hbm>> -> memref<128xi32, #tpu.memory_space<hbm>>
        %dma_start3A_159 = tpu.memref_slice %arg2[%add3A_157] : memref<320000xi32, #tpu.memory_space<hbm>> -> memref<128xi32, #tpu.memory_space<hbm>>
        tpu.enqueue_dma source(%dma_start3A_159 : memref<128xi32, #tpu.memory_space<hbm>>) target(%arg13 : memref<128xi32, #tpu.memory_space<vmem>>) target_semaphore(%arg21 : memref<!tpu.dma_semaphore, #tpu.memory_space<semaphore_mem>>)
        %dma_wait3A_160 = arith.constant 0 : i32
        %dma_wait3A_161 = tpu.memref_slice %arg5[%dma_wait3A_160] : memref<10240xf32, #tpu.memory_space<vmem_shared>> -> memref<10240xf32, #tpu.memory_space<vmem_shared>>
        tpu.wait_indirect_dma semaphore(%arg30 : memref<!tpu.dma_semaphore, #tpu.memory_space<semaphore_mem>>) src(%arg7 : memref<128xf32, #tpu.memory_space<vmem>>) dst(%dma_wait3A_161 : memref<10240xf32, #tpu.memory_space<vmem_shared>>)
        %add3A_162 = arith.constant 640 : i32
        %add3A_163 = arith.addi %add3A_129, %add3A_162 : i32
        %dma_start3A_164 = tpu.memref_slice %arg2[%add3A_163] : memref<320000xi32, #tpu.memory_space<hbm>> -> memref<128xi32, #tpu.memory_space<hbm>>
        %dma_start3A_165 = tpu.memref_slice %arg2[%add3A_163] : memref<320000xi32, #tpu.memory_space<hbm>> -> memref<128xi32, #tpu.memory_space<hbm>>
        tpu.enqueue_dma source(%dma_start3A_165 : memref<128xi32, #tpu.memory_space<hbm>>) target(%arg14 : memref<128xi32, #tpu.memory_space<vmem>>) target_semaphore(%arg22 : memref<!tpu.dma_semaphore, #tpu.memory_space<semaphore_mem>>)
        %dma_wait3A_166 = arith.constant 0 : i32
        %dma_wait3A_167 = tpu.memref_slice %arg5[%dma_wait3A_166] : memref<10240xf32, #tpu.memory_space<vmem_shared>> -> memref<10240xf32, #tpu.memory_space<vmem_shared>>
        tpu.wait_indirect_dma semaphore(%arg31 : memref<!tpu.dma_semaphore, #tpu.memory_space<semaphore_mem>>) src(%arg7 : memref<128xf32, #tpu.memory_space<vmem>>) dst(%dma_wait3A_167 : memref<10240xf32, #tpu.memory_space<vmem_shared>>)
        %add3A_168 = arith.constant 768 : i32
        %add3A_169 = arith.addi %add3A_129, %add3A_168 : i32
        %dma_start3A_170 = tpu.memref_slice %arg2[%add3A_169] : memref<320000xi32, #tpu.memory_space<hbm>> -> memref<128xi32, #tpu.memory_space<hbm>>
        %dma_start3A_171 = tpu.memref_slice %arg2[%add3A_169] : memref<320000xi32, #tpu.memory_space<hbm>> -> memref<128xi32, #tpu.memory_space<hbm>>
        tpu.enqueue_dma source(%dma_start3A_171 : memref<128xi32, #tpu.memory_space<hbm>>) target(%arg15 : memref<128xi32, #tpu.memory_space<vmem>>) target_semaphore(%arg23 : memref<!tpu.dma_semaphore, #tpu.memory_space<semaphore_mem>>)
        %dma_wait3A_172 = arith.constant 0 : i32
        %dma_wait3A_173 = tpu.memref_slice %arg5[%dma_wait3A_172] : memref<10240xf32, #tpu.memory_space<vmem_shared>> -> memref<10240xf32, #tpu.memory_space<vmem_shared>>
        tpu.wait_indirect_dma semaphore(%arg32 : memref<!tpu.dma_semaphore, #tpu.memory_space<semaphore_mem>>) src(%arg7 : memref<128xf32, #tpu.memory_space<vmem>>) dst(%dma_wait3A_173 : memref<10240xf32, #tpu.memory_space<vmem_shared>>)
        %add3A_174 = arith.constant 896 : i32
        %add3A_175 = arith.addi %add3A_129, %add3A_174 : i32
        %dma_start3A_176 = tpu.memref_slice %arg2[%add3A_175] : memref<320000xi32, #tpu.memory_space<hbm>> -> memref<128xi32, #tpu.memory_space<hbm>>
        %dma_start3A_177 = tpu.memref_slice %arg2[%add3A_175] : memref<320000xi32, #tpu.memory_space<hbm>> -> memref<128xi32, #tpu.memory_space<hbm>>
        tpu.enqueue_dma source(%dma_start3A_177 : memref<128xi32, #tpu.memory_space<hbm>>) target(%arg16 : memref<128xi32, #tpu.memory_space<vmem>>) target_semaphore(%arg24 : memref<!tpu.dma_semaphore, #tpu.memory_space<semaphore_mem>>)
        %dma_wait3A_178 = tpu.memref_slice %arg2[%add3A_133] : memref<320000xi32, #tpu.memory_space<hbm>> -> memref<128xi32, #tpu.memory_space<hbm>>
        %dma_wait3A_179 = tpu.memref_slice %arg2[%add3A_133] : memref<320000xi32, #tpu.memory_space<hbm>> -> memref<128xi32, #tpu.memory_space<hbm>>
        tpu.wait_dma2 semaphore(%arg17 : memref<!tpu.dma_semaphore, #tpu.memory_space<semaphore_mem>>) src(%dma_wait3A_179 : memref<128xi32, #tpu.memory_space<hbm>>) dst(%arg9 : memref<128xi32, #tpu.memory_space<vmem>>)
        %dma_start3A_180 = arith.constant 0 : i32
        %dma_start3A_181 = tpu.memref_slice %arg5[%dma_start3A_180] : memref<10240xf32, #tpu.memory_space<vmem_shared>> -> memref<10240xf32, #tpu.memory_space<vmem_shared>>
        tpu.enqueue_indirect_dma source(%arg7 : memref<128xf32, #tpu.memory_space<vmem>>) target(%dma_start3A_181 : memref<10240xf32, #tpu.memory_space<vmem_shared>>) offsets(%arg9 : memref<128xi32, #tpu.memory_space<vmem>>) semaphore(%arg25 : memref<!tpu.dma_semaphore, #tpu.memory_space<semaphore_mem>>) {add = true}
        %dma_wait3A_182 = tpu.memref_slice %arg2[%add3A_139] : memref<320000xi32, #tpu.memory_space<hbm>> -> memref<128xi32, #tpu.memory_space<hbm>>
        %dma_wait3A_183 = tpu.memref_slice %arg2[%add3A_139] : memref<320000xi32, #tpu.memory_space<hbm>> -> memref<128xi32, #tpu.memory_space<hbm>>
        tpu.wait_dma2 semaphore(%arg18 : memref<!tpu.dma_semaphore, #tpu.memory_space<semaphore_mem>>) src(%dma_wait3A_183 : memref<128xi32, #tpu.memory_space<hbm>>) dst(%arg10 : memref<128xi32, #tpu.memory_space<vmem>>)
        %dma_start3A_184 = arith.constant 0 : i32
        %dma_start3A_185 = tpu.memref_slice %arg5[%dma_start3A_184] : memref<10240xf32, #tpu.memory_space<vmem_shared>> -> memref<10240xf32, #tpu.memory_space<vmem_shared>>
        tpu.enqueue_indirect_dma source(%arg7 : memref<128xf32, #tpu.memory_space<vmem>>) target(%dma_start3A_185 : memref<10240xf32, #tpu.memory_space<vmem_shared>>) offsets(%arg10 : memref<128xi32, #tpu.memory_space<vmem>>) semaphore(%arg26 : memref<!tpu.dma_semaphore, #tpu.memory_space<semaphore_mem>>) {add = true}
        %dma_wait3A_186 = tpu.memref_slice %arg2[%add3A_145] : memref<320000xi32, #tpu.memory_space<hbm>> -> memref<128xi32, #tpu.memory_space<hbm>>
        %dma_wait3A_187 = tpu.memref_slice %arg2[%add3A_145] : memref<320000xi32, #tpu.memory_space<hbm>> -> memref<128xi32, #tpu.memory_space<hbm>>
        tpu.wait_dma2 semaphore(%arg19 : memref<!tpu.dma_semaphore, #tpu.memory_space<semaphore_mem>>) src(%dma_wait3A_187 : memref<128xi32, #tpu.memory_space<hbm>>) dst(%arg11 : memref<128xi32, #tpu.memory_space<vmem>>)
        %dma_start3A_188 = arith.constant 0 : i32
        %dma_start3A_189 = tpu.memref_slice %arg5[%dma_start3A_188] : memref<10240xf32, #tpu.memory_space<vmem_shared>> -> memref<10240xf32, #tpu.memory_space<vmem_shared>>
        tpu.enqueue_indirect_dma source(%arg7 : memref<128xf32, #tpu.memory_space<vmem>>) target(%dma_start3A_189 : memref<10240xf32, #tpu.memory_space<vmem_shared>>) offsets(%arg11 : memref<128xi32, #tpu.memory_space<vmem>>) semaphore(%arg27 : memref<!tpu.dma_semaphore, #tpu.memory_space<semaphore_mem>>) {add = true}
        %dma_wait3A_190 = tpu.memref_slice %arg2[%add3A_151] : memref<320000xi32, #tpu.memory_space<hbm>> -> memref<128xi32, #tpu.memory_space<hbm>>
        %dma_wait3A_191 = tpu.memref_slice %arg2[%add3A_151] : memref<320000xi32, #tpu.memory_space<hbm>> -> memref<128xi32, #tpu.memory_space<hbm>>
        tpu.wait_dma2 semaphore(%arg20 : memref<!tpu.dma_semaphore, #tpu.memory_space<semaphore_mem>>) src(%dma_wait3A_191 : memref<128xi32, #tpu.memory_space<hbm>>) dst(%arg12 : memref<128xi32, #tpu.memory_space<vmem>>)
        %dma_start3A_192 = arith.constant 0 : i32
        %dma_start3A_193 = tpu.memref_slice %arg5[%dma_start3A_192] : memref<10240xf32, #tpu.memory_space<vmem_shared>> -> memref<10240xf32, #tpu.memory_space<vmem_shared>>
        tpu.enqueue_indirect_dma source(%arg7 : memref<128xf32, #tpu.memory_space<vmem>>) target(%dma_start3A_193 : memref<10240xf32, #tpu.memory_space<vmem_shared>>) offsets(%arg12 : memref<128xi32, #tpu.memory_space<vmem>>) semaphore(%arg28 : memref<!tpu.dma_semaphore, #tpu.memory_space<semaphore_mem>>) {add = true}
        %dma_wait3A_194 = tpu.memref_slice %arg2[%add3A_157] : memref<320000xi32, #tpu.memory_space<hbm>> -> memref<128xi32, #tpu.memory_space<hbm>>
        %dma_wait3A_195 = tpu.memref_slice %arg2[%add3A_157] : memref<320000xi32, #tpu.memory_space<hbm>> -> memref<128xi32, #tpu.memory_space<hbm>>
        tpu.wait_dma2 semaphore(%arg21 : memref<!tpu.dma_semaphore, #tpu.memory_space<semaphore_mem>>) src(%dma_wait3A_195 : memref<128xi32, #tpu.memory_space<hbm>>) dst(%arg13 : memref<128xi32, #tpu.memory_space<vmem>>)
        %dma_start3A_196 = arith.constant 0 : i32
        %dma_start3A_197 = tpu.memref_slice %arg5[%dma_start3A_196] : memref<10240xf32, #tpu.memory_space<vmem_shared>> -> memref<10240xf32, #tpu.memory_space<vmem_shared>>
        tpu.enqueue_indirect_dma source(%arg7 : memref<128xf32, #tpu.memory_space<vmem>>) target(%dma_start3A_197 : memref<10240xf32, #tpu.memory_space<vmem_shared>>) offsets(%arg13 : memref<128xi32, #tpu.memory_space<vmem>>) semaphore(%arg29 : memref<!tpu.dma_semaphore, #tpu.memory_space<semaphore_mem>>) {add = true}
        %dma_wait3A_198 = tpu.memref_slice %arg2[%add3A_163] : memref<320000xi32, #tpu.memory_space<hbm>> -> memref<128xi32, #tpu.memory_space<hbm>>
        %dma_wait3A_199 = tpu.memref_slice %arg2[%add3A_163] : memref<320000xi32, #tpu.memory_space<hbm>> -> memref<128xi32, #tpu.memory_space<hbm>>
        tpu.wait_dma2 semaphore(%arg22 : memref<!tpu.dma_semaphore, #tpu.memory_space<semaphore_mem>>) src(%dma_wait3A_199 : memref<128xi32, #tpu.memory_space<hbm>>) dst(%arg14 : memref<128xi32, #tpu.memory_space<vmem>>)
        %dma_start3A_200 = arith.constant 0 : i32
        %dma_start3A_201 = tpu.memref_slice %arg5[%dma_start3A_200] : memref<10240xf32, #tpu.memory_space<vmem_shared>> -> memref<10240xf32, #tpu.memory_space<vmem_shared>>
        tpu.enqueue_indirect_dma source(%arg7 : memref<128xf32, #tpu.memory_space<vmem>>) target(%dma_start3A_201 : memref<10240xf32, #tpu.memory_space<vmem_shared>>) offsets(%arg14 : memref<128xi32, #tpu.memory_space<vmem>>) semaphore(%arg30 : memref<!tpu.dma_semaphore, #tpu.memory_space<semaphore_mem>>) {add = true}
        %dma_wait3A_202 = tpu.memref_slice %arg2[%add3A_169] : memref<320000xi32, #tpu.memory_space<hbm>> -> memref<128xi32, #tpu.memory_space<hbm>>
        %dma_wait3A_203 = tpu.memref_slice %arg2[%add3A_169] : memref<320000xi32, #tpu.memory_space<hbm>> -> memref<128xi32, #tpu.memory_space<hbm>>
        tpu.wait_dma2 semaphore(%arg23 : memref<!tpu.dma_semaphore, #tpu.memory_space<semaphore_mem>>) src(%dma_wait3A_203 : memref<128xi32, #tpu.memory_space<hbm>>) dst(%arg15 : memref<128xi32, #tpu.memory_space<vmem>>)
        %dma_start3A_204 = arith.constant 0 : i32
        %dma_start3A_205 = tpu.memref_slice %arg5[%dma_start3A_204] : memref<10240xf32, #tpu.memory_space<vmem_shared>> -> memref<10240xf32, #tpu.memory_space<vmem_shared>>
        tpu.enqueue_indirect_dma source(%arg7 : memref<128xf32, #tpu.memory_space<vmem>>) target(%dma_start3A_205 : memref<10240xf32, #tpu.memory_space<vmem_shared>>) offsets(%arg15 : memref<128xi32, #tpu.memory_space<vmem>>) semaphore(%arg31 : memref<!tpu.dma_semaphore, #tpu.memory_space<semaphore_mem>>) {add = true}
        %dma_wait3A_206 = tpu.memref_slice %arg2[%add3A_175] : memref<320000xi32, #tpu.memory_space<hbm>> -> memref<128xi32, #tpu.memory_space<hbm>>
        %dma_wait3A_207 = tpu.memref_slice %arg2[%add3A_175] : memref<320000xi32, #tpu.memory_space<hbm>> -> memref<128xi32, #tpu.memory_space<hbm>>
        tpu.wait_dma2 semaphore(%arg24 : memref<!tpu.dma_semaphore, #tpu.memory_space<semaphore_mem>>) src(%dma_wait3A_207 : memref<128xi32, #tpu.memory_space<hbm>>) dst(%arg16 : memref<128xi32, #tpu.memory_space<vmem>>)
        %dma_start3A_208 = arith.constant 0 : i32
        %dma_start3A_209 = tpu.memref_slice %arg5[%dma_start3A_208] : memref<10240xf32, #tpu.memory_space<vmem_shared>> -> memref<10240xf32, #tpu.memory_space<vmem_shared>>
        tpu.enqueue_indirect_dma source(%arg7 : memref<128xf32, #tpu.memory_space<vmem>>) target(%dma_start3A_209 : memref<10240xf32, #tpu.memory_space<vmem_shared>>) offsets(%arg16 : memref<128xi32, #tpu.memory_space<vmem>>) semaphore(%arg32 : memref<!tpu.dma_semaphore, #tpu.memory_space<semaphore_mem>>) {add = true}
      } else {
      }
      %scan3A_124 = arith.constant 0 : i32
      scf.yield %scan3A_124 : i32
    }
    %scan3A_24 = arith.constant 9 : i32
    %dma_wait3A = arith.constant 0 : i32
    %dma_wait3A_25 = tpu.memref_slice %arg5[%dma_wait3A] : memref<10240xf32, #tpu.memory_space<vmem_shared>> -> memref<10240xf32, #tpu.memory_space<vmem_shared>>
    tpu.wait_indirect_dma semaphore(%arg25 : memref<!tpu.dma_semaphore, #tpu.memory_space<semaphore_mem>>) src(%arg7 : memref<128xf32, #tpu.memory_space<vmem>>) dst(%dma_wait3A_25 : memref<10240xf32, #tpu.memory_space<vmem_shared>>)
    %dma_wait3A_26 = arith.constant 0 : i32
    %dma_wait3A_27 = tpu.memref_slice %arg5[%dma_wait3A_26] : memref<10240xf32, #tpu.memory_space<vmem_shared>> -> memref<10240xf32, #tpu.memory_space<vmem_shared>>
    tpu.wait_indirect_dma semaphore(%arg26 : memref<!tpu.dma_semaphore, #tpu.memory_space<semaphore_mem>>) src(%arg7 : memref<128xf32, #tpu.memory_space<vmem>>) dst(%dma_wait3A_27 : memref<10240xf32, #tpu.memory_space<vmem_shared>>)
    %dma_wait3A_28 = arith.constant 0 : i32
    %dma_wait3A_29 = tpu.memref_slice %arg5[%dma_wait3A_28] : memref<10240xf32, #tpu.memory_space<vmem_shared>> -> memref<10240xf32, #tpu.memory_space<vmem_shared>>
    tpu.wait_indirect_dma semaphore(%arg27 : memref<!tpu.dma_semaphore, #tpu.memory_space<semaphore_mem>>) src(%arg7 : memref<128xf32, #tpu.memory_space<vmem>>) dst(%dma_wait3A_29 : memref<10240xf32, #tpu.memory_space<vmem_shared>>)
    %dma_wait3A_30 = arith.constant 0 : i32
    %dma_wait3A_31 = tpu.memref_slice %arg5[%dma_wait3A_30] : memref<10240xf32, #tpu.memory_space<vmem_shared>> -> memref<10240xf32, #tpu.memory_space<vmem_shared>>
    tpu.wait_indirect_dma semaphore(%arg28 : memref<!tpu.dma_semaphore, #tpu.memory_space<semaphore_mem>>) src(%arg7 : memref<128xf32, #tpu.memory_space<vmem>>) dst(%dma_wait3A_31 : memref<10240xf32, #tpu.memory_space<vmem_shared>>)
    %dma_wait3A_32 = arith.constant 0 : i32
    %dma_wait3A_33 = tpu.memref_slice %arg5[%dma_wait3A_32] : memref<10240xf32, #tpu.memory_space<vmem_shared>> -> memref<10240xf32, #tpu.memory_space<vmem_shared>>
    tpu.wait_indirect_dma semaphore(%arg29 : memref<!tpu.dma_semaphore, #tpu.memory_space<semaphore_mem>>) src(%arg7 : memref<128xf32, #tpu.memory_space<vmem>>) dst(%dma_wait3A_33 : memref<10240xf32, #tpu.memory_space<vmem_shared>>)
    %dma_wait3A_34 = arith.constant 0 : i32
    %dma_wait3A_35 = tpu.memref_slice %arg5[%dma_wait3A_34] : memref<10240xf32, #tpu.memory_space<vmem_shared>> -> memref<10240xf32, #tpu.memory_space<vmem_shared>>
    tpu.wait_indirect_dma semaphore(%arg30 : memref<!tpu.dma_semaphore, #tpu.memory_space<semaphore_mem>>) src(%arg7 : memref<128xf32, #tpu.memory_space<vmem>>) dst(%dma_wait3A_35 : memref<10240xf32, #tpu.memory_space<vmem_shared>>)
    %dma_wait3A_36 = arith.constant 0 : i32
    %dma_wait3A_37 = tpu.memref_slice %arg5[%dma_wait3A_36] : memref<10240xf32, #tpu.memory_space<vmem_shared>> -> memref<10240xf32, #tpu.memory_space<vmem_shared>>
    tpu.wait_indirect_dma semaphore(%arg31 : memref<!tpu.dma_semaphore, #tpu.memory_space<semaphore_mem>>) src(%arg7 : memref<128xf32, #tpu.memory_space<vmem>>) dst(%dma_wait3A_37 : memref<10240xf32, #tpu.memory_space<vmem_shared>>)
    %dma_wait3A_38 = arith.constant 0 : i32
    %dma_wait3A_39 = tpu.memref_slice %arg5[%dma_wait3A_38] : memref<10240xf32, #tpu.memory_space<vmem_shared>> -> memref<10240xf32, #tpu.memory_space<vmem_shared>>
    tpu.wait_indirect_dma semaphore(%arg32 : memref<!tpu.dma_semaphore, #tpu.memory_space<semaphore_mem>>) src(%arg7 : memref<128xf32, #tpu.memory_space<vmem>>) dst(%dma_wait3A_39 : memref<10240xf32, #tpu.memory_space<vmem_shared>>)
    %add3A_40 = arith.constant 9216 : i32
    %add3A_41 = arith.addi %mul3A_2, %add3A_40 : i32
    %add3A_42 = arith.constant 0 : i32
    %add3A_43 = arith.addi %add3A_41, %add3A_42 : i32
    %dma_start3A = tpu.memref_slice %arg2[%add3A_43] : memref<320000xi32, #tpu.memory_space<hbm>> -> memref<128xi32, #tpu.memory_space<hbm>>
    %dma_start3A_44 = tpu.memref_slice %arg2[%add3A_43] : memref<320000xi32, #tpu.memory_space<hbm>> -> memref<128xi32, #tpu.memory_space<hbm>>
    tpu.enqueue_dma source(%dma_start3A_44 : memref<128xi32, #tpu.memory_space<hbm>>) target(%arg9 : memref<128xi32, #tpu.memory_space<vmem>>) target_semaphore(%arg17 : memref<!tpu.dma_semaphore, #tpu.memory_space<semaphore_mem>>)
    %add3A_45 = arith.constant 128 : i32
    %add3A_46 = arith.addi %add3A_41, %add3A_45 : i32
    %dma_start3A_47 = tpu.memref_slice %arg2[%add3A_46] : memref<320000xi32, #tpu.memory_space<hbm>> -> memref<128xi32, #tpu.memory_space<hbm>>
    %dma_start3A_48 = tpu.memref_slice %arg2[%add3A_46] : memref<320000xi32, #tpu.memory_space<hbm>> -> memref<128xi32, #tpu.memory_space<hbm>>
    tpu.enqueue_dma source(%dma_start3A_48 : memref<128xi32, #tpu.memory_space<hbm>>) target(%arg10 : memref<128xi32, #tpu.memory_space<vmem>>) target_semaphore(%arg18 : memref<!tpu.dma_semaphore, #tpu.memory_space<semaphore_mem>>)
    %add3A_49 = arith.constant 256 : i32
    %add3A_50 = arith.addi %add3A_41, %add3A_49 : i32
    %dma_start3A_51 = tpu.memref_slice %arg2[%add3A_50] : memref<320000xi32, #tpu.memory_space<hbm>> -> memref<128xi32, #tpu.memory_space<hbm>>
    %dma_start3A_52 = tpu.memref_slice %arg2[%add3A_50] : memref<320000xi32, #tpu.memory_space<hbm>> -> memref<128xi32, #tpu.memory_space<hbm>>
    tpu.enqueue_dma source(%dma_start3A_52 : memref<128xi32, #tpu.memory_space<hbm>>) target(%arg11 : memref<128xi32, #tpu.memory_space<vmem>>) target_semaphore(%arg19 : memref<!tpu.dma_semaphore, #tpu.memory_space<semaphore_mem>>)
    %add3A_53 = arith.constant 384 : i32
    %add3A_54 = arith.addi %add3A_41, %add3A_53 : i32
    %dma_start3A_55 = tpu.memref_slice %arg2[%add3A_54] : memref<320000xi32, #tpu.memory_space<hbm>> -> memref<128xi32, #tpu.memory_space<hbm>>
    %dma_start3A_56 = tpu.memref_slice %arg2[%add3A_54] : memref<320000xi32, #tpu.memory_space<hbm>> -> memref<128xi32, #tpu.memory_space<hbm>>
    tpu.enqueue_dma source(%dma_start3A_56 : memref<128xi32, #tpu.memory_space<hbm>>) target(%arg12 : memref<128xi32, #tpu.memory_space<vmem>>) target_semaphore(%arg20 : memref<!tpu.dma_semaphore, #tpu.memory_space<semaphore_mem>>)
    %add3A_57 = arith.constant 512 : i32
    %add3A_58 = arith.addi %add3A_41, %add3A_57 : i32
    %dma_start3A_59 = tpu.memref_slice %arg2[%add3A_58] : memref<320000xi32, #tpu.memory_space<hbm>> -> memref<128xi32, #tpu.memory_space<hbm>>
    %dma_start3A_60 = tpu.memref_slice %arg2[%add3A_58] : memref<320000xi32, #tpu.memory_space<hbm>> -> memref<128xi32, #tpu.memory_space<hbm>>
    tpu.enqueue_dma source(%dma_start3A_60 : memref<128xi32, #tpu.memory_space<hbm>>) target(%arg13 : memref<128xi32, #tpu.memory_space<vmem>>) target_semaphore(%arg21 : memref<!tpu.dma_semaphore, #tpu.memory_space<semaphore_mem>>)
    %add3A_61 = arith.constant 640 : i32
    %add3A_62 = arith.addi %add3A_41, %add3A_61 : i32
    %dma_start3A_63 = tpu.memref_slice %arg2[%add3A_62] : memref<320000xi32, #tpu.memory_space<hbm>> -> memref<128xi32, #tpu.memory_space<hbm>>
    %dma_start3A_64 = tpu.memref_slice %arg2[%add3A_62] : memref<320000xi32, #tpu.memory_space<hbm>> -> memref<128xi32, #tpu.memory_space<hbm>>
    tpu.enqueue_dma source(%dma_start3A_64 : memref<128xi32, #tpu.memory_space<hbm>>) target(%arg14 : memref<128xi32, #tpu.memory_space<vmem>>) target_semaphore(%arg22 : memref<!tpu.dma_semaphore, #tpu.memory_space<semaphore_mem>>)
    %dma_wait3A_65 = tpu.memref_slice %arg2[%add3A_43] : memref<320000xi32, #tpu.memory_space<hbm>> -> memref<128xi32, #tpu.memory_space<hbm>>
    %dma_wait3A_66 = tpu.memref_slice %arg2[%add3A_43] : memref<320000xi32, #tpu.memory_space<hbm>> -> memref<128xi32, #tpu.memory_space<hbm>>
    tpu.wait_dma2 semaphore(%arg17 : memref<!tpu.dma_semaphore, #tpu.memory_space<semaphore_mem>>) src(%dma_wait3A_66 : memref<128xi32, #tpu.memory_space<hbm>>) dst(%arg9 : memref<128xi32, #tpu.memory_space<vmem>>)
    %dma_start3A_67 = arith.constant 0 : i32
    %dma_start3A_68 = tpu.memref_slice %arg5[%dma_start3A_67] : memref<10240xf32, #tpu.memory_space<vmem_shared>> -> memref<10240xf32, #tpu.memory_space<vmem_shared>>
    tpu.enqueue_indirect_dma source(%arg7 : memref<128xf32, #tpu.memory_space<vmem>>) target(%dma_start3A_68 : memref<10240xf32, #tpu.memory_space<vmem_shared>>) offsets(%arg9 : memref<128xi32, #tpu.memory_space<vmem>>) semaphore(%arg25 : memref<!tpu.dma_semaphore, #tpu.memory_space<semaphore_mem>>) {add = true}
    %dma_wait3A_69 = tpu.memref_slice %arg2[%add3A_46] : memref<320000xi32, #tpu.memory_space<hbm>> -> memref<128xi32, #tpu.memory_space<hbm>>
    %dma_wait3A_70 = tpu.memref_slice %arg2[%add3A_46] : memref<320000xi32, #tpu.memory_space<hbm>> -> memref<128xi32, #tpu.memory_space<hbm>>
    tpu.wait_dma2 semaphore(%arg18 : memref<!tpu.dma_semaphore, #tpu.memory_space<semaphore_mem>>) src(%dma_wait3A_70 : memref<128xi32, #tpu.memory_space<hbm>>) dst(%arg10 : memref<128xi32, #tpu.memory_space<vmem>>)
    %dma_start3A_71 = arith.constant 0 : i32
    %dma_start3A_72 = tpu.memref_slice %arg5[%dma_start3A_71] : memref<10240xf32, #tpu.memory_space<vmem_shared>> -> memref<10240xf32, #tpu.memory_space<vmem_shared>>
    tpu.enqueue_indirect_dma source(%arg7 : memref<128xf32, #tpu.memory_space<vmem>>) target(%dma_start3A_72 : memref<10240xf32, #tpu.memory_space<vmem_shared>>) offsets(%arg10 : memref<128xi32, #tpu.memory_space<vmem>>) semaphore(%arg26 : memref<!tpu.dma_semaphore, #tpu.memory_space<semaphore_mem>>) {add = true}
    %dma_wait3A_73 = tpu.memref_slice %arg2[%add3A_50] : memref<320000xi32, #tpu.memory_space<hbm>> -> memref<128xi32, #tpu.memory_space<hbm>>
    %dma_wait3A_74 = tpu.memref_slice %arg2[%add3A_50] : memref<320000xi32, #tpu.memory_space<hbm>> -> memref<128xi32, #tpu.memory_space<hbm>>
    tpu.wait_dma2 semaphore(%arg19 : memref<!tpu.dma_semaphore, #tpu.memory_space<semaphore_mem>>) src(%dma_wait3A_74 : memref<128xi32, #tpu.memory_space<hbm>>) dst(%arg11 : memref<128xi32, #tpu.memory_space<vmem>>)
    %dma_start3A_75 = arith.constant 0 : i32
    %dma_start3A_76 = tpu.memref_slice %arg5[%dma_start3A_75] : memref<10240xf32, #tpu.memory_space<vmem_shared>> -> memref<10240xf32, #tpu.memory_space<vmem_shared>>
    tpu.enqueue_indirect_dma source(%arg7 : memref<128xf32, #tpu.memory_space<vmem>>) target(%dma_start3A_76 : memref<10240xf32, #tpu.memory_space<vmem_shared>>) offsets(%arg11 : memref<128xi32, #tpu.memory_space<vmem>>) semaphore(%arg27 : memref<!tpu.dma_semaphore, #tpu.memory_space<semaphore_mem>>) {add = true}
    %dma_wait3A_77 = tpu.memref_slice %arg2[%add3A_54] : memref<320000xi32, #tpu.memory_space<hbm>> -> memref<128xi32, #tpu.memory_space<hbm>>
    %dma_wait3A_78 = tpu.memref_slice %arg2[%add3A_54] : memref<320000xi32, #tpu.memory_space<hbm>> -> memref<128xi32, #tpu.memory_space<hbm>>
    tpu.wait_dma2 semaphore(%arg20 : memref<!tpu.dma_semaphore, #tpu.memory_space<semaphore_mem>>) src(%dma_wait3A_78 : memref<128xi32, #tpu.memory_space<hbm>>) dst(%arg12 : memref<128xi32, #tpu.memory_space<vmem>>)
    %dma_start3A_79 = arith.constant 0 : i32
    %dma_start3A_80 = tpu.memref_slice %arg5[%dma_start3A_79] : memref<10240xf32, #tpu.memory_space<vmem_shared>> -> memref<10240xf32, #tpu.memory_space<vmem_shared>>
    tpu.enqueue_indirect_dma source(%arg7 : memref<128xf32, #tpu.memory_space<vmem>>) target(%dma_start3A_80 : memref<10240xf32, #tpu.memory_space<vmem_shared>>) offsets(%arg12 : memref<128xi32, #tpu.memory_space<vmem>>) semaphore(%arg28 : memref<!tpu.dma_semaphore, #tpu.memory_space<semaphore_mem>>) {add = true}
    %dma_wait3A_81 = tpu.memref_slice %arg2[%add3A_58] : memref<320000xi32, #tpu.memory_space<hbm>> -> memref<128xi32, #tpu.memory_space<hbm>>
    %dma_wait3A_82 = tpu.memref_slice %arg2[%add3A_58] : memref<320000xi32, #tpu.memory_space<hbm>> -> memref<128xi32, #tpu.memory_space<hbm>>
    tpu.wait_dma2 semaphore(%arg21 : memref<!tpu.dma_semaphore, #tpu.memory_space<semaphore_mem>>) src(%dma_wait3A_82 : memref<128xi32, #tpu.memory_space<hbm>>) dst(%arg13 : memref<128xi32, #tpu.memory_space<vmem>>)
    %dma_start3A_83 = arith.constant 0 : i32
    %dma_start3A_84 = tpu.memref_slice %arg5[%dma_start3A_83] : memref<10240xf32, #tpu.memory_space<vmem_shared>> -> memref<10240xf32, #tpu.memory_space<vmem_shared>>
    tpu.enqueue_indirect_dma source(%arg7 : memref<128xf32, #tpu.memory_space<vmem>>) target(%dma_start3A_84 : memref<10240xf32, #tpu.memory_space<vmem_shared>>) offsets(%arg13 : memref<128xi32, #tpu.memory_space<vmem>>) semaphore(%arg29 : memref<!tpu.dma_semaphore, #tpu.memory_space<semaphore_mem>>) {add = true}
    %dma_wait3A_85 = tpu.memref_slice %arg2[%add3A_62] : memref<320000xi32, #tpu.memory_space<hbm>> -> memref<128xi32, #tpu.memory_space<hbm>>
    %dma_wait3A_86 = tpu.memref_slice %arg2[%add3A_62] : memref<320000xi32, #tpu.memory_space<hbm>> -> memref<128xi32, #tpu.memory_space<hbm>>
    tpu.wait_dma2 semaphore(%arg22 : memref<!tpu.dma_semaphore, #tpu.memory_space<semaphore_mem>>) src(%dma_wait3A_86 : memref<128xi32, #tpu.memory_space<hbm>>) dst(%arg14 : memref<128xi32, #tpu.memory_space<vmem>>)
    %dma_start3A_87 = arith.constant 0 : i32
    %dma_start3A_88 = tpu.memref_slice %arg5[%dma_start3A_87] : memref<10240xf32, #tpu.memory_space<vmem_shared>> -> memref<10240xf32, #tpu.memory_space<vmem_shared>>
    tpu.enqueue_indirect_dma source(%arg7 : memref<128xf32, #tpu.memory_space<vmem>>) target(%dma_start3A_88 : memref<10240xf32, #tpu.memory_space<vmem_shared>>) offsets(%arg14 : memref<128xi32, #tpu.memory_space<vmem>>) semaphore(%arg30 : memref<!tpu.dma_semaphore, #tpu.memory_space<semaphore_mem>>) {add = true}
    %dma_wait3A_89 = arith.constant 0 : i32
    %dma_wait3A_90 = tpu.memref_slice %arg5[%dma_wait3A_89] : memref<10240xf32, #tpu.memory_space<vmem_shared>> -> memref<10240xf32, #tpu.memory_space<vmem_shared>>
    tpu.wait_indirect_dma semaphore(%arg25 : memref<!tpu.dma_semaphore, #tpu.memory_space<semaphore_mem>>) src(%arg7 : memref<128xf32, #tpu.memory_space<vmem>>) dst(%dma_wait3A_90 : memref<10240xf32, #tpu.memory_space<vmem_shared>>)
    %dma_wait3A_91 = arith.constant 0 : i32
    %dma_wait3A_92 = tpu.memref_slice %arg5[%dma_wait3A_91] : memref<10240xf32, #tpu.memory_space<vmem_shared>> -> memref<10240xf32, #tpu.memory_space<vmem_shared>>
    tpu.wait_indirect_dma semaphore(%arg26 : memref<!tpu.dma_semaphore, #tpu.memory_space<semaphore_mem>>) src(%arg7 : memref<128xf32, #tpu.memory_space<vmem>>) dst(%dma_wait3A_92 : memref<10240xf32, #tpu.memory_space<vmem_shared>>)
    %dma_wait3A_93 = arith.constant 0 : i32
    %dma_wait3A_94 = tpu.memref_slice %arg5[%dma_wait3A_93] : memref<10240xf32, #tpu.memory_space<vmem_shared>> -> memref<10240xf32, #tpu.memory_space<vmem_shared>>
    tpu.wait_indirect_dma semaphore(%arg27 : memref<!tpu.dma_semaphore, #tpu.memory_space<semaphore_mem>>) src(%arg7 : memref<128xf32, #tpu.memory_space<vmem>>) dst(%dma_wait3A_94 : memref<10240xf32, #tpu.memory_space<vmem_shared>>)
    %dma_wait3A_95 = arith.constant 0 : i32
    %dma_wait3A_96 = tpu.memref_slice %arg5[%dma_wait3A_95] : memref<10240xf32, #tpu.memory_space<vmem_shared>> -> memref<10240xf32, #tpu.memory_space<vmem_shared>>
    tpu.wait_indirect_dma semaphore(%arg28 : memref<!tpu.dma_semaphore, #tpu.memory_space<semaphore_mem>>) src(%arg7 : memref<128xf32, #tpu.memory_space<vmem>>) dst(%dma_wait3A_96 : memref<10240xf32, #tpu.memory_space<vmem_shared>>)
    %dma_wait3A_97 = arith.constant 0 : i32
    %dma_wait3A_98 = tpu.memref_slice %arg5[%dma_wait3A_97] : memref<10240xf32, #tpu.memory_space<vmem_shared>> -> memref<10240xf32, #tpu.memory_space<vmem_shared>>
    tpu.wait_indirect_dma semaphore(%arg29 : memref<!tpu.dma_semaphore, #tpu.memory_space<semaphore_mem>>) src(%arg7 : memref<128xf32, #tpu.memory_space<vmem>>) dst(%dma_wait3A_98 : memref<10240xf32, #tpu.memory_space<vmem_shared>>)
    %dma_wait3A_99 = arith.constant 0 : i32
    %dma_wait3A_100 = tpu.memref_slice %arg5[%dma_wait3A_99] : memref<10240xf32, #tpu.memory_space<vmem_shared>> -> memref<10240xf32, #tpu.memory_space<vmem_shared>>
    tpu.wait_indirect_dma semaphore(%arg30 : memref<!tpu.dma_semaphore, #tpu.memory_space<semaphore_mem>>) src(%arg7 : memref<128xf32, #tpu.memory_space<vmem>>) dst(%dma_wait3A_100 : memref<10240xf32, #tpu.memory_space<vmem_shared>>)
    %add3A_101 = arith.constant 9984 : i32
    %add3A_102 = arith.addi %mul3A_2, %add3A_101 : i32
    "tpu.region"() ({
      %run_scoped3A = tpu.sem_alloc : memref<!tpu.dma_semaphore, #tpu.memory_space<semaphore_mem>>
      %dma_start3A_113 = tpu.memref_slice %arg2[%add3A_102] : memref<320000xi32, #tpu.memory_space<hbm>> -> memref<16xi32, #tpu.memory_space<hbm>>
      %dma_start3A_114 = tpu.memref_slice %arg2[%add3A_102] : memref<320000xi32, #tpu.memory_space<hbm>> -> memref<16xi32, #tpu.memory_space<hbm>>
      tpu.enqueue_dma source(%dma_start3A_114 : memref<16xi32, #tpu.memory_space<hbm>>) target(%arg8 : memref<16xi32, #tpu.memory_space<vmem>>) target_semaphore(%run_scoped3A : memref<!tpu.dma_semaphore, #tpu.memory_space<semaphore_mem>>)
      %dma_wait3A_115 = tpu.memref_slice %arg2[%add3A_102] : memref<320000xi32, #tpu.memory_space<hbm>> -> memref<16xi32, #tpu.memory_space<hbm>>
      %dma_wait3A_116 = tpu.memref_slice %arg2[%add3A_102] : memref<320000xi32, #tpu.memory_space<hbm>> -> memref<16xi32, #tpu.memory_space<hbm>>
      tpu.wait_dma2 semaphore(%run_scoped3A : memref<!tpu.dma_semaphore, #tpu.memory_space<semaphore_mem>>) src(%dma_wait3A_116 : memref<16xi32, #tpu.memory_space<hbm>>) dst(%arg8 : memref<16xi32, #tpu.memory_space<vmem>>)
      tpu.yield
    }) : () -> ()
    "tpu.region"() ({
      %run_scoped3A = tpu.sem_alloc : memref<!tpu.dma_semaphore, #tpu.memory_space<semaphore_mem>>
      %dma_start3A_113 = arith.constant 0 : i32
      %dma_start3A_114 = tpu.memref_slice %arg7[%dma_start3A_113] : memref<128xf32, #tpu.memory_space<vmem>> -> memref<16xf32, #tpu.memory_space<vmem>>
      %dma_start3A_115 = arith.constant 0 : i32
      %dma_start3A_116 = tpu.memref_slice %arg5[%dma_start3A_115] : memref<10240xf32, #tpu.memory_space<vmem_shared>> -> memref<10240xf32, #tpu.memory_space<vmem_shared>>
      tpu.enqueue_indirect_dma source(%dma_start3A_114 : memref<16xf32, #tpu.memory_space<vmem>>) target(%dma_start3A_116 : memref<10240xf32, #tpu.memory_space<vmem_shared>>) offsets(%arg8 : memref<16xi32, #tpu.memory_space<vmem>>) semaphore(%run_scoped3A : memref<!tpu.dma_semaphore, #tpu.memory_space<semaphore_mem>>) {add = true}
      %dma_wait3A_117 = arith.constant 0 : i32
      %dma_wait3A_118 = tpu.memref_slice %arg7[%dma_wait3A_117] : memref<128xf32, #tpu.memory_space<vmem>> -> memref<16xf32, #tpu.memory_space<vmem>>
      %dma_wait3A_119 = arith.constant 0 : i32
      %dma_wait3A_120 = tpu.memref_slice %arg5[%dma_wait3A_119] : memref<10240xf32, #tpu.memory_space<vmem_shared>> -> memref<10240xf32, #tpu.memory_space<vmem_shared>>
      tpu.wait_indirect_dma semaphore(%run_scoped3A : memref<!tpu.dma_semaphore, #tpu.memory_space<semaphore_mem>>) src(%dma_wait3A_118 : memref<16xf32, #tpu.memory_space<vmem>>) dst(%dma_wait3A_120 : memref<10240xf32, #tpu.memory_space<vmem_shared>>)
      tpu.yield
    }) : () -> ()
    %barrier3A_103 = arith.constant 0 : index
    tpu.barrier barrier_id(%barrier3A_103)
    %mul3A_104 = arith.constant 640 : i32
    %mul3A_105 = arith.muli %arg1, %mul3A_104 : i32
    "tpu.region"() ({
      %run_scoped3A = tpu.sem_alloc : memref<!tpu.dma_semaphore, #tpu.memory_space<semaphore_mem>>
      %dma_start3A_113 = tpu.memref_slice %arg5[%mul3A_105] : memref<10240xf32, #tpu.memory_space<vmem_shared>> -> memref<640xf32, #tpu.memory_space<vmem_shared>>
      %dma_start3A_114 = tpu.memref_slice %arg5[%mul3A_105] : memref<10240xf32, #tpu.memory_space<vmem_shared>> -> memref<640xf32, #tpu.memory_space<vmem_shared>>
      tpu.enqueue_dma source(%dma_start3A_114 : memref<640xf32, #tpu.memory_space<vmem_shared>>) target(%arg6 : memref<640xf32, #tpu.memory_space<vmem>>) target_semaphore(%run_scoped3A : memref<!tpu.dma_semaphore, #tpu.memory_space<semaphore_mem>>)
      %dma_wait3A_115 = tpu.memref_slice %arg5[%mul3A_105] : memref<10240xf32, #tpu.memory_space<vmem_shared>> -> memref<640xf32, #tpu.memory_space<vmem_shared>>
      %dma_wait3A_116 = tpu.memref_slice %arg5[%mul3A_105] : memref<10240xf32, #tpu.memory_space<vmem_shared>> -> memref<640xf32, #tpu.memory_space<vmem_shared>>
      tpu.wait_dma2 semaphore(%run_scoped3A : memref<!tpu.dma_semaphore, #tpu.memory_space<semaphore_mem>>) src(%dma_wait3A_116 : memref<640xf32, #tpu.memory_space<vmem_shared>>) dst(%arg6 : memref<640xf32, #tpu.memory_space<vmem>>)
      tpu.yield
    }) : () -> ()
    %eq3A = arith.constant 0 : i32
    %eq3A_106 = arith.cmpi eq, %arg0, %eq3A : i32
    %convert_element_type3A = arith.extui %eq3A_106 : i1 to i32
    %cond3A = arith.constant 0 : i32
    %cond3A_107 = arith.cmpi ne, %convert_element_type3A, %cond3A : i32
    scf.if %cond3A_107 {
      %mul3A_113 = arith.constant 640 : i32
      %mul3A_114 = arith.muli %arg1, %mul3A_113 : i32
      "tpu.region"() ({
        %run_scoped3A = tpu.sem_alloc : memref<!tpu.dma_semaphore, #tpu.memory_space<semaphore_mem>>
        %dma_start3A_115 = tpu.memref_slice %arg3[%mul3A_114] : memref<10240xf32, #tpu.memory_space<hbm>> -> memref<640xf32, #tpu.memory_space<hbm>>
        %dma_start3A_116 = tpu.memref_slice %arg3[%mul3A_114] : memref<10240xf32, #tpu.memory_space<hbm>> -> memref<640xf32, #tpu.memory_space<hbm>>
        tpu.enqueue_dma source(%arg6 : memref<640xf32, #tpu.memory_space<vmem>>) target(%dma_start3A_116 : memref<640xf32, #tpu.memory_space<hbm>>) target_semaphore(%run_scoped3A : memref<!tpu.dma_semaphore, #tpu.memory_space<semaphore_mem>>)
        %dma_wait3A_117 = tpu.memref_slice %arg3[%mul3A_114] : memref<10240xf32, #tpu.memory_space<hbm>> -> memref<640xf32, #tpu.memory_space<hbm>>
        %dma_wait3A_118 = tpu.memref_slice %arg3[%mul3A_114] : memref<10240xf32, #tpu.memory_space<hbm>> -> memref<640xf32, #tpu.memory_space<hbm>>
        tpu.wait_dma2 semaphore(%run_scoped3A : memref<!tpu.dma_semaphore, #tpu.memory_space<semaphore_mem>>) src(%arg6 : memref<640xf32, #tpu.memory_space<vmem>>) dst(%dma_wait3A_118 : memref<640xf32, #tpu.memory_space<hbm>>)
        tpu.yield
      }) : () -> ()
    } else {
    }
    %eq3A_108 = arith.constant 1 : i32
    %eq3A_109 = arith.cmpi eq, %arg0, %eq3A_108 : i32
    %convert_element_type3A_110 = arith.extui %eq3A_109 : i1 to i32
    %cond3A_111 = arith.constant 0 : i32
    %cond3A_112 = arith.cmpi ne, %convert_element_type3A_110, %cond3A_111 : i32
    scf.if %cond3A_112 {
      %mul3A_113 = arith.constant 640 : i32
      %mul3A_114 = arith.muli %arg1, %mul3A_113 : i32
      "tpu.region"() ({
        %run_scoped3A = tpu.sem_alloc : memref<!tpu.dma_semaphore, #tpu.memory_space<semaphore_mem>>
        %dma_start3A_115 = tpu.memref_slice %arg4[%mul3A_114] : memref<10240xf32, #tpu.memory_space<hbm>> -> memref<640xf32, #tpu.memory_space<hbm>>
        %dma_start3A_116 = tpu.memref_slice %arg4[%mul3A_114] : memref<10240xf32, #tpu.memory_space<hbm>> -> memref<640xf32, #tpu.memory_space<hbm>>
        tpu.enqueue_dma source(%arg6 : memref<640xf32, #tpu.memory_space<vmem>>) target(%dma_start3A_116 : memref<640xf32, #tpu.memory_space<hbm>>) target_semaphore(%run_scoped3A : memref<!tpu.dma_semaphore, #tpu.memory_space<semaphore_mem>>)
        %dma_wait3A_117 = tpu.memref_slice %arg4[%mul3A_114] : memref<10240xf32, #tpu.memory_space<hbm>> -> memref<640xf32, #tpu.memory_space<hbm>>
        %dma_wait3A_118 = tpu.memref_slice %arg4[%mul3A_114] : memref<10240xf32, #tpu.memory_space<hbm>> -> memref<640xf32, #tpu.memory_space<hbm>>
        tpu.wait_dma2 semaphore(%run_scoped3A : memref<!tpu.dma_semaphore, #tpu.memory_space<semaphore_mem>>) src(%arg6 : memref<640xf32, #tpu.memory_space<vmem>>) dst(%dma_wait3A_118 : memref<640xf32, #tpu.memory_space<hbm>>)
        tpu.yield
      }) : () -> ()
    } else {
    }
    return
  }
}

#map = affine_map<(d0, d1) -> (0, 0)>
#map1 = affine_map<(d0, d1) -> (0)>
#map2 = affine_map<(d0, d1) -> (0, 0, 0)>
module attributes {stable_mosaic.version = 14 : i64} {
  func.func @_sc_agg_body(%arg0: i32, %arg1: i32, %arg2: memref<10240x128xf32, #tpu.memory_space<hbm>>, %arg3: memref<320000xi32, #tpu.memory_space<hbm>>, %arg4: memref<320000xi32, #tpu.memory_space<hbm>>, %arg5: memref<10240x128xf32, #tpu.memory_space<hbm>>, %arg6: memref<2x10240x128xf32, #tpu.memory_space<hbm>>, %arg7: memref<10240x128xf32, #tpu.memory_space<vmem_shared>>, %arg8: memref<10000xi32, #tpu.memory_space<vmem>>, %arg9: memref<8xi32, #tpu.memory_space<vmem>>, %arg10: memref<40xi32, #tpu.memory_space<vmem>>, %arg11: memref<40xi32, #tpu.memory_space<vmem>>, %arg12: memref<40xi32, #tpu.memory_space<vmem>>, %arg13: memref<40xi32, #tpu.memory_space<vmem>>, %arg14: memref<40xi32, #tpu.memory_space<vmem>>, %arg15: memref<40xi32, #tpu.memory_space<vmem>>, %arg16: memref<40x128xf32, #tpu.memory_space<vmem>>, %arg17: memref<40x128xf32, #tpu.memory_space<vmem>>, %arg18: memref<40x128xf32, #tpu.memory_space<vmem>>, %arg19: memref<40x128xf32, #tpu.memory_space<vmem>>, %arg20: memref<40x128xf32, #tpu.memory_space<vmem>>, %arg21: memref<40x128xf32, #tpu.memory_space<vmem>>, %arg22: memref<!tpu.dma_semaphore, #tpu.memory_space<semaphore_mem>>, %arg23: memref<!tpu.dma_semaphore, #tpu.memory_space<semaphore_mem>>, %arg24: memref<!tpu.dma_semaphore, #tpu.memory_space<semaphore_mem>>, %arg25: memref<!tpu.dma_semaphore, #tpu.memory_space<semaphore_mem>>, %arg26: memref<!tpu.dma_semaphore, #tpu.memory_space<semaphore_mem>>, %arg27: memref<!tpu.dma_semaphore, #tpu.memory_space<semaphore_mem>>, %arg28: memref<!tpu.dma_semaphore, #tpu.memory_space<semaphore_mem>>, %arg29: memref<!tpu.dma_semaphore, #tpu.memory_space<semaphore_mem>>, %arg30: memref<!tpu.dma_semaphore, #tpu.memory_space<semaphore_mem>>, %arg31: memref<!tpu.dma_semaphore, #tpu.memory_space<semaphore_mem>>, %arg32: memref<!tpu.dma_semaphore, #tpu.memory_space<semaphore_mem>>, %arg33: memref<!tpu.dma_semaphore, #tpu.memory_space<semaphore_mem>>, %arg34: memref<!tpu.dma_semaphore, #tpu.memory_space<semaphore_mem>>, %arg35: memref<!tpu.dma_semaphore, #tpu.memory_space<semaphore_mem>>, %arg36: memref<!tpu.dma_semaphore, #tpu.memory_space<semaphore_mem>>, %arg37: memref<!tpu.dma_semaphore, #tpu.memory_space<semaphore_mem>>, %arg38: memref<!tpu.dma_semaphore, #tpu.memory_space<semaphore_mem>>, %arg39: memref<!tpu.dma_semaphore, #tpu.memory_space<semaphore_mem>>) attributes {dimension_semantics = [#tpu.dimension_semantics<core_parallel>, #tpu.dimension_semantics<subcore_parallel>], iteration_bounds = array<i64: 2, 16>, scalar_prefetch = 0 : i64, scratch_operands = 33 : i64, tpu.core_type = #tpu.core_type<sc_vector_subcore>, window_params = [{transform_indices = #map}, {transform_indices = #map1}, {transform_indices = #map1}, {transform_indices = #map}, {transform_indices = #map2}]} {
    %mul3A = arith.constant 16 : i32
    %mul3A_0 = arith.muli %arg0, %mul3A : i32
    %add3A = arith.addi %mul3A_0, %arg1 : i32
    %mul3A_1 = arith.constant 10000 : i32
    %mul3A_2 = arith.muli %add3A, %mul3A_1 : i32
    "tpu.region"() ({
      %run_scoped3A = tpu.sem_alloc : memref<!tpu.dma_semaphore, #tpu.memory_space<semaphore_mem>>
      %dma_start3A_90 = tpu.memref_slice %arg3[%mul3A_2] : memref<320000xi32, #tpu.memory_space<hbm>> -> memref<10000xi32, #tpu.memory_space<hbm>>
      %dma_start3A_91 = tpu.memref_slice %arg3[%mul3A_2] : memref<320000xi32, #tpu.memory_space<hbm>> -> memref<10000xi32, #tpu.memory_space<hbm>>
      tpu.enqueue_dma source(%dma_start3A_91 : memref<10000xi32, #tpu.memory_space<hbm>>) target(%arg8 : memref<10000xi32, #tpu.memory_space<vmem>>) target_semaphore(%run_scoped3A : memref<!tpu.dma_semaphore, #tpu.memory_space<semaphore_mem>>)
      %dma_wait3A_92 = tpu.memref_slice %arg3[%mul3A_2] : memref<320000xi32, #tpu.memory_space<hbm>> -> memref<10000xi32, #tpu.memory_space<hbm>>
      %dma_wait3A_93 = tpu.memref_slice %arg3[%mul3A_2] : memref<320000xi32, #tpu.memory_space<hbm>> -> memref<10000xi32, #tpu.memory_space<hbm>>
      tpu.wait_dma2 semaphore(%run_scoped3A : memref<!tpu.dma_semaphore, #tpu.memory_space<semaphore_mem>>) src(%dma_wait3A_93 : memref<10000xi32, #tpu.memory_space<hbm>>) dst(%arg8 : memref<10000xi32, #tpu.memory_space<vmem>>)
      tpu.yield
    }) : () -> ()
    %mul3A_3 = arith.constant 640 : i32
    %mul3A_4 = arith.muli %arg1, %mul3A_3 : i32
    %mul3A_5 = arith.constant 640 : i32
    %mul3A_6 = arith.muli %arg1, %mul3A_5 : i32
    "tpu.region"() ({
      %run_scoped3A = tpu.sem_alloc : memref<!tpu.dma_semaphore, #tpu.memory_space<semaphore_mem>>
      %dma_start3A_90 = arith.constant 0 : i32
      %dma_start3A_91 = tpu.memref_slice %arg7[%mul3A_6, %dma_start3A_90] : memref<10240x128xf32, #tpu.memory_space<vmem_shared>> -> memref<640x128xf32, #tpu.memory_space<vmem_shared>>
      %dma_start3A_92 = arith.constant 0 : i32
      %dma_start3A_93 = tpu.memref_slice %arg5[%mul3A_4, %dma_start3A_92] : memref<10240x128xf32, #tpu.memory_space<hbm>> -> memref<640x128xf32, #tpu.memory_space<hbm>>
      tpu.enqueue_dma source(%dma_start3A_93 : memref<640x128xf32, #tpu.memory_space<hbm>>) target(%dma_start3A_91 : memref<640x128xf32, #tpu.memory_space<vmem_shared>>) target_semaphore(%run_scoped3A : memref<!tpu.dma_semaphore, #tpu.memory_space<semaphore_mem>>)
      %dma_wait3A_94 = arith.constant 0 : i32
      %dma_wait3A_95 = tpu.memref_slice %arg7[%mul3A_6, %dma_wait3A_94] : memref<10240x128xf32, #tpu.memory_space<vmem_shared>> -> memref<640x128xf32, #tpu.memory_space<vmem_shared>>
      %dma_wait3A_96 = arith.constant 0 : i32
      %dma_wait3A_97 = tpu.memref_slice %arg5[%mul3A_4, %dma_wait3A_96] : memref<10240x128xf32, #tpu.memory_space<hbm>> -> memref<640x128xf32, #tpu.memory_space<hbm>>
      tpu.wait_dma2 semaphore(%run_scoped3A : memref<!tpu.dma_semaphore, #tpu.memory_space<semaphore_mem>>) src(%dma_wait3A_97 : memref<640x128xf32, #tpu.memory_space<hbm>>) dst(%dma_wait3A_95 : memref<640x128xf32, #tpu.memory_space<vmem_shared>>)
      tpu.yield
    }) : () -> ()
    %barrier3A = arith.constant 0 : index
    tpu.barrier barrier_id(%barrier3A)
    %scan3A = arith.constant 0 : i32
    %scan3A_7 = arith.constant 0 : i32
    %scan3A_8 = arith.constant 41 : i32
    %scan3A_9 = arith.addi %scan3A_7, %scan3A_8 : i32
    %scan3A_10 = arith.constant 1 : i32
    %scan3A_11 = scf.for %scan3A_90 = %scan3A_7 to %scan3A_9 step %scan3A_10 iter_args(%scan3A_91 = %scan3A) -> (i32)  : i32 {
      %eq3A = arith.constant 0 : i32
      %eq3A_92 = arith.cmpi eq, %scan3A_90, %eq3A : i32
      %convert_element_type3A = arith.extui %eq3A_92 : i1 to i32
      %cond3A = arith.constant 0 : i32
      %cond3A_93 = arith.cmpi ne, %convert_element_type3A, %cond3A : i32
      scf.if %cond3A_93 {
        %dma_start3A_99 = arith.constant 0 : i32
        %dma_start3A_100 = tpu.memref_slice %arg8[%dma_start3A_99] : memref<10000xi32, #tpu.memory_space<vmem>> -> memref<40xi32, #tpu.memory_space<vmem>>
        %dma_start3A_101 = arith.constant 0 : i32
        %dma_start3A_102 = arith.constant 0 : i32
        %dma_start3A_103 = tpu.memref_slice %arg2[%dma_start3A_101, %dma_start3A_102] : memref<10240x128xf32, #tpu.memory_space<hbm>> -> memref<10240x128xf32, #tpu.memory_space<hbm>>
        tpu.enqueue_indirect_dma source(%dma_start3A_103 : memref<10240x128xf32, #tpu.memory_space<hbm>>) target(%arg16 : memref<40x128xf32, #tpu.memory_space<vmem>>) offsets(%dma_start3A_100 : memref<40xi32, #tpu.memory_space<vmem>>) semaphore(%arg28 : memref<!tpu.dma_semaphore, #tpu.memory_space<semaphore_mem>>)
        %add3A_104 = arith.constant 0 : i32
        %add3A_105 = arith.addi %mul3A_2, %add3A_104 : i32
        %dma_start3A_106 = tpu.memref_slice %arg4[%add3A_105] : memref<320000xi32, #tpu.memory_space<hbm>> -> memref<40xi32, #tpu.memory_space<hbm>>
        %dma_start3A_107 = tpu.memref_slice %arg4[%add3A_105] : memref<320000xi32, #tpu.memory_space<hbm>> -> memref<40xi32, #tpu.memory_space<hbm>>
        tpu.enqueue_dma source(%dma_start3A_107 : memref<40xi32, #tpu.memory_space<hbm>>) target(%arg10 : memref<40xi32, #tpu.memory_space<vmem>>) target_semaphore(%arg22 : memref<!tpu.dma_semaphore, #tpu.memory_space<semaphore_mem>>)
        %dma_start3A_108 = arith.constant 40 : i32
        %dma_start3A_109 = tpu.memref_slice %arg8[%dma_start3A_108] : memref<10000xi32, #tpu.memory_space<vmem>> -> memref<40xi32, #tpu.memory_space<vmem>>
        %dma_start3A_110 = arith.constant 0 : i32
        %dma_start3A_111 = arith.constant 0 : i32
        %dma_start3A_112 = tpu.memref_slice %arg2[%dma_start3A_110, %dma_start3A_111] : memref<10240x128xf32, #tpu.memory_space<hbm>> -> memref<10240x128xf32, #tpu.memory_space<hbm>>
        tpu.enqueue_indirect_dma source(%dma_start3A_112 : memref<10240x128xf32, #tpu.memory_space<hbm>>) target(%arg17 : memref<40x128xf32, #tpu.memory_space<vmem>>) offsets(%dma_start3A_109 : memref<40xi32, #tpu.memory_space<vmem>>) semaphore(%arg29 : memref<!tpu.dma_semaphore, #tpu.memory_space<semaphore_mem>>)
        %add3A_113 = arith.constant 40 : i32
        %add3A_114 = arith.addi %mul3A_2, %add3A_113 : i32
        %dma_start3A_115 = tpu.memref_slice %arg4[%add3A_114] : memref<320000xi32, #tpu.memory_space<hbm>> -> memref<40xi32, #tpu.memory_space<hbm>>
        %dma_start3A_116 = tpu.memref_slice %arg4[%add3A_114] : memref<320000xi32, #tpu.memory_space<hbm>> -> memref<40xi32, #tpu.memory_space<hbm>>
        tpu.enqueue_dma source(%dma_start3A_116 : memref<40xi32, #tpu.memory_space<hbm>>) target(%arg11 : memref<40xi32, #tpu.memory_space<vmem>>) target_semaphore(%arg23 : memref<!tpu.dma_semaphore, #tpu.memory_space<semaphore_mem>>)
        %dma_start3A_117 = arith.constant 80 : i32
        %dma_start3A_118 = tpu.memref_slice %arg8[%dma_start3A_117] : memref<10000xi32, #tpu.memory_space<vmem>> -> memref<40xi32, #tpu.memory_space<vmem>>
        %dma_start3A_119 = arith.constant 0 : i32
        %dma_start3A_120 = arith.constant 0 : i32
        %dma_start3A_121 = tpu.memref_slice %arg2[%dma_start3A_119, %dma_start3A_120] : memref<10240x128xf32, #tpu.memory_space<hbm>> -> memref<10240x128xf32, #tpu.memory_space<hbm>>
        tpu.enqueue_indirect_dma source(%dma_start3A_121 : memref<10240x128xf32, #tpu.memory_space<hbm>>) target(%arg18 : memref<40x128xf32, #tpu.memory_space<vmem>>) offsets(%dma_start3A_118 : memref<40xi32, #tpu.memory_space<vmem>>) semaphore(%arg30 : memref<!tpu.dma_semaphore, #tpu.memory_space<semaphore_mem>>)
        %add3A_122 = arith.constant 80 : i32
        %add3A_123 = arith.addi %mul3A_2, %add3A_122 : i32
        %dma_start3A_124 = tpu.memref_slice %arg4[%add3A_123] : memref<320000xi32, #tpu.memory_space<hbm>> -> memref<40xi32, #tpu.memory_space<hbm>>
        %dma_start3A_125 = tpu.memref_slice %arg4[%add3A_123] : memref<320000xi32, #tpu.memory_space<hbm>> -> memref<40xi32, #tpu.memory_space<hbm>>
        tpu.enqueue_dma source(%dma_start3A_125 : memref<40xi32, #tpu.memory_space<hbm>>) target(%arg12 : memref<40xi32, #tpu.memory_space<vmem>>) target_semaphore(%arg24 : memref<!tpu.dma_semaphore, #tpu.memory_space<semaphore_mem>>)
        %dma_start3A_126 = arith.constant 120 : i32
        %dma_start3A_127 = tpu.memref_slice %arg8[%dma_start3A_126] : memref<10000xi32, #tpu.memory_space<vmem>> -> memref<40xi32, #tpu.memory_space<vmem>>
        %dma_start3A_128 = arith.constant 0 : i32
        %dma_start3A_129 = arith.constant 0 : i32
        %dma_start3A_130 = tpu.memref_slice %arg2[%dma_start3A_128, %dma_start3A_129] : memref<10240x128xf32, #tpu.memory_space<hbm>> -> memref<10240x128xf32, #tpu.memory_space<hbm>>
        tpu.enqueue_indirect_dma source(%dma_start3A_130 : memref<10240x128xf32, #tpu.memory_space<hbm>>) target(%arg19 : memref<40x128xf32, #tpu.memory_space<vmem>>) offsets(%dma_start3A_127 : memref<40xi32, #tpu.memory_space<vmem>>) semaphore(%arg31 : memref<!tpu.dma_semaphore, #tpu.memory_space<semaphore_mem>>)
        %add3A_131 = arith.constant 120 : i32
        %add3A_132 = arith.addi %mul3A_2, %add3A_131 : i32
        %dma_start3A_133 = tpu.memref_slice %arg4[%add3A_132] : memref<320000xi32, #tpu.memory_space<hbm>> -> memref<40xi32, #tpu.memory_space<hbm>>
        %dma_start3A_134 = tpu.memref_slice %arg4[%add3A_132] : memref<320000xi32, #tpu.memory_space<hbm>> -> memref<40xi32, #tpu.memory_space<hbm>>
        tpu.enqueue_dma source(%dma_start3A_134 : memref<40xi32, #tpu.memory_space<hbm>>) target(%arg13 : memref<40xi32, #tpu.memory_space<vmem>>) target_semaphore(%arg25 : memref<!tpu.dma_semaphore, #tpu.memory_space<semaphore_mem>>)
        %dma_start3A_135 = arith.constant 160 : i32
        %dma_start3A_136 = tpu.memref_slice %arg8[%dma_start3A_135] : memref<10000xi32, #tpu.memory_space<vmem>> -> memref<40xi32, #tpu.memory_space<vmem>>
        %dma_start3A_137 = arith.constant 0 : i32
        %dma_start3A_138 = arith.constant 0 : i32
        %dma_start3A_139 = tpu.memref_slice %arg2[%dma_start3A_137, %dma_start3A_138] : memref<10240x128xf32, #tpu.memory_space<hbm>> -> memref<10240x128xf32, #tpu.memory_space<hbm>>
        tpu.enqueue_indirect_dma source(%dma_start3A_139 : memref<10240x128xf32, #tpu.memory_space<hbm>>) target(%arg20 : memref<40x128xf32, #tpu.memory_space<vmem>>) offsets(%dma_start3A_136 : memref<40xi32, #tpu.memory_space<vmem>>) semaphore(%arg32 : memref<!tpu.dma_semaphore, #tpu.memory_space<semaphore_mem>>)
        %add3A_140 = arith.constant 160 : i32
        %add3A_141 = arith.addi %mul3A_2, %add3A_140 : i32
        %dma_start3A_142 = tpu.memref_slice %arg4[%add3A_141] : memref<320000xi32, #tpu.memory_space<hbm>> -> memref<40xi32, #tpu.memory_space<hbm>>
        %dma_start3A_143 = tpu.memref_slice %arg4[%add3A_141] : memref<320000xi32, #tpu.memory_space<hbm>> -> memref<40xi32, #tpu.memory_space<hbm>>
        tpu.enqueue_dma source(%dma_start3A_143 : memref<40xi32, #tpu.memory_space<hbm>>) target(%arg14 : memref<40xi32, #tpu.memory_space<vmem>>) target_semaphore(%arg26 : memref<!tpu.dma_semaphore, #tpu.memory_space<semaphore_mem>>)
        %dma_start3A_144 = arith.constant 200 : i32
        %dma_start3A_145 = tpu.memref_slice %arg8[%dma_start3A_144] : memref<10000xi32, #tpu.memory_space<vmem>> -> memref<40xi32, #tpu.memory_space<vmem>>
        %dma_start3A_146 = arith.constant 0 : i32
        %dma_start3A_147 = arith.constant 0 : i32
        %dma_start3A_148 = tpu.memref_slice %arg2[%dma_start3A_146, %dma_start3A_147] : memref<10240x128xf32, #tpu.memory_space<hbm>> -> memref<10240x128xf32, #tpu.memory_space<hbm>>
        tpu.enqueue_indirect_dma source(%dma_start3A_148 : memref<10240x128xf32, #tpu.memory_space<hbm>>) target(%arg21 : memref<40x128xf32, #tpu.memory_space<vmem>>) offsets(%dma_start3A_145 : memref<40xi32, #tpu.memory_space<vmem>>) semaphore(%arg33 : memref<!tpu.dma_semaphore, #tpu.memory_space<semaphore_mem>>)
        %add3A_149 = arith.constant 200 : i32
        %add3A_150 = arith.addi %mul3A_2, %add3A_149 : i32
        %dma_start3A_151 = tpu.memref_slice %arg4[%add3A_150] : memref<320000xi32, #tpu.memory_space<hbm>> -> memref<40xi32, #tpu.memory_space<hbm>>
        %dma_start3A_152 = tpu.memref_slice %arg4[%add3A_150] : memref<320000xi32, #tpu.memory_space<hbm>> -> memref<40xi32, #tpu.memory_space<hbm>>
        tpu.enqueue_dma source(%dma_start3A_152 : memref<40xi32, #tpu.memory_space<hbm>>) target(%arg15 : memref<40xi32, #tpu.memory_space<vmem>>) target_semaphore(%arg27 : memref<!tpu.dma_semaphore, #tpu.memory_space<semaphore_mem>>)
        %dma_wait3A_153 = tpu.memref_slice %arg4[%add3A_105] : memref<320000xi32, #tpu.memory_space<hbm>> -> memref<40xi32, #tpu.memory_space<hbm>>
        %dma_wait3A_154 = tpu.memref_slice %arg4[%add3A_105] : memref<320000xi32, #tpu.memory_space<hbm>> -> memref<40xi32, #tpu.memory_space<hbm>>
        tpu.wait_dma2 semaphore(%arg22 : memref<!tpu.dma_semaphore, #tpu.memory_space<semaphore_mem>>) src(%dma_wait3A_154 : memref<40xi32, #tpu.memory_space<hbm>>) dst(%arg10 : memref<40xi32, #tpu.memory_space<vmem>>)
        %dma_wait3A_155 = arith.constant 0 : i32
        %dma_wait3A_156 = tpu.memref_slice %arg8[%dma_wait3A_155] : memref<10000xi32, #tpu.memory_space<vmem>> -> memref<40xi32, #tpu.memory_space<vmem>>
        %dma_wait3A_157 = arith.constant 0 : i32
        %dma_wait3A_158 = arith.constant 0 : i32
        %dma_wait3A_159 = tpu.memref_slice %arg2[%dma_wait3A_157, %dma_wait3A_158] : memref<10240x128xf32, #tpu.memory_space<hbm>> -> memref<10240x128xf32, #tpu.memory_space<hbm>>
        tpu.wait_indirect_dma semaphore(%arg28 : memref<!tpu.dma_semaphore, #tpu.memory_space<semaphore_mem>>) src(%dma_wait3A_159 : memref<10240x128xf32, #tpu.memory_space<hbm>>) dst(%arg16 : memref<40x128xf32, #tpu.memory_space<vmem>>)
        %dma_start3A_160 = arith.constant 0 : i32
        %dma_start3A_161 = arith.constant 0 : i32
        %dma_start3A_162 = tpu.memref_slice %arg7[%dma_start3A_160, %dma_start3A_161] : memref<10240x128xf32, #tpu.memory_space<vmem_shared>> -> memref<10240x128xf32, #tpu.memory_space<vmem_shared>>
        tpu.enqueue_indirect_dma source(%arg16 : memref<40x128xf32, #tpu.memory_space<vmem>>) target(%dma_start3A_162 : memref<10240x128xf32, #tpu.memory_space<vmem_shared>>) offsets(%arg10 : memref<40xi32, #tpu.memory_space<vmem>>) semaphore(%arg34 : memref<!tpu.dma_semaphore, #tpu.memory_space<semaphore_mem>>) {add = true}
        %dma_wait3A_163 = tpu.memref_slice %arg4[%add3A_114] : memref<320000xi32, #tpu.memory_space<hbm>> -> memref<40xi32, #tpu.memory_space<hbm>>
        %dma_wait3A_164 = tpu.memref_slice %arg4[%add3A_114] : memref<320000xi32, #tpu.memory_space<hbm>> -> memref<40xi32, #tpu.memory_space<hbm>>
        tpu.wait_dma2 semaphore(%arg23 : memref<!tpu.dma_semaphore, #tpu.memory_space<semaphore_mem>>) src(%dma_wait3A_164 : memref<40xi32, #tpu.memory_space<hbm>>) dst(%arg11 : memref<40xi32, #tpu.memory_space<vmem>>)
        %dma_wait3A_165 = arith.constant 40 : i32
        %dma_wait3A_166 = tpu.memref_slice %arg8[%dma_wait3A_165] : memref<10000xi32, #tpu.memory_space<vmem>> -> memref<40xi32, #tpu.memory_space<vmem>>
        %dma_wait3A_167 = arith.constant 0 : i32
        %dma_wait3A_168 = arith.constant 0 : i32
        %dma_wait3A_169 = tpu.memref_slice %arg2[%dma_wait3A_167, %dma_wait3A_168] : memref<10240x128xf32, #tpu.memory_space<hbm>> -> memref<10240x128xf32, #tpu.memory_space<hbm>>
        tpu.wait_indirect_dma semaphore(%arg29 : memref<!tpu.dma_semaphore, #tpu.memory_space<semaphore_mem>>) src(%dma_wait3A_169 : memref<10240x128xf32, #tpu.memory_space<hbm>>) dst(%arg17 : memref<40x128xf32, #tpu.memory_space<vmem>>)
        %dma_start3A_170 = arith.constant 0 : i32
        %dma_start3A_171 = arith.constant 0 : i32
        %dma_start3A_172 = tpu.memref_slice %arg7[%dma_start3A_170, %dma_start3A_171] : memref<10240x128xf32, #tpu.memory_space<vmem_shared>> -> memref<10240x128xf32, #tpu.memory_space<vmem_shared>>
        tpu.enqueue_indirect_dma source(%arg17 : memref<40x128xf32, #tpu.memory_space<vmem>>) target(%dma_start3A_172 : memref<10240x128xf32, #tpu.memory_space<vmem_shared>>) offsets(%arg11 : memref<40xi32, #tpu.memory_space<vmem>>) semaphore(%arg35 : memref<!tpu.dma_semaphore, #tpu.memory_space<semaphore_mem>>) {add = true}
        %dma_wait3A_173 = tpu.memref_slice %arg4[%add3A_123] : memref<320000xi32, #tpu.memory_space<hbm>> -> memref<40xi32, #tpu.memory_space<hbm>>
        %dma_wait3A_174 = tpu.memref_slice %arg4[%add3A_123] : memref<320000xi32, #tpu.memory_space<hbm>> -> memref<40xi32, #tpu.memory_space<hbm>>
        tpu.wait_dma2 semaphore(%arg24 : memref<!tpu.dma_semaphore, #tpu.memory_space<semaphore_mem>>) src(%dma_wait3A_174 : memref<40xi32, #tpu.memory_space<hbm>>) dst(%arg12 : memref<40xi32, #tpu.memory_space<vmem>>)
        %dma_wait3A_175 = arith.constant 80 : i32
        %dma_wait3A_176 = tpu.memref_slice %arg8[%dma_wait3A_175] : memref<10000xi32, #tpu.memory_space<vmem>> -> memref<40xi32, #tpu.memory_space<vmem>>
        %dma_wait3A_177 = arith.constant 0 : i32
        %dma_wait3A_178 = arith.constant 0 : i32
        %dma_wait3A_179 = tpu.memref_slice %arg2[%dma_wait3A_177, %dma_wait3A_178] : memref<10240x128xf32, #tpu.memory_space<hbm>> -> memref<10240x128xf32, #tpu.memory_space<hbm>>
        tpu.wait_indirect_dma semaphore(%arg30 : memref<!tpu.dma_semaphore, #tpu.memory_space<semaphore_mem>>) src(%dma_wait3A_179 : memref<10240x128xf32, #tpu.memory_space<hbm>>) dst(%arg18 : memref<40x128xf32, #tpu.memory_space<vmem>>)
        %dma_start3A_180 = arith.constant 0 : i32
        %dma_start3A_181 = arith.constant 0 : i32
        %dma_start3A_182 = tpu.memref_slice %arg7[%dma_start3A_180, %dma_start3A_181] : memref<10240x128xf32, #tpu.memory_space<vmem_shared>> -> memref<10240x128xf32, #tpu.memory_space<vmem_shared>>
        tpu.enqueue_indirect_dma source(%arg18 : memref<40x128xf32, #tpu.memory_space<vmem>>) target(%dma_start3A_182 : memref<10240x128xf32, #tpu.memory_space<vmem_shared>>) offsets(%arg12 : memref<40xi32, #tpu.memory_space<vmem>>) semaphore(%arg36 : memref<!tpu.dma_semaphore, #tpu.memory_space<semaphore_mem>>) {add = true}
        %dma_wait3A_183 = tpu.memref_slice %arg4[%add3A_132] : memref<320000xi32, #tpu.memory_space<hbm>> -> memref<40xi32, #tpu.memory_space<hbm>>
        %dma_wait3A_184 = tpu.memref_slice %arg4[%add3A_132] : memref<320000xi32, #tpu.memory_space<hbm>> -> memref<40xi32, #tpu.memory_space<hbm>>
        tpu.wait_dma2 semaphore(%arg25 : memref<!tpu.dma_semaphore, #tpu.memory_space<semaphore_mem>>) src(%dma_wait3A_184 : memref<40xi32, #tpu.memory_space<hbm>>) dst(%arg13 : memref<40xi32, #tpu.memory_space<vmem>>)
        %dma_wait3A_185 = arith.constant 120 : i32
        %dma_wait3A_186 = tpu.memref_slice %arg8[%dma_wait3A_185] : memref<10000xi32, #tpu.memory_space<vmem>> -> memref<40xi32, #tpu.memory_space<vmem>>
        %dma_wait3A_187 = arith.constant 0 : i32
        %dma_wait3A_188 = arith.constant 0 : i32
        %dma_wait3A_189 = tpu.memref_slice %arg2[%dma_wait3A_187, %dma_wait3A_188] : memref<10240x128xf32, #tpu.memory_space<hbm>> -> memref<10240x128xf32, #tpu.memory_space<hbm>>
        tpu.wait_indirect_dma semaphore(%arg31 : memref<!tpu.dma_semaphore, #tpu.memory_space<semaphore_mem>>) src(%dma_wait3A_189 : memref<10240x128xf32, #tpu.memory_space<hbm>>) dst(%arg19 : memref<40x128xf32, #tpu.memory_space<vmem>>)
        %dma_start3A_190 = arith.constant 0 : i32
        %dma_start3A_191 = arith.constant 0 : i32
        %dma_start3A_192 = tpu.memref_slice %arg7[%dma_start3A_190, %dma_start3A_191] : memref<10240x128xf32, #tpu.memory_space<vmem_shared>> -> memref<10240x128xf32, #tpu.memory_space<vmem_shared>>
        tpu.enqueue_indirect_dma source(%arg19 : memref<40x128xf32, #tpu.memory_space<vmem>>) target(%dma_start3A_192 : memref<10240x128xf32, #tpu.memory_space<vmem_shared>>) offsets(%arg13 : memref<40xi32, #tpu.memory_space<vmem>>) semaphore(%arg37 : memref<!tpu.dma_semaphore, #tpu.memory_space<semaphore_mem>>) {add = true}
        %dma_wait3A_193 = tpu.memref_slice %arg4[%add3A_141] : memref<320000xi32, #tpu.memory_space<hbm>> -> memref<40xi32, #tpu.memory_space<hbm>>
        %dma_wait3A_194 = tpu.memref_slice %arg4[%add3A_141] : memref<320000xi32, #tpu.memory_space<hbm>> -> memref<40xi32, #tpu.memory_space<hbm>>
        tpu.wait_dma2 semaphore(%arg26 : memref<!tpu.dma_semaphore, #tpu.memory_space<semaphore_mem>>) src(%dma_wait3A_194 : memref<40xi32, #tpu.memory_space<hbm>>) dst(%arg14 : memref<40xi32, #tpu.memory_space<vmem>>)
        %dma_wait3A_195 = arith.constant 160 : i32
        %dma_wait3A_196 = tpu.memref_slice %arg8[%dma_wait3A_195] : memref<10000xi32, #tpu.memory_space<vmem>> -> memref<40xi32, #tpu.memory_space<vmem>>
        %dma_wait3A_197 = arith.constant 0 : i32
        %dma_wait3A_198 = arith.constant 0 : i32
        %dma_wait3A_199 = tpu.memref_slice %arg2[%dma_wait3A_197, %dma_wait3A_198] : memref<10240x128xf32, #tpu.memory_space<hbm>> -> memref<10240x128xf32, #tpu.memory_space<hbm>>
        tpu.wait_indirect_dma semaphore(%arg32 : memref<!tpu.dma_semaphore, #tpu.memory_space<semaphore_mem>>) src(%dma_wait3A_199 : memref<10240x128xf32, #tpu.memory_space<hbm>>) dst(%arg20 : memref<40x128xf32, #tpu.memory_space<vmem>>)
        %dma_start3A_200 = arith.constant 0 : i32
        %dma_start3A_201 = arith.constant 0 : i32
        %dma_start3A_202 = tpu.memref_slice %arg7[%dma_start3A_200, %dma_start3A_201] : memref<10240x128xf32, #tpu.memory_space<vmem_shared>> -> memref<10240x128xf32, #tpu.memory_space<vmem_shared>>
        tpu.enqueue_indirect_dma source(%arg20 : memref<40x128xf32, #tpu.memory_space<vmem>>) target(%dma_start3A_202 : memref<10240x128xf32, #tpu.memory_space<vmem_shared>>) offsets(%arg14 : memref<40xi32, #tpu.memory_space<vmem>>) semaphore(%arg38 : memref<!tpu.dma_semaphore, #tpu.memory_space<semaphore_mem>>) {add = true}
        %dma_wait3A_203 = tpu.memref_slice %arg4[%add3A_150] : memref<320000xi32, #tpu.memory_space<hbm>> -> memref<40xi32, #tpu.memory_space<hbm>>
        %dma_wait3A_204 = tpu.memref_slice %arg4[%add3A_150] : memref<320000xi32, #tpu.memory_space<hbm>> -> memref<40xi32, #tpu.memory_space<hbm>>
        tpu.wait_dma2 semaphore(%arg27 : memref<!tpu.dma_semaphore, #tpu.memory_space<semaphore_mem>>) src(%dma_wait3A_204 : memref<40xi32, #tpu.memory_space<hbm>>) dst(%arg15 : memref<40xi32, #tpu.memory_space<vmem>>)
        %dma_wait3A_205 = arith.constant 200 : i32
        %dma_wait3A_206 = tpu.memref_slice %arg8[%dma_wait3A_205] : memref<10000xi32, #tpu.memory_space<vmem>> -> memref<40xi32, #tpu.memory_space<vmem>>
        %dma_wait3A_207 = arith.constant 0 : i32
        %dma_wait3A_208 = arith.constant 0 : i32
        %dma_wait3A_209 = tpu.memref_slice %arg2[%dma_wait3A_207, %dma_wait3A_208] : memref<10240x128xf32, #tpu.memory_space<hbm>> -> memref<10240x128xf32, #tpu.memory_space<hbm>>
        tpu.wait_indirect_dma semaphore(%arg33 : memref<!tpu.dma_semaphore, #tpu.memory_space<semaphore_mem>>) src(%dma_wait3A_209 : memref<10240x128xf32, #tpu.memory_space<hbm>>) dst(%arg21 : memref<40x128xf32, #tpu.memory_space<vmem>>)
        %dma_start3A_210 = arith.constant 0 : i32
        %dma_start3A_211 = arith.constant 0 : i32
        %dma_start3A_212 = tpu.memref_slice %arg7[%dma_start3A_210, %dma_start3A_211] : memref<10240x128xf32, #tpu.memory_space<vmem_shared>> -> memref<10240x128xf32, #tpu.memory_space<vmem_shared>>
        tpu.enqueue_indirect_dma source(%arg21 : memref<40x128xf32, #tpu.memory_space<vmem>>) target(%dma_start3A_212 : memref<10240x128xf32, #tpu.memory_space<vmem_shared>>) offsets(%arg15 : memref<40xi32, #tpu.memory_space<vmem>>) semaphore(%arg39 : memref<!tpu.dma_semaphore, #tpu.memory_space<semaphore_mem>>) {add = true}
      } else {
      }
      %gt3A = arith.constant 0 : i32
      %gt3A_94 = arith.cmpi sgt, %scan3A_90, %gt3A : i32
      %convert_element_type3A_95 = arith.extui %gt3A_94 : i1 to i32
      %cond3A_96 = arith.constant 0 : i32
      %cond3A_97 = arith.cmpi ne, %convert_element_type3A_95, %cond3A_96 : i32
      scf.if %cond3A_97 {
        %mul3A_99 = arith.constant 6 : i32
        %mul3A_100 = arith.muli %scan3A_90, %mul3A_99 : i32
        %mul3A_101 = arith.constant 40 : i32
        %mul3A_102 = arith.muli %mul3A_100, %mul3A_101 : i32
        %mul3A_103 = arith.constant 6 : i32
        %mul3A_104 = arith.muli %scan3A_90, %mul3A_103 : i32
        %mul3A_105 = arith.constant 40 : i32
        %mul3A_106 = arith.muli %mul3A_104, %mul3A_105 : i32
        %add3A_107 = arith.addi %mul3A_2, %mul3A_106 : i32
        %dma_wait3A_108 = arith.constant 0 : i32
        %dma_wait3A_109 = arith.constant 0 : i32
        %dma_wait3A_110 = tpu.memref_slice %arg7[%dma_wait3A_108, %dma_wait3A_109] : memref<10240x128xf32, #tpu.memory_space<vmem_shared>> -> memref<10240x128xf32, #tpu.memory_space<vmem_shared>>
        tpu.wait_indirect_dma semaphore(%arg34 : memref<!tpu.dma_semaphore, #tpu.memory_space<semaphore_mem>>) src(%arg16 : memref<40x128xf32, #tpu.memory_space<vmem>>) dst(%dma_wait3A_110 : memref<10240x128xf32, #tpu.memory_space<vmem_shared>>)
        %add3A_111 = arith.constant 0 : i32
        %add3A_112 = arith.addi %mul3A_102, %add3A_111 : i32
        %dma_start3A_113 = tpu.memref_slice %arg8[%add3A_112] : memref<10000xi32, #tpu.memory_space<vmem>> -> memref<40xi32, #tpu.memory_space<vmem>>
        %dma_start3A_114 = arith.constant 0 : i32
        %dma_start3A_115 = arith.constant 0 : i32
        %dma_start3A_116 = tpu.memref_slice %arg2[%dma_start3A_114, %dma_start3A_115] : memref<10240x128xf32, #tpu.memory_space<hbm>> -> memref<10240x128xf32, #tpu.memory_space<hbm>>
        tpu.enqueue_indirect_dma source(%dma_start3A_116 : memref<10240x128xf32, #tpu.memory_space<hbm>>) target(%arg16 : memref<40x128xf32, #tpu.memory_space<vmem>>) offsets(%dma_start3A_113 : memref<40xi32, #tpu.memory_space<vmem>>) semaphore(%arg28 : memref<!tpu.dma_semaphore, #tpu.memory_space<semaphore_mem>>)
        %add3A_117 = arith.constant 0 : i32
        %add3A_118 = arith.addi %add3A_107, %add3A_117 : i32
        %dma_start3A_119 = tpu.memref_slice %arg4[%add3A_118] : memref<320000xi32, #tpu.memory_space<hbm>> -> memref<40xi32, #tpu.memory_space<hbm>>
        %dma_start3A_120 = tpu.memref_slice %arg4[%add3A_118] : memref<320000xi32, #tpu.memory_space<hbm>> -> memref<40xi32, #tpu.memory_space<hbm>>
        tpu.enqueue_dma source(%dma_start3A_120 : memref<40xi32, #tpu.memory_space<hbm>>) target(%arg10 : memref<40xi32, #tpu.memory_space<vmem>>) target_semaphore(%arg22 : memref<!tpu.dma_semaphore, #tpu.memory_space<semaphore_mem>>)
        %dma_wait3A_121 = arith.constant 0 : i32
        %dma_wait3A_122 = arith.constant 0 : i32
        %dma_wait3A_123 = tpu.memref_slice %arg7[%dma_wait3A_121, %dma_wait3A_122] : memref<10240x128xf32, #tpu.memory_space<vmem_shared>> -> memref<10240x128xf32, #tpu.memory_space<vmem_shared>>
        tpu.wait_indirect_dma semaphore(%arg35 : memref<!tpu.dma_semaphore, #tpu.memory_space<semaphore_mem>>) src(%arg17 : memref<40x128xf32, #tpu.memory_space<vmem>>) dst(%dma_wait3A_123 : memref<10240x128xf32, #tpu.memory_space<vmem_shared>>)
        %add3A_124 = arith.constant 40 : i32
        %add3A_125 = arith.addi %mul3A_102, %add3A_124 : i32
        %dma_start3A_126 = tpu.memref_slice %arg8[%add3A_125] : memref<10000xi32, #tpu.memory_space<vmem>> -> memref<40xi32, #tpu.memory_space<vmem>>
        %dma_start3A_127 = arith.constant 0 : i32
        %dma_start3A_128 = arith.constant 0 : i32
        %dma_start3A_129 = tpu.memref_slice %arg2[%dma_start3A_127, %dma_start3A_128] : memref<10240x128xf32, #tpu.memory_space<hbm>> -> memref<10240x128xf32, #tpu.memory_space<hbm>>
        tpu.enqueue_indirect_dma source(%dma_start3A_129 : memref<10240x128xf32, #tpu.memory_space<hbm>>) target(%arg17 : memref<40x128xf32, #tpu.memory_space<vmem>>) offsets(%dma_start3A_126 : memref<40xi32, #tpu.memory_space<vmem>>) semaphore(%arg29 : memref<!tpu.dma_semaphore, #tpu.memory_space<semaphore_mem>>)
        %add3A_130 = arith.constant 40 : i32
        %add3A_131 = arith.addi %add3A_107, %add3A_130 : i32
        %dma_start3A_132 = tpu.memref_slice %arg4[%add3A_131] : memref<320000xi32, #tpu.memory_space<hbm>> -> memref<40xi32, #tpu.memory_space<hbm>>
        %dma_start3A_133 = tpu.memref_slice %arg4[%add3A_131] : memref<320000xi32, #tpu.memory_space<hbm>> -> memref<40xi32, #tpu.memory_space<hbm>>
        tpu.enqueue_dma source(%dma_start3A_133 : memref<40xi32, #tpu.memory_space<hbm>>) target(%arg11 : memref<40xi32, #tpu.memory_space<vmem>>) target_semaphore(%arg23 : memref<!tpu.dma_semaphore, #tpu.memory_space<semaphore_mem>>)
        %dma_wait3A_134 = arith.constant 0 : i32
        %dma_wait3A_135 = arith.constant 0 : i32
        %dma_wait3A_136 = tpu.memref_slice %arg7[%dma_wait3A_134, %dma_wait3A_135] : memref<10240x128xf32, #tpu.memory_space<vmem_shared>> -> memref<10240x128xf32, #tpu.memory_space<vmem_shared>>
        tpu.wait_indirect_dma semaphore(%arg36 : memref<!tpu.dma_semaphore, #tpu.memory_space<semaphore_mem>>) src(%arg18 : memref<40x128xf32, #tpu.memory_space<vmem>>) dst(%dma_wait3A_136 : memref<10240x128xf32, #tpu.memory_space<vmem_shared>>)
        %add3A_137 = arith.constant 80 : i32
        %add3A_138 = arith.addi %mul3A_102, %add3A_137 : i32
        %dma_start3A_139 = tpu.memref_slice %arg8[%add3A_138] : memref<10000xi32, #tpu.memory_space<vmem>> -> memref<40xi32, #tpu.memory_space<vmem>>
        %dma_start3A_140 = arith.constant 0 : i32
        %dma_start3A_141 = arith.constant 0 : i32
        %dma_start3A_142 = tpu.memref_slice %arg2[%dma_start3A_140, %dma_start3A_141] : memref<10240x128xf32, #tpu.memory_space<hbm>> -> memref<10240x128xf32, #tpu.memory_space<hbm>>
        tpu.enqueue_indirect_dma source(%dma_start3A_142 : memref<10240x128xf32, #tpu.memory_space<hbm>>) target(%arg18 : memref<40x128xf32, #tpu.memory_space<vmem>>) offsets(%dma_start3A_139 : memref<40xi32, #tpu.memory_space<vmem>>) semaphore(%arg30 : memref<!tpu.dma_semaphore, #tpu.memory_space<semaphore_mem>>)
        %add3A_143 = arith.constant 80 : i32
        %add3A_144 = arith.addi %add3A_107, %add3A_143 : i32
        %dma_start3A_145 = tpu.memref_slice %arg4[%add3A_144] : memref<320000xi32, #tpu.memory_space<hbm>> -> memref<40xi32, #tpu.memory_space<hbm>>
        %dma_start3A_146 = tpu.memref_slice %arg4[%add3A_144] : memref<320000xi32, #tpu.memory_space<hbm>> -> memref<40xi32, #tpu.memory_space<hbm>>
        tpu.enqueue_dma source(%dma_start3A_146 : memref<40xi32, #tpu.memory_space<hbm>>) target(%arg12 : memref<40xi32, #tpu.memory_space<vmem>>) target_semaphore(%arg24 : memref<!tpu.dma_semaphore, #tpu.memory_space<semaphore_mem>>)
        %dma_wait3A_147 = arith.constant 0 : i32
        %dma_wait3A_148 = arith.constant 0 : i32
        %dma_wait3A_149 = tpu.memref_slice %arg7[%dma_wait3A_147, %dma_wait3A_148] : memref<10240x128xf32, #tpu.memory_space<vmem_shared>> -> memref<10240x128xf32, #tpu.memory_space<vmem_shared>>
        tpu.wait_indirect_dma semaphore(%arg37 : memref<!tpu.dma_semaphore, #tpu.memory_space<semaphore_mem>>) src(%arg19 : memref<40x128xf32, #tpu.memory_space<vmem>>) dst(%dma_wait3A_149 : memref<10240x128xf32, #tpu.memory_space<vmem_shared>>)
        %add3A_150 = arith.constant 120 : i32
        %add3A_151 = arith.addi %mul3A_102, %add3A_150 : i32
        %dma_start3A_152 = tpu.memref_slice %arg8[%add3A_151] : memref<10000xi32, #tpu.memory_space<vmem>> -> memref<40xi32, #tpu.memory_space<vmem>>
        %dma_start3A_153 = arith.constant 0 : i32
        %dma_start3A_154 = arith.constant 0 : i32
        %dma_start3A_155 = tpu.memref_slice %arg2[%dma_start3A_153, %dma_start3A_154] : memref<10240x128xf32, #tpu.memory_space<hbm>> -> memref<10240x128xf32, #tpu.memory_space<hbm>>
        tpu.enqueue_indirect_dma source(%dma_start3A_155 : memref<10240x128xf32, #tpu.memory_space<hbm>>) target(%arg19 : memref<40x128xf32, #tpu.memory_space<vmem>>) offsets(%dma_start3A_152 : memref<40xi32, #tpu.memory_space<vmem>>) semaphore(%arg31 : memref<!tpu.dma_semaphore, #tpu.memory_space<semaphore_mem>>)
        %add3A_156 = arith.constant 120 : i32
        %add3A_157 = arith.addi %add3A_107, %add3A_156 : i32
        %dma_start3A_158 = tpu.memref_slice %arg4[%add3A_157] : memref<320000xi32, #tpu.memory_space<hbm>> -> memref<40xi32, #tpu.memory_space<hbm>>
        %dma_start3A_159 = tpu.memref_slice %arg4[%add3A_157] : memref<320000xi32, #tpu.memory_space<hbm>> -> memref<40xi32, #tpu.memory_space<hbm>>
        tpu.enqueue_dma source(%dma_start3A_159 : memref<40xi32, #tpu.memory_space<hbm>>) target(%arg13 : memref<40xi32, #tpu.memory_space<vmem>>) target_semaphore(%arg25 : memref<!tpu.dma_semaphore, #tpu.memory_space<semaphore_mem>>)
        %dma_wait3A_160 = arith.constant 0 : i32
        %dma_wait3A_161 = arith.constant 0 : i32
        %dma_wait3A_162 = tpu.memref_slice %arg7[%dma_wait3A_160, %dma_wait3A_161] : memref<10240x128xf32, #tpu.memory_space<vmem_shared>> -> memref<10240x128xf32, #tpu.memory_space<vmem_shared>>
        tpu.wait_indirect_dma semaphore(%arg38 : memref<!tpu.dma_semaphore, #tpu.memory_space<semaphore_mem>>) src(%arg20 : memref<40x128xf32, #tpu.memory_space<vmem>>) dst(%dma_wait3A_162 : memref<10240x128xf32, #tpu.memory_space<vmem_shared>>)
        %add3A_163 = arith.constant 160 : i32
        %add3A_164 = arith.addi %mul3A_102, %add3A_163 : i32
        %dma_start3A_165 = tpu.memref_slice %arg8[%add3A_164] : memref<10000xi32, #tpu.memory_space<vmem>> -> memref<40xi32, #tpu.memory_space<vmem>>
        %dma_start3A_166 = arith.constant 0 : i32
        %dma_start3A_167 = arith.constant 0 : i32
        %dma_start3A_168 = tpu.memref_slice %arg2[%dma_start3A_166, %dma_start3A_167] : memref<10240x128xf32, #tpu.memory_space<hbm>> -> memref<10240x128xf32, #tpu.memory_space<hbm>>
        tpu.enqueue_indirect_dma source(%dma_start3A_168 : memref<10240x128xf32, #tpu.memory_space<hbm>>) target(%arg20 : memref<40x128xf32, #tpu.memory_space<vmem>>) offsets(%dma_start3A_165 : memref<40xi32, #tpu.memory_space<vmem>>) semaphore(%arg32 : memref<!tpu.dma_semaphore, #tpu.memory_space<semaphore_mem>>)
        %add3A_169 = arith.constant 160 : i32
        %add3A_170 = arith.addi %add3A_107, %add3A_169 : i32
        %dma_start3A_171 = tpu.memref_slice %arg4[%add3A_170] : memref<320000xi32, #tpu.memory_space<hbm>> -> memref<40xi32, #tpu.memory_space<hbm>>
        %dma_start3A_172 = tpu.memref_slice %arg4[%add3A_170] : memref<320000xi32, #tpu.memory_space<hbm>> -> memref<40xi32, #tpu.memory_space<hbm>>
        tpu.enqueue_dma source(%dma_start3A_172 : memref<40xi32, #tpu.memory_space<hbm>>) target(%arg14 : memref<40xi32, #tpu.memory_space<vmem>>) target_semaphore(%arg26 : memref<!tpu.dma_semaphore, #tpu.memory_space<semaphore_mem>>)
        %dma_wait3A_173 = arith.constant 0 : i32
        %dma_wait3A_174 = arith.constant 0 : i32
        %dma_wait3A_175 = tpu.memref_slice %arg7[%dma_wait3A_173, %dma_wait3A_174] : memref<10240x128xf32, #tpu.memory_space<vmem_shared>> -> memref<10240x128xf32, #tpu.memory_space<vmem_shared>>
        tpu.wait_indirect_dma semaphore(%arg39 : memref<!tpu.dma_semaphore, #tpu.memory_space<semaphore_mem>>) src(%arg21 : memref<40x128xf32, #tpu.memory_space<vmem>>) dst(%dma_wait3A_175 : memref<10240x128xf32, #tpu.memory_space<vmem_shared>>)
        %add3A_176 = arith.constant 200 : i32
        %add3A_177 = arith.addi %mul3A_102, %add3A_176 : i32
        %dma_start3A_178 = tpu.memref_slice %arg8[%add3A_177] : memref<10000xi32, #tpu.memory_space<vmem>> -> memref<40xi32, #tpu.memory_space<vmem>>
        %dma_start3A_179 = arith.constant 0 : i32
        %dma_start3A_180 = arith.constant 0 : i32
        %dma_start3A_181 = tpu.memref_slice %arg2[%dma_start3A_179, %dma_start3A_180] : memref<10240x128xf32, #tpu.memory_space<hbm>> -> memref<10240x128xf32, #tpu.memory_space<hbm>>
        tpu.enqueue_indirect_dma source(%dma_start3A_181 : memref<10240x128xf32, #tpu.memory_space<hbm>>) target(%arg21 : memref<40x128xf32, #tpu.memory_space<vmem>>) offsets(%dma_start3A_178 : memref<40xi32, #tpu.memory_space<vmem>>) semaphore(%arg33 : memref<!tpu.dma_semaphore, #tpu.memory_space<semaphore_mem>>)
        %add3A_182 = arith.constant 200 : i32
        %add3A_183 = arith.addi %add3A_107, %add3A_182 : i32
        %dma_start3A_184 = tpu.memref_slice %arg4[%add3A_183] : memref<320000xi32, #tpu.memory_space<hbm>> -> memref<40xi32, #tpu.memory_space<hbm>>
        %dma_start3A_185 = tpu.memref_slice %arg4[%add3A_183] : memref<320000xi32, #tpu.memory_space<hbm>> -> memref<40xi32, #tpu.memory_space<hbm>>
        tpu.enqueue_dma source(%dma_start3A_185 : memref<40xi32, #tpu.memory_space<hbm>>) target(%arg15 : memref<40xi32, #tpu.memory_space<vmem>>) target_semaphore(%arg27 : memref<!tpu.dma_semaphore, #tpu.memory_space<semaphore_mem>>)
        %dma_wait3A_186 = tpu.memref_slice %arg4[%add3A_118] : memref<320000xi32, #tpu.memory_space<hbm>> -> memref<40xi32, #tpu.memory_space<hbm>>
        %dma_wait3A_187 = tpu.memref_slice %arg4[%add3A_118] : memref<320000xi32, #tpu.memory_space<hbm>> -> memref<40xi32, #tpu.memory_space<hbm>>
        tpu.wait_dma2 semaphore(%arg22 : memref<!tpu.dma_semaphore, #tpu.memory_space<semaphore_mem>>) src(%dma_wait3A_187 : memref<40xi32, #tpu.memory_space<hbm>>) dst(%arg10 : memref<40xi32, #tpu.memory_space<vmem>>)
        %dma_wait3A_188 = tpu.memref_slice %arg8[%add3A_112] : memref<10000xi32, #tpu.memory_space<vmem>> -> memref<40xi32, #tpu.memory_space<vmem>>
        %dma_wait3A_189 = arith.constant 0 : i32
        %dma_wait3A_190 = arith.constant 0 : i32
        %dma_wait3A_191 = tpu.memref_slice %arg2[%dma_wait3A_189, %dma_wait3A_190] : memref<10240x128xf32, #tpu.memory_space<hbm>> -> memref<10240x128xf32, #tpu.memory_space<hbm>>
        tpu.wait_indirect_dma semaphore(%arg28 : memref<!tpu.dma_semaphore, #tpu.memory_space<semaphore_mem>>) src(%dma_wait3A_191 : memref<10240x128xf32, #tpu.memory_space<hbm>>) dst(%arg16 : memref<40x128xf32, #tpu.memory_space<vmem>>)
        %dma_start3A_192 = arith.constant 0 : i32
        %dma_start3A_193 = arith.constant 0 : i32
        %dma_start3A_194 = tpu.memref_slice %arg7[%dma_start3A_192, %dma_start3A_193] : memref<10240x128xf32, #tpu.memory_space<vmem_shared>> -> memref<10240x128xf32, #tpu.memory_space<vmem_shared>>
        tpu.enqueue_indirect_dma source(%arg16 : memref<40x128xf32, #tpu.memory_space<vmem>>) target(%dma_start3A_194 : memref<10240x128xf32, #tpu.memory_space<vmem_shared>>) offsets(%arg10 : memref<40xi32, #tpu.memory_space<vmem>>) semaphore(%arg34 : memref<!tpu.dma_semaphore, #tpu.memory_space<semaphore_mem>>) {add = true}
        %dma_wait3A_195 = tpu.memref_slice %arg4[%add3A_131] : memref<320000xi32, #tpu.memory_space<hbm>> -> memref<40xi32, #tpu.memory_space<hbm>>
        %dma_wait3A_196 = tpu.memref_slice %arg4[%add3A_131] : memref<320000xi32, #tpu.memory_space<hbm>> -> memref<40xi32, #tpu.memory_space<hbm>>
        tpu.wait_dma2 semaphore(%arg23 : memref<!tpu.dma_semaphore, #tpu.memory_space<semaphore_mem>>) src(%dma_wait3A_196 : memref<40xi32, #tpu.memory_space<hbm>>) dst(%arg11 : memref<40xi32, #tpu.memory_space<vmem>>)
        %dma_wait3A_197 = tpu.memref_slice %arg8[%add3A_125] : memref<10000xi32, #tpu.memory_space<vmem>> -> memref<40xi32, #tpu.memory_space<vmem>>
        %dma_wait3A_198 = arith.constant 0 : i32
        %dma_wait3A_199 = arith.constant 0 : i32
        %dma_wait3A_200 = tpu.memref_slice %arg2[%dma_wait3A_198, %dma_wait3A_199] : memref<10240x128xf32, #tpu.memory_space<hbm>> -> memref<10240x128xf32, #tpu.memory_space<hbm>>
        tpu.wait_indirect_dma semaphore(%arg29 : memref<!tpu.dma_semaphore, #tpu.memory_space<semaphore_mem>>) src(%dma_wait3A_200 : memref<10240x128xf32, #tpu.memory_space<hbm>>) dst(%arg17 : memref<40x128xf32, #tpu.memory_space<vmem>>)
        %dma_start3A_201 = arith.constant 0 : i32
        %dma_start3A_202 = arith.constant 0 : i32
        %dma_start3A_203 = tpu.memref_slice %arg7[%dma_start3A_201, %dma_start3A_202] : memref<10240x128xf32, #tpu.memory_space<vmem_shared>> -> memref<10240x128xf32, #tpu.memory_space<vmem_shared>>
        tpu.enqueue_indirect_dma source(%arg17 : memref<40x128xf32, #tpu.memory_space<vmem>>) target(%dma_start3A_203 : memref<10240x128xf32, #tpu.memory_space<vmem_shared>>) offsets(%arg11 : memref<40xi32, #tpu.memory_space<vmem>>) semaphore(%arg35 : memref<!tpu.dma_semaphore, #tpu.memory_space<semaphore_mem>>) {add = true}
        %dma_wait3A_204 = tpu.memref_slice %arg4[%add3A_144] : memref<320000xi32, #tpu.memory_space<hbm>> -> memref<40xi32, #tpu.memory_space<hbm>>
        %dma_wait3A_205 = tpu.memref_slice %arg4[%add3A_144] : memref<320000xi32, #tpu.memory_space<hbm>> -> memref<40xi32, #tpu.memory_space<hbm>>
        tpu.wait_dma2 semaphore(%arg24 : memref<!tpu.dma_semaphore, #tpu.memory_space<semaphore_mem>>) src(%dma_wait3A_205 : memref<40xi32, #tpu.memory_space<hbm>>) dst(%arg12 : memref<40xi32, #tpu.memory_space<vmem>>)
        %dma_wait3A_206 = tpu.memref_slice %arg8[%add3A_138] : memref<10000xi32, #tpu.memory_space<vmem>> -> memref<40xi32, #tpu.memory_space<vmem>>
        %dma_wait3A_207 = arith.constant 0 : i32
        %dma_wait3A_208 = arith.constant 0 : i32
        %dma_wait3A_209 = tpu.memref_slice %arg2[%dma_wait3A_207, %dma_wait3A_208] : memref<10240x128xf32, #tpu.memory_space<hbm>> -> memref<10240x128xf32, #tpu.memory_space<hbm>>
        tpu.wait_indirect_dma semaphore(%arg30 : memref<!tpu.dma_semaphore, #tpu.memory_space<semaphore_mem>>) src(%dma_wait3A_209 : memref<10240x128xf32, #tpu.memory_space<hbm>>) dst(%arg18 : memref<40x128xf32, #tpu.memory_space<vmem>>)
        %dma_start3A_210 = arith.constant 0 : i32
        %dma_start3A_211 = arith.constant 0 : i32
        %dma_start3A_212 = tpu.memref_slice %arg7[%dma_start3A_210, %dma_start3A_211] : memref<10240x128xf32, #tpu.memory_space<vmem_shared>> -> memref<10240x128xf32, #tpu.memory_space<vmem_shared>>
        tpu.enqueue_indirect_dma source(%arg18 : memref<40x128xf32, #tpu.memory_space<vmem>>) target(%dma_start3A_212 : memref<10240x128xf32, #tpu.memory_space<vmem_shared>>) offsets(%arg12 : memref<40xi32, #tpu.memory_space<vmem>>) semaphore(%arg36 : memref<!tpu.dma_semaphore, #tpu.memory_space<semaphore_mem>>) {add = true}
        %dma_wait3A_213 = tpu.memref_slice %arg4[%add3A_157] : memref<320000xi32, #tpu.memory_space<hbm>> -> memref<40xi32, #tpu.memory_space<hbm>>
        %dma_wait3A_214 = tpu.memref_slice %arg4[%add3A_157] : memref<320000xi32, #tpu.memory_space<hbm>> -> memref<40xi32, #tpu.memory_space<hbm>>
        tpu.wait_dma2 semaphore(%arg25 : memref<!tpu.dma_semaphore, #tpu.memory_space<semaphore_mem>>) src(%dma_wait3A_214 : memref<40xi32, #tpu.memory_space<hbm>>) dst(%arg13 : memref<40xi32, #tpu.memory_space<vmem>>)
        %dma_wait3A_215 = tpu.memref_slice %arg8[%add3A_151] : memref<10000xi32, #tpu.memory_space<vmem>> -> memref<40xi32, #tpu.memory_space<vmem>>
        %dma_wait3A_216 = arith.constant 0 : i32
        %dma_wait3A_217 = arith.constant 0 : i32
        %dma_wait3A_218 = tpu.memref_slice %arg2[%dma_wait3A_216, %dma_wait3A_217] : memref<10240x128xf32, #tpu.memory_space<hbm>> -> memref<10240x128xf32, #tpu.memory_space<hbm>>
        tpu.wait_indirect_dma semaphore(%arg31 : memref<!tpu.dma_semaphore, #tpu.memory_space<semaphore_mem>>) src(%dma_wait3A_218 : memref<10240x128xf32, #tpu.memory_space<hbm>>) dst(%arg19 : memref<40x128xf32, #tpu.memory_space<vmem>>)
        %dma_start3A_219 = arith.constant 0 : i32
        %dma_start3A_220 = arith.constant 0 : i32
        %dma_start3A_221 = tpu.memref_slice %arg7[%dma_start3A_219, %dma_start3A_220] : memref<10240x128xf32, #tpu.memory_space<vmem_shared>> -> memref<10240x128xf32, #tpu.memory_space<vmem_shared>>
        tpu.enqueue_indirect_dma source(%arg19 : memref<40x128xf32, #tpu.memory_space<vmem>>) target(%dma_start3A_221 : memref<10240x128xf32, #tpu.memory_space<vmem_shared>>) offsets(%arg13 : memref<40xi32, #tpu.memory_space<vmem>>) semaphore(%arg37 : memref<!tpu.dma_semaphore, #tpu.memory_space<semaphore_mem>>) {add = true}
        %dma_wait3A_222 = tpu.memref_slice %arg4[%add3A_170] : memref<320000xi32, #tpu.memory_space<hbm>> -> memref<40xi32, #tpu.memory_space<hbm>>
        %dma_wait3A_223 = tpu.memref_slice %arg4[%add3A_170] : memref<320000xi32, #tpu.memory_space<hbm>> -> memref<40xi32, #tpu.memory_space<hbm>>
        tpu.wait_dma2 semaphore(%arg26 : memref<!tpu.dma_semaphore, #tpu.memory_space<semaphore_mem>>) src(%dma_wait3A_223 : memref<40xi32, #tpu.memory_space<hbm>>) dst(%arg14 : memref<40xi32, #tpu.memory_space<vmem>>)
        %dma_wait3A_224 = tpu.memref_slice %arg8[%add3A_164] : memref<10000xi32, #tpu.memory_space<vmem>> -> memref<40xi32, #tpu.memory_space<vmem>>
        %dma_wait3A_225 = arith.constant 0 : i32
        %dma_wait3A_226 = arith.constant 0 : i32
        %dma_wait3A_227 = tpu.memref_slice %arg2[%dma_wait3A_225, %dma_wait3A_226] : memref<10240x128xf32, #tpu.memory_space<hbm>> -> memref<10240x128xf32, #tpu.memory_space<hbm>>
        tpu.wait_indirect_dma semaphore(%arg32 : memref<!tpu.dma_semaphore, #tpu.memory_space<semaphore_mem>>) src(%dma_wait3A_227 : memref<10240x128xf32, #tpu.memory_space<hbm>>) dst(%arg20 : memref<40x128xf32, #tpu.memory_space<vmem>>)
        %dma_start3A_228 = arith.constant 0 : i32
        %dma_start3A_229 = arith.constant 0 : i32
        %dma_start3A_230 = tpu.memref_slice %arg7[%dma_start3A_228, %dma_start3A_229] : memref<10240x128xf32, #tpu.memory_space<vmem_shared>> -> memref<10240x128xf32, #tpu.memory_space<vmem_shared>>
        tpu.enqueue_indirect_dma source(%arg20 : memref<40x128xf32, #tpu.memory_space<vmem>>) target(%dma_start3A_230 : memref<10240x128xf32, #tpu.memory_space<vmem_shared>>) offsets(%arg14 : memref<40xi32, #tpu.memory_space<vmem>>) semaphore(%arg38 : memref<!tpu.dma_semaphore, #tpu.memory_space<semaphore_mem>>) {add = true}
        %dma_wait3A_231 = tpu.memref_slice %arg4[%add3A_183] : memref<320000xi32, #tpu.memory_space<hbm>> -> memref<40xi32, #tpu.memory_space<hbm>>
        %dma_wait3A_232 = tpu.memref_slice %arg4[%add3A_183] : memref<320000xi32, #tpu.memory_space<hbm>> -> memref<40xi32, #tpu.memory_space<hbm>>
        tpu.wait_dma2 semaphore(%arg27 : memref<!tpu.dma_semaphore, #tpu.memory_space<semaphore_mem>>) src(%dma_wait3A_232 : memref<40xi32, #tpu.memory_space<hbm>>) dst(%arg15 : memref<40xi32, #tpu.memory_space<vmem>>)
        %dma_wait3A_233 = tpu.memref_slice %arg8[%add3A_177] : memref<10000xi32, #tpu.memory_space<vmem>> -> memref<40xi32, #tpu.memory_space<vmem>>
        %dma_wait3A_234 = arith.constant 0 : i32
        %dma_wait3A_235 = arith.constant 0 : i32
        %dma_wait3A_236 = tpu.memref_slice %arg2[%dma_wait3A_234, %dma_wait3A_235] : memref<10240x128xf32, #tpu.memory_space<hbm>> -> memref<10240x128xf32, #tpu.memory_space<hbm>>
        tpu.wait_indirect_dma semaphore(%arg33 : memref<!tpu.dma_semaphore, #tpu.memory_space<semaphore_mem>>) src(%dma_wait3A_236 : memref<10240x128xf32, #tpu.memory_space<hbm>>) dst(%arg21 : memref<40x128xf32, #tpu.memory_space<vmem>>)
        %dma_start3A_237 = arith.constant 0 : i32
        %dma_start3A_238 = arith.constant 0 : i32
        %dma_start3A_239 = tpu.memref_slice %arg7[%dma_start3A_237, %dma_start3A_238] : memref<10240x128xf32, #tpu.memory_space<vmem_shared>> -> memref<10240x128xf32, #tpu.memory_space<vmem_shared>>
        tpu.enqueue_indirect_dma source(%arg21 : memref<40x128xf32, #tpu.memory_space<vmem>>) target(%dma_start3A_239 : memref<10240x128xf32, #tpu.memory_space<vmem_shared>>) offsets(%arg15 : memref<40xi32, #tpu.memory_space<vmem>>) semaphore(%arg39 : memref<!tpu.dma_semaphore, #tpu.memory_space<semaphore_mem>>) {add = true}
      } else {
      }
      %scan3A_98 = arith.constant 0 : i32
      scf.yield %scan3A_98 : i32
    }
    %scan3A_12 = arith.constant 41 : i32
    %dma_wait3A = arith.constant 0 : i32
    %dma_wait3A_13 = arith.constant 0 : i32
    %dma_wait3A_14 = tpu.memref_slice %arg7[%dma_wait3A, %dma_wait3A_13] : memref<10240x128xf32, #tpu.memory_space<vmem_shared>> -> memref<10240x128xf32, #tpu.memory_space<vmem_shared>>
    tpu.wait_indirect_dma semaphore(%arg34 : memref<!tpu.dma_semaphore, #tpu.memory_space<semaphore_mem>>) src(%arg16 : memref<40x128xf32, #tpu.memory_space<vmem>>) dst(%dma_wait3A_14 : memref<10240x128xf32, #tpu.memory_space<vmem_shared>>)
    %dma_wait3A_15 = arith.constant 0 : i32
    %dma_wait3A_16 = arith.constant 0 : i32
    %dma_wait3A_17 = tpu.memref_slice %arg7[%dma_wait3A_15, %dma_wait3A_16] : memref<10240x128xf32, #tpu.memory_space<vmem_shared>> -> memref<10240x128xf32, #tpu.memory_space<vmem_shared>>
    tpu.wait_indirect_dma semaphore(%arg35 : memref<!tpu.dma_semaphore, #tpu.memory_space<semaphore_mem>>) src(%arg17 : memref<40x128xf32, #tpu.memory_space<vmem>>) dst(%dma_wait3A_17 : memref<10240x128xf32, #tpu.memory_space<vmem_shared>>)
    %dma_wait3A_18 = arith.constant 0 : i32
    %dma_wait3A_19 = arith.constant 0 : i32
    %dma_wait3A_20 = tpu.memref_slice %arg7[%dma_wait3A_18, %dma_wait3A_19] : memref<10240x128xf32, #tpu.memory_space<vmem_shared>> -> memref<10240x128xf32, #tpu.memory_space<vmem_shared>>
    tpu.wait_indirect_dma semaphore(%arg36 : memref<!tpu.dma_semaphore, #tpu.memory_space<semaphore_mem>>) src(%arg18 : memref<40x128xf32, #tpu.memory_space<vmem>>) dst(%dma_wait3A_20 : memref<10240x128xf32, #tpu.memory_space<vmem_shared>>)
    %dma_wait3A_21 = arith.constant 0 : i32
    %dma_wait3A_22 = arith.constant 0 : i32
    %dma_wait3A_23 = tpu.memref_slice %arg7[%dma_wait3A_21, %dma_wait3A_22] : memref<10240x128xf32, #tpu.memory_space<vmem_shared>> -> memref<10240x128xf32, #tpu.memory_space<vmem_shared>>
    tpu.wait_indirect_dma semaphore(%arg37 : memref<!tpu.dma_semaphore, #tpu.memory_space<semaphore_mem>>) src(%arg19 : memref<40x128xf32, #tpu.memory_space<vmem>>) dst(%dma_wait3A_23 : memref<10240x128xf32, #tpu.memory_space<vmem_shared>>)
    %dma_wait3A_24 = arith.constant 0 : i32
    %dma_wait3A_25 = arith.constant 0 : i32
    %dma_wait3A_26 = tpu.memref_slice %arg7[%dma_wait3A_24, %dma_wait3A_25] : memref<10240x128xf32, #tpu.memory_space<vmem_shared>> -> memref<10240x128xf32, #tpu.memory_space<vmem_shared>>
    tpu.wait_indirect_dma semaphore(%arg38 : memref<!tpu.dma_semaphore, #tpu.memory_space<semaphore_mem>>) src(%arg20 : memref<40x128xf32, #tpu.memory_space<vmem>>) dst(%dma_wait3A_26 : memref<10240x128xf32, #tpu.memory_space<vmem_shared>>)
    %dma_wait3A_27 = arith.constant 0 : i32
    %dma_wait3A_28 = arith.constant 0 : i32
    %dma_wait3A_29 = tpu.memref_slice %arg7[%dma_wait3A_27, %dma_wait3A_28] : memref<10240x128xf32, #tpu.memory_space<vmem_shared>> -> memref<10240x128xf32, #tpu.memory_space<vmem_shared>>
    tpu.wait_indirect_dma semaphore(%arg39 : memref<!tpu.dma_semaphore, #tpu.memory_space<semaphore_mem>>) src(%arg21 : memref<40x128xf32, #tpu.memory_space<vmem>>) dst(%dma_wait3A_29 : memref<10240x128xf32, #tpu.memory_space<vmem_shared>>)
    %add3A_30 = arith.constant 9840 : i32
    %add3A_31 = arith.addi %mul3A_2, %add3A_30 : i32
    %add3A_32 = arith.constant 0 : i32
    %add3A_33 = arith.addi %add3A_31, %add3A_32 : i32
    "tpu.region"() ({
      %run_scoped3A = tpu.sem_alloc : memref<!tpu.dma_semaphore, #tpu.memory_space<semaphore_mem>>
      %dma_start3A_90 = tpu.memref_slice %arg4[%add3A_33] : memref<320000xi32, #tpu.memory_space<hbm>> -> memref<40xi32, #tpu.memory_space<hbm>>
      %dma_start3A_91 = tpu.memref_slice %arg4[%add3A_33] : memref<320000xi32, #tpu.memory_space<hbm>> -> memref<40xi32, #tpu.memory_space<hbm>>
      tpu.enqueue_dma source(%dma_start3A_91 : memref<40xi32, #tpu.memory_space<hbm>>) target(%arg10 : memref<40xi32, #tpu.memory_space<vmem>>) target_semaphore(%run_scoped3A : memref<!tpu.dma_semaphore, #tpu.memory_space<semaphore_mem>>)
      %dma_wait3A_92 = tpu.memref_slice %arg4[%add3A_33] : memref<320000xi32, #tpu.memory_space<hbm>> -> memref<40xi32, #tpu.memory_space<hbm>>
      %dma_wait3A_93 = tpu.memref_slice %arg4[%add3A_33] : memref<320000xi32, #tpu.memory_space<hbm>> -> memref<40xi32, #tpu.memory_space<hbm>>
      tpu.wait_dma2 semaphore(%run_scoped3A : memref<!tpu.dma_semaphore, #tpu.memory_space<semaphore_mem>>) src(%dma_wait3A_93 : memref<40xi32, #tpu.memory_space<hbm>>) dst(%arg10 : memref<40xi32, #tpu.memory_space<vmem>>)
      tpu.yield
    }) : () -> ()
    %dma_start3A = arith.constant 9840 : i32
    %dma_start3A_34 = tpu.memref_slice %arg8[%dma_start3A] : memref<10000xi32, #tpu.memory_space<vmem>> -> memref<40xi32, #tpu.memory_space<vmem>>
    %dma_start3A_35 = arith.constant 0 : i32
    %dma_start3A_36 = arith.constant 0 : i32
    %dma_start3A_37 = tpu.memref_slice %arg2[%dma_start3A_35, %dma_start3A_36] : memref<10240x128xf32, #tpu.memory_space<hbm>> -> memref<10240x128xf32, #tpu.memory_space<hbm>>
    tpu.enqueue_indirect_dma source(%dma_start3A_37 : memref<10240x128xf32, #tpu.memory_space<hbm>>) target(%arg16 : memref<40x128xf32, #tpu.memory_space<vmem>>) offsets(%dma_start3A_34 : memref<40xi32, #tpu.memory_space<vmem>>) semaphore(%arg28 : memref<!tpu.dma_semaphore, #tpu.memory_space<semaphore_mem>>)
    %dma_wait3A_38 = arith.constant 9840 : i32
    %dma_wait3A_39 = tpu.memref_slice %arg8[%dma_wait3A_38] : memref<10000xi32, #tpu.memory_space<vmem>> -> memref<40xi32, #tpu.memory_space<vmem>>
    %dma_wait3A_40 = arith.constant 0 : i32
    %dma_wait3A_41 = arith.constant 0 : i32
    %dma_wait3A_42 = tpu.memref_slice %arg2[%dma_wait3A_40, %dma_wait3A_41] : memref<10240x128xf32, #tpu.memory_space<hbm>> -> memref<10240x128xf32, #tpu.memory_space<hbm>>
    tpu.wait_indirect_dma semaphore(%arg28 : memref<!tpu.dma_semaphore, #tpu.memory_space<semaphore_mem>>) src(%dma_wait3A_42 : memref<10240x128xf32, #tpu.memory_space<hbm>>) dst(%arg16 : memref<40x128xf32, #tpu.memory_space<vmem>>)
    "tpu.region"() ({
      %run_scoped3A = tpu.sem_alloc : memref<!tpu.dma_semaphore, #tpu.memory_space<semaphore_mem>>
      %dma_start3A_90 = arith.constant 0 : i32
      %dma_start3A_91 = arith.constant 0 : i32
      %dma_start3A_92 = tpu.memref_slice %arg7[%dma_start3A_90, %dma_start3A_91] : memref<10240x128xf32, #tpu.memory_space<vmem_shared>> -> memref<10240x128xf32, #tpu.memory_space<vmem_shared>>
      tpu.enqueue_indirect_dma source(%arg16 : memref<40x128xf32, #tpu.memory_space<vmem>>) target(%dma_start3A_92 : memref<10240x128xf32, #tpu.memory_space<vmem_shared>>) offsets(%arg10 : memref<40xi32, #tpu.memory_space<vmem>>) semaphore(%run_scoped3A : memref<!tpu.dma_semaphore, #tpu.memory_space<semaphore_mem>>) {add = true}
      %dma_wait3A_93 = arith.constant 0 : i32
      %dma_wait3A_94 = arith.constant 0 : i32
      %dma_wait3A_95 = tpu.memref_slice %arg7[%dma_wait3A_93, %dma_wait3A_94] : memref<10240x128xf32, #tpu.memory_space<vmem_shared>> -> memref<10240x128xf32, #tpu.memory_space<vmem_shared>>
      tpu.wait_indirect_dma semaphore(%run_scoped3A : memref<!tpu.dma_semaphore, #tpu.memory_space<semaphore_mem>>) src(%arg16 : memref<40x128xf32, #tpu.memory_space<vmem>>) dst(%dma_wait3A_95 : memref<10240x128xf32, #tpu.memory_space<vmem_shared>>)
      tpu.yield
    }) : () -> ()
    %add3A_43 = arith.constant 9840 : i32
    %add3A_44 = arith.addi %mul3A_2, %add3A_43 : i32
    %add3A_45 = arith.constant 40 : i32
    %add3A_46 = arith.addi %add3A_44, %add3A_45 : i32
    "tpu.region"() ({
      %run_scoped3A = tpu.sem_alloc : memref<!tpu.dma_semaphore, #tpu.memory_space<semaphore_mem>>
      %dma_start3A_90 = tpu.memref_slice %arg4[%add3A_46] : memref<320000xi32, #tpu.memory_space<hbm>> -> memref<40xi32, #tpu.memory_space<hbm>>
      %dma_start3A_91 = tpu.memref_slice %arg4[%add3A_46] : memref<320000xi32, #tpu.memory_space<hbm>> -> memref<40xi32, #tpu.memory_space<hbm>>
      tpu.enqueue_dma source(%dma_start3A_91 : memref<40xi32, #tpu.memory_space<hbm>>) target(%arg11 : memref<40xi32, #tpu.memory_space<vmem>>) target_semaphore(%run_scoped3A : memref<!tpu.dma_semaphore, #tpu.memory_space<semaphore_mem>>)
      %dma_wait3A_92 = tpu.memref_slice %arg4[%add3A_46] : memref<320000xi32, #tpu.memory_space<hbm>> -> memref<40xi32, #tpu.memory_space<hbm>>
      %dma_wait3A_93 = tpu.memref_slice %arg4[%add3A_46] : memref<320000xi32, #tpu.memory_space<hbm>> -> memref<40xi32, #tpu.memory_space<hbm>>
      tpu.wait_dma2 semaphore(%run_scoped3A : memref<!tpu.dma_semaphore, #tpu.memory_space<semaphore_mem>>) src(%dma_wait3A_93 : memref<40xi32, #tpu.memory_space<hbm>>) dst(%arg11 : memref<40xi32, #tpu.memory_space<vmem>>)
      tpu.yield
    }) : () -> ()
    %dma_start3A_47 = arith.constant 9880 : i32
    %dma_start3A_48 = tpu.memref_slice %arg8[%dma_start3A_47] : memref<10000xi32, #tpu.memory_space<vmem>> -> memref<40xi32, #tpu.memory_space<vmem>>
    %dma_start3A_49 = arith.constant 0 : i32
    %dma_start3A_50 = arith.constant 0 : i32
    %dma_start3A_51 = tpu.memref_slice %arg2[%dma_start3A_49, %dma_start3A_50] : memref<10240x128xf32, #tpu.memory_space<hbm>> -> memref<10240x128xf32, #tpu.memory_space<hbm>>
    tpu.enqueue_indirect_dma source(%dma_start3A_51 : memref<10240x128xf32, #tpu.memory_space<hbm>>) target(%arg17 : memref<40x128xf32, #tpu.memory_space<vmem>>) offsets(%dma_start3A_48 : memref<40xi32, #tpu.memory_space<vmem>>) semaphore(%arg29 : memref<!tpu.dma_semaphore, #tpu.memory_space<semaphore_mem>>)
    %dma_wait3A_52 = arith.constant 9880 : i32
    %dma_wait3A_53 = tpu.memref_slice %arg8[%dma_wait3A_52] : memref<10000xi32, #tpu.memory_space<vmem>> -> memref<40xi32, #tpu.memory_space<vmem>>
    %dma_wait3A_54 = arith.constant 0 : i32
    %dma_wait3A_55 = arith.constant 0 : i32
    %dma_wait3A_56 = tpu.memref_slice %arg2[%dma_wait3A_54, %dma_wait3A_55] : memref<10240x128xf32, #tpu.memory_space<hbm>> -> memref<10240x128xf32, #tpu.memory_space<hbm>>
    tpu.wait_indirect_dma semaphore(%arg29 : memref<!tpu.dma_semaphore, #tpu.memory_space<semaphore_mem>>) src(%dma_wait3A_56 : memref<10240x128xf32, #tpu.memory_space<hbm>>) dst(%arg17 : memref<40x128xf32, #tpu.memory_space<vmem>>)
    "tpu.region"() ({
      %run_scoped3A = tpu.sem_alloc : memref<!tpu.dma_semaphore, #tpu.memory_space<semaphore_mem>>
      %dma_start3A_90 = arith.constant 0 : i32
      %dma_start3A_91 = arith.constant 0 : i32
      %dma_start3A_92 = tpu.memref_slice %arg7[%dma_start3A_90, %dma_start3A_91] : memref<10240x128xf32, #tpu.memory_space<vmem_shared>> -> memref<10240x128xf32, #tpu.memory_space<vmem_shared>>
      tpu.enqueue_indirect_dma source(%arg17 : memref<40x128xf32, #tpu.memory_space<vmem>>) target(%dma_start3A_92 : memref<10240x128xf32, #tpu.memory_space<vmem_shared>>) offsets(%arg11 : memref<40xi32, #tpu.memory_space<vmem>>) semaphore(%run_scoped3A : memref<!tpu.dma_semaphore, #tpu.memory_space<semaphore_mem>>) {add = true}
      %dma_wait3A_93 = arith.constant 0 : i32
      %dma_wait3A_94 = arith.constant 0 : i32
      %dma_wait3A_95 = tpu.memref_slice %arg7[%dma_wait3A_93, %dma_wait3A_94] : memref<10240x128xf32, #tpu.memory_space<vmem_shared>> -> memref<10240x128xf32, #tpu.memory_space<vmem_shared>>
      tpu.wait_indirect_dma semaphore(%run_scoped3A : memref<!tpu.dma_semaphore, #tpu.memory_space<semaphore_mem>>) src(%arg17 : memref<40x128xf32, #tpu.memory_space<vmem>>) dst(%dma_wait3A_95 : memref<10240x128xf32, #tpu.memory_space<vmem_shared>>)
      tpu.yield
    }) : () -> ()
    %add3A_57 = arith.constant 9840 : i32
    %add3A_58 = arith.addi %mul3A_2, %add3A_57 : i32
    %add3A_59 = arith.constant 80 : i32
    %add3A_60 = arith.addi %add3A_58, %add3A_59 : i32
    "tpu.region"() ({
      %run_scoped3A = tpu.sem_alloc : memref<!tpu.dma_semaphore, #tpu.memory_space<semaphore_mem>>
      %dma_start3A_90 = tpu.memref_slice %arg4[%add3A_60] : memref<320000xi32, #tpu.memory_space<hbm>> -> memref<40xi32, #tpu.memory_space<hbm>>
      %dma_start3A_91 = tpu.memref_slice %arg4[%add3A_60] : memref<320000xi32, #tpu.memory_space<hbm>> -> memref<40xi32, #tpu.memory_space<hbm>>
      tpu.enqueue_dma source(%dma_start3A_91 : memref<40xi32, #tpu.memory_space<hbm>>) target(%arg12 : memref<40xi32, #tpu.memory_space<vmem>>) target_semaphore(%run_scoped3A : memref<!tpu.dma_semaphore, #tpu.memory_space<semaphore_mem>>)
      %dma_wait3A_92 = tpu.memref_slice %arg4[%add3A_60] : memref<320000xi32, #tpu.memory_space<hbm>> -> memref<40xi32, #tpu.memory_space<hbm>>
      %dma_wait3A_93 = tpu.memref_slice %arg4[%add3A_60] : memref<320000xi32, #tpu.memory_space<hbm>> -> memref<40xi32, #tpu.memory_space<hbm>>
      tpu.wait_dma2 semaphore(%run_scoped3A : memref<!tpu.dma_semaphore, #tpu.memory_space<semaphore_mem>>) src(%dma_wait3A_93 : memref<40xi32, #tpu.memory_space<hbm>>) dst(%arg12 : memref<40xi32, #tpu.memory_space<vmem>>)
      tpu.yield
    }) : () -> ()
    %dma_start3A_61 = arith.constant 9920 : i32
    %dma_start3A_62 = tpu.memref_slice %arg8[%dma_start3A_61] : memref<10000xi32, #tpu.memory_space<vmem>> -> memref<40xi32, #tpu.memory_space<vmem>>
    %dma_start3A_63 = arith.constant 0 : i32
    %dma_start3A_64 = arith.constant 0 : i32
    %dma_start3A_65 = tpu.memref_slice %arg2[%dma_start3A_63, %dma_start3A_64] : memref<10240x128xf32, #tpu.memory_space<hbm>> -> memref<10240x128xf32, #tpu.memory_space<hbm>>
    tpu.enqueue_indirect_dma source(%dma_start3A_65 : memref<10240x128xf32, #tpu.memory_space<hbm>>) target(%arg18 : memref<40x128xf32, #tpu.memory_space<vmem>>) offsets(%dma_start3A_62 : memref<40xi32, #tpu.memory_space<vmem>>) semaphore(%arg30 : memref<!tpu.dma_semaphore, #tpu.memory_space<semaphore_mem>>)
    %dma_wait3A_66 = arith.constant 9920 : i32
    %dma_wait3A_67 = tpu.memref_slice %arg8[%dma_wait3A_66] : memref<10000xi32, #tpu.memory_space<vmem>> -> memref<40xi32, #tpu.memory_space<vmem>>
    %dma_wait3A_68 = arith.constant 0 : i32
    %dma_wait3A_69 = arith.constant 0 : i32
    %dma_wait3A_70 = tpu.memref_slice %arg2[%dma_wait3A_68, %dma_wait3A_69] : memref<10240x128xf32, #tpu.memory_space<hbm>> -> memref<10240x128xf32, #tpu.memory_space<hbm>>
    tpu.wait_indirect_dma semaphore(%arg30 : memref<!tpu.dma_semaphore, #tpu.memory_space<semaphore_mem>>) src(%dma_wait3A_70 : memref<10240x128xf32, #tpu.memory_space<hbm>>) dst(%arg18 : memref<40x128xf32, #tpu.memory_space<vmem>>)
    "tpu.region"() ({
      %run_scoped3A = tpu.sem_alloc : memref<!tpu.dma_semaphore, #tpu.memory_space<semaphore_mem>>
      %dma_start3A_90 = arith.constant 0 : i32
      %dma_start3A_91 = arith.constant 0 : i32
      %dma_start3A_92 = tpu.memref_slice %arg7[%dma_start3A_90, %dma_start3A_91] : memref<10240x128xf32, #tpu.memory_space<vmem_shared>> -> memref<10240x128xf32, #tpu.memory_space<vmem_shared>>
      tpu.enqueue_indirect_dma source(%arg18 : memref<40x128xf32, #tpu.memory_space<vmem>>) target(%dma_start3A_92 : memref<10240x128xf32, #tpu.memory_space<vmem_shared>>) offsets(%arg12 : memref<40xi32, #tpu.memory_space<vmem>>) semaphore(%run_scoped3A : memref<!tpu.dma_semaphore, #tpu.memory_space<semaphore_mem>>) {add = true}
      %dma_wait3A_93 = arith.constant 0 : i32
      %dma_wait3A_94 = arith.constant 0 : i32
      %dma_wait3A_95 = tpu.memref_slice %arg7[%dma_wait3A_93, %dma_wait3A_94] : memref<10240x128xf32, #tpu.memory_space<vmem_shared>> -> memref<10240x128xf32, #tpu.memory_space<vmem_shared>>
      tpu.wait_indirect_dma semaphore(%run_scoped3A : memref<!tpu.dma_semaphore, #tpu.memory_space<semaphore_mem>>) src(%arg18 : memref<40x128xf32, #tpu.memory_space<vmem>>) dst(%dma_wait3A_95 : memref<10240x128xf32, #tpu.memory_space<vmem_shared>>)
      tpu.yield
    }) : () -> ()
    %add3A_71 = arith.constant 9840 : i32
    %add3A_72 = arith.addi %mul3A_2, %add3A_71 : i32
    %add3A_73 = arith.constant 120 : i32
    %add3A_74 = arith.addi %add3A_72, %add3A_73 : i32
    "tpu.region"() ({
      %run_scoped3A = tpu.sem_alloc : memref<!tpu.dma_semaphore, #tpu.memory_space<semaphore_mem>>
      %dma_start3A_90 = tpu.memref_slice %arg4[%add3A_74] : memref<320000xi32, #tpu.memory_space<hbm>> -> memref<40xi32, #tpu.memory_space<hbm>>
      %dma_start3A_91 = tpu.memref_slice %arg4[%add3A_74] : memref<320000xi32, #tpu.memory_space<hbm>> -> memref<40xi32, #tpu.memory_space<hbm>>
      tpu.enqueue_dma source(%dma_start3A_91 : memref<40xi32, #tpu.memory_space<hbm>>) target(%arg13 : memref<40xi32, #tpu.memory_space<vmem>>) target_semaphore(%run_scoped3A : memref<!tpu.dma_semaphore, #tpu.memory_space<semaphore_mem>>)
      %dma_wait3A_92 = tpu.memref_slice %arg4[%add3A_74] : memref<320000xi32, #tpu.memory_space<hbm>> -> memref<40xi32, #tpu.memory_space<hbm>>
      %dma_wait3A_93 = tpu.memref_slice %arg4[%add3A_74] : memref<320000xi32, #tpu.memory_space<hbm>> -> memref<40xi32, #tpu.memory_space<hbm>>
      tpu.wait_dma2 semaphore(%run_scoped3A : memref<!tpu.dma_semaphore, #tpu.memory_space<semaphore_mem>>) src(%dma_wait3A_93 : memref<40xi32, #tpu.memory_space<hbm>>) dst(%arg13 : memref<40xi32, #tpu.memory_space<vmem>>)
      tpu.yield
    }) : () -> ()
    %dma_start3A_75 = arith.constant 9960 : i32
    %dma_start3A_76 = tpu.memref_slice %arg8[%dma_start3A_75] : memref<10000xi32, #tpu.memory_space<vmem>> -> memref<40xi32, #tpu.memory_space<vmem>>
    %dma_start3A_77 = arith.constant 0 : i32
    %dma_start3A_78 = arith.constant 0 : i32
    %dma_start3A_79 = tpu.memref_slice %arg2[%dma_start3A_77, %dma_start3A_78] : memref<10240x128xf32, #tpu.memory_space<hbm>> -> memref<10240x128xf32, #tpu.memory_space<hbm>>
    tpu.enqueue_indirect_dma source(%dma_start3A_79 : memref<10240x128xf32, #tpu.memory_space<hbm>>) target(%arg19 : memref<40x128xf32, #tpu.memory_space<vmem>>) offsets(%dma_start3A_76 : memref<40xi32, #tpu.memory_space<vmem>>) semaphore(%arg31 : memref<!tpu.dma_semaphore, #tpu.memory_space<semaphore_mem>>)
    %dma_wait3A_80 = arith.constant 9960 : i32
    %dma_wait3A_81 = tpu.memref_slice %arg8[%dma_wait3A_80] : memref<10000xi32, #tpu.memory_space<vmem>> -> memref<40xi32, #tpu.memory_space<vmem>>
    %dma_wait3A_82 = arith.constant 0 : i32
    %dma_wait3A_83 = arith.constant 0 : i32
    %dma_wait3A_84 = tpu.memref_slice %arg2[%dma_wait3A_82, %dma_wait3A_83] : memref<10240x128xf32, #tpu.memory_space<hbm>> -> memref<10240x128xf32, #tpu.memory_space<hbm>>
    tpu.wait_indirect_dma semaphore(%arg31 : memref<!tpu.dma_semaphore, #tpu.memory_space<semaphore_mem>>) src(%dma_wait3A_84 : memref<10240x128xf32, #tpu.memory_space<hbm>>) dst(%arg19 : memref<40x128xf32, #tpu.memory_space<vmem>>)
    "tpu.region"() ({
      %run_scoped3A = tpu.sem_alloc : memref<!tpu.dma_semaphore, #tpu.memory_space<semaphore_mem>>
      %dma_start3A_90 = arith.constant 0 : i32
      %dma_start3A_91 = arith.constant 0 : i32
      %dma_start3A_92 = tpu.memref_slice %arg7[%dma_start3A_90, %dma_start3A_91] : memref<10240x128xf32, #tpu.memory_space<vmem_shared>> -> memref<10240x128xf32, #tpu.memory_space<vmem_shared>>
      tpu.enqueue_indirect_dma source(%arg19 : memref<40x128xf32, #tpu.memory_space<vmem>>) target(%dma_start3A_92 : memref<10240x128xf32, #tpu.memory_space<vmem_shared>>) offsets(%arg13 : memref<40xi32, #tpu.memory_space<vmem>>) semaphore(%run_scoped3A : memref<!tpu.dma_semaphore, #tpu.memory_space<semaphore_mem>>) {add = true}
      %dma_wait3A_93 = arith.constant 0 : i32
      %dma_wait3A_94 = arith.constant 0 : i32
      %dma_wait3A_95 = tpu.memref_slice %arg7[%dma_wait3A_93, %dma_wait3A_94] : memref<10240x128xf32, #tpu.memory_space<vmem_shared>> -> memref<10240x128xf32, #tpu.memory_space<vmem_shared>>
      tpu.wait_indirect_dma semaphore(%run_scoped3A : memref<!tpu.dma_semaphore, #tpu.memory_space<semaphore_mem>>) src(%arg19 : memref<40x128xf32, #tpu.memory_space<vmem>>) dst(%dma_wait3A_95 : memref<10240x128xf32, #tpu.memory_space<vmem_shared>>)
      tpu.yield
    }) : () -> ()
    %barrier3A_85 = arith.constant 0 : index
    tpu.barrier barrier_id(%barrier3A_85)
    %mul3A_86 = arith.constant 640 : i32
    %mul3A_87 = arith.muli %arg1, %mul3A_86 : i32
    %mul3A_88 = arith.constant 640 : i32
    %mul3A_89 = arith.muli %arg1, %mul3A_88 : i32
    "tpu.region"() ({
      %run_scoped3A = tpu.sem_alloc : memref<!tpu.dma_semaphore, #tpu.memory_space<semaphore_mem>>
      %dma_start3A_90 = arith.constant 0 : i32
      %dma_start3A_91 = tpu.memref_slice %arg6[%arg0, %mul3A_89, %dma_start3A_90] : memref<2x10240x128xf32, #tpu.memory_space<hbm>> -> memref<1x640x128xf32, #tpu.memory_space<hbm>>
      %dma_start3A_92 = tpu.memref_squeeze %dma_start3A_91 : memref<1x640x128xf32, #tpu.memory_space<hbm>> -> memref<640x128xf32, #tpu.memory_space<hbm>>
      %dma_start3A_93 = arith.constant 0 : i32
      %dma_start3A_94 = tpu.memref_slice %arg7[%mul3A_87, %dma_start3A_93] : memref<10240x128xf32, #tpu.memory_space<vmem_shared>> -> memref<640x128xf32, #tpu.memory_space<vmem_shared>>
      tpu.enqueue_dma source(%dma_start3A_94 : memref<640x128xf32, #tpu.memory_space<vmem_shared>>) target(%dma_start3A_92 : memref<640x128xf32, #tpu.memory_space<hbm>>) target_semaphore(%run_scoped3A : memref<!tpu.dma_semaphore, #tpu.memory_space<semaphore_mem>>)
      %dma_wait3A_95 = arith.constant 0 : i32
      %dma_wait3A_96 = tpu.memref_slice %arg6[%arg0, %mul3A_89, %dma_wait3A_95] : memref<2x10240x128xf32, #tpu.memory_space<hbm>> -> memref<1x640x128xf32, #tpu.memory_space<hbm>>
      %dma_wait3A_97 = tpu.memref_squeeze %dma_wait3A_96 : memref<1x640x128xf32, #tpu.memory_space<hbm>> -> memref<640x128xf32, #tpu.memory_space<hbm>>
      %dma_wait3A_98 = arith.constant 0 : i32
      %dma_wait3A_99 = tpu.memref_slice %arg7[%mul3A_87, %dma_wait3A_98] : memref<10240x128xf32, #tpu.memory_space<vmem_shared>> -> memref<640x128xf32, #tpu.memory_space<vmem_shared>>
      tpu.wait_dma2 semaphore(%run_scoped3A : memref<!tpu.dma_semaphore, #tpu.memory_space<semaphore_mem>>) src(%dma_wait3A_99 : memref<640x128xf32, #tpu.memory_space<vmem_shared>>) dst(%dma_wait3A_97 : memref<640x128xf32, #tpu.memory_space<hbm>>)
      tpu.yield
    }) : () -> ()
    return
  }
}

#map = affine_map<(d0, d1) -> (0, 0)>
#map1 = affine_map<(d0, d1) -> (0)>
#map2 = affine_map<(d0, d1) -> (0, 0, 0)>
module attributes {stable_mosaic.version = 14 : i64} {
  func.func @_sc_agg_body(%arg0: i32, %arg1: i32, %arg2: memref<10240x128xf32, #tpu.memory_space<hbm>>, %arg3: memref<320000xi32, #tpu.memory_space<hbm>>, %arg4: memref<320000xi32, #tpu.memory_space<hbm>>, %arg5: memref<10240x128xf32, #tpu.memory_space<hbm>>, %arg6: memref<2x10240x128xf32, #tpu.memory_space<hbm>>, %arg7: memref<10240x128xf32, #tpu.memory_space<vmem_shared>>, %arg8: memref<10000xi32, #tpu.memory_space<vmem>>, %arg9: memref<8xi32, #tpu.memory_space<vmem>>, %arg10: memref<40xi32, #tpu.memory_space<vmem>>, %arg11: memref<40xi32, #tpu.memory_space<vmem>>, %arg12: memref<40xi32, #tpu.memory_space<vmem>>, %arg13: memref<40xi32, #tpu.memory_space<vmem>>, %arg14: memref<40xi32, #tpu.memory_space<vmem>>, %arg15: memref<40xi32, #tpu.memory_space<vmem>>, %arg16: memref<40x128xf32, #tpu.memory_space<vmem>>, %arg17: memref<40x128xf32, #tpu.memory_space<vmem>>, %arg18: memref<40x128xf32, #tpu.memory_space<vmem>>, %arg19: memref<40x128xf32, #tpu.memory_space<vmem>>, %arg20: memref<40x128xf32, #tpu.memory_space<vmem>>, %arg21: memref<40x128xf32, #tpu.memory_space<vmem>>, %arg22: memref<!tpu.dma_semaphore, #tpu.memory_space<semaphore_mem>>, %arg23: memref<!tpu.dma_semaphore, #tpu.memory_space<semaphore_mem>>, %arg24: memref<!tpu.dma_semaphore, #tpu.memory_space<semaphore_mem>>, %arg25: memref<!tpu.dma_semaphore, #tpu.memory_space<semaphore_mem>>, %arg26: memref<!tpu.dma_semaphore, #tpu.memory_space<semaphore_mem>>, %arg27: memref<!tpu.dma_semaphore, #tpu.memory_space<semaphore_mem>>, %arg28: memref<!tpu.dma_semaphore, #tpu.memory_space<semaphore_mem>>, %arg29: memref<!tpu.dma_semaphore, #tpu.memory_space<semaphore_mem>>, %arg30: memref<!tpu.dma_semaphore, #tpu.memory_space<semaphore_mem>>, %arg31: memref<!tpu.dma_semaphore, #tpu.memory_space<semaphore_mem>>, %arg32: memref<!tpu.dma_semaphore, #tpu.memory_space<semaphore_mem>>, %arg33: memref<!tpu.dma_semaphore, #tpu.memory_space<semaphore_mem>>, %arg34: memref<!tpu.dma_semaphore, #tpu.memory_space<semaphore_mem>>, %arg35: memref<!tpu.dma_semaphore, #tpu.memory_space<semaphore_mem>>, %arg36: memref<!tpu.dma_semaphore, #tpu.memory_space<semaphore_mem>>, %arg37: memref<!tpu.dma_semaphore, #tpu.memory_space<semaphore_mem>>, %arg38: memref<!tpu.dma_semaphore, #tpu.memory_space<semaphore_mem>>, %arg39: memref<!tpu.dma_semaphore, #tpu.memory_space<semaphore_mem>>) attributes {dimension_semantics = [#tpu.dimension_semantics<core_parallel>, #tpu.dimension_semantics<subcore_parallel>], iteration_bounds = array<i64: 2, 16>, scalar_prefetch = 0 : i64, scratch_operands = 33 : i64, tpu.core_type = #tpu.core_type<sc_vector_subcore>, window_params = [{transform_indices = #map}, {transform_indices = #map1}, {transform_indices = #map1}, {transform_indices = #map}, {transform_indices = #map2}]} {
    %mul3A = arith.constant 16 : i32
    %mul3A_0 = arith.muli %arg0, %mul3A : i32
    %add3A = arith.addi %mul3A_0, %arg1 : i32
    %mul3A_1 = arith.constant 10000 : i32
    %mul3A_2 = arith.muli %add3A, %mul3A_1 : i32
    "tpu.region"() ({
      %run_scoped3A = tpu.sem_alloc : memref<!tpu.dma_semaphore, #tpu.memory_space<semaphore_mem>>
      %dma_start3A_90 = tpu.memref_slice %arg3[%mul3A_2] : memref<320000xi32, #tpu.memory_space<hbm>> -> memref<10000xi32, #tpu.memory_space<hbm>>
      %dma_start3A_91 = tpu.memref_slice %arg3[%mul3A_2] : memref<320000xi32, #tpu.memory_space<hbm>> -> memref<10000xi32, #tpu.memory_space<hbm>>
      tpu.enqueue_dma source(%dma_start3A_91 : memref<10000xi32, #tpu.memory_space<hbm>>) target(%arg8 : memref<10000xi32, #tpu.memory_space<vmem>>) target_semaphore(%run_scoped3A : memref<!tpu.dma_semaphore, #tpu.memory_space<semaphore_mem>>)
      %dma_wait3A_92 = tpu.memref_slice %arg3[%mul3A_2] : memref<320000xi32, #tpu.memory_space<hbm>> -> memref<10000xi32, #tpu.memory_space<hbm>>
      %dma_wait3A_93 = tpu.memref_slice %arg3[%mul3A_2] : memref<320000xi32, #tpu.memory_space<hbm>> -> memref<10000xi32, #tpu.memory_space<hbm>>
      tpu.wait_dma2 semaphore(%run_scoped3A : memref<!tpu.dma_semaphore, #tpu.memory_space<semaphore_mem>>) src(%dma_wait3A_93 : memref<10000xi32, #tpu.memory_space<hbm>>) dst(%arg8 : memref<10000xi32, #tpu.memory_space<vmem>>)
      tpu.yield
    }) : () -> ()
    %mul3A_3 = arith.constant 640 : i32
    %mul3A_4 = arith.muli %arg1, %mul3A_3 : i32
    %mul3A_5 = arith.constant 640 : i32
    %mul3A_6 = arith.muli %arg1, %mul3A_5 : i32
    "tpu.region"() ({
      %run_scoped3A = tpu.sem_alloc : memref<!tpu.dma_semaphore, #tpu.memory_space<semaphore_mem>>
      %dma_start3A_90 = arith.constant 0 : i32
      %dma_start3A_91 = tpu.memref_slice %arg7[%mul3A_6, %dma_start3A_90] : memref<10240x128xf32, #tpu.memory_space<vmem_shared>> -> memref<640x128xf32, #tpu.memory_space<vmem_shared>>
      %dma_start3A_92 = arith.constant 0 : i32
      %dma_start3A_93 = tpu.memref_slice %arg5[%mul3A_4, %dma_start3A_92] : memref<10240x128xf32, #tpu.memory_space<hbm>> -> memref<640x128xf32, #tpu.memory_space<hbm>>
      tpu.enqueue_dma source(%dma_start3A_93 : memref<640x128xf32, #tpu.memory_space<hbm>>) target(%dma_start3A_91 : memref<640x128xf32, #tpu.memory_space<vmem_shared>>) target_semaphore(%run_scoped3A : memref<!tpu.dma_semaphore, #tpu.memory_space<semaphore_mem>>)
      %dma_wait3A_94 = arith.constant 0 : i32
      %dma_wait3A_95 = tpu.memref_slice %arg7[%mul3A_6, %dma_wait3A_94] : memref<10240x128xf32, #tpu.memory_space<vmem_shared>> -> memref<640x128xf32, #tpu.memory_space<vmem_shared>>
      %dma_wait3A_96 = arith.constant 0 : i32
      %dma_wait3A_97 = tpu.memref_slice %arg5[%mul3A_4, %dma_wait3A_96] : memref<10240x128xf32, #tpu.memory_space<hbm>> -> memref<640x128xf32, #tpu.memory_space<hbm>>
      tpu.wait_dma2 semaphore(%run_scoped3A : memref<!tpu.dma_semaphore, #tpu.memory_space<semaphore_mem>>) src(%dma_wait3A_97 : memref<640x128xf32, #tpu.memory_space<hbm>>) dst(%dma_wait3A_95 : memref<640x128xf32, #tpu.memory_space<vmem_shared>>)
      tpu.yield
    }) : () -> ()
    %barrier3A = arith.constant 0 : index
    tpu.barrier barrier_id(%barrier3A)
    %scan3A = arith.constant 0 : i32
    %scan3A_7 = arith.constant 0 : i32
    %scan3A_8 = arith.constant 41 : i32
    %scan3A_9 = arith.addi %scan3A_7, %scan3A_8 : i32
    %scan3A_10 = arith.constant 1 : i32
    %scan3A_11 = scf.for %scan3A_90 = %scan3A_7 to %scan3A_9 step %scan3A_10 iter_args(%scan3A_91 = %scan3A) -> (i32)  : i32 {
      %eq3A = arith.constant 0 : i32
      %eq3A_92 = arith.cmpi eq, %scan3A_90, %eq3A : i32
      %convert_element_type3A = arith.extui %eq3A_92 : i1 to i32
      %cond3A = arith.constant 0 : i32
      %cond3A_93 = arith.cmpi ne, %convert_element_type3A, %cond3A : i32
      scf.if %cond3A_93 {
        %dma_start3A_99 = arith.constant 0 : i32
        %dma_start3A_100 = tpu.memref_slice %arg8[%dma_start3A_99] : memref<10000xi32, #tpu.memory_space<vmem>> -> memref<40xi32, #tpu.memory_space<vmem>>
        %dma_start3A_101 = arith.constant 0 : i32
        %dma_start3A_102 = arith.constant 0 : i32
        %dma_start3A_103 = tpu.memref_slice %arg2[%dma_start3A_101, %dma_start3A_102] : memref<10240x128xf32, #tpu.memory_space<hbm>> -> memref<10240x128xf32, #tpu.memory_space<hbm>>
        tpu.enqueue_indirect_dma source(%dma_start3A_103 : memref<10240x128xf32, #tpu.memory_space<hbm>>) target(%arg16 : memref<40x128xf32, #tpu.memory_space<vmem>>) offsets(%dma_start3A_100 : memref<40xi32, #tpu.memory_space<vmem>>) semaphore(%arg28 : memref<!tpu.dma_semaphore, #tpu.memory_space<semaphore_mem>>)
        %add3A_104 = arith.constant 0 : i32
        %add3A_105 = arith.addi %mul3A_2, %add3A_104 : i32
        %dma_start3A_106 = tpu.memref_slice %arg4[%add3A_105] : memref<320000xi32, #tpu.memory_space<hbm>> -> memref<40xi32, #tpu.memory_space<hbm>>
        %dma_start3A_107 = tpu.memref_slice %arg4[%add3A_105] : memref<320000xi32, #tpu.memory_space<hbm>> -> memref<40xi32, #tpu.memory_space<hbm>>
        tpu.enqueue_dma source(%dma_start3A_107 : memref<40xi32, #tpu.memory_space<hbm>>) target(%arg10 : memref<40xi32, #tpu.memory_space<vmem>>) target_semaphore(%arg22 : memref<!tpu.dma_semaphore, #tpu.memory_space<semaphore_mem>>)
        %dma_start3A_108 = arith.constant 40 : i32
        %dma_start3A_109 = tpu.memref_slice %arg8[%dma_start3A_108] : memref<10000xi32, #tpu.memory_space<vmem>> -> memref<40xi32, #tpu.memory_space<vmem>>
        %dma_start3A_110 = arith.constant 0 : i32
        %dma_start3A_111 = arith.constant 0 : i32
        %dma_start3A_112 = tpu.memref_slice %arg2[%dma_start3A_110, %dma_start3A_111] : memref<10240x128xf32, #tpu.memory_space<hbm>> -> memref<10240x128xf32, #tpu.memory_space<hbm>>
        tpu.enqueue_indirect_dma source(%dma_start3A_112 : memref<10240x128xf32, #tpu.memory_space<hbm>>) target(%arg17 : memref<40x128xf32, #tpu.memory_space<vmem>>) offsets(%dma_start3A_109 : memref<40xi32, #tpu.memory_space<vmem>>) semaphore(%arg29 : memref<!tpu.dma_semaphore, #tpu.memory_space<semaphore_mem>>)
        %add3A_113 = arith.constant 40 : i32
        %add3A_114 = arith.addi %mul3A_2, %add3A_113 : i32
        %dma_start3A_115 = tpu.memref_slice %arg4[%add3A_114] : memref<320000xi32, #tpu.memory_space<hbm>> -> memref<40xi32, #tpu.memory_space<hbm>>
        %dma_start3A_116 = tpu.memref_slice %arg4[%add3A_114] : memref<320000xi32, #tpu.memory_space<hbm>> -> memref<40xi32, #tpu.memory_space<hbm>>
        tpu.enqueue_dma source(%dma_start3A_116 : memref<40xi32, #tpu.memory_space<hbm>>) target(%arg11 : memref<40xi32, #tpu.memory_space<vmem>>) target_semaphore(%arg23 : memref<!tpu.dma_semaphore, #tpu.memory_space<semaphore_mem>>)
        %dma_start3A_117 = arith.constant 80 : i32
        %dma_start3A_118 = tpu.memref_slice %arg8[%dma_start3A_117] : memref<10000xi32, #tpu.memory_space<vmem>> -> memref<40xi32, #tpu.memory_space<vmem>>
        %dma_start3A_119 = arith.constant 0 : i32
        %dma_start3A_120 = arith.constant 0 : i32
        %dma_start3A_121 = tpu.memref_slice %arg2[%dma_start3A_119, %dma_start3A_120] : memref<10240x128xf32, #tpu.memory_space<hbm>> -> memref<10240x128xf32, #tpu.memory_space<hbm>>
        tpu.enqueue_indirect_dma source(%dma_start3A_121 : memref<10240x128xf32, #tpu.memory_space<hbm>>) target(%arg18 : memref<40x128xf32, #tpu.memory_space<vmem>>) offsets(%dma_start3A_118 : memref<40xi32, #tpu.memory_space<vmem>>) semaphore(%arg30 : memref<!tpu.dma_semaphore, #tpu.memory_space<semaphore_mem>>)
        %add3A_122 = arith.constant 80 : i32
        %add3A_123 = arith.addi %mul3A_2, %add3A_122 : i32
        %dma_start3A_124 = tpu.memref_slice %arg4[%add3A_123] : memref<320000xi32, #tpu.memory_space<hbm>> -> memref<40xi32, #tpu.memory_space<hbm>>
        %dma_start3A_125 = tpu.memref_slice %arg4[%add3A_123] : memref<320000xi32, #tpu.memory_space<hbm>> -> memref<40xi32, #tpu.memory_space<hbm>>
        tpu.enqueue_dma source(%dma_start3A_125 : memref<40xi32, #tpu.memory_space<hbm>>) target(%arg12 : memref<40xi32, #tpu.memory_space<vmem>>) target_semaphore(%arg24 : memref<!tpu.dma_semaphore, #tpu.memory_space<semaphore_mem>>)
        %dma_start3A_126 = arith.constant 120 : i32
        %dma_start3A_127 = tpu.memref_slice %arg8[%dma_start3A_126] : memref<10000xi32, #tpu.memory_space<vmem>> -> memref<40xi32, #tpu.memory_space<vmem>>
        %dma_start3A_128 = arith.constant 0 : i32
        %dma_start3A_129 = arith.constant 0 : i32
        %dma_start3A_130 = tpu.memref_slice %arg2[%dma_start3A_128, %dma_start3A_129] : memref<10240x128xf32, #tpu.memory_space<hbm>> -> memref<10240x128xf32, #tpu.memory_space<hbm>>
        tpu.enqueue_indirect_dma source(%dma_start3A_130 : memref<10240x128xf32, #tpu.memory_space<hbm>>) target(%arg19 : memref<40x128xf32, #tpu.memory_space<vmem>>) offsets(%dma_start3A_127 : memref<40xi32, #tpu.memory_space<vmem>>) semaphore(%arg31 : memref<!tpu.dma_semaphore, #tpu.memory_space<semaphore_mem>>)
        %add3A_131 = arith.constant 120 : i32
        %add3A_132 = arith.addi %mul3A_2, %add3A_131 : i32
        %dma_start3A_133 = tpu.memref_slice %arg4[%add3A_132] : memref<320000xi32, #tpu.memory_space<hbm>> -> memref<40xi32, #tpu.memory_space<hbm>>
        %dma_start3A_134 = tpu.memref_slice %arg4[%add3A_132] : memref<320000xi32, #tpu.memory_space<hbm>> -> memref<40xi32, #tpu.memory_space<hbm>>
        tpu.enqueue_dma source(%dma_start3A_134 : memref<40xi32, #tpu.memory_space<hbm>>) target(%arg13 : memref<40xi32, #tpu.memory_space<vmem>>) target_semaphore(%arg25 : memref<!tpu.dma_semaphore, #tpu.memory_space<semaphore_mem>>)
        %dma_start3A_135 = arith.constant 160 : i32
        %dma_start3A_136 = tpu.memref_slice %arg8[%dma_start3A_135] : memref<10000xi32, #tpu.memory_space<vmem>> -> memref<40xi32, #tpu.memory_space<vmem>>
        %dma_start3A_137 = arith.constant 0 : i32
        %dma_start3A_138 = arith.constant 0 : i32
        %dma_start3A_139 = tpu.memref_slice %arg2[%dma_start3A_137, %dma_start3A_138] : memref<10240x128xf32, #tpu.memory_space<hbm>> -> memref<10240x128xf32, #tpu.memory_space<hbm>>
        tpu.enqueue_indirect_dma source(%dma_start3A_139 : memref<10240x128xf32, #tpu.memory_space<hbm>>) target(%arg20 : memref<40x128xf32, #tpu.memory_space<vmem>>) offsets(%dma_start3A_136 : memref<40xi32, #tpu.memory_space<vmem>>) semaphore(%arg32 : memref<!tpu.dma_semaphore, #tpu.memory_space<semaphore_mem>>)
        %add3A_140 = arith.constant 160 : i32
        %add3A_141 = arith.addi %mul3A_2, %add3A_140 : i32
        %dma_start3A_142 = tpu.memref_slice %arg4[%add3A_141] : memref<320000xi32, #tpu.memory_space<hbm>> -> memref<40xi32, #tpu.memory_space<hbm>>
        %dma_start3A_143 = tpu.memref_slice %arg4[%add3A_141] : memref<320000xi32, #tpu.memory_space<hbm>> -> memref<40xi32, #tpu.memory_space<hbm>>
        tpu.enqueue_dma source(%dma_start3A_143 : memref<40xi32, #tpu.memory_space<hbm>>) target(%arg14 : memref<40xi32, #tpu.memory_space<vmem>>) target_semaphore(%arg26 : memref<!tpu.dma_semaphore, #tpu.memory_space<semaphore_mem>>)
        %dma_start3A_144 = arith.constant 200 : i32
        %dma_start3A_145 = tpu.memref_slice %arg8[%dma_start3A_144] : memref<10000xi32, #tpu.memory_space<vmem>> -> memref<40xi32, #tpu.memory_space<vmem>>
        %dma_start3A_146 = arith.constant 0 : i32
        %dma_start3A_147 = arith.constant 0 : i32
        %dma_start3A_148 = tpu.memref_slice %arg2[%dma_start3A_146, %dma_start3A_147] : memref<10240x128xf32, #tpu.memory_space<hbm>> -> memref<10240x128xf32, #tpu.memory_space<hbm>>
        tpu.enqueue_indirect_dma source(%dma_start3A_148 : memref<10240x128xf32, #tpu.memory_space<hbm>>) target(%arg21 : memref<40x128xf32, #tpu.memory_space<vmem>>) offsets(%dma_start3A_145 : memref<40xi32, #tpu.memory_space<vmem>>) semaphore(%arg33 : memref<!tpu.dma_semaphore, #tpu.memory_space<semaphore_mem>>)
        %add3A_149 = arith.constant 200 : i32
        %add3A_150 = arith.addi %mul3A_2, %add3A_149 : i32
        %dma_start3A_151 = tpu.memref_slice %arg4[%add3A_150] : memref<320000xi32, #tpu.memory_space<hbm>> -> memref<40xi32, #tpu.memory_space<hbm>>
        %dma_start3A_152 = tpu.memref_slice %arg4[%add3A_150] : memref<320000xi32, #tpu.memory_space<hbm>> -> memref<40xi32, #tpu.memory_space<hbm>>
        tpu.enqueue_dma source(%dma_start3A_152 : memref<40xi32, #tpu.memory_space<hbm>>) target(%arg15 : memref<40xi32, #tpu.memory_space<vmem>>) target_semaphore(%arg27 : memref<!tpu.dma_semaphore, #tpu.memory_space<semaphore_mem>>)
        %dma_wait3A_153 = tpu.memref_slice %arg4[%add3A_105] : memref<320000xi32, #tpu.memory_space<hbm>> -> memref<40xi32, #tpu.memory_space<hbm>>
        %dma_wait3A_154 = tpu.memref_slice %arg4[%add3A_105] : memref<320000xi32, #tpu.memory_space<hbm>> -> memref<40xi32, #tpu.memory_space<hbm>>
        tpu.wait_dma2 semaphore(%arg22 : memref<!tpu.dma_semaphore, #tpu.memory_space<semaphore_mem>>) src(%dma_wait3A_154 : memref<40xi32, #tpu.memory_space<hbm>>) dst(%arg10 : memref<40xi32, #tpu.memory_space<vmem>>)
        %dma_wait3A_155 = arith.constant 0 : i32
        %dma_wait3A_156 = tpu.memref_slice %arg8[%dma_wait3A_155] : memref<10000xi32, #tpu.memory_space<vmem>> -> memref<40xi32, #tpu.memory_space<vmem>>
        %dma_wait3A_157 = arith.constant 0 : i32
        %dma_wait3A_158 = arith.constant 0 : i32
        %dma_wait3A_159 = tpu.memref_slice %arg2[%dma_wait3A_157, %dma_wait3A_158] : memref<10240x128xf32, #tpu.memory_space<hbm>> -> memref<10240x128xf32, #tpu.memory_space<hbm>>
        tpu.wait_indirect_dma semaphore(%arg28 : memref<!tpu.dma_semaphore, #tpu.memory_space<semaphore_mem>>) src(%dma_wait3A_159 : memref<10240x128xf32, #tpu.memory_space<hbm>>) dst(%arg16 : memref<40x128xf32, #tpu.memory_space<vmem>>)
        %dma_start3A_160 = arith.constant 0 : i32
        %dma_start3A_161 = arith.constant 0 : i32
        %dma_start3A_162 = tpu.memref_slice %arg7[%dma_start3A_160, %dma_start3A_161] : memref<10240x128xf32, #tpu.memory_space<vmem_shared>> -> memref<10240x128xf32, #tpu.memory_space<vmem_shared>>
        tpu.enqueue_indirect_dma source(%arg16 : memref<40x128xf32, #tpu.memory_space<vmem>>) target(%dma_start3A_162 : memref<10240x128xf32, #tpu.memory_space<vmem_shared>>) offsets(%arg10 : memref<40xi32, #tpu.memory_space<vmem>>) semaphore(%arg34 : memref<!tpu.dma_semaphore, #tpu.memory_space<semaphore_mem>>) {add = true}
        %dma_wait3A_163 = tpu.memref_slice %arg4[%add3A_114] : memref<320000xi32, #tpu.memory_space<hbm>> -> memref<40xi32, #tpu.memory_space<hbm>>
        %dma_wait3A_164 = tpu.memref_slice %arg4[%add3A_114] : memref<320000xi32, #tpu.memory_space<hbm>> -> memref<40xi32, #tpu.memory_space<hbm>>
        tpu.wait_dma2 semaphore(%arg23 : memref<!tpu.dma_semaphore, #tpu.memory_space<semaphore_mem>>) src(%dma_wait3A_164 : memref<40xi32, #tpu.memory_space<hbm>>) dst(%arg11 : memref<40xi32, #tpu.memory_space<vmem>>)
        %dma_wait3A_165 = arith.constant 40 : i32
        %dma_wait3A_166 = tpu.memref_slice %arg8[%dma_wait3A_165] : memref<10000xi32, #tpu.memory_space<vmem>> -> memref<40xi32, #tpu.memory_space<vmem>>
        %dma_wait3A_167 = arith.constant 0 : i32
        %dma_wait3A_168 = arith.constant 0 : i32
        %dma_wait3A_169 = tpu.memref_slice %arg2[%dma_wait3A_167, %dma_wait3A_168] : memref<10240x128xf32, #tpu.memory_space<hbm>> -> memref<10240x128xf32, #tpu.memory_space<hbm>>
        tpu.wait_indirect_dma semaphore(%arg29 : memref<!tpu.dma_semaphore, #tpu.memory_space<semaphore_mem>>) src(%dma_wait3A_169 : memref<10240x128xf32, #tpu.memory_space<hbm>>) dst(%arg17 : memref<40x128xf32, #tpu.memory_space<vmem>>)
        %dma_start3A_170 = arith.constant 0 : i32
        %dma_start3A_171 = arith.constant 0 : i32
        %dma_start3A_172 = tpu.memref_slice %arg7[%dma_start3A_170, %dma_start3A_171] : memref<10240x128xf32, #tpu.memory_space<vmem_shared>> -> memref<10240x128xf32, #tpu.memory_space<vmem_shared>>
        tpu.enqueue_indirect_dma source(%arg17 : memref<40x128xf32, #tpu.memory_space<vmem>>) target(%dma_start3A_172 : memref<10240x128xf32, #tpu.memory_space<vmem_shared>>) offsets(%arg11 : memref<40xi32, #tpu.memory_space<vmem>>) semaphore(%arg35 : memref<!tpu.dma_semaphore, #tpu.memory_space<semaphore_mem>>) {add = true}
        %dma_wait3A_173 = tpu.memref_slice %arg4[%add3A_123] : memref<320000xi32, #tpu.memory_space<hbm>> -> memref<40xi32, #tpu.memory_space<hbm>>
        %dma_wait3A_174 = tpu.memref_slice %arg4[%add3A_123] : memref<320000xi32, #tpu.memory_space<hbm>> -> memref<40xi32, #tpu.memory_space<hbm>>
        tpu.wait_dma2 semaphore(%arg24 : memref<!tpu.dma_semaphore, #tpu.memory_space<semaphore_mem>>) src(%dma_wait3A_174 : memref<40xi32, #tpu.memory_space<hbm>>) dst(%arg12 : memref<40xi32, #tpu.memory_space<vmem>>)
        %dma_wait3A_175 = arith.constant 80 : i32
        %dma_wait3A_176 = tpu.memref_slice %arg8[%dma_wait3A_175] : memref<10000xi32, #tpu.memory_space<vmem>> -> memref<40xi32, #tpu.memory_space<vmem>>
        %dma_wait3A_177 = arith.constant 0 : i32
        %dma_wait3A_178 = arith.constant 0 : i32
        %dma_wait3A_179 = tpu.memref_slice %arg2[%dma_wait3A_177, %dma_wait3A_178] : memref<10240x128xf32, #tpu.memory_space<hbm>> -> memref<10240x128xf32, #tpu.memory_space<hbm>>
        tpu.wait_indirect_dma semaphore(%arg30 : memref<!tpu.dma_semaphore, #tpu.memory_space<semaphore_mem>>) src(%dma_wait3A_179 : memref<10240x128xf32, #tpu.memory_space<hbm>>) dst(%arg18 : memref<40x128xf32, #tpu.memory_space<vmem>>)
        %dma_start3A_180 = arith.constant 0 : i32
        %dma_start3A_181 = arith.constant 0 : i32
        %dma_start3A_182 = tpu.memref_slice %arg7[%dma_start3A_180, %dma_start3A_181] : memref<10240x128xf32, #tpu.memory_space<vmem_shared>> -> memref<10240x128xf32, #tpu.memory_space<vmem_shared>>
        tpu.enqueue_indirect_dma source(%arg18 : memref<40x128xf32, #tpu.memory_space<vmem>>) target(%dma_start3A_182 : memref<10240x128xf32, #tpu.memory_space<vmem_shared>>) offsets(%arg12 : memref<40xi32, #tpu.memory_space<vmem>>) semaphore(%arg36 : memref<!tpu.dma_semaphore, #tpu.memory_space<semaphore_mem>>) {add = true}
        %dma_wait3A_183 = tpu.memref_slice %arg4[%add3A_132] : memref<320000xi32, #tpu.memory_space<hbm>> -> memref<40xi32, #tpu.memory_space<hbm>>
        %dma_wait3A_184 = tpu.memref_slice %arg4[%add3A_132] : memref<320000xi32, #tpu.memory_space<hbm>> -> memref<40xi32, #tpu.memory_space<hbm>>
        tpu.wait_dma2 semaphore(%arg25 : memref<!tpu.dma_semaphore, #tpu.memory_space<semaphore_mem>>) src(%dma_wait3A_184 : memref<40xi32, #tpu.memory_space<hbm>>) dst(%arg13 : memref<40xi32, #tpu.memory_space<vmem>>)
        %dma_wait3A_185 = arith.constant 120 : i32
        %dma_wait3A_186 = tpu.memref_slice %arg8[%dma_wait3A_185] : memref<10000xi32, #tpu.memory_space<vmem>> -> memref<40xi32, #tpu.memory_space<vmem>>
        %dma_wait3A_187 = arith.constant 0 : i32
        %dma_wait3A_188 = arith.constant 0 : i32
        %dma_wait3A_189 = tpu.memref_slice %arg2[%dma_wait3A_187, %dma_wait3A_188] : memref<10240x128xf32, #tpu.memory_space<hbm>> -> memref<10240x128xf32, #tpu.memory_space<hbm>>
        tpu.wait_indirect_dma semaphore(%arg31 : memref<!tpu.dma_semaphore, #tpu.memory_space<semaphore_mem>>) src(%dma_wait3A_189 : memref<10240x128xf32, #tpu.memory_space<hbm>>) dst(%arg19 : memref<40x128xf32, #tpu.memory_space<vmem>>)
        %dma_start3A_190 = arith.constant 0 : i32
        %dma_start3A_191 = arith.constant 0 : i32
        %dma_start3A_192 = tpu.memref_slice %arg7[%dma_start3A_190, %dma_start3A_191] : memref<10240x128xf32, #tpu.memory_space<vmem_shared>> -> memref<10240x128xf32, #tpu.memory_space<vmem_shared>>
        tpu.enqueue_indirect_dma source(%arg19 : memref<40x128xf32, #tpu.memory_space<vmem>>) target(%dma_start3A_192 : memref<10240x128xf32, #tpu.memory_space<vmem_shared>>) offsets(%arg13 : memref<40xi32, #tpu.memory_space<vmem>>) semaphore(%arg37 : memref<!tpu.dma_semaphore, #tpu.memory_space<semaphore_mem>>) {add = true}
        %dma_wait3A_193 = tpu.memref_slice %arg4[%add3A_141] : memref<320000xi32, #tpu.memory_space<hbm>> -> memref<40xi32, #tpu.memory_space<hbm>>
        %dma_wait3A_194 = tpu.memref_slice %arg4[%add3A_141] : memref<320000xi32, #tpu.memory_space<hbm>> -> memref<40xi32, #tpu.memory_space<hbm>>
        tpu.wait_dma2 semaphore(%arg26 : memref<!tpu.dma_semaphore, #tpu.memory_space<semaphore_mem>>) src(%dma_wait3A_194 : memref<40xi32, #tpu.memory_space<hbm>>) dst(%arg14 : memref<40xi32, #tpu.memory_space<vmem>>)
        %dma_wait3A_195 = arith.constant 160 : i32
        %dma_wait3A_196 = tpu.memref_slice %arg8[%dma_wait3A_195] : memref<10000xi32, #tpu.memory_space<vmem>> -> memref<40xi32, #tpu.memory_space<vmem>>
        %dma_wait3A_197 = arith.constant 0 : i32
        %dma_wait3A_198 = arith.constant 0 : i32
        %dma_wait3A_199 = tpu.memref_slice %arg2[%dma_wait3A_197, %dma_wait3A_198] : memref<10240x128xf32, #tpu.memory_space<hbm>> -> memref<10240x128xf32, #tpu.memory_space<hbm>>
        tpu.wait_indirect_dma semaphore(%arg32 : memref<!tpu.dma_semaphore, #tpu.memory_space<semaphore_mem>>) src(%dma_wait3A_199 : memref<10240x128xf32, #tpu.memory_space<hbm>>) dst(%arg20 : memref<40x128xf32, #tpu.memory_space<vmem>>)
        %dma_start3A_200 = arith.constant 0 : i32
        %dma_start3A_201 = arith.constant 0 : i32
        %dma_start3A_202 = tpu.memref_slice %arg7[%dma_start3A_200, %dma_start3A_201] : memref<10240x128xf32, #tpu.memory_space<vmem_shared>> -> memref<10240x128xf32, #tpu.memory_space<vmem_shared>>
        tpu.enqueue_indirect_dma source(%arg20 : memref<40x128xf32, #tpu.memory_space<vmem>>) target(%dma_start3A_202 : memref<10240x128xf32, #tpu.memory_space<vmem_shared>>) offsets(%arg14 : memref<40xi32, #tpu.memory_space<vmem>>) semaphore(%arg38 : memref<!tpu.dma_semaphore, #tpu.memory_space<semaphore_mem>>) {add = true}
        %dma_wait3A_203 = tpu.memref_slice %arg4[%add3A_150] : memref<320000xi32, #tpu.memory_space<hbm>> -> memref<40xi32, #tpu.memory_space<hbm>>
        %dma_wait3A_204 = tpu.memref_slice %arg4[%add3A_150] : memref<320000xi32, #tpu.memory_space<hbm>> -> memref<40xi32, #tpu.memory_space<hbm>>
        tpu.wait_dma2 semaphore(%arg27 : memref<!tpu.dma_semaphore, #tpu.memory_space<semaphore_mem>>) src(%dma_wait3A_204 : memref<40xi32, #tpu.memory_space<hbm>>) dst(%arg15 : memref<40xi32, #tpu.memory_space<vmem>>)
        %dma_wait3A_205 = arith.constant 200 : i32
        %dma_wait3A_206 = tpu.memref_slice %arg8[%dma_wait3A_205] : memref<10000xi32, #tpu.memory_space<vmem>> -> memref<40xi32, #tpu.memory_space<vmem>>
        %dma_wait3A_207 = arith.constant 0 : i32
        %dma_wait3A_208 = arith.constant 0 : i32
        %dma_wait3A_209 = tpu.memref_slice %arg2[%dma_wait3A_207, %dma_wait3A_208] : memref<10240x128xf32, #tpu.memory_space<hbm>> -> memref<10240x128xf32, #tpu.memory_space<hbm>>
        tpu.wait_indirect_dma semaphore(%arg33 : memref<!tpu.dma_semaphore, #tpu.memory_space<semaphore_mem>>) src(%dma_wait3A_209 : memref<10240x128xf32, #tpu.memory_space<hbm>>) dst(%arg21 : memref<40x128xf32, #tpu.memory_space<vmem>>)
        %dma_start3A_210 = arith.constant 0 : i32
        %dma_start3A_211 = arith.constant 0 : i32
        %dma_start3A_212 = tpu.memref_slice %arg7[%dma_start3A_210, %dma_start3A_211] : memref<10240x128xf32, #tpu.memory_space<vmem_shared>> -> memref<10240x128xf32, #tpu.memory_space<vmem_shared>>
        tpu.enqueue_indirect_dma source(%arg21 : memref<40x128xf32, #tpu.memory_space<vmem>>) target(%dma_start3A_212 : memref<10240x128xf32, #tpu.memory_space<vmem_shared>>) offsets(%arg15 : memref<40xi32, #tpu.memory_space<vmem>>) semaphore(%arg39 : memref<!tpu.dma_semaphore, #tpu.memory_space<semaphore_mem>>) {add = true}
      } else {
      }
      %gt3A = arith.constant 0 : i32
      %gt3A_94 = arith.cmpi sgt, %scan3A_90, %gt3A : i32
      %convert_element_type3A_95 = arith.extui %gt3A_94 : i1 to i32
      %cond3A_96 = arith.constant 0 : i32
      %cond3A_97 = arith.cmpi ne, %convert_element_type3A_95, %cond3A_96 : i32
      scf.if %cond3A_97 {
        %mul3A_99 = arith.constant 6 : i32
        %mul3A_100 = arith.muli %scan3A_90, %mul3A_99 : i32
        %mul3A_101 = arith.constant 40 : i32
        %mul3A_102 = arith.muli %mul3A_100, %mul3A_101 : i32
        %mul3A_103 = arith.constant 6 : i32
        %mul3A_104 = arith.muli %scan3A_90, %mul3A_103 : i32
        %mul3A_105 = arith.constant 40 : i32
        %mul3A_106 = arith.muli %mul3A_104, %mul3A_105 : i32
        %add3A_107 = arith.addi %mul3A_2, %mul3A_106 : i32
        %dma_wait3A_108 = arith.constant 0 : i32
        %dma_wait3A_109 = arith.constant 0 : i32
        %dma_wait3A_110 = tpu.memref_slice %arg7[%dma_wait3A_108, %dma_wait3A_109] : memref<10240x128xf32, #tpu.memory_space<vmem_shared>> -> memref<10240x128xf32, #tpu.memory_space<vmem_shared>>
        tpu.wait_indirect_dma semaphore(%arg34 : memref<!tpu.dma_semaphore, #tpu.memory_space<semaphore_mem>>) src(%arg16 : memref<40x128xf32, #tpu.memory_space<vmem>>) dst(%dma_wait3A_110 : memref<10240x128xf32, #tpu.memory_space<vmem_shared>>)
        %add3A_111 = arith.constant 0 : i32
        %add3A_112 = arith.addi %mul3A_102, %add3A_111 : i32
        %dma_start3A_113 = tpu.memref_slice %arg8[%add3A_112] : memref<10000xi32, #tpu.memory_space<vmem>> -> memref<40xi32, #tpu.memory_space<vmem>>
        %dma_start3A_114 = arith.constant 0 : i32
        %dma_start3A_115 = arith.constant 0 : i32
        %dma_start3A_116 = tpu.memref_slice %arg2[%dma_start3A_114, %dma_start3A_115] : memref<10240x128xf32, #tpu.memory_space<hbm>> -> memref<10240x128xf32, #tpu.memory_space<hbm>>
        tpu.enqueue_indirect_dma source(%dma_start3A_116 : memref<10240x128xf32, #tpu.memory_space<hbm>>) target(%arg16 : memref<40x128xf32, #tpu.memory_space<vmem>>) offsets(%dma_start3A_113 : memref<40xi32, #tpu.memory_space<vmem>>) semaphore(%arg28 : memref<!tpu.dma_semaphore, #tpu.memory_space<semaphore_mem>>)
        %add3A_117 = arith.constant 0 : i32
        %add3A_118 = arith.addi %add3A_107, %add3A_117 : i32
        %dma_start3A_119 = tpu.memref_slice %arg4[%add3A_118] : memref<320000xi32, #tpu.memory_space<hbm>> -> memref<40xi32, #tpu.memory_space<hbm>>
        %dma_start3A_120 = tpu.memref_slice %arg4[%add3A_118] : memref<320000xi32, #tpu.memory_space<hbm>> -> memref<40xi32, #tpu.memory_space<hbm>>
        tpu.enqueue_dma source(%dma_start3A_120 : memref<40xi32, #tpu.memory_space<hbm>>) target(%arg10 : memref<40xi32, #tpu.memory_space<vmem>>) target_semaphore(%arg22 : memref<!tpu.dma_semaphore, #tpu.memory_space<semaphore_mem>>)
        %dma_wait3A_121 = arith.constant 0 : i32
        %dma_wait3A_122 = arith.constant 0 : i32
        %dma_wait3A_123 = tpu.memref_slice %arg7[%dma_wait3A_121, %dma_wait3A_122] : memref<10240x128xf32, #tpu.memory_space<vmem_shared>> -> memref<10240x128xf32, #tpu.memory_space<vmem_shared>>
        tpu.wait_indirect_dma semaphore(%arg35 : memref<!tpu.dma_semaphore, #tpu.memory_space<semaphore_mem>>) src(%arg17 : memref<40x128xf32, #tpu.memory_space<vmem>>) dst(%dma_wait3A_123 : memref<10240x128xf32, #tpu.memory_space<vmem_shared>>)
        %add3A_124 = arith.constant 40 : i32
        %add3A_125 = arith.addi %mul3A_102, %add3A_124 : i32
        %dma_start3A_126 = tpu.memref_slice %arg8[%add3A_125] : memref<10000xi32, #tpu.memory_space<vmem>> -> memref<40xi32, #tpu.memory_space<vmem>>
        %dma_start3A_127 = arith.constant 0 : i32
        %dma_start3A_128 = arith.constant 0 : i32
        %dma_start3A_129 = tpu.memref_slice %arg2[%dma_start3A_127, %dma_start3A_128] : memref<10240x128xf32, #tpu.memory_space<hbm>> -> memref<10240x128xf32, #tpu.memory_space<hbm>>
        tpu.enqueue_indirect_dma source(%dma_start3A_129 : memref<10240x128xf32, #tpu.memory_space<hbm>>) target(%arg17 : memref<40x128xf32, #tpu.memory_space<vmem>>) offsets(%dma_start3A_126 : memref<40xi32, #tpu.memory_space<vmem>>) semaphore(%arg29 : memref<!tpu.dma_semaphore, #tpu.memory_space<semaphore_mem>>)
        %add3A_130 = arith.constant 40 : i32
        %add3A_131 = arith.addi %add3A_107, %add3A_130 : i32
        %dma_start3A_132 = tpu.memref_slice %arg4[%add3A_131] : memref<320000xi32, #tpu.memory_space<hbm>> -> memref<40xi32, #tpu.memory_space<hbm>>
        %dma_start3A_133 = tpu.memref_slice %arg4[%add3A_131] : memref<320000xi32, #tpu.memory_space<hbm>> -> memref<40xi32, #tpu.memory_space<hbm>>
        tpu.enqueue_dma source(%dma_start3A_133 : memref<40xi32, #tpu.memory_space<hbm>>) target(%arg11 : memref<40xi32, #tpu.memory_space<vmem>>) target_semaphore(%arg23 : memref<!tpu.dma_semaphore, #tpu.memory_space<semaphore_mem>>)
        %dma_wait3A_134 = arith.constant 0 : i32
        %dma_wait3A_135 = arith.constant 0 : i32
        %dma_wait3A_136 = tpu.memref_slice %arg7[%dma_wait3A_134, %dma_wait3A_135] : memref<10240x128xf32, #tpu.memory_space<vmem_shared>> -> memref<10240x128xf32, #tpu.memory_space<vmem_shared>>
        tpu.wait_indirect_dma semaphore(%arg36 : memref<!tpu.dma_semaphore, #tpu.memory_space<semaphore_mem>>) src(%arg18 : memref<40x128xf32, #tpu.memory_space<vmem>>) dst(%dma_wait3A_136 : memref<10240x128xf32, #tpu.memory_space<vmem_shared>>)
        %add3A_137 = arith.constant 80 : i32
        %add3A_138 = arith.addi %mul3A_102, %add3A_137 : i32
        %dma_start3A_139 = tpu.memref_slice %arg8[%add3A_138] : memref<10000xi32, #tpu.memory_space<vmem>> -> memref<40xi32, #tpu.memory_space<vmem>>
        %dma_start3A_140 = arith.constant 0 : i32
        %dma_start3A_141 = arith.constant 0 : i32
        %dma_start3A_142 = tpu.memref_slice %arg2[%dma_start3A_140, %dma_start3A_141] : memref<10240x128xf32, #tpu.memory_space<hbm>> -> memref<10240x128xf32, #tpu.memory_space<hbm>>
        tpu.enqueue_indirect_dma source(%dma_start3A_142 : memref<10240x128xf32, #tpu.memory_space<hbm>>) target(%arg18 : memref<40x128xf32, #tpu.memory_space<vmem>>) offsets(%dma_start3A_139 : memref<40xi32, #tpu.memory_space<vmem>>) semaphore(%arg30 : memref<!tpu.dma_semaphore, #tpu.memory_space<semaphore_mem>>)
        %add3A_143 = arith.constant 80 : i32
        %add3A_144 = arith.addi %add3A_107, %add3A_143 : i32
        %dma_start3A_145 = tpu.memref_slice %arg4[%add3A_144] : memref<320000xi32, #tpu.memory_space<hbm>> -> memref<40xi32, #tpu.memory_space<hbm>>
        %dma_start3A_146 = tpu.memref_slice %arg4[%add3A_144] : memref<320000xi32, #tpu.memory_space<hbm>> -> memref<40xi32, #tpu.memory_space<hbm>>
        tpu.enqueue_dma source(%dma_start3A_146 : memref<40xi32, #tpu.memory_space<hbm>>) target(%arg12 : memref<40xi32, #tpu.memory_space<vmem>>) target_semaphore(%arg24 : memref<!tpu.dma_semaphore, #tpu.memory_space<semaphore_mem>>)
        %dma_wait3A_147 = arith.constant 0 : i32
        %dma_wait3A_148 = arith.constant 0 : i32
        %dma_wait3A_149 = tpu.memref_slice %arg7[%dma_wait3A_147, %dma_wait3A_148] : memref<10240x128xf32, #tpu.memory_space<vmem_shared>> -> memref<10240x128xf32, #tpu.memory_space<vmem_shared>>
        tpu.wait_indirect_dma semaphore(%arg37 : memref<!tpu.dma_semaphore, #tpu.memory_space<semaphore_mem>>) src(%arg19 : memref<40x128xf32, #tpu.memory_space<vmem>>) dst(%dma_wait3A_149 : memref<10240x128xf32, #tpu.memory_space<vmem_shared>>)
        %add3A_150 = arith.constant 120 : i32
        %add3A_151 = arith.addi %mul3A_102, %add3A_150 : i32
        %dma_start3A_152 = tpu.memref_slice %arg8[%add3A_151] : memref<10000xi32, #tpu.memory_space<vmem>> -> memref<40xi32, #tpu.memory_space<vmem>>
        %dma_start3A_153 = arith.constant 0 : i32
        %dma_start3A_154 = arith.constant 0 : i32
        %dma_start3A_155 = tpu.memref_slice %arg2[%dma_start3A_153, %dma_start3A_154] : memref<10240x128xf32, #tpu.memory_space<hbm>> -> memref<10240x128xf32, #tpu.memory_space<hbm>>
        tpu.enqueue_indirect_dma source(%dma_start3A_155 : memref<10240x128xf32, #tpu.memory_space<hbm>>) target(%arg19 : memref<40x128xf32, #tpu.memory_space<vmem>>) offsets(%dma_start3A_152 : memref<40xi32, #tpu.memory_space<vmem>>) semaphore(%arg31 : memref<!tpu.dma_semaphore, #tpu.memory_space<semaphore_mem>>)
        %add3A_156 = arith.constant 120 : i32
        %add3A_157 = arith.addi %add3A_107, %add3A_156 : i32
        %dma_start3A_158 = tpu.memref_slice %arg4[%add3A_157] : memref<320000xi32, #tpu.memory_space<hbm>> -> memref<40xi32, #tpu.memory_space<hbm>>
        %dma_start3A_159 = tpu.memref_slice %arg4[%add3A_157] : memref<320000xi32, #tpu.memory_space<hbm>> -> memref<40xi32, #tpu.memory_space<hbm>>
        tpu.enqueue_dma source(%dma_start3A_159 : memref<40xi32, #tpu.memory_space<hbm>>) target(%arg13 : memref<40xi32, #tpu.memory_space<vmem>>) target_semaphore(%arg25 : memref<!tpu.dma_semaphore, #tpu.memory_space<semaphore_mem>>)
        %dma_wait3A_160 = arith.constant 0 : i32
        %dma_wait3A_161 = arith.constant 0 : i32
        %dma_wait3A_162 = tpu.memref_slice %arg7[%dma_wait3A_160, %dma_wait3A_161] : memref<10240x128xf32, #tpu.memory_space<vmem_shared>> -> memref<10240x128xf32, #tpu.memory_space<vmem_shared>>
        tpu.wait_indirect_dma semaphore(%arg38 : memref<!tpu.dma_semaphore, #tpu.memory_space<semaphore_mem>>) src(%arg20 : memref<40x128xf32, #tpu.memory_space<vmem>>) dst(%dma_wait3A_162 : memref<10240x128xf32, #tpu.memory_space<vmem_shared>>)
        %add3A_163 = arith.constant 160 : i32
        %add3A_164 = arith.addi %mul3A_102, %add3A_163 : i32
        %dma_start3A_165 = tpu.memref_slice %arg8[%add3A_164] : memref<10000xi32, #tpu.memory_space<vmem>> -> memref<40xi32, #tpu.memory_space<vmem>>
        %dma_start3A_166 = arith.constant 0 : i32
        %dma_start3A_167 = arith.constant 0 : i32
        %dma_start3A_168 = tpu.memref_slice %arg2[%dma_start3A_166, %dma_start3A_167] : memref<10240x128xf32, #tpu.memory_space<hbm>> -> memref<10240x128xf32, #tpu.memory_space<hbm>>
        tpu.enqueue_indirect_dma source(%dma_start3A_168 : memref<10240x128xf32, #tpu.memory_space<hbm>>) target(%arg20 : memref<40x128xf32, #tpu.memory_space<vmem>>) offsets(%dma_start3A_165 : memref<40xi32, #tpu.memory_space<vmem>>) semaphore(%arg32 : memref<!tpu.dma_semaphore, #tpu.memory_space<semaphore_mem>>)
        %add3A_169 = arith.constant 160 : i32
        %add3A_170 = arith.addi %add3A_107, %add3A_169 : i32
        %dma_start3A_171 = tpu.memref_slice %arg4[%add3A_170] : memref<320000xi32, #tpu.memory_space<hbm>> -> memref<40xi32, #tpu.memory_space<hbm>>
        %dma_start3A_172 = tpu.memref_slice %arg4[%add3A_170] : memref<320000xi32, #tpu.memory_space<hbm>> -> memref<40xi32, #tpu.memory_space<hbm>>
        tpu.enqueue_dma source(%dma_start3A_172 : memref<40xi32, #tpu.memory_space<hbm>>) target(%arg14 : memref<40xi32, #tpu.memory_space<vmem>>) target_semaphore(%arg26 : memref<!tpu.dma_semaphore, #tpu.memory_space<semaphore_mem>>)
        %dma_wait3A_173 = arith.constant 0 : i32
        %dma_wait3A_174 = arith.constant 0 : i32
        %dma_wait3A_175 = tpu.memref_slice %arg7[%dma_wait3A_173, %dma_wait3A_174] : memref<10240x128xf32, #tpu.memory_space<vmem_shared>> -> memref<10240x128xf32, #tpu.memory_space<vmem_shared>>
        tpu.wait_indirect_dma semaphore(%arg39 : memref<!tpu.dma_semaphore, #tpu.memory_space<semaphore_mem>>) src(%arg21 : memref<40x128xf32, #tpu.memory_space<vmem>>) dst(%dma_wait3A_175 : memref<10240x128xf32, #tpu.memory_space<vmem_shared>>)
        %add3A_176 = arith.constant 200 : i32
        %add3A_177 = arith.addi %mul3A_102, %add3A_176 : i32
        %dma_start3A_178 = tpu.memref_slice %arg8[%add3A_177] : memref<10000xi32, #tpu.memory_space<vmem>> -> memref<40xi32, #tpu.memory_space<vmem>>
        %dma_start3A_179 = arith.constant 0 : i32
        %dma_start3A_180 = arith.constant 0 : i32
        %dma_start3A_181 = tpu.memref_slice %arg2[%dma_start3A_179, %dma_start3A_180] : memref<10240x128xf32, #tpu.memory_space<hbm>> -> memref<10240x128xf32, #tpu.memory_space<hbm>>
        tpu.enqueue_indirect_dma source(%dma_start3A_181 : memref<10240x128xf32, #tpu.memory_space<hbm>>) target(%arg21 : memref<40x128xf32, #tpu.memory_space<vmem>>) offsets(%dma_start3A_178 : memref<40xi32, #tpu.memory_space<vmem>>) semaphore(%arg33 : memref<!tpu.dma_semaphore, #tpu.memory_space<semaphore_mem>>)
        %add3A_182 = arith.constant 200 : i32
        %add3A_183 = arith.addi %add3A_107, %add3A_182 : i32
        %dma_start3A_184 = tpu.memref_slice %arg4[%add3A_183] : memref<320000xi32, #tpu.memory_space<hbm>> -> memref<40xi32, #tpu.memory_space<hbm>>
        %dma_start3A_185 = tpu.memref_slice %arg4[%add3A_183] : memref<320000xi32, #tpu.memory_space<hbm>> -> memref<40xi32, #tpu.memory_space<hbm>>
        tpu.enqueue_dma source(%dma_start3A_185 : memref<40xi32, #tpu.memory_space<hbm>>) target(%arg15 : memref<40xi32, #tpu.memory_space<vmem>>) target_semaphore(%arg27 : memref<!tpu.dma_semaphore, #tpu.memory_space<semaphore_mem>>)
        %dma_wait3A_186 = tpu.memref_slice %arg4[%add3A_118] : memref<320000xi32, #tpu.memory_space<hbm>> -> memref<40xi32, #tpu.memory_space<hbm>>
        %dma_wait3A_187 = tpu.memref_slice %arg4[%add3A_118] : memref<320000xi32, #tpu.memory_space<hbm>> -> memref<40xi32, #tpu.memory_space<hbm>>
        tpu.wait_dma2 semaphore(%arg22 : memref<!tpu.dma_semaphore, #tpu.memory_space<semaphore_mem>>) src(%dma_wait3A_187 : memref<40xi32, #tpu.memory_space<hbm>>) dst(%arg10 : memref<40xi32, #tpu.memory_space<vmem>>)
        %dma_wait3A_188 = tpu.memref_slice %arg8[%add3A_112] : memref<10000xi32, #tpu.memory_space<vmem>> -> memref<40xi32, #tpu.memory_space<vmem>>
        %dma_wait3A_189 = arith.constant 0 : i32
        %dma_wait3A_190 = arith.constant 0 : i32
        %dma_wait3A_191 = tpu.memref_slice %arg2[%dma_wait3A_189, %dma_wait3A_190] : memref<10240x128xf32, #tpu.memory_space<hbm>> -> memref<10240x128xf32, #tpu.memory_space<hbm>>
        tpu.wait_indirect_dma semaphore(%arg28 : memref<!tpu.dma_semaphore, #tpu.memory_space<semaphore_mem>>) src(%dma_wait3A_191 : memref<10240x128xf32, #tpu.memory_space<hbm>>) dst(%arg16 : memref<40x128xf32, #tpu.memory_space<vmem>>)
        %dma_start3A_192 = arith.constant 0 : i32
        %dma_start3A_193 = arith.constant 0 : i32
        %dma_start3A_194 = tpu.memref_slice %arg7[%dma_start3A_192, %dma_start3A_193] : memref<10240x128xf32, #tpu.memory_space<vmem_shared>> -> memref<10240x128xf32, #tpu.memory_space<vmem_shared>>
        tpu.enqueue_indirect_dma source(%arg16 : memref<40x128xf32, #tpu.memory_space<vmem>>) target(%dma_start3A_194 : memref<10240x128xf32, #tpu.memory_space<vmem_shared>>) offsets(%arg10 : memref<40xi32, #tpu.memory_space<vmem>>) semaphore(%arg34 : memref<!tpu.dma_semaphore, #tpu.memory_space<semaphore_mem>>) {add = true}
        %dma_wait3A_195 = tpu.memref_slice %arg4[%add3A_131] : memref<320000xi32, #tpu.memory_space<hbm>> -> memref<40xi32, #tpu.memory_space<hbm>>
        %dma_wait3A_196 = tpu.memref_slice %arg4[%add3A_131] : memref<320000xi32, #tpu.memory_space<hbm>> -> memref<40xi32, #tpu.memory_space<hbm>>
        tpu.wait_dma2 semaphore(%arg23 : memref<!tpu.dma_semaphore, #tpu.memory_space<semaphore_mem>>) src(%dma_wait3A_196 : memref<40xi32, #tpu.memory_space<hbm>>) dst(%arg11 : memref<40xi32, #tpu.memory_space<vmem>>)
        %dma_wait3A_197 = tpu.memref_slice %arg8[%add3A_125] : memref<10000xi32, #tpu.memory_space<vmem>> -> memref<40xi32, #tpu.memory_space<vmem>>
        %dma_wait3A_198 = arith.constant 0 : i32
        %dma_wait3A_199 = arith.constant 0 : i32
        %dma_wait3A_200 = tpu.memref_slice %arg2[%dma_wait3A_198, %dma_wait3A_199] : memref<10240x128xf32, #tpu.memory_space<hbm>> -> memref<10240x128xf32, #tpu.memory_space<hbm>>
        tpu.wait_indirect_dma semaphore(%arg29 : memref<!tpu.dma_semaphore, #tpu.memory_space<semaphore_mem>>) src(%dma_wait3A_200 : memref<10240x128xf32, #tpu.memory_space<hbm>>) dst(%arg17 : memref<40x128xf32, #tpu.memory_space<vmem>>)
        %dma_start3A_201 = arith.constant 0 : i32
        %dma_start3A_202 = arith.constant 0 : i32
        %dma_start3A_203 = tpu.memref_slice %arg7[%dma_start3A_201, %dma_start3A_202] : memref<10240x128xf32, #tpu.memory_space<vmem_shared>> -> memref<10240x128xf32, #tpu.memory_space<vmem_shared>>
        tpu.enqueue_indirect_dma source(%arg17 : memref<40x128xf32, #tpu.memory_space<vmem>>) target(%dma_start3A_203 : memref<10240x128xf32, #tpu.memory_space<vmem_shared>>) offsets(%arg11 : memref<40xi32, #tpu.memory_space<vmem>>) semaphore(%arg35 : memref<!tpu.dma_semaphore, #tpu.memory_space<semaphore_mem>>) {add = true}
        %dma_wait3A_204 = tpu.memref_slice %arg4[%add3A_144] : memref<320000xi32, #tpu.memory_space<hbm>> -> memref<40xi32, #tpu.memory_space<hbm>>
        %dma_wait3A_205 = tpu.memref_slice %arg4[%add3A_144] : memref<320000xi32, #tpu.memory_space<hbm>> -> memref<40xi32, #tpu.memory_space<hbm>>
        tpu.wait_dma2 semaphore(%arg24 : memref<!tpu.dma_semaphore, #tpu.memory_space<semaphore_mem>>) src(%dma_wait3A_205 : memref<40xi32, #tpu.memory_space<hbm>>) dst(%arg12 : memref<40xi32, #tpu.memory_space<vmem>>)
        %dma_wait3A_206 = tpu.memref_slice %arg8[%add3A_138] : memref<10000xi32, #tpu.memory_space<vmem>> -> memref<40xi32, #tpu.memory_space<vmem>>
        %dma_wait3A_207 = arith.constant 0 : i32
        %dma_wait3A_208 = arith.constant 0 : i32
        %dma_wait3A_209 = tpu.memref_slice %arg2[%dma_wait3A_207, %dma_wait3A_208] : memref<10240x128xf32, #tpu.memory_space<hbm>> -> memref<10240x128xf32, #tpu.memory_space<hbm>>
        tpu.wait_indirect_dma semaphore(%arg30 : memref<!tpu.dma_semaphore, #tpu.memory_space<semaphore_mem>>) src(%dma_wait3A_209 : memref<10240x128xf32, #tpu.memory_space<hbm>>) dst(%arg18 : memref<40x128xf32, #tpu.memory_space<vmem>>)
        %dma_start3A_210 = arith.constant 0 : i32
        %dma_start3A_211 = arith.constant 0 : i32
        %dma_start3A_212 = tpu.memref_slice %arg7[%dma_start3A_210, %dma_start3A_211] : memref<10240x128xf32, #tpu.memory_space<vmem_shared>> -> memref<10240x128xf32, #tpu.memory_space<vmem_shared>>
        tpu.enqueue_indirect_dma source(%arg18 : memref<40x128xf32, #tpu.memory_space<vmem>>) target(%dma_start3A_212 : memref<10240x128xf32, #tpu.memory_space<vmem_shared>>) offsets(%arg12 : memref<40xi32, #tpu.memory_space<vmem>>) semaphore(%arg36 : memref<!tpu.dma_semaphore, #tpu.memory_space<semaphore_mem>>) {add = true}
        %dma_wait3A_213 = tpu.memref_slice %arg4[%add3A_157] : memref<320000xi32, #tpu.memory_space<hbm>> -> memref<40xi32, #tpu.memory_space<hbm>>
        %dma_wait3A_214 = tpu.memref_slice %arg4[%add3A_157] : memref<320000xi32, #tpu.memory_space<hbm>> -> memref<40xi32, #tpu.memory_space<hbm>>
        tpu.wait_dma2 semaphore(%arg25 : memref<!tpu.dma_semaphore, #tpu.memory_space<semaphore_mem>>) src(%dma_wait3A_214 : memref<40xi32, #tpu.memory_space<hbm>>) dst(%arg13 : memref<40xi32, #tpu.memory_space<vmem>>)
        %dma_wait3A_215 = tpu.memref_slice %arg8[%add3A_151] : memref<10000xi32, #tpu.memory_space<vmem>> -> memref<40xi32, #tpu.memory_space<vmem>>
        %dma_wait3A_216 = arith.constant 0 : i32
        %dma_wait3A_217 = arith.constant 0 : i32
        %dma_wait3A_218 = tpu.memref_slice %arg2[%dma_wait3A_216, %dma_wait3A_217] : memref<10240x128xf32, #tpu.memory_space<hbm>> -> memref<10240x128xf32, #tpu.memory_space<hbm>>
        tpu.wait_indirect_dma semaphore(%arg31 : memref<!tpu.dma_semaphore, #tpu.memory_space<semaphore_mem>>) src(%dma_wait3A_218 : memref<10240x128xf32, #tpu.memory_space<hbm>>) dst(%arg19 : memref<40x128xf32, #tpu.memory_space<vmem>>)
        %dma_start3A_219 = arith.constant 0 : i32
        %dma_start3A_220 = arith.constant 0 : i32
        %dma_start3A_221 = tpu.memref_slice %arg7[%dma_start3A_219, %dma_start3A_220] : memref<10240x128xf32, #tpu.memory_space<vmem_shared>> -> memref<10240x128xf32, #tpu.memory_space<vmem_shared>>
        tpu.enqueue_indirect_dma source(%arg19 : memref<40x128xf32, #tpu.memory_space<vmem>>) target(%dma_start3A_221 : memref<10240x128xf32, #tpu.memory_space<vmem_shared>>) offsets(%arg13 : memref<40xi32, #tpu.memory_space<vmem>>) semaphore(%arg37 : memref<!tpu.dma_semaphore, #tpu.memory_space<semaphore_mem>>) {add = true}
        %dma_wait3A_222 = tpu.memref_slice %arg4[%add3A_170] : memref<320000xi32, #tpu.memory_space<hbm>> -> memref<40xi32, #tpu.memory_space<hbm>>
        %dma_wait3A_223 = tpu.memref_slice %arg4[%add3A_170] : memref<320000xi32, #tpu.memory_space<hbm>> -> memref<40xi32, #tpu.memory_space<hbm>>
        tpu.wait_dma2 semaphore(%arg26 : memref<!tpu.dma_semaphore, #tpu.memory_space<semaphore_mem>>) src(%dma_wait3A_223 : memref<40xi32, #tpu.memory_space<hbm>>) dst(%arg14 : memref<40xi32, #tpu.memory_space<vmem>>)
        %dma_wait3A_224 = tpu.memref_slice %arg8[%add3A_164] : memref<10000xi32, #tpu.memory_space<vmem>> -> memref<40xi32, #tpu.memory_space<vmem>>
        %dma_wait3A_225 = arith.constant 0 : i32
        %dma_wait3A_226 = arith.constant 0 : i32
        %dma_wait3A_227 = tpu.memref_slice %arg2[%dma_wait3A_225, %dma_wait3A_226] : memref<10240x128xf32, #tpu.memory_space<hbm>> -> memref<10240x128xf32, #tpu.memory_space<hbm>>
        tpu.wait_indirect_dma semaphore(%arg32 : memref<!tpu.dma_semaphore, #tpu.memory_space<semaphore_mem>>) src(%dma_wait3A_227 : memref<10240x128xf32, #tpu.memory_space<hbm>>) dst(%arg20 : memref<40x128xf32, #tpu.memory_space<vmem>>)
        %dma_start3A_228 = arith.constant 0 : i32
        %dma_start3A_229 = arith.constant 0 : i32
        %dma_start3A_230 = tpu.memref_slice %arg7[%dma_start3A_228, %dma_start3A_229] : memref<10240x128xf32, #tpu.memory_space<vmem_shared>> -> memref<10240x128xf32, #tpu.memory_space<vmem_shared>>
        tpu.enqueue_indirect_dma source(%arg20 : memref<40x128xf32, #tpu.memory_space<vmem>>) target(%dma_start3A_230 : memref<10240x128xf32, #tpu.memory_space<vmem_shared>>) offsets(%arg14 : memref<40xi32, #tpu.memory_space<vmem>>) semaphore(%arg38 : memref<!tpu.dma_semaphore, #tpu.memory_space<semaphore_mem>>) {add = true}
        %dma_wait3A_231 = tpu.memref_slice %arg4[%add3A_183] : memref<320000xi32, #tpu.memory_space<hbm>> -> memref<40xi32, #tpu.memory_space<hbm>>
        %dma_wait3A_232 = tpu.memref_slice %arg4[%add3A_183] : memref<320000xi32, #tpu.memory_space<hbm>> -> memref<40xi32, #tpu.memory_space<hbm>>
        tpu.wait_dma2 semaphore(%arg27 : memref<!tpu.dma_semaphore, #tpu.memory_space<semaphore_mem>>) src(%dma_wait3A_232 : memref<40xi32, #tpu.memory_space<hbm>>) dst(%arg15 : memref<40xi32, #tpu.memory_space<vmem>>)
        %dma_wait3A_233 = tpu.memref_slice %arg8[%add3A_177] : memref<10000xi32, #tpu.memory_space<vmem>> -> memref<40xi32, #tpu.memory_space<vmem>>
        %dma_wait3A_234 = arith.constant 0 : i32
        %dma_wait3A_235 = arith.constant 0 : i32
        %dma_wait3A_236 = tpu.memref_slice %arg2[%dma_wait3A_234, %dma_wait3A_235] : memref<10240x128xf32, #tpu.memory_space<hbm>> -> memref<10240x128xf32, #tpu.memory_space<hbm>>
        tpu.wait_indirect_dma semaphore(%arg33 : memref<!tpu.dma_semaphore, #tpu.memory_space<semaphore_mem>>) src(%dma_wait3A_236 : memref<10240x128xf32, #tpu.memory_space<hbm>>) dst(%arg21 : memref<40x128xf32, #tpu.memory_space<vmem>>)
        %dma_start3A_237 = arith.constant 0 : i32
        %dma_start3A_238 = arith.constant 0 : i32
        %dma_start3A_239 = tpu.memref_slice %arg7[%dma_start3A_237, %dma_start3A_238] : memref<10240x128xf32, #tpu.memory_space<vmem_shared>> -> memref<10240x128xf32, #tpu.memory_space<vmem_shared>>
        tpu.enqueue_indirect_dma source(%arg21 : memref<40x128xf32, #tpu.memory_space<vmem>>) target(%dma_start3A_239 : memref<10240x128xf32, #tpu.memory_space<vmem_shared>>) offsets(%arg15 : memref<40xi32, #tpu.memory_space<vmem>>) semaphore(%arg39 : memref<!tpu.dma_semaphore, #tpu.memory_space<semaphore_mem>>) {add = true}
      } else {
      }
      %scan3A_98 = arith.constant 0 : i32
      scf.yield %scan3A_98 : i32
    }
    %scan3A_12 = arith.constant 41 : i32
    %dma_wait3A = arith.constant 0 : i32
    %dma_wait3A_13 = arith.constant 0 : i32
    %dma_wait3A_14 = tpu.memref_slice %arg7[%dma_wait3A, %dma_wait3A_13] : memref<10240x128xf32, #tpu.memory_space<vmem_shared>> -> memref<10240x128xf32, #tpu.memory_space<vmem_shared>>
    tpu.wait_indirect_dma semaphore(%arg34 : memref<!tpu.dma_semaphore, #tpu.memory_space<semaphore_mem>>) src(%arg16 : memref<40x128xf32, #tpu.memory_space<vmem>>) dst(%dma_wait3A_14 : memref<10240x128xf32, #tpu.memory_space<vmem_shared>>)
    %dma_wait3A_15 = arith.constant 0 : i32
    %dma_wait3A_16 = arith.constant 0 : i32
    %dma_wait3A_17 = tpu.memref_slice %arg7[%dma_wait3A_15, %dma_wait3A_16] : memref<10240x128xf32, #tpu.memory_space<vmem_shared>> -> memref<10240x128xf32, #tpu.memory_space<vmem_shared>>
    tpu.wait_indirect_dma semaphore(%arg35 : memref<!tpu.dma_semaphore, #tpu.memory_space<semaphore_mem>>) src(%arg17 : memref<40x128xf32, #tpu.memory_space<vmem>>) dst(%dma_wait3A_17 : memref<10240x128xf32, #tpu.memory_space<vmem_shared>>)
    %dma_wait3A_18 = arith.constant 0 : i32
    %dma_wait3A_19 = arith.constant 0 : i32
    %dma_wait3A_20 = tpu.memref_slice %arg7[%dma_wait3A_18, %dma_wait3A_19] : memref<10240x128xf32, #tpu.memory_space<vmem_shared>> -> memref<10240x128xf32, #tpu.memory_space<vmem_shared>>
    tpu.wait_indirect_dma semaphore(%arg36 : memref<!tpu.dma_semaphore, #tpu.memory_space<semaphore_mem>>) src(%arg18 : memref<40x128xf32, #tpu.memory_space<vmem>>) dst(%dma_wait3A_20 : memref<10240x128xf32, #tpu.memory_space<vmem_shared>>)
    %dma_wait3A_21 = arith.constant 0 : i32
    %dma_wait3A_22 = arith.constant 0 : i32
    %dma_wait3A_23 = tpu.memref_slice %arg7[%dma_wait3A_21, %dma_wait3A_22] : memref<10240x128xf32, #tpu.memory_space<vmem_shared>> -> memref<10240x128xf32, #tpu.memory_space<vmem_shared>>
    tpu.wait_indirect_dma semaphore(%arg37 : memref<!tpu.dma_semaphore, #tpu.memory_space<semaphore_mem>>) src(%arg19 : memref<40x128xf32, #tpu.memory_space<vmem>>) dst(%dma_wait3A_23 : memref<10240x128xf32, #tpu.memory_space<vmem_shared>>)
    %dma_wait3A_24 = arith.constant 0 : i32
    %dma_wait3A_25 = arith.constant 0 : i32
    %dma_wait3A_26 = tpu.memref_slice %arg7[%dma_wait3A_24, %dma_wait3A_25] : memref<10240x128xf32, #tpu.memory_space<vmem_shared>> -> memref<10240x128xf32, #tpu.memory_space<vmem_shared>>
    tpu.wait_indirect_dma semaphore(%arg38 : memref<!tpu.dma_semaphore, #tpu.memory_space<semaphore_mem>>) src(%arg20 : memref<40x128xf32, #tpu.memory_space<vmem>>) dst(%dma_wait3A_26 : memref<10240x128xf32, #tpu.memory_space<vmem_shared>>)
    %dma_wait3A_27 = arith.constant 0 : i32
    %dma_wait3A_28 = arith.constant 0 : i32
    %dma_wait3A_29 = tpu.memref_slice %arg7[%dma_wait3A_27, %dma_wait3A_28] : memref<10240x128xf32, #tpu.memory_space<vmem_shared>> -> memref<10240x128xf32, #tpu.memory_space<vmem_shared>>
    tpu.wait_indirect_dma semaphore(%arg39 : memref<!tpu.dma_semaphore, #tpu.memory_space<semaphore_mem>>) src(%arg21 : memref<40x128xf32, #tpu.memory_space<vmem>>) dst(%dma_wait3A_29 : memref<10240x128xf32, #tpu.memory_space<vmem_shared>>)
    %add3A_30 = arith.constant 9840 : i32
    %add3A_31 = arith.addi %mul3A_2, %add3A_30 : i32
    %add3A_32 = arith.constant 0 : i32
    %add3A_33 = arith.addi %add3A_31, %add3A_32 : i32
    "tpu.region"() ({
      %run_scoped3A = tpu.sem_alloc : memref<!tpu.dma_semaphore, #tpu.memory_space<semaphore_mem>>
      %dma_start3A_90 = tpu.memref_slice %arg4[%add3A_33] : memref<320000xi32, #tpu.memory_space<hbm>> -> memref<40xi32, #tpu.memory_space<hbm>>
      %dma_start3A_91 = tpu.memref_slice %arg4[%add3A_33] : memref<320000xi32, #tpu.memory_space<hbm>> -> memref<40xi32, #tpu.memory_space<hbm>>
      tpu.enqueue_dma source(%dma_start3A_91 : memref<40xi32, #tpu.memory_space<hbm>>) target(%arg10 : memref<40xi32, #tpu.memory_space<vmem>>) target_semaphore(%run_scoped3A : memref<!tpu.dma_semaphore, #tpu.memory_space<semaphore_mem>>)
      %dma_wait3A_92 = tpu.memref_slice %arg4[%add3A_33] : memref<320000xi32, #tpu.memory_space<hbm>> -> memref<40xi32, #tpu.memory_space<hbm>>
      %dma_wait3A_93 = tpu.memref_slice %arg4[%add3A_33] : memref<320000xi32, #tpu.memory_space<hbm>> -> memref<40xi32, #tpu.memory_space<hbm>>
      tpu.wait_dma2 semaphore(%run_scoped3A : memref<!tpu.dma_semaphore, #tpu.memory_space<semaphore_mem>>) src(%dma_wait3A_93 : memref<40xi32, #tpu.memory_space<hbm>>) dst(%arg10 : memref<40xi32, #tpu.memory_space<vmem>>)
      tpu.yield
    }) : () -> ()
    %dma_start3A = arith.constant 9840 : i32
    %dma_start3A_34 = tpu.memref_slice %arg8[%dma_start3A] : memref<10000xi32, #tpu.memory_space<vmem>> -> memref<40xi32, #tpu.memory_space<vmem>>
    %dma_start3A_35 = arith.constant 0 : i32
    %dma_start3A_36 = arith.constant 0 : i32
    %dma_start3A_37 = tpu.memref_slice %arg2[%dma_start3A_35, %dma_start3A_36] : memref<10240x128xf32, #tpu.memory_space<hbm>> -> memref<10240x128xf32, #tpu.memory_space<hbm>>
    tpu.enqueue_indirect_dma source(%dma_start3A_37 : memref<10240x128xf32, #tpu.memory_space<hbm>>) target(%arg16 : memref<40x128xf32, #tpu.memory_space<vmem>>) offsets(%dma_start3A_34 : memref<40xi32, #tpu.memory_space<vmem>>) semaphore(%arg28 : memref<!tpu.dma_semaphore, #tpu.memory_space<semaphore_mem>>)
    %dma_wait3A_38 = arith.constant 9840 : i32
    %dma_wait3A_39 = tpu.memref_slice %arg8[%dma_wait3A_38] : memref<10000xi32, #tpu.memory_space<vmem>> -> memref<40xi32, #tpu.memory_space<vmem>>
    %dma_wait3A_40 = arith.constant 0 : i32
    %dma_wait3A_41 = arith.constant 0 : i32
    %dma_wait3A_42 = tpu.memref_slice %arg2[%dma_wait3A_40, %dma_wait3A_41] : memref<10240x128xf32, #tpu.memory_space<hbm>> -> memref<10240x128xf32, #tpu.memory_space<hbm>>
    tpu.wait_indirect_dma semaphore(%arg28 : memref<!tpu.dma_semaphore, #tpu.memory_space<semaphore_mem>>) src(%dma_wait3A_42 : memref<10240x128xf32, #tpu.memory_space<hbm>>) dst(%arg16 : memref<40x128xf32, #tpu.memory_space<vmem>>)
    "tpu.region"() ({
      %run_scoped3A = tpu.sem_alloc : memref<!tpu.dma_semaphore, #tpu.memory_space<semaphore_mem>>
      %dma_start3A_90 = arith.constant 0 : i32
      %dma_start3A_91 = arith.constant 0 : i32
      %dma_start3A_92 = tpu.memref_slice %arg7[%dma_start3A_90, %dma_start3A_91] : memref<10240x128xf32, #tpu.memory_space<vmem_shared>> -> memref<10240x128xf32, #tpu.memory_space<vmem_shared>>
      tpu.enqueue_indirect_dma source(%arg16 : memref<40x128xf32, #tpu.memory_space<vmem>>) target(%dma_start3A_92 : memref<10240x128xf32, #tpu.memory_space<vmem_shared>>) offsets(%arg10 : memref<40xi32, #tpu.memory_space<vmem>>) semaphore(%run_scoped3A : memref<!tpu.dma_semaphore, #tpu.memory_space<semaphore_mem>>) {add = true}
      %dma_wait3A_93 = arith.constant 0 : i32
      %dma_wait3A_94 = arith.constant 0 : i32
      %dma_wait3A_95 = tpu.memref_slice %arg7[%dma_wait3A_93, %dma_wait3A_94] : memref<10240x128xf32, #tpu.memory_space<vmem_shared>> -> memref<10240x128xf32, #tpu.memory_space<vmem_shared>>
      tpu.wait_indirect_dma semaphore(%run_scoped3A : memref<!tpu.dma_semaphore, #tpu.memory_space<semaphore_mem>>) src(%arg16 : memref<40x128xf32, #tpu.memory_space<vmem>>) dst(%dma_wait3A_95 : memref<10240x128xf32, #tpu.memory_space<vmem_shared>>)
      tpu.yield
    }) : () -> ()
    %add3A_43 = arith.constant 9840 : i32
    %add3A_44 = arith.addi %mul3A_2, %add3A_43 : i32
    %add3A_45 = arith.constant 40 : i32
    %add3A_46 = arith.addi %add3A_44, %add3A_45 : i32
    "tpu.region"() ({
      %run_scoped3A = tpu.sem_alloc : memref<!tpu.dma_semaphore, #tpu.memory_space<semaphore_mem>>
      %dma_start3A_90 = tpu.memref_slice %arg4[%add3A_46] : memref<320000xi32, #tpu.memory_space<hbm>> -> memref<40xi32, #tpu.memory_space<hbm>>
      %dma_start3A_91 = tpu.memref_slice %arg4[%add3A_46] : memref<320000xi32, #tpu.memory_space<hbm>> -> memref<40xi32, #tpu.memory_space<hbm>>
      tpu.enqueue_dma source(%dma_start3A_91 : memref<40xi32, #tpu.memory_space<hbm>>) target(%arg11 : memref<40xi32, #tpu.memory_space<vmem>>) target_semaphore(%run_scoped3A : memref<!tpu.dma_semaphore, #tpu.memory_space<semaphore_mem>>)
      %dma_wait3A_92 = tpu.memref_slice %arg4[%add3A_46] : memref<320000xi32, #tpu.memory_space<hbm>> -> memref<40xi32, #tpu.memory_space<hbm>>
      %dma_wait3A_93 = tpu.memref_slice %arg4[%add3A_46] : memref<320000xi32, #tpu.memory_space<hbm>> -> memref<40xi32, #tpu.memory_space<hbm>>
      tpu.wait_dma2 semaphore(%run_scoped3A : memref<!tpu.dma_semaphore, #tpu.memory_space<semaphore_mem>>) src(%dma_wait3A_93 : memref<40xi32, #tpu.memory_space<hbm>>) dst(%arg11 : memref<40xi32, #tpu.memory_space<vmem>>)
      tpu.yield
    }) : () -> ()
    %dma_start3A_47 = arith.constant 9880 : i32
    %dma_start3A_48 = tpu.memref_slice %arg8[%dma_start3A_47] : memref<10000xi32, #tpu.memory_space<vmem>> -> memref<40xi32, #tpu.memory_space<vmem>>
    %dma_start3A_49 = arith.constant 0 : i32
    %dma_start3A_50 = arith.constant 0 : i32
    %dma_start3A_51 = tpu.memref_slice %arg2[%dma_start3A_49, %dma_start3A_50] : memref<10240x128xf32, #tpu.memory_space<hbm>> -> memref<10240x128xf32, #tpu.memory_space<hbm>>
    tpu.enqueue_indirect_dma source(%dma_start3A_51 : memref<10240x128xf32, #tpu.memory_space<hbm>>) target(%arg17 : memref<40x128xf32, #tpu.memory_space<vmem>>) offsets(%dma_start3A_48 : memref<40xi32, #tpu.memory_space<vmem>>) semaphore(%arg29 : memref<!tpu.dma_semaphore, #tpu.memory_space<semaphore_mem>>)
    %dma_wait3A_52 = arith.constant 9880 : i32
    %dma_wait3A_53 = tpu.memref_slice %arg8[%dma_wait3A_52] : memref<10000xi32, #tpu.memory_space<vmem>> -> memref<40xi32, #tpu.memory_space<vmem>>
    %dma_wait3A_54 = arith.constant 0 : i32
    %dma_wait3A_55 = arith.constant 0 : i32
    %dma_wait3A_56 = tpu.memref_slice %arg2[%dma_wait3A_54, %dma_wait3A_55] : memref<10240x128xf32, #tpu.memory_space<hbm>> -> memref<10240x128xf32, #tpu.memory_space<hbm>>
    tpu.wait_indirect_dma semaphore(%arg29 : memref<!tpu.dma_semaphore, #tpu.memory_space<semaphore_mem>>) src(%dma_wait3A_56 : memref<10240x128xf32, #tpu.memory_space<hbm>>) dst(%arg17 : memref<40x128xf32, #tpu.memory_space<vmem>>)
    "tpu.region"() ({
      %run_scoped3A = tpu.sem_alloc : memref<!tpu.dma_semaphore, #tpu.memory_space<semaphore_mem>>
      %dma_start3A_90 = arith.constant 0 : i32
      %dma_start3A_91 = arith.constant 0 : i32
      %dma_start3A_92 = tpu.memref_slice %arg7[%dma_start3A_90, %dma_start3A_91] : memref<10240x128xf32, #tpu.memory_space<vmem_shared>> -> memref<10240x128xf32, #tpu.memory_space<vmem_shared>>
      tpu.enqueue_indirect_dma source(%arg17 : memref<40x128xf32, #tpu.memory_space<vmem>>) target(%dma_start3A_92 : memref<10240x128xf32, #tpu.memory_space<vmem_shared>>) offsets(%arg11 : memref<40xi32, #tpu.memory_space<vmem>>) semaphore(%run_scoped3A : memref<!tpu.dma_semaphore, #tpu.memory_space<semaphore_mem>>) {add = true}
      %dma_wait3A_93 = arith.constant 0 : i32
      %dma_wait3A_94 = arith.constant 0 : i32
      %dma_wait3A_95 = tpu.memref_slice %arg7[%dma_wait3A_93, %dma_wait3A_94] : memref<10240x128xf32, #tpu.memory_space<vmem_shared>> -> memref<10240x128xf32, #tpu.memory_space<vmem_shared>>
      tpu.wait_indirect_dma semaphore(%run_scoped3A : memref<!tpu.dma_semaphore, #tpu.memory_space<semaphore_mem>>) src(%arg17 : memref<40x128xf32, #tpu.memory_space<vmem>>) dst(%dma_wait3A_95 : memref<10240x128xf32, #tpu.memory_space<vmem_shared>>)
      tpu.yield
    }) : () -> ()
    %add3A_57 = arith.constant 9840 : i32
    %add3A_58 = arith.addi %mul3A_2, %add3A_57 : i32
    %add3A_59 = arith.constant 80 : i32
    %add3A_60 = arith.addi %add3A_58, %add3A_59 : i32
    "tpu.region"() ({
      %run_scoped3A = tpu.sem_alloc : memref<!tpu.dma_semaphore, #tpu.memory_space<semaphore_mem>>
      %dma_start3A_90 = tpu.memref_slice %arg4[%add3A_60] : memref<320000xi32, #tpu.memory_space<hbm>> -> memref<40xi32, #tpu.memory_space<hbm>>
      %dma_start3A_91 = tpu.memref_slice %arg4[%add3A_60] : memref<320000xi32, #tpu.memory_space<hbm>> -> memref<40xi32, #tpu.memory_space<hbm>>
      tpu.enqueue_dma source(%dma_start3A_91 : memref<40xi32, #tpu.memory_space<hbm>>) target(%arg12 : memref<40xi32, #tpu.memory_space<vmem>>) target_semaphore(%run_scoped3A : memref<!tpu.dma_semaphore, #tpu.memory_space<semaphore_mem>>)
      %dma_wait3A_92 = tpu.memref_slice %arg4[%add3A_60] : memref<320000xi32, #tpu.memory_space<hbm>> -> memref<40xi32, #tpu.memory_space<hbm>>
      %dma_wait3A_93 = tpu.memref_slice %arg4[%add3A_60] : memref<320000xi32, #tpu.memory_space<hbm>> -> memref<40xi32, #tpu.memory_space<hbm>>
      tpu.wait_dma2 semaphore(%run_scoped3A : memref<!tpu.dma_semaphore, #tpu.memory_space<semaphore_mem>>) src(%dma_wait3A_93 : memref<40xi32, #tpu.memory_space<hbm>>) dst(%arg12 : memref<40xi32, #tpu.memory_space<vmem>>)
      tpu.yield
    }) : () -> ()
    %dma_start3A_61 = arith.constant 9920 : i32
    %dma_start3A_62 = tpu.memref_slice %arg8[%dma_start3A_61] : memref<10000xi32, #tpu.memory_space<vmem>> -> memref<40xi32, #tpu.memory_space<vmem>>
    %dma_start3A_63 = arith.constant 0 : i32
    %dma_start3A_64 = arith.constant 0 : i32
    %dma_start3A_65 = tpu.memref_slice %arg2[%dma_start3A_63, %dma_start3A_64] : memref<10240x128xf32, #tpu.memory_space<hbm>> -> memref<10240x128xf32, #tpu.memory_space<hbm>>
    tpu.enqueue_indirect_dma source(%dma_start3A_65 : memref<10240x128xf32, #tpu.memory_space<hbm>>) target(%arg18 : memref<40x128xf32, #tpu.memory_space<vmem>>) offsets(%dma_start3A_62 : memref<40xi32, #tpu.memory_space<vmem>>) semaphore(%arg30 : memref<!tpu.dma_semaphore, #tpu.memory_space<semaphore_mem>>)
    %dma_wait3A_66 = arith.constant 9920 : i32
    %dma_wait3A_67 = tpu.memref_slice %arg8[%dma_wait3A_66] : memref<10000xi32, #tpu.memory_space<vmem>> -> memref<40xi32, #tpu.memory_space<vmem>>
    %dma_wait3A_68 = arith.constant 0 : i32
    %dma_wait3A_69 = arith.constant 0 : i32
    %dma_wait3A_70 = tpu.memref_slice %arg2[%dma_wait3A_68, %dma_wait3A_69] : memref<10240x128xf32, #tpu.memory_space<hbm>> -> memref<10240x128xf32, #tpu.memory_space<hbm>>
    tpu.wait_indirect_dma semaphore(%arg30 : memref<!tpu.dma_semaphore, #tpu.memory_space<semaphore_mem>>) src(%dma_wait3A_70 : memref<10240x128xf32, #tpu.memory_space<hbm>>) dst(%arg18 : memref<40x128xf32, #tpu.memory_space<vmem>>)
    "tpu.region"() ({
      %run_scoped3A = tpu.sem_alloc : memref<!tpu.dma_semaphore, #tpu.memory_space<semaphore_mem>>
      %dma_start3A_90 = arith.constant 0 : i32
      %dma_start3A_91 = arith.constant 0 : i32
      %dma_start3A_92 = tpu.memref_slice %arg7[%dma_start3A_90, %dma_start3A_91] : memref<10240x128xf32, #tpu.memory_space<vmem_shared>> -> memref<10240x128xf32, #tpu.memory_space<vmem_shared>>
      tpu.enqueue_indirect_dma source(%arg18 : memref<40x128xf32, #tpu.memory_space<vmem>>) target(%dma_start3A_92 : memref<10240x128xf32, #tpu.memory_space<vmem_shared>>) offsets(%arg12 : memref<40xi32, #tpu.memory_space<vmem>>) semaphore(%run_scoped3A : memref<!tpu.dma_semaphore, #tpu.memory_space<semaphore_mem>>) {add = true}
      %dma_wait3A_93 = arith.constant 0 : i32
      %dma_wait3A_94 = arith.constant 0 : i32
      %dma_wait3A_95 = tpu.memref_slice %arg7[%dma_wait3A_93, %dma_wait3A_94] : memref<10240x128xf32, #tpu.memory_space<vmem_shared>> -> memref<10240x128xf32, #tpu.memory_space<vmem_shared>>
      tpu.wait_indirect_dma semaphore(%run_scoped3A : memref<!tpu.dma_semaphore, #tpu.memory_space<semaphore_mem>>) src(%arg18 : memref<40x128xf32, #tpu.memory_space<vmem>>) dst(%dma_wait3A_95 : memref<10240x128xf32, #tpu.memory_space<vmem_shared>>)
      tpu.yield
    }) : () -> ()
    %add3A_71 = arith.constant 9840 : i32
    %add3A_72 = arith.addi %mul3A_2, %add3A_71 : i32
    %add3A_73 = arith.constant 120 : i32
    %add3A_74 = arith.addi %add3A_72, %add3A_73 : i32
    "tpu.region"() ({
      %run_scoped3A = tpu.sem_alloc : memref<!tpu.dma_semaphore, #tpu.memory_space<semaphore_mem>>
      %dma_start3A_90 = tpu.memref_slice %arg4[%add3A_74] : memref<320000xi32, #tpu.memory_space<hbm>> -> memref<40xi32, #tpu.memory_space<hbm>>
      %dma_start3A_91 = tpu.memref_slice %arg4[%add3A_74] : memref<320000xi32, #tpu.memory_space<hbm>> -> memref<40xi32, #tpu.memory_space<hbm>>
      tpu.enqueue_dma source(%dma_start3A_91 : memref<40xi32, #tpu.memory_space<hbm>>) target(%arg13 : memref<40xi32, #tpu.memory_space<vmem>>) target_semaphore(%run_scoped3A : memref<!tpu.dma_semaphore, #tpu.memory_space<semaphore_mem>>)
      %dma_wait3A_92 = tpu.memref_slice %arg4[%add3A_74] : memref<320000xi32, #tpu.memory_space<hbm>> -> memref<40xi32, #tpu.memory_space<hbm>>
      %dma_wait3A_93 = tpu.memref_slice %arg4[%add3A_74] : memref<320000xi32, #tpu.memory_space<hbm>> -> memref<40xi32, #tpu.memory_space<hbm>>
      tpu.wait_dma2 semaphore(%run_scoped3A : memref<!tpu.dma_semaphore, #tpu.memory_space<semaphore_mem>>) src(%dma_wait3A_93 : memref<40xi32, #tpu.memory_space<hbm>>) dst(%arg13 : memref<40xi32, #tpu.memory_space<vmem>>)
      tpu.yield
    }) : () -> ()
    %dma_start3A_75 = arith.constant 9960 : i32
    %dma_start3A_76 = tpu.memref_slice %arg8[%dma_start3A_75] : memref<10000xi32, #tpu.memory_space<vmem>> -> memref<40xi32, #tpu.memory_space<vmem>>
    %dma_start3A_77 = arith.constant 0 : i32
    %dma_start3A_78 = arith.constant 0 : i32
    %dma_start3A_79 = tpu.memref_slice %arg2[%dma_start3A_77, %dma_start3A_78] : memref<10240x128xf32, #tpu.memory_space<hbm>> -> memref<10240x128xf32, #tpu.memory_space<hbm>>
    tpu.enqueue_indirect_dma source(%dma_start3A_79 : memref<10240x128xf32, #tpu.memory_space<hbm>>) target(%arg19 : memref<40x128xf32, #tpu.memory_space<vmem>>) offsets(%dma_start3A_76 : memref<40xi32, #tpu.memory_space<vmem>>) semaphore(%arg31 : memref<!tpu.dma_semaphore, #tpu.memory_space<semaphore_mem>>)
    %dma_wait3A_80 = arith.constant 9960 : i32
    %dma_wait3A_81 = tpu.memref_slice %arg8[%dma_wait3A_80] : memref<10000xi32, #tpu.memory_space<vmem>> -> memref<40xi32, #tpu.memory_space<vmem>>
    %dma_wait3A_82 = arith.constant 0 : i32
    %dma_wait3A_83 = arith.constant 0 : i32
    %dma_wait3A_84 = tpu.memref_slice %arg2[%dma_wait3A_82, %dma_wait3A_83] : memref<10240x128xf32, #tpu.memory_space<hbm>> -> memref<10240x128xf32, #tpu.memory_space<hbm>>
    tpu.wait_indirect_dma semaphore(%arg31 : memref<!tpu.dma_semaphore, #tpu.memory_space<semaphore_mem>>) src(%dma_wait3A_84 : memref<10240x128xf32, #tpu.memory_space<hbm>>) dst(%arg19 : memref<40x128xf32, #tpu.memory_space<vmem>>)
    "tpu.region"() ({
      %run_scoped3A = tpu.sem_alloc : memref<!tpu.dma_semaphore, #tpu.memory_space<semaphore_mem>>
      %dma_start3A_90 = arith.constant 0 : i32
      %dma_start3A_91 = arith.constant 0 : i32
      %dma_start3A_92 = tpu.memref_slice %arg7[%dma_start3A_90, %dma_start3A_91] : memref<10240x128xf32, #tpu.memory_space<vmem_shared>> -> memref<10240x128xf32, #tpu.memory_space<vmem_shared>>
      tpu.enqueue_indirect_dma source(%arg19 : memref<40x128xf32, #tpu.memory_space<vmem>>) target(%dma_start3A_92 : memref<10240x128xf32, #tpu.memory_space<vmem_shared>>) offsets(%arg13 : memref<40xi32, #tpu.memory_space<vmem>>) semaphore(%run_scoped3A : memref<!tpu.dma_semaphore, #tpu.memory_space<semaphore_mem>>) {add = true}
      %dma_wait3A_93 = arith.constant 0 : i32
      %dma_wait3A_94 = arith.constant 0 : i32
      %dma_wait3A_95 = tpu.memref_slice %arg7[%dma_wait3A_93, %dma_wait3A_94] : memref<10240x128xf32, #tpu.memory_space<vmem_shared>> -> memref<10240x128xf32, #tpu.memory_space<vmem_shared>>
      tpu.wait_indirect_dma semaphore(%run_scoped3A : memref<!tpu.dma_semaphore, #tpu.memory_space<semaphore_mem>>) src(%arg19 : memref<40x128xf32, #tpu.memory_space<vmem>>) dst(%dma_wait3A_95 : memref<10240x128xf32, #tpu.memory_space<vmem_shared>>)
      tpu.yield
    }) : () -> ()
    %barrier3A_85 = arith.constant 0 : index
    tpu.barrier barrier_id(%barrier3A_85)
    %mul3A_86 = arith.constant 640 : i32
    %mul3A_87 = arith.muli %arg1, %mul3A_86 : i32
    %mul3A_88 = arith.constant 640 : i32
    %mul3A_89 = arith.muli %arg1, %mul3A_88 : i32
    "tpu.region"() ({
      %run_scoped3A = tpu.sem_alloc : memref<!tpu.dma_semaphore, #tpu.memory_space<semaphore_mem>>
      %dma_start3A_90 = arith.constant 0 : i32
      %dma_start3A_91 = tpu.memref_slice %arg6[%arg0, %mul3A_89, %dma_start3A_90] : memref<2x10240x128xf32, #tpu.memory_space<hbm>> -> memref<1x640x128xf32, #tpu.memory_space<hbm>>
      %dma_start3A_92 = tpu.memref_squeeze %dma_start3A_91 : memref<1x640x128xf32, #tpu.memory_space<hbm>> -> memref<640x128xf32, #tpu.memory_space<hbm>>
      %dma_start3A_93 = arith.constant 0 : i32
      %dma_start3A_94 = tpu.memref_slice %arg7[%mul3A_87, %dma_start3A_93] : memref<10240x128xf32, #tpu.memory_space<vmem_shared>> -> memref<640x128xf32, #tpu.memory_space<vmem_shared>>
      tpu.enqueue_dma source(%dma_start3A_94 : memref<640x128xf32, #tpu.memory_space<vmem_shared>>) target(%dma_start3A_92 : memref<640x128xf32, #tpu.memory_space<hbm>>) target_semaphore(%run_scoped3A : memref<!tpu.dma_semaphore, #tpu.memory_space<semaphore_mem>>)
      %dma_wait3A_95 = arith.constant 0 : i32
      %dma_wait3A_96 = tpu.memref_slice %arg6[%arg0, %mul3A_89, %dma_wait3A_95] : memref<2x10240x128xf32, #tpu.memory_space<hbm>> -> memref<1x640x128xf32, #tpu.memory_space<hbm>>
      %dma_wait3A_97 = tpu.memref_squeeze %dma_wait3A_96 : memref<1x640x128xf32, #tpu.memory_space<hbm>> -> memref<640x128xf32, #tpu.memory_space<hbm>>
      %dma_wait3A_98 = arith.constant 0 : i32
      %dma_wait3A_99 = tpu.memref_slice %arg7[%mul3A_87, %dma_wait3A_98] : memref<10240x128xf32, #tpu.memory_space<vmem_shared>> -> memref<640x128xf32, #tpu.memory_space<vmem_shared>>
      tpu.wait_dma2 semaphore(%run_scoped3A : memref<!tpu.dma_semaphore, #tpu.memory_space<semaphore_mem>>) src(%dma_wait3A_99 : memref<640x128xf32, #tpu.memory_space<vmem_shared>>) dst(%dma_wait3A_97 : memref<640x128xf32, #tpu.memory_space<hbm>>)
      tpu.yield
    }) : () -> ()
    return
  }
}

module attributes {stable_mosaic.version = 14 : i64} {
  func.func @_tc_emb_body(%arg0: i32, %arg1: memref<2560x128xf32, #tpu.memory_space<vmem>>, %arg2: memref<128x128xf32, #tpu.memory_space<vmem>>, %arg3: memref<1x128xf32, #tpu.memory_space<vmem>>, %arg4: memref<2560x128xf32, #tpu.memory_space<vmem>>) attributes {dimension_semantics = [#tpu.dimension_semantics<arbitrary>], iteration_bounds = array<i64: 4>, scalar_prefetch = 0 : i64, scratch_operands = 0 : i64, tpu.core_type = #tpu.core_type<tc>, window_params = [{transform_indices = @transform_0, window_bounds = array<i64: 2560, 128>}, {pipeline_mode = #tpu.pipeline_mode<synchronous>, transform_indices = @transform_1, window_bounds = array<i64: 128, 128>}, {pipeline_mode = #tpu.pipeline_mode<synchronous>, transform_indices = @transform_2, window_bounds = array<i64: 1, 128>}, {transform_indices = @transform_3, window_bounds = array<i64: 2560, 128>}]} {
    %get3A = arith.constant 0 : index
    %get3A_0 = arith.constant 0 : index
    %get3A_1 = vector.load %arg1[%get3A, %get3A_0] : memref<2560x128xf32, #tpu.memory_space<vmem>>, vector<2560x128xf32>
    %get3A_2 = arith.constant 0 : index
    %get3A_3 = arith.constant 0 : index
    %get3A_4 = vector.load %arg2[%get3A_2, %get3A_3] : memref<128x128xf32, #tpu.memory_space<vmem>>, vector<128x128xf32>
    %dot_general3A = arith.constant dense<0.000000e+00> : vector<2560x128xf32>
    %dot_general3A_5 = tpu.matmul %get3A_1, %get3A_4, %dot_general3A {dimension_numbers = #tpu.dot_dimension_numbers<[1], [0], [0], [1], [0, 0, 1, 1], [], []>, transpose_lhs_hint = false} : vector<2560x128xf32>, vector<128x128xf32>, vector<2560x128xf32> -> vector<2560x128xf32>
    %get3A_6 = arith.constant 0 : index
    %get3A_7 = arith.constant 0 : index
    %get3A_8 = vector.load %arg3[%get3A_6, %get3A_7] : memref<1x128xf32, #tpu.memory_space<vmem>>, vector<1x128xf32>
    %add3A = vector.broadcast %get3A_8 : vector<1x128xf32> to vector<2560x128xf32>
    %add3A_9 = arith.addf %dot_general3A_5, %add3A : vector<2560x128xf32>
    %swap3A = arith.constant 0 : index
    %swap3A_10 = arith.constant 0 : index
    %swap3A_11 = vector.load %arg4[%swap3A, %swap3A_10] : memref<2560x128xf32, #tpu.memory_space<vmem>>, vector<2560x128xf32>
    tpu.vector_store %arg4[%swap3A, %swap3A_10], %add3A_9 {strides = array<i32>} : memref<2560x128xf32, #tpu.memory_space<vmem>>, vector<2560x128xf32>,
    return
  }
  func.func @transform_0(%arg0: i32) -> (i32, i32) {
    %c0_i32 = arith.constant 0 : i32
    %c0_i32_0 = arith.constant 0 : i32
    return %arg0, %c0_i32 : i32, i32
  }
  func.func @transform_1(%arg0: i32) -> (i32, i32) {
    %c0_i32 = arith.constant 0 : i32
    %c0_i32_0 = arith.constant 0 : i32
    %c0_i32_1 = arith.constant 0 : i32
    return %c0_i32, %c0_i32_0 : i32, i32
  }
  func.func @transform_2(%arg0: i32) -> (i32, i32) {
    %c0_i32 = arith.constant 0 : i32
    %c0_i32_0 = arith.constant 0 : i32
    %c0_i32_1 = arith.constant 0 : i32
    return %c0_i32, %c0_i32_0 : i32, i32
  }
  func.func @transform_3(%arg0: i32) -> (i32, i32) {
    %c0_i32 = arith.constant 0 : i32
    %c0_i32_0 = arith.constant 0 : i32
    return %arg0, %c0_i32 : i32, i32
  }
}

module attributes {stable_mosaic.version = 14 : i64} {
  func.func @_tc_pre_body(%arg0: i32, %arg1: memref<2560x128xf32, #tpu.memory_space<vmem>>, %arg2: memref<128x128xf32, #tpu.memory_space<vmem>>, %arg3: memref<2560x1xf32, #tpu.memory_space<vmem>>, %arg4: memref<2560x1xf32, #tpu.memory_space<vmem>>, %arg5: memref<2560x128xf32, #tpu.memory_space<vmem>>, %arg6: memref<2560x1xf32, #tpu.memory_space<vmem>>) attributes {dimension_semantics = [#tpu.dimension_semantics<arbitrary>], iteration_bounds = array<i64: 4>, scalar_prefetch = 0 : i64, scratch_operands = 0 : i64, tpu.core_type = #tpu.core_type<tc>, window_params = [{transform_indices = @transform_0, window_bounds = array<i64: 2560, 128>}, {pipeline_mode = #tpu.pipeline_mode<synchronous>, transform_indices = @transform_1, window_bounds = array<i64: 128, 128>}, {transform_indices = @transform_2, window_bounds = array<i64: 2560, 1>}, {transform_indices = @transform_3, window_bounds = array<i64: 2560, 1>}, {transform_indices = @transform_4, window_bounds = array<i64: 2560, 128>}, {transform_indices = @transform_5, window_bounds = array<i64: 2560, 1>}]} {
    %get3A = arith.constant 0 : index
    %get3A_0 = arith.constant 0 : index
    %get3A_1 = vector.load %arg3[%get3A, %get3A_0] : memref<2560x1xf32, #tpu.memory_space<vmem>>, vector<2560x1xf32>
    %get3A_2 = arith.constant 0 : index
    %get3A_3 = arith.constant 0 : index
    %get3A_4 = vector.load %arg4[%get3A_2, %get3A_3] : memref<2560x1xf32, #tpu.memory_space<vmem>>, vector<2560x1xf32>
    %add3A = arith.addf %get3A_1, %get3A_4 : vector<2560x1xf32>
    %add3A_5 = arith.constant 1.000000e+00 : f32
    %add3A_6 = vector.broadcast %add3A_5 : f32 to vector<2560x1xf32>
    %add3A_7 = arith.addf %add3A, %add3A_6 : vector<2560x1xf32>
    %rsqrt3A = math.rsqrt %add3A_7 : vector<2560x1xf32>
    %get3A_8 = arith.constant 0 : index
    %get3A_9 = arith.constant 0 : index
    %get3A_10 = vector.load %arg1[%get3A_8, %get3A_9] : memref<2560x128xf32, #tpu.memory_space<vmem>>, vector<2560x128xf32>
    %get3A_11 = arith.constant 0 : index
    %get3A_12 = arith.constant 0 : index
    %get3A_13 = vector.load %arg2[%get3A_11, %get3A_12] : memref<128x128xf32, #tpu.memory_space<vmem>>, vector<128x128xf32>
    %dot_general3A = arith.constant dense<0.000000e+00> : vector<2560x128xf32>
    %dot_general3A_14 = tpu.matmul %get3A_10, %get3A_13, %dot_general3A {dimension_numbers = #tpu.dot_dimension_numbers<[1], [0], [0], [1], [0, 0, 1, 1], [], []>, transpose_lhs_hint = false} : vector<2560x128xf32>, vector<128x128xf32>, vector<2560x128xf32> -> vector<2560x128xf32>
    %mul3A = vector.broadcast %rsqrt3A : vector<2560x1xf32> to vector<2560x128xf32>
    %mul3A_15 = arith.mulf %dot_general3A_14, %mul3A : vector<2560x128xf32>
    %swap3A = arith.constant 0 : index
    %swap3A_16 = arith.constant 0 : index
    %swap3A_17 = vector.load %arg5[%swap3A, %swap3A_16] : memref<2560x128xf32, #tpu.memory_space<vmem>>, vector<2560x128xf32>
    tpu.vector_store %arg5[%swap3A, %swap3A_16], %mul3A_15 {strides = array<i32>} : memref<2560x128xf32, #tpu.memory_space<vmem>>, vector<2560x128xf32>,
    %swap3A_18 = arith.constant 0 : index
    %swap3A_19 = arith.constant 0 : index
    %swap3A_20 = vector.load %arg6[%swap3A_18, %swap3A_19] : memref<2560x1xf32, #tpu.memory_space<vmem>>, vector<2560x1xf32>
    tpu.vector_store %arg6[%swap3A_18, %swap3A_19], %rsqrt3A {strides = array<i32>} : memref<2560x1xf32, #tpu.memory_space<vmem>>, vector<2560x1xf32>,
    return
  }
  func.func @transform_0(%arg0: i32) -> (i32, i32) {
    %c0_i32 = arith.constant 0 : i32
    %c0_i32_0 = arith.constant 0 : i32
    return %arg0, %c0_i32 : i32, i32
  }
  func.func @transform_1(%arg0: i32) -> (i32, i32) {
    %c0_i32 = arith.constant 0 : i32
    %c0_i32_0 = arith.constant 0 : i32
    %c0_i32_1 = arith.constant 0 : i32
    return %c0_i32, %c0_i32_0 : i32, i32
  }
  func.func @transform_2(%arg0: i32) -> (i32, i32) {
    %c0_i32 = arith.constant 0 : i32
    %c0_i32_0 = arith.constant 0 : i32
    return %arg0, %c0_i32 : i32, i32
  }
  func.func @transform_3(%arg0: i32) -> (i32, i32) {
    %c0_i32 = arith.constant 0 : i32
    %c0_i32_0 = arith.constant 0 : i32
    return %arg0, %c0_i32 : i32, i32
  }
  func.func @transform_4(%arg0: i32) -> (i32, i32) {
    %c0_i32 = arith.constant 0 : i32
    %c0_i32_0 = arith.constant 0 : i32
    return %arg0, %c0_i32 : i32, i32
  }
  func.func @transform_5(%arg0: i32) -> (i32, i32) {
    %c0_i32 = arith.constant 0 : i32
    %c0_i32_0 = arith.constant 0 : i32
    return %arg0, %c0_i32 : i32, i32
  }
}

module attributes {stable_mosaic.version = 14 : i64} {
  func.func @_tc_mid_body(%arg0: i32, %arg1: memref<2x2560x128xf32, #tpu.memory_space<vmem>>, %arg2: memref<2560x128xf32, #tpu.memory_space<vmem>>, %arg3: memref<2560x1xf32, #tpu.memory_space<vmem>>, %arg4: memref<1x128xf32, #tpu.memory_space<vmem>>, %arg5: memref<128x128xf32, #tpu.memory_space<vmem>>, %arg6: memref<2560x128xf32, #tpu.memory_space<vmem>>) attributes {dimension_semantics = [#tpu.dimension_semantics<arbitrary>], iteration_bounds = array<i64: 4>, scalar_prefetch = 0 : i64, scratch_operands = 0 : i64, tpu.core_type = #tpu.core_type<tc>, window_params = [{transform_indices = @transform_0, window_bounds = array<i64: 2, 2560, 128>}, {transform_indices = @transform_1, window_bounds = array<i64: 2560, 128>}, {transform_indices = @transform_2, window_bounds = array<i64: 2560, 1>}, {pipeline_mode = #tpu.pipeline_mode<synchronous>, transform_indices = @transform_3, window_bounds = array<i64: 1, 128>}, {pipeline_mode = #tpu.pipeline_mode<synchronous>, transform_indices = @transform_4, window_bounds = array<i64: 128, 128>}, {transform_indices = @transform_5, window_bounds = array<i64: 2560, 128>}]} {
    %get3A = arith.constant 0 : index
    %get3A_0 = arith.constant 0 : index
    %get3A_1 = arith.constant 0 : index
    %get3A_2 = vector.load %arg1[%get3A, %get3A_0, %get3A_1] : memref<2x2560x128xf32, #tpu.memory_space<vmem>>, vector<2x2560x128xf32>
    %get3A_3 = arith.constant 0 : index
    %get3A_4 = arith.constant 0 : index
    %get3A_5 = vector.load %arg3[%get3A_3, %get3A_4] : memref<2560x1xf32, #tpu.memory_space<vmem>>, vector<2560x1xf32>
    %slice3A = vector.extract_strided_slice %get3A_2 {offsets = [0, 0, 0], sizes = [1, 2560, 128], strides = [1, 1, 1]} : vector<2x2560x128xf32> to vector<1x2560x128xf32>
    %squeeze3A = vector.shape_cast %slice3A : vector<1x2560x128xf32> to vector<2560x128xf32>
    %slice3A_6 = vector.extract_strided_slice %get3A_2 {offsets = [1, 0, 0], sizes = [1, 2560, 128], strides = [1, 1, 1]} : vector<2x2560x128xf32> to vector<1x2560x128xf32>
    %squeeze3A_7 = vector.shape_cast %slice3A_6 : vector<1x2560x128xf32> to vector<2560x128xf32>
    %add3A = arith.addf %squeeze3A, %squeeze3A_7 : vector<2560x128xf32>
    %get3A_8 = arith.constant 0 : index
    %get3A_9 = arith.constant 0 : index
    %get3A_10 = vector.load %arg2[%get3A_8, %get3A_9] : memref<2560x128xf32, #tpu.memory_space<vmem>>, vector<2560x128xf32>
    %add3A_11 = arith.addf %add3A, %get3A_10 : vector<2560x128xf32>
    %mul3A = vector.broadcast %get3A_5 : vector<2560x1xf32> to vector<2560x128xf32>
    %mul3A_12 = arith.mulf %add3A_11, %mul3A : vector<2560x128xf32>
    %get3A_13 = arith.constant 0 : index
    %get3A_14 = arith.constant 0 : index
    %get3A_15 = vector.load %arg4[%get3A_13, %get3A_14] : memref<1x128xf32, #tpu.memory_space<vmem>>, vector<1x128xf32>
    %add3A_16 = vector.broadcast %get3A_15 : vector<1x128xf32> to vector<2560x128xf32>
    %add3A_17 = arith.addf %mul3A_12, %add3A_16 : vector<2560x128xf32>
    %get3A_18 = arith.constant 0 : index
    %get3A_19 = arith.constant 0 : index
    %get3A_20 = vector.load %arg5[%get3A_18, %get3A_19] : memref<128x128xf32, #tpu.memory_space<vmem>>, vector<128x128xf32>
    %dot_general3A = arith.constant dense<0.000000e+00> : vector<2560x128xf32>
    %dot_general3A_21 = tpu.matmul %add3A_17, %get3A_20, %dot_general3A {dimension_numbers = #tpu.dot_dimension_numbers<[1], [0], [0], [1], [0, 0, 1, 1], [], []>, transpose_lhs_hint = false} : vector<2560x128xf32>, vector<128x128xf32>, vector<2560x128xf32> -> vector<2560x128xf32>
    %mul3A_22 = vector.broadcast %get3A_5 : vector<2560x1xf32> to vector<2560x128xf32>
    %mul3A_23 = arith.mulf %dot_general3A_21, %mul3A_22 : vector<2560x128xf32>
    %swap3A = arith.constant 0 : index
    %swap3A_24 = arith.constant 0 : index
    %swap3A_25 = vector.load %arg6[%swap3A, %swap3A_24] : memref<2560x128xf32, #tpu.memory_space<vmem>>, vector<2560x128xf32>
    tpu.vector_store %arg6[%swap3A, %swap3A_24], %mul3A_23 {strides = array<i32>} : memref<2560x128xf32, #tpu.memory_space<vmem>>, vector<2560x128xf32>,
    return
  }
  func.func @transform_0(%arg0: i32) -> (i32, i32, i32) {
    %c0_i32 = arith.constant 0 : i32
    %c0_i32_0 = arith.constant 0 : i32
    %c0_i32_1 = arith.constant 0 : i32
    return %c0_i32, %arg0, %c0_i32_0 : i32, i32, i32
  }
  func.func @transform_1(%arg0: i32) -> (i32, i32) {
    %c0_i32 = arith.constant 0 : i32
    %c0_i32_0 = arith.constant 0 : i32
    return %arg0, %c0_i32 : i32, i32
  }
  func.func @transform_2(%arg0: i32) -> (i32, i32) {
    %c0_i32 = arith.constant 0 : i32
    %c0_i32_0 = arith.constant 0 : i32
    return %arg0, %c0_i32 : i32, i32
  }
  func.func @transform_3(%arg0: i32) -> (i32, i32) {
    %c0_i32 = arith.constant 0 : i32
    %c0_i32_0 = arith.constant 0 : i32
    %c0_i32_1 = arith.constant 0 : i32
    return %c0_i32, %c0_i32_0 : i32, i32
  }
  func.func @transform_4(%arg0: i32) -> (i32, i32) {
    %c0_i32 = arith.constant 0 : i32
    %c0_i32_0 = arith.constant 0 : i32
    %c0_i32_1 = arith.constant 0 : i32
    return %c0_i32, %c0_i32_0 : i32, i32
  }
  func.func @transform_5(%arg0: i32) -> (i32, i32) {
    %c0_i32 = arith.constant 0 : i32
    %c0_i32_0 = arith.constant 0 : i32
    return %arg0, %c0_i32 : i32, i32
  }
}

module attributes {stable_mosaic.version = 14 : i64} {
  func.func @_tc_dec_body(%arg0: i32, %arg1: memref<2x2560x128xf32, #tpu.memory_space<vmem>>, %arg2: memref<2560x128xf32, #tpu.memory_space<vmem>>, %arg3: memref<2560x1xf32, #tpu.memory_space<vmem>>, %arg4: memref<1x128xf32, #tpu.memory_space<vmem>>, %arg5: memref<128x18xf32, #tpu.memory_space<vmem>>, %arg6: memref<1x18xf32, #tpu.memory_space<vmem>>, %arg7: memref<2560x18xf32, #tpu.memory_space<vmem>>) attributes {dimension_semantics = [#tpu.dimension_semantics<arbitrary>], iteration_bounds = array<i64: 4>, scalar_prefetch = 0 : i64, scratch_operands = 0 : i64, tpu.core_type = #tpu.core_type<tc>, window_params = [{transform_indices = @transform_0, window_bounds = array<i64: 2, 2560, 128>}, {transform_indices = @transform_1, window_bounds = array<i64: 2560, 128>}, {transform_indices = @transform_2, window_bounds = array<i64: 2560, 1>}, {pipeline_mode = #tpu.pipeline_mode<synchronous>, transform_indices = @transform_3, window_bounds = array<i64: 1, 128>}, {pipeline_mode = #tpu.pipeline_mode<synchronous>, transform_indices = @transform_4, window_bounds = array<i64: 128, 18>}, {pipeline_mode = #tpu.pipeline_mode<synchronous>, transform_indices = @transform_5, window_bounds = array<i64: 1, 18>}, {transform_indices = @transform_6, window_bounds = array<i64: 2560, 18>}]} {
    %get3A = arith.constant 0 : index
    %get3A_0 = arith.constant 0 : index
    %get3A_1 = arith.constant 0 : index
    %get3A_2 = vector.load %arg1[%get3A, %get3A_0, %get3A_1] : memref<2x2560x128xf32, #tpu.memory_space<vmem>>, vector<2x2560x128xf32>
    %slice3A = vector.extract_strided_slice %get3A_2 {offsets = [0, 0, 0], sizes = [1, 2560, 128], strides = [1, 1, 1]} : vector<2x2560x128xf32> to vector<1x2560x128xf32>
    %squeeze3A = vector.shape_cast %slice3A : vector<1x2560x128xf32> to vector<2560x128xf32>
    %slice3A_3 = vector.extract_strided_slice %get3A_2 {offsets = [1, 0, 0], sizes = [1, 2560, 128], strides = [1, 1, 1]} : vector<2x2560x128xf32> to vector<1x2560x128xf32>
    %squeeze3A_4 = vector.shape_cast %slice3A_3 : vector<1x2560x128xf32> to vector<2560x128xf32>
    %add3A = arith.addf %squeeze3A, %squeeze3A_4 : vector<2560x128xf32>
    %get3A_5 = arith.constant 0 : index
    %get3A_6 = arith.constant 0 : index
    %get3A_7 = vector.load %arg2[%get3A_5, %get3A_6] : memref<2560x128xf32, #tpu.memory_space<vmem>>, vector<2560x128xf32>
    %add3A_8 = arith.addf %add3A, %get3A_7 : vector<2560x128xf32>
    %get3A_9 = arith.constant 0 : index
    %get3A_10 = arith.constant 0 : index
    %get3A_11 = vector.load %arg3[%get3A_9, %get3A_10] : memref<2560x1xf32, #tpu.memory_space<vmem>>, vector<2560x1xf32>
    %mul3A = vector.broadcast %get3A_11 : vector<2560x1xf32> to vector<2560x128xf32>
    %mul3A_12 = arith.mulf %add3A_8, %mul3A : vector<2560x128xf32>
    %get3A_13 = arith.constant 0 : index
    %get3A_14 = arith.constant 0 : index
    %get3A_15 = vector.load %arg4[%get3A_13, %get3A_14] : memref<1x128xf32, #tpu.memory_space<vmem>>, vector<1x128xf32>
    %add3A_16 = vector.broadcast %get3A_15 : vector<1x128xf32> to vector<2560x128xf32>
    %add3A_17 = arith.addf %mul3A_12, %add3A_16 : vector<2560x128xf32>
    %get3A_18 = arith.constant 0 : index
    %get3A_19 = arith.constant 0 : index
    %get3A_20 = vector.load %arg5[%get3A_18, %get3A_19] : memref<128x18xf32, #tpu.memory_space<vmem>>, vector<128x18xf32>
    %dot_general3A = arith.constant dense<0.000000e+00> : vector<2560x18xf32>
    %dot_general3A_21 = tpu.matmul %add3A_17, %get3A_20, %dot_general3A {dimension_numbers = #tpu.dot_dimension_numbers<[1], [0], [0], [1], [0, 0, 1, 1], [], []>, transpose_lhs_hint = false} : vector<2560x128xf32>, vector<128x18xf32>, vector<2560x18xf32> -> vector<2560x18xf32>
    %get3A_22 = arith.constant 0 : index
    %get3A_23 = arith.constant 0 : index
    %get3A_24 = vector.load %arg6[%get3A_22, %get3A_23] : memref<1x18xf32, #tpu.memory_space<vmem>>, vector<1x18xf32>
    %add3A_25 = vector.broadcast %get3A_24 : vector<1x18xf32> to vector<2560x18xf32>
    %add3A_26 = arith.addf %dot_general3A_21, %add3A_25 : vector<2560x18xf32>
    %swap3A = arith.constant 0 : index
    %swap3A_27 = arith.constant 0 : index
    %swap3A_28 = vector.load %arg7[%swap3A, %swap3A_27] : memref<2560x18xf32, #tpu.memory_space<vmem>>, vector<2560x18xf32>
    tpu.vector_store %arg7[%swap3A, %swap3A_27], %add3A_26 {strides = array<i32>} : memref<2560x18xf32, #tpu.memory_space<vmem>>, vector<2560x18xf32>,
    return
  }
  func.func @transform_0(%arg0: i32) -> (i32, i32, i32) {
    %c0_i32 = arith.constant 0 : i32
    %c0_i32_0 = arith.constant 0 : i32
    %c0_i32_1 = arith.constant 0 : i32
    return %c0_i32, %arg0, %c0_i32_0 : i32, i32, i32
  }
  func.func @transform_1(%arg0: i32) -> (i32, i32) {
    %c0_i32 = arith.constant 0 : i32
    %c0_i32_0 = arith.constant 0 : i32
    return %arg0, %c0_i32 : i32, i32
  }
  func.func @transform_2(%arg0: i32) -> (i32, i32) {
    %c0_i32 = arith.constant 0 : i32
    %c0_i32_0 = arith.constant 0 : i32
    return %arg0, %c0_i32 : i32, i32
  }
  func.func @transform_3(%arg0: i32) -> (i32, i32) {
    %c0_i32 = arith.constant 0 : i32
    %c0_i32_0 = arith.constant 0 : i32
    %c0_i32_1 = arith.constant 0 : i32
    return %c0_i32, %c0_i32_0 : i32, i32
  }
  func.func @transform_4(%arg0: i32) -> (i32, i32) {
    %c0_i32 = arith.constant 0 : i32
    %c0_i32_0 = arith.constant 0 : i32
    %c0_i32_1 = arith.constant 0 : i32
    return %c0_i32, %c0_i32_0 : i32, i32
  }
  func.func @transform_5(%arg0: i32) -> (i32, i32) {
    %c0_i32 = arith.constant 0 : i32
    %c0_i32_0 = arith.constant 0 : i32
    %c0_i32_1 = arith.constant 0 : i32
    return %c0_i32, %c0_i32_0 : i32, i32
  }
  func.func @transform_6(%arg0: i32) -> (i32, i32) {
    %c0_i32 = arith.constant 0 : i32
    %c0_i32_0 = arith.constant 0 : i32
    return %arg0, %c0_i32 : i32, i32
  }
}

</mosaic_0001>

<sc_bundles>
// kernel: kernel.11.cloned.1.call-start
scs
__scs_entry_jumppad:
0x0: {  	(pc) =	sbr.rel $0x88, $3  }
0x1: {  	(tag) =	ssettag $0x0;
	lr =	simm.s32 $0x1  }
0x2: {  	[smem:$0x3F95] =	sst lr;
	_ =	strace $0xD0000000  }
0x3: {  	_ = 	snop  }
0x4: {  	_ = 	snop  }
0x5: {  	_ = 	snop  }
0x6: {  	_ = 	snop  }
0x7: {  	_ = 	snop  }
__scs_overlays_trampoline_lowered:
0x8: {  	[smem:$0x3FA4] =	sst s0  }
0x9: {  	[smem:$0x3FA5] =	sst s1  }
0xa: {  	[smem:$0x3FA6] =	sst s2  }
0xb: {  	[smem:$0x3FA7] =	sst s3  }
0xc: {  	[smem:$0x3FA8] =	sst s4  }
0xd: {  	[smem:$0x3FA9] =	sst s5  }
0xe: {  	[smem:$0x3FAA] =	sst s6  }
0xf: {  	[smem:$0x3FAB] =	sst s7  }
0x10: {  	[smem:$0x3FAC] =	sst s8  }
0x11: {  	[smem:$0x3FAD] =	sst s9;
	s0 =	simm.s32 @!p0 $0x0  }
0x12: {  	s1 =	sld [smem:$0x3F93];
	s0 =	simm.s32 @p0 $0x1  }
0x13: {  	[smem:$0x3FAE] =	sst s0;
	s0 =	simm.s32 @!p1 $0x0  }
0x14: {  	s2 =	sld [smem:$0x3F92];
	s0 =	simm.s32 @p1 $0x1  }
0x15: {  	[smem:$0x3FAF] =	sst s0;
	s0 =	simm.s32 @!p2 $0x0  }
0x16: {  	s3 =	sld [smem:$0x3FDB];
	s0 =	simm.s32 @p2 $0x1  }
0x17: {  	s4 =	simm.s32 $0x1BF5;
	[smem:$0x3FB1] =	sst s0  }
0x18: {  	s0 =	sld [smem:$0x3F94];
	_ =	swait.ge [sflag:s4], $0x0  }
0x19: {  	s7 =	sld [smem:$0x3F95]  }
0x1a: {  	s8 =	sadd.s32 $0xFFFFE003, lr  }
0x1b: {  	s9 =	sadd.s32 $0xFFFFFEF7, lr;
	s5 =	simm.s32 $0xFFFFFFFF;
	p2 =	slt.u32 s8, $0xFFFFF086  }
0x1c: {  	p1 =	slt.u32 s9, $0xF7A;
	s5 =	simm.s32 @!p2 $0x0  }
0x1d: {  	s5 =	simm.s32 @p1 $0x1;
	p0 =	seq.s32 s7, s2  }
0x1e: {  	s7 =	smul.u32 @!p0 $0xF7A, s2;
	p2 =	seq.s32 @!p0 s5, $0x0  }
0x1f: {  	s9 =	smul.u32 $0xF7A, s1;
	s8 =	simm.s32 @!p0 $0x1BF5;
	p2 =	por !p2, p0  }
0x20: {  	[sflag:s8] =	ssyncset.s32 @!p0 $0xFFFFF086;
	s6 =	sadd.s32 @!p0 s3, s7;
	s7 =	simm.s32 @!p0 $0x108  }
0x21: {  	s3 =	sadd.s32 s3, s9;
	s6 =	sadd.s32 @!p0 $0x88, s6;
	s7 =	simm.s32 @p2 $0x1082  }
0x22: {  	[simem:s7], [sflag:s8] =	dma.local @!p0 [hbm:s6], $0xF7A  }
0x23: {  	s9 =	sor.u32 $0xD0000000, s2;
	s6 =	simm.s32 $0x108;
	_ =	swait.ge @!p0 [sflag:s8], $0x0  }
0x24: {  	s3 =	sadd.s32 $0x88, s3;
	s6 =	simm.s32 @!p1 $0x1082;
	[sflag:s4] =	ssyncset.s32 $0xFFFFF086  }
0x25: {  	[simem:s6], [sflag:s4] =	dma.local [hbm:s3], $0xF7A  }
0x26: {  	[smem:$0x3F95] =	sst s1;
	(tag) =	ssettag s2;
	_ =	strace s9  }
0x27: {  	s1 =	sld [smem:$0x3FA5]  }
0x28: {  	s2 =	sld [smem:$0x3FA6]  }
0x29: {  	s4 =	sld [smem:$0x3FA8]  }
0x2a: {  	p0 =	seq.s32 s5, $0x0;
	s5 =	sld [smem:$0x3FA9]  }
0x2b: {  	s6 =	sld [smem:$0x3FAA]  }
0x2c: {  	s7 =	sld [smem:$0x3FAB]  }
0x2d: {  	s3 =	simm.s32 $0x108;
	s8 =	sld [smem:$0x3FAC]  }
0x2e: {  	s3 =	simm.s32 @!p0 $0x1082;
	s9 =	sld [smem:$0x3FAD]  }
0x2f: {  	lr =	sadd.s32 s0, s3;
	s0 =	sld [smem:$0x3FA4]  }
0x30: {  	s3 =	sld [smem:$0x3FA7]  }
0x31: {  	[smem:$0x3FB0] =	sst s10  }
0x32: {  	s10 =	sld [smem:$0x3FAE];
	_ =	sdelay $0x3  }
0x33: {  	p0 =	seq.s32 s10, $0x1;
	s10 =	sld [smem:$0x3FB0];
	_ =	sdelay $0x3  }
0x34: {  	[smem:$0x3FB0] =	sst s10  }
0x35: {  	s10 =	sld [smem:$0x3FAF];
	_ =	sdelay $0x3  }
0x36: {  	p1 =	seq.s32 s10, $0x1;
	s10 =	sld [smem:$0x3FB0];
	_ =	sdelay $0x3  }
0x37: {  	[smem:$0x3FB0] =	sst s10  }
0x38: {  	s10 =	sld [smem:$0x3FB1]  }
0x39: {  	_ = 	snop;
	(pc) =	sbr.ind lr, $3  }
0x3a: {  	_ = 	snop  }
0x3b: {  	_ = 	snop  }
0x3c: {  	p2 =	seq.s32 s10, $0x1;
	s10 =	sld [smem:$0x3FB0]  }
0x3d: {  	_ =	shalt  }
0x3e: {  	_ =	shalt  }
0x3f: {  	_ =	shalt  }
0x40: {  	_ =	shalt  }
0x41: {  	_ =	shalt  }
0x42: {  	_ =	shalt  }
0x43: {  	_ =	shalt  }
0x44: {  	_ =	shalt  }
0x45: {  	_ =	shalt  }
0x46: {  	_ =	shalt  }
0x47: {  	_ =	shalt  }
0x48: {  	_ =	shalt  }
0x49: {  	_ =	shalt  }
0x4a: {  	_ =	shalt  }
0x4b: {  	_ =	shalt  }
0x4c: {  	_ =	shalt  }
0x4d: {  	_ =	shalt  }
0x4e: {  	_ =	shalt  }
0x4f: {  	_ =	shalt  }
0x50: {  	_ =	shalt  }
0x51: {  	_ =	shalt  }
0x52: {  	_ =	shalt  }
0x53: {  	_ =	shalt  }
0x54: {  	_ =	shalt  }
0x55: {  	_ =	shalt  }
0x56: {  	_ =	shalt  }
0x57: {  	_ =	shalt  }
0x58: {  	_ =	shalt  }
0x59: {  	_ =	shalt  }
0x5a: {  	_ =	shalt  }
0x5b: {  	_ =	shalt  }
0x5c: {  	_ =	shalt  }
0x5d: {  	_ =	shalt  }
0x5e: {  	_ =	shalt  }
0x5f: {  	_ =	shalt  }
0x60: {  	_ =	shalt  }
0x61: {  	_ =	shalt  }
0x62: {  	_ =	shalt  }
0x63: {  	_ =	shalt  }
0x64: {  	_ =	shalt  }
0x65: {  	_ =	shalt  }
0x66: {  	_ =	shalt  }
0x67: {  	_ =	shalt  }
0x68: {  	_ =	shalt  }
0x69: {  	_ =	shalt  }
0x6a: {  	_ =	shalt  }
0x6b: {  	_ =	shalt  }
0x6c: {  	_ =	shalt  }
0x6d: {  	_ =	shalt  }
0x6e: {  	_ =	shalt  }
0x6f: {  	_ =	shalt  }
0x70: {  	_ =	shalt  }
0x71: {  	_ =	shalt  }
0x72: {  	_ =	shalt  }
0x73: {  	_ =	shalt  }
0x74: {  	_ =	shalt  }
0x75: {  	_ =	shalt  }
0x76: {  	_ =	shalt  }
0x77: {  	_ =	shalt  }
0x78: {  	_ =	shalt  }
0x79: {  	_ =	shalt  }
0x7a: {  	_ =	shalt  }
0x7b: {  	_ =	shalt  }
0x7c: {  	_ =	shalt  }
0x7d: {  	_ =	shalt  }
0x7e: {  	_ =	shalt  }
0x7f: {  	_ =	shalt  }
0x80: {  	_ =	shalt  }
0x81: {  	_ =	shalt  }
0x82: {  	_ =	shalt  }
0x83: {  	_ =	shalt  }
0x84: {  	_ =	shalt  }
0x85: {  	_ =	shalt  }
0x86: {  	_ =	shalt  }
0x87: {  	_ =	shalt  }
.Lfunc_end0:
.L_simem_size_0:
called_computation_lowered:
.L_overlay_start_0:
0x88: {  	s2 =	sld [smem:$0x3FD9]  }
0x89: {  	s3 =	sld [smem:$0x3FFE];
	_ =	sdelay $0x1  }
0x8a: {  	s1 =	srdreg.scid  }
0x8b: {  	s0 =	sand.u32 $0x1, s1  }
0x8c: {  	s17 =	sshll.u32 s0, $0xA;
	s2 =	sadd.s32 s3, s2  }
0x8d: {  	s2 =	sadd.s32 s2, s17  }
0x8e: {  	[smem:$0x3FBC] =	sst s2  }
0x8f: {  	_ = 	snop  }
0x90: {  	s2 =	sld [smem:$0x3FD0];
	(tm) =	ssettm $0x1  }
0x91: {  	s18 =	sld [smem:$0x3FFB];
	_ =	sdelay $0x3  }
0x92: {  	_ =	strace s18  }
0x93: {  	s3 =	sld [smem:$0x3FFC];
	_ =	sdelay $0x3  }
0x94: {  	_ =	strace s3  }
0x95: {  	s3 =	sld [smem:$0x3FFD];
	_ =	sdelay $0x3  }
0x96: {  	_ =	strace s3  }
0x97: {  	_ =	strace $0x8FFFFFFF  }
0x98: {  	s19 =	sld [smem:$0x3FDB];
	_ =	sdelay $0x1  }
0x99: {  	s4 =	simm.s32 $_scs_section_size  }
0x9a: {  	s5 =	simm.s32 $_size__tile_overlayer_lowered;
	s6 =	simm.s32 $_tile_overlayer_lowered  }
0x9b: {  	s22 =	simm.s32 $0x1BFF;
	s21 =	sshll.u32 s6, $0x1;
	s3 =	sadd.s32 s4, s19  }
0x9c: {  	s7 =	simm.s32 $0x0;
	s20 =	sshll.u32 s5, $0x1;
	s5 =	sadd.s32 s21, s3  }
0x9d: {  	[timem:s7], [sflag:s22] =	dma.local [hbm:s5], s20  }
0x9e: {  	_ =	swait.ge [sflag:s22], s20  }
0x9f: {  	s4 =	ssub.s32 $0x0, s20;
	[sflag:s22] =	ssyncset.done $0x0  }
0xa0: {  	[sflag:s22] =	ssyncadd.s32 s4;
	_ =	sdelay $0x1  }
0xa1: {  	s23 =	simm.s32 $0x1B8B  }
0xa2: {  	_ =	swait.ge [sflag:s23], $0x1  }
0xa3: {  	[sflag:s23] =	ssyncset.done $0x0  }
0xa4: {  	s25 =	simm.s32 $0x1B8E;
	s24 =	sld [smem:$0x3FFE];
	[sflag:s23] =	ssyncadd.s32 $0xFFFFFFFF  }
0xa5: {  	s26 =	simm.s32 $execute0_lowered;
	[smem:$0x3FD2] =	sst s25  }
0xa6: {  	s5 =	sshll.u32 s26, $0x1;
	_ =	strace $0x80000046;
	[dreg:$0x1] =	wrdreg $0xFFFFFFFF  }
0xa7: {  	s28 =	simm.s32 $_size_execute0_lowered;
	s3 =	sadd.s32 s3, s5;
	[dreg:$0x0] =	wrdreg $0x0  }
0xa8: {  	s5 =	sshll.u32 s28, $0x1;
	[dreg:$0x2] =	wrdreg s3  }
0xa9: {  	[dreg:$0x3] =	wrdreg s5  }
0xaa: {  	[dreg:$0x4] =	wrdreg $0xC0  }
0xab: {  	_ =	task [dreg:s7], $0x5FFFF  }
0xac: {  	[dreg:$0x1] =	wrdreg $0xFFFFFFFF  }
0xad: {  	[dreg:$0x0] =	wrdreg $0x60  }
0xae: {  	[dreg:$0x2] =	wrdreg s24  }
0xaf: {  	[dreg:$0x3] =	wrdreg s2  }
0xb0: {  	[dreg:$0x4] =	wrdreg $0x0  }
0xb1: {  	[dreg:$0x5] =	wrdreg $0x9  }
0xb2: {  	_ =	task.clear_ibuf [dreg:s7], $0x6FFFF;
	_ =	strace $0x90000046  }
0xb3: {  	s29 =	simm.s32 $0x9;
	_ =	strace $0x80000048  }
0xb4: {  	_ =	swait.ge [sflag:s29], $0x1  }
0xb5: {  	[sflag:s29] =	ssyncadd.s32 $0xFFFFFFFF  }
0xb6: {  	_ =	strace $0x90000048  }
0xb7: {  	_ =	sfence  }
0xb8: {  	s30 =	sld [smem:$0x0];
	_ =	sdelay $0x2  }
0xb9: {  	s31 =	sshll.u32 s1, $0xD;
	s1 =	sshrl.u32 s1, $0x2  }
0xba: {  	s3 =	sand.u32 $0x4000, s31;
	s1 =	sadd.s32 s1, s30  }
0xbb: {  	s0 =	sor.u32 s3, s0;
	s1 =	sshll.u32 s1, $0x11  }
0xbc: {  	s0 =	sor.u32 s1, s0  }
0xbd: {  	s0 =	sadd.s32 $0x8F2B, s0  }
0xbe: {  	[sflag:s0] =	ssyncadd.remote.s32 $0x1  }
0xbf: {  	_ =	sfence.sel $0xFFFF  }
0xc0: {  	[dreg:$0x0] =	wrdreg $0xFFFFFFFF;
	(pc) =	sbr.abs _section_cstart, $3  }
0xc1: {  	[dreg:$0x1] =	wrdreg $0xFFFFFFFF  }
0xc2: {  	_ =	task.clear_ibuf [dreg:s7], $0x2FFFF;
	_ =	strace $0x9FFFFFFF  }
0xc3: {  	(tm) =	ssettm $0x7FFFFFFF  }
tec
execute0_lowered:
.L_overlay_start_1:
0x0: {  	(tag) =	ssettag $0x1  }
0x1: {  	s0 =	srdreg.scid  }
0x2: {  	s1 =	sand.u32 $0x1, s0  }
0x3: {  	s12 =	stileid.u32;
	s2 =	sshll.u32 s1, $0x4  }
0x4: {  	s19 =	smul.u32 $0x2710, s12;
	s3 =	sor.u32 s12, s2  }
0x5: {  	s7 =	rddreg [dreg:$0x0];
	s3 =	smul.u32 $0x2710, s3  }
0x6: {  	s4 =	simm.s32 $0x0;
	s0 =	rddreg [dreg:$0x1];
	s16 =	smul.u32 $0x27100, s1  }
0x7: {  	s5 =	sadd.s32 $0xD000, s7;
	[smem:$0x7FF] =	sst s4;
	s6 =	sshrl.u32 s3, $0x3  }
0x8: {  	s2 =	rddreg [dreg:$0x2];
	s25 =	sadd.s32 s19, s16;
	s6 =	sadd.s32 s5, s6  }
0x9: {  	_ =	strace $0x80000047;
	[dreg:$0x1a] =	wrdreg s25;
	s8 =	sadd.s32 $0x10, s6  }
0xa: {  	s10 =	sadd.s32 $0x20, s6;
	[dreg:$0x4] =	wrdreg s8  }
0xb: {  	s11 =	sadd.s32 $0x30, s6;
	[dreg:$0x5] =	wrdreg s10  }
0xc: {  	s28 =	simm.s32 $0x3;
	s13 =	sadd.s32 $0x40, s6;
	[dreg:$0x6] =	wrdreg s11  }
0xd: {  	s29 =	simm.s32 $0x700;
	s14 =	sadd.s32 $0x50, s6;
	[dreg:$0x7] =	wrdreg s13  }
0xe: {  	s30 =	simm.s32 $0x4;
	s15 =	sadd.s32 $0x60, s6;
	[dreg:$0x8] =	wrdreg s14  }
0xf: {  	s31 =	simm.s32 $0x780;
	s17 =	sadd.s32 $0x480, s6;
	[dreg:$0x9] =	wrdreg s15  }
0x10: {  	s7 =	sadd.s32 $0x16E00, s7;
	s18 =	sadd.s32 $0x490, s6;
	[dreg:$0x13] =	wrdreg s17  }
0x11: {  	s9 =	ssub.s32 $0x2, s1;
	s20 =	sadd.s32 $0x4A0, s6;
	[dreg:$0x14] =	wrdreg s18  }
0x12: {  	p0 =	seq.s32 s1, $0x1;
	s21 =	sadd.s32 $0x4B0, s6;
	[dreg:$0x15] =	wrdreg s20  }
0x13: {  	s1 =	simm.s32 $0x5;
	s22 =	sadd.s32 $0x4C0, s6;
	[dreg:$0x16] =	wrdreg s21  }
0x14: {  	s0 =	smov.u32 @p0 s7;
	s23 =	sadd.s32 $0x4D0, s6;
	[dreg:$0x17] =	wrdreg s22  }
0x15: {  	s19 =	sadd.s32 $0x180, s25;
	s24 =	sadd.s32 $0x4E0, s6;
	[dreg:$0x18] =	wrdreg s23  }
0x16: {  	s10 =	sshrl.u32 s9, $0x1;
	s11 =	smul.u32 $0x280, s12;
	[dreg:$0x19] =	wrdreg s24  }
0x17: {  	s8 =	sshrl.u32 s25, $0x3;
	s15 =	sadd.s32 $0x280, s25;
	s20 =	sshrl.u32 s19, $0x3  }
0x18: {  	s21 =	sadd.s32 $0x100, s25;
	s22 =	sadd.s32 $0x80, s25;
	s12 =	simm.s32 $0x280  }
0x19: {  	s9 =	ssub.s32 s9, s10;
	s8 =	sadd.s32 s8, s5;
	s10 =	sadd.s32 $0x200, s25  }
0x1a: {  	s24 =	sshrl.u32 s22, $0x3;
	s22 =	simm.s32 $0x80;
	s13 =	sadd.s32 s11, s2  }
0x1b: {  	s26 =	sshrl.u32 s11, $0x3;
	s9 =	smax.u32 s9, $0x1;
	s11 =	sadd.s32 $0x300, s25  }
0x1c: {  	[dreg:$0xa] =	wrdreg s8;
	s17 =	sshrl.u32 s10, $0x3;
	s25 =	sadd.s32 s24, s5  }
0x1d: {  	s24 =	simm.s32 $0x500;
	s10 =	simm.s32 $0x7;
	[dreg:$0x1b] =	wrdreg s9  }
0x1e: {  	s14 =	sshrl.u32 s11, $0x3;
	s9 =	sshrl.u32 s15, $0x3;
	s18 =	sadd.s32 s17, s5  }
0x1f: {  	s0 =	sadd.s32 s0, s26;
	[dreg:$0x10] =	wrdreg s25;
	s26 =	simm.s32 $0x900  }
0x20: {  	s25 =	simm.s32 $0x2;
	s11 =	simm.s32 $0x8;
	[dreg:$0x12] =	wrdreg s13  }
0x21: {  	s15 =	simm.s32 $0x0;
	s8 =	sadd.s32 s14, s5;
	[dreg:$0xd] =	wrdreg s18  }
0x22: {  	s16 =	sadd.s32 s9, s5;
	s9 =	sshrl.u32 s21, $0x3;
	[dreg:$0x1c] =	wrdreg s0  }
0x23: {  	s14 =	simm.s32 $0x11;
	s21 =	simm.s32 $0x1;
	[dreg:$0x11] =	wrdreg s26  }
0x24: {  	s26 =	simm.s32 $0x680;
	s0 =	simm.s32 $0x800;
	[dreg:$0xb] =	wrdreg s8  }
0x25: {  	[dreg:$0xc] =	wrdreg s16;
	s8 =	sadd.s32 s20, s5;
	s23 =	sadd.s32 s9, s5  }
0x26: {  	s20 =	simm.s32 $0x980;
	s9 =	simm.s32 $0x880;
	[dreg:$0xe] =	wrdreg s8  }
0x27: {  	v0 =	vimm.f32 $0.0e+00;
	v1 =	vimm.f32 $1.000000000e+00;
	[dreg:$0xf] =	wrdreg s23;
	s23 =	simm.s32 $0x600;
	s8 =	simm.s32 $0x6  }
.LBB2_1:
0x28: {  	[tilespmem:$0x280] =	vst v0  }
0x29: {  	[tilespmem:$0x290] =	vst v0  }
0x2a: {  	[tilespmem:$0x2A0] =	vst v0  }
0x2b: {  	[tilespmem:$0x2B0] =	vst v0  }
0x2c: {  	[tilespmem:$0x2C0] =	vst v0  }
0x2d: {  	[tilespmem:$0x2D0] =	vst v0  }
0x2e: {  	[tilespmem:$0x2E0] =	vst v0  }
0x2f: {  	[tilespmem:$0x2F0] =	vst v0  }
0x30: {  	[tilespmem:$0x300] =	vst v0  }
0x31: {  	[tilespmem:$0x310] =	vst v0  }
0x32: {  	[tilespmem:$0x320] =	vst v0  }
0x33: {  	[tilespmem:$0x330] =	vst v0  }
0x34: {  	[tilespmem:$0x340] =	vst v0  }
0x35: {  	[tilespmem:$0x350] =	vst v0  }
0x36: {  	[tilespmem:$0x360] =	vst v0  }
0x37: {  	[tilespmem:$0x370] =	vst v0  }
0x38: {  	[tilespmem:$0x380] =	vst v0  }
0x39: {  	[tilespmem:$0x390] =	vst v0  }
0x3a: {  	[tilespmem:$0x3A0] =	vst v0  }
0x3b: {  	[tilespmem:$0x3B0] =	vst v0  }
0x3c: {  	[tilespmem:$0x3C0] =	vst v0  }
0x3d: {  	[tilespmem:$0x3D0] =	vst v0  }
0x3e: {  	[tilespmem:$0x3E0] =	vst v0  }
0x3f: {  	[tilespmem:$0x3F0] =	vst v0  }
0x40: {  	[tilespmem:$0x400] =	vst v0  }
0x41: {  	[tilespmem:$0x410] =	vst v0  }
0x42: {  	[tilespmem:$0x420] =	vst v0  }
0x43: {  	[tilespmem:$0x430] =	vst v0  }
0x44: {  	[tilespmem:$0x440] =	vst v0  }
0x45: {  	[tilespmem:$0x450] =	vst v0  }
0x46: {  	[tilespmem:$0x460] =	vst v0  }
0x47: {  	[tilespmem:$0x470] =	vst v0  }
0x48: {  	[tilespmem:$0x480] =	vst v0  }
0x49: {  	[tilespmem:$0x490] =	vst v0  }
0x4a: {  	[tilespmem:$0x4A0] =	vst v0  }
0x4b: {  	[tilespmem:$0x4B0] =	vst v0  }
0x4c: {  	[tilespmem:$0x4C0] =	vst v0  }
0x4d: {  	[tilespmem:$0x4D0] =	vst v0  }
0x4e: {  	[tilespmem:$0x4E0] =	vst v0  }
0x4f: {  	[tilespmem:$0x4F0] =	vst v0  }
0x50: {  	[tilespmem:$0x500] =	vst v1  }
0x51: {  	[tilespmem:$0x510] =	vst v1  }
0x52: {  	[tilespmem:$0x520] =	vst v1  }
0x53: {  	[tilespmem:$0x530] =	vst v1  }
0x54: {  	[tilespmem:$0x540] =	vst v1  }
0x55: {  	[tilespmem:$0x550] =	vst v1  }
0x56: {  	[tilespmem:$0x560] =	vst v1  }
0x57: {  	[dreg:$0x1d] =	wrdreg s15;
	[tilespmem:$0x570] =	vst v1  }
0x58: {  	[spmem:s13] =	stream.linear.scatter [tilespmem:s12], [sflag:$0x11], $0x280, $0x38;
	[tilespmem:$0xA00] =	vst v63  }
0x59: {  	_ =	swait.ge [sflag:s14], $0x280  }
0x5a: {  	[sflag:s14] =	ssyncset.done $0x0  }
0x5b: {  	p0 =	por $0x0, $0x0;
	[sflag:s14] =	ssyncadd.s32 $0xFFFFFD80  }
0x5c: {  	s12 =	simm.s32 @p0 $0x9;
	[bflag:$0x0] =	sbarrier.arrive $0xFFFF  }
0x5d: {  	s15 =	simm.s32 @p0 $0x600;
	_ =	swait.ge @p0 [sflag:s12], $0x80  }
0x5e: {  	s14 =	simm.s32 @p0 $0xA;
	s13 =	rddreg [dreg:$0xa];
	[sflag:s12] =	ssyncset.done @p0 $0x0  }
0x5f: {  	[sflag:s12] =	ssyncadd.s32 @p0 $0xFFFFFF80;
	s12 =	simm.s32 @p0 $0x0;
	s13 =	sadd.s32 @p0 $0x0, s13  }
0x60: {  	[tilespmem:s15], [sflag:$0x1] =	stream.linear.gather @p0 [hbm4b:s13+s12], $0x80, $0x38;
	[tilespmem:$0xA00] =	vst v63  }
0x61: {  	_ =	swait.ge @p0 [sflag:s14], $0x80  }
0x62: {  	s15 =	simm.s32 @p0 $0xB;
	s13 =	rddreg [dreg:$0x10];
	[sflag:s14] =	ssyncset.done @p0 $0x0  }
0x63: {  	[sflag:s14] =	ssyncadd.s32 @p0 $0xFFFFFF80;
	s14 =	simm.s32 @p0 $0x680;
	s13 =	sadd.s32 @p0 $0x0, s13  }
0x64: {  	[tilespmem:s14], [sflag:$0x2] =	stream.linear.gather @p0 [hbm4b:s13+s12], $0x80, $0x38;
	[tilespmem:$0xA00] =	vst v63  }
0x65: {  	_ =	swait.ge @p0 [sflag:s15], $0x80  }
0x66: {  	s14 =	simm.s32 @p0 $0x700;
	s13 =	rddreg [dreg:$0xf];
	[sflag:s15] =	ssyncset.done @p0 $0x0  }
0x67: {  	[sflag:s15] =	ssyncadd.s32 @p0 $0xFFFFFF80;
	s15 =	simm.s32 @p0 $0xC;
	s13 =	sadd.s32 @p0 $0x0, s13  }
0x68: {  	[tilespmem:s14], [sflag:$0x3] =	stream.linear.gather @p0 [hbm4b:s13+s12], $0x80, $0x38;
	[tilespmem:$0xA00] =	vst v63  }
0x69: {  	_ =	swait.ge @p0 [sflag:s15], $0x80  }
0x6a: {  	s14 =	simm.s32 @p0 $0x780;
	s13 =	rddreg [dreg:$0xe];
	[sflag:s15] =	ssyncset.done @p0 $0x0  }
0x6b: {  	[sflag:s15] =	ssyncadd.s32 @p0 $0xFFFFFF80;
	s15 =	simm.s32 @p0 $0xD;
	s13 =	sadd.s32 @p0 $0x0, s13  }
0x6c: {  	[tilespmem:s14], [sflag:$0x4] =	stream.linear.gather @p0 [hbm4b:s13+s12], $0x80, $0x38;
	[tilespmem:$0xA00] =	vst v63  }
0x6d: {  	_ =	swait.ge @p0 [sflag:s15], $0x80  }
0x6e: {  	s14 =	simm.s32 @p0 $0x800;
	s13 =	rddreg [dreg:$0xd];
	[sflag:s15] =	ssyncset.done @p0 $0x0  }
0x6f: {  	[sflag:s15] =	ssyncadd.s32 @p0 $0xFFFFFF80;
	s15 =	simm.s32 @p0 $0xE;
	s13 =	sadd.s32 @p0 $0x0, s13  }
0x70: {  	[tilespmem:s14], [sflag:$0x5] =	stream.linear.gather @p0 [hbm4b:s13+s12], $0x80, $0x38;
	[tilespmem:$0xA00] =	vst v63  }
0x71: {  	_ =	swait.ge @p0 [sflag:s15], $0x80  }
0x72: {  	s14 =	simm.s32 @p0 $0x880;
	s13 =	rddreg [dreg:$0xc];
	[sflag:s15] =	ssyncset.done @p0 $0x0  }
0x73: {  	[sflag:s15] =	ssyncadd.s32 @p0 $0xFFFFFF80;
	s15 =	simm.s32 @p0 $0xF;
	s13 =	sadd.s32 @p0 $0x0, s13  }
0x74: {  	[tilespmem:s14], [sflag:$0x6] =	stream.linear.gather @p0 [hbm4b:s13+s12], $0x80, $0x38;
	[tilespmem:$0xA00] =	vst v63  }
0x75: {  	_ =	swait.ge @p0 [sflag:s15], $0x80  }
0x76: {  	s14 =	simm.s32 @p0 $0x900;
	s13 =	rddreg [dreg:$0xb];
	[sflag:s15] =	ssyncset.done @p0 $0x0  }
0x77: {  	[sflag:s15] =	ssyncadd.s32 @p0 $0xFFFFFF80;
	s15 =	simm.s32 @p0 $0x10;
	s13 =	sadd.s32 @p0 $0x0, s13  }
0x78: {  	[tilespmem:s14], [sflag:$0x7] =	stream.linear.gather @p0 [hbm4b:s13+s12], $0x80, $0x38;
	[tilespmem:$0xA00] =	vst v63  }
0x79: {  	_ =	swait.ge @p0 [sflag:s15], $0x80  }
0x7a: {  	[sflag:s15] =	ssyncset.done @p0 $0x0  }
0x7b: {  	s12 =	simm.s32 @!p0 $0x0;
	s13 =	simm.s32 @!p0 $0x600;
	[sflag:s15] =	ssyncadd.s32 @p0 $0xFFFFFF80  }
0x7c: {  	[tilespmem:s13], [sflag:$0x1] =	stream.linear.gather @!p0 [hbm4b:s6+s12], $0x80, $0x38;
	[tilespmem:$0xA00] =	vst v63  }
0x7d: {  	s14 =	rddreg [dreg:$0x4];
	s13 =	simm.s32 @!p0 $0x680  }
0x7e: {  	[tilespmem:s13], [sflag:$0x2] =	stream.linear.gather @!p0 [hbm4b:s14+s12], $0x80, $0x38;
	[tilespmem:$0xA00] =	vst v63  }
0x7f: {  	s15 =	rddreg [dreg:$0x5];
	s13 =	simm.s32 @!p0 $0x700  }
0x80: {  	[tilespmem:s13], [sflag:$0x3] =	stream.linear.gather @!p0 [hbm4b:s15+s12], $0x80, $0x38;
	[tilespmem:$0xA00] =	vst v63  }
0x81: {  	s14 =	rddreg [dreg:$0x6];
	s13 =	simm.s32 @!p0 $0x780  }
0x82: {  	[tilespmem:s13], [sflag:$0x4] =	stream.linear.gather @!p0 [hbm4b:s14+s12], $0x80, $0x38;
	[tilespmem:$0xA00] =	vst v63  }
0x83: {  	s15 =	rddreg [dreg:$0x7];
	s13 =	simm.s32 @!p0 $0x800  }
0x84: {  	[tilespmem:s13], [sflag:$0x5] =	stream.linear.gather @!p0 [hbm4b:s15+s12], $0x80, $0x38;
	[tilespmem:$0xA00] =	vst v63  }
0x85: {  	s14 =	rddreg [dreg:$0x8];
	s13 =	simm.s32 @!p0 $0x880  }
0x86: {  	[tilespmem:s13], [sflag:$0x6] =	stream.linear.gather @!p0 [hbm4b:s14+s12], $0x80, $0x38;
	[tilespmem:$0xA00] =	vst v63  }
0x87: {  	s15 =	rddreg [dreg:$0x9];
	s13 =	simm.s32 @!p0 $0x900  }
0x88: {  	[tilespmem:s13], [sflag:$0x7] =	stream.linear.gather @!p0 [hbm4b:s15+s12], $0x80, $0x38;
	[tilespmem:$0xA00] =	vst v63  }
0x89: {  	s7 =	rddreg [dreg:$0x1a];
	s12 =	smov.u32 s3  }
0x8a: {  	s12 =	smov.u32 @p0 s7  }
0x8b: {  	s12 =	sshrl.u32 s12, $0x3  }
0x8c: {  	s12 =	sadd.s32 s5, s12  }
0x8d: {  	s12 =	sadd.s32 $0x70, s12  }
0x8e: {  	[tilespmem:s20], [sflag:$0x8] =	stream.linear.gather [hbm4b:s12+s4], $0x80, $0x38;
	[tilespmem:$0xA00] =	vst v63  }
0x8f: {  	_ =	swait.ge [sflag:s21], $0x80  }
0x90: {  	[sflag:s21] =	ssyncset.done $0x0  }
0x91: {  	[sflag:s21] =	ssyncadd.s32 $0xFFFFFF80  }
0x92: {  	[spmem:s2] =	stream.indirect.scatter.add.f32 [tilespmem:s24], [sflag:$0x9], $0x1, s23, s22, $0xb8;
	[tilespmem:$0xA00] =	vst v63  }
0x93: {  	_ =	swait.ge [sflag:s25], $0x80  }
0x94: {  	[sflag:s25] =	ssyncset.done $0x0  }
0x95: {  	[sflag:s25] =	ssyncadd.s32 $0xFFFFFF80  }
0x96: {  	[spmem:s2] =	stream.indirect.scatter.add.f32 [tilespmem:s24], [sflag:$0xA], $0x1, s26, s22, $0xb8;
	[tilespmem:$0xA00] =	vst v63  }
0x97: {  	_ =	swait.ge [sflag:s28], $0x80  }
0x98: {  	[sflag:s28] =	ssyncset.done $0x0  }
0x99: {  	[sflag:s28] =	ssyncadd.s32 $0xFFFFFF80  }
0x9a: {  	[spmem:s2] =	stream.indirect.scatter.add.f32 [tilespmem:s24], [sflag:$0xB], $0x1, s29, s22, $0xb8;
	[tilespmem:$0xA00] =	vst v63  }
0x9b: {  	_ =	swait.ge [sflag:s30], $0x80  }
0x9c: {  	[sflag:s30] =	ssyncset.done $0x0  }
0x9d: {  	[sflag:s30] =	ssyncadd.s32 $0xFFFFFF80  }
0x9e: {  	[spmem:s2] =	stream.indirect.scatter.add.f32 [tilespmem:s24], [sflag:$0xC], $0x1, s31, s22, $0xb8;
	[tilespmem:$0xA00] =	vst v63  }
0x9f: {  	_ =	swait.ge [sflag:s1], $0x80  }
0xa0: {  	[sflag:s1] =	ssyncset.done $0x0  }
0xa1: {  	[sflag:s1] =	ssyncadd.s32 $0xFFFFFF80  }
0xa2: {  	[spmem:s2] =	stream.indirect.scatter.add.f32 [tilespmem:s24], [sflag:$0xD], $0x1, s0, s22, $0xb8;
	[tilespmem:$0xA00] =	vst v63  }
0xa3: {  	_ =	swait.ge [sflag:s8], $0x80  }
0xa4: {  	[sflag:s8] =	ssyncset.done $0x0  }
0xa5: {  	[sflag:s8] =	ssyncadd.s32 $0xFFFFFF80  }
0xa6: {  	[spmem:s2] =	stream.indirect.scatter.add.f32 [tilespmem:s24], [sflag:$0xE], $0x1, s9, s22, $0xb8;
	[tilespmem:$0xA00] =	vst v63  }
0xa7: {  	s13 =	simm.s32 $0x100;
	_ =	swait.ge [sflag:s10], $0x80  }
0xa8: {  	s15 =	sadd.s32 $0x400, s7;
	p0 =	por $0x1, $0x1;
	[sflag:s10] =	ssyncset.done $0x0  }
0xa9: {  	s12 =	simm.s32 $0x80;
	s19 =	rddreg [dreg:$0x11];
	[sflag:s10] =	ssyncadd.s32 $0xFFFFFF80  }
0xaa: {  	[spmem:s2] =	stream.indirect.scatter.add.f32 [tilespmem:s24], [sflag:$0xF], $0x1, s19, s22, $0xb8;
	[tilespmem:$0xA00] =	vst v63  }
.LBB2_2:
0xab: {  	_ =	swait.ge [sflag:s11], $0x80  }
0xac: {  	[sflag:s11] =	ssyncset.done $0x0  }
0xad: {  	s17 =	simm.s32 @p0 $0x9;
	[sflag:s11] =	ssyncadd.s32 $0xFFFFFF80  }
0xae: {  	[spmem:s2] =	stream.indirect.scatter.add.f32 [tilespmem:s24], [sflag:$0x10], $0x1, s20, s22, $0xb8;
	[tilespmem:$0xA00] =	vst v63  }
0xaf: {  	s7 =	simm.s32 @p0 $0xA;
	_ =	swait.ge @p0 [sflag:s17], $0x80  }
0xb0: {  	s19 =	simm.s32 @p0 $0x600;
	[sflag:s17] =	ssyncset.done @p0 $0x0;
	s18 =	rddreg [dreg:$0xa]  }
0xb1: {  	[sflag:s17] =	ssyncadd.s32 @p0 $0xFFFFFF80;
	s17 =	simm.s32 @p0 $0x0;
	s18 =	sadd.s32 @p0 s12, s18  }
0xb2: {  	[tilespmem:s19], [sflag:$0x1] =	stream.linear.gather @p0 [hbm4b:s18+s17], $0x80, $0x38;
	[tilespmem:$0xA00] =	vst v63  }
0xb3: {  	_ =	swait.ge @p0 [sflag:s7], $0x80  }
0xb4: {  	s19 =	simm.s32 @p0 $0xB;
	[sflag:s7] =	ssyncset.done @p0 $0x0;
	s18 =	rddreg [dreg:$0x10]  }
0xb5: {  	[sflag:s7] =	ssyncadd.s32 @p0 $0xFFFFFF80;
	s7 =	simm.s32 @p0 $0x680;
	s18 =	sadd.s32 @p0 s12, s18  }
0xb6: {  	[tilespmem:s7], [sflag:$0x2] =	stream.linear.gather @p0 [hbm4b:s18+s17], $0x80, $0x38;
	[tilespmem:$0xA00] =	vst v63  }
0xb7: {  	_ =	swait.ge @p0 [sflag:s19], $0x80  }
0xb8: {  	s18 =	simm.s32 @p0 $0x700;
	[sflag:s19] =	ssyncset.done @p0 $0x0;
	s7 =	rddreg [dreg:$0xf]  }
0xb9: {  	[sflag:s19] =	ssyncadd.s32 @p0 $0xFFFFFF80;
	s19 =	simm.s32 @p0 $0xC;
	s7 =	sadd.s32 @p0 s12, s7  }
0xba: {  	[tilespmem:s18], [sflag:$0x3] =	stream.linear.gather @p0 [hbm4b:s7+s17], $0x80, $0x38;
	[tilespmem:$0xA00] =	vst v63  }
0xbb: {  	_ =	swait.ge @p0 [sflag:s19], $0x80  }
0xbc: {  	s18 =	simm.s32 @p0 $0x780;
	[sflag:s19] =	ssyncset.done @p0 $0x0;
	s7 =	rddreg [dreg:$0xe]  }
0xbd: {  	[sflag:s19] =	ssyncadd.s32 @p0 $0xFFFFFF80;
	s19 =	simm.s32 @p0 $0xD;
	s7 =	sadd.s32 @p0 s12, s7  }
0xbe: {  	[tilespmem:s18], [sflag:$0x4] =	stream.linear.gather @p0 [hbm4b:s7+s17], $0x80, $0x38;
	[tilespmem:$0xA00] =	vst v63  }
0xbf: {  	_ =	swait.ge @p0 [sflag:s19], $0x80  }
0xc0: {  	s18 =	simm.s32 @p0 $0x800;
	[sflag:s19] =	ssyncset.done @p0 $0x0;
	s7 =	rddreg [dreg:$0xd]  }
0xc1: {  	[sflag:s19] =	ssyncadd.s32 @p0 $0xFFFFFF80;
	s19 =	simm.s32 @p0 $0xE;
	s7 =	sadd.s32 @p0 s12, s7  }
0xc2: {  	[tilespmem:s18], [sflag:$0x5] =	stream.linear.gather @p0 [hbm4b:s7+s17], $0x80, $0x38;
	[tilespmem:$0xA00] =	vst v63  }
0xc3: {  	_ =	swait.ge @p0 [sflag:s19], $0x80  }
0xc4: {  	s18 =	simm.s32 @p0 $0x880;
	[sflag:s19] =	ssyncset.done @p0 $0x0;
	s7 =	rddreg [dreg:$0xc]  }
0xc5: {  	[sflag:s19] =	ssyncadd.s32 @p0 $0xFFFFFF80;
	s19 =	simm.s32 @p0 $0xF;
	s7 =	sadd.s32 @p0 s12, s7  }
0xc6: {  	[tilespmem:s18], [sflag:$0x6] =	stream.linear.gather @p0 [hbm4b:s7+s17], $0x80, $0x38;
	[tilespmem:$0xA00] =	vst v63  }
0xc7: {  	_ =	swait.ge @p0 [sflag:s19], $0x80  }
0xc8: {  	s18 =	simm.s32 @p0 $0x900;
	[sflag:s19] =	ssyncset.done @p0 $0x0;
	s7 =	rddreg [dreg:$0xb]  }
0xc9: {  	[sflag:s19] =	ssyncadd.s32 @p0 $0xFFFFFF80;
	s19 =	simm.s32 @p0 $0x10;
	s7 =	sadd.s32 @p0 s12, s7  }
0xca: {  	[tilespmem:s18], [sflag:$0x7] =	stream.linear.gather @p0 [hbm4b:s7+s17], $0x80, $0x38;
	[tilespmem:$0xA00] =	vst v63  }
0xcb: {  	s16 =	smov.u32 s13;
	_ =	swait.ge @p0 [sflag:s19], $0x80  }
0xcc: {  	s12 =	smov.u32 s16;
	[sflag:s19] =	ssyncset.done @p0 $0x0  }
0xcd: {  	s16 =	simm.s32 @!p0 $0x600;
	s7 =	simm.s32 @!p0 $0x0;
	[sflag:s19] =	ssyncadd.s32 @p0 $0xFFFFFF80  }
0xce: {  	[tilespmem:s16], [sflag:$0x1] =	stream.linear.gather @!p0 [hbm4b:s6+s7], $0x80, $0x38;
	[tilespmem:$0xA00] =	vst v63  }
0xcf: {  	s17 =	rddreg [dreg:$0x4];
	s16 =	simm.s32 @!p0 $0x680  }
0xd0: {  	[tilespmem:s16], [sflag:$0x2] =	stream.linear.gather @!p0 [hbm4b:s17+s7], $0x80, $0x38;
	[tilespmem:$0xA00] =	vst v63  }
0xd1: {  	s18 =	rddreg [dreg:$0x5];
	s16 =	simm.s32 @!p0 $0x700  }
0xd2: {  	[tilespmem:s16], [sflag:$0x3] =	stream.linear.gather @!p0 [hbm4b:s18+s7], $0x80, $0x38;
	[tilespmem:$0xA00] =	vst v63  }
0xd3: {  	s14 =	smov.u32 s3;
	s17 =	rddreg [dreg:$0x6];
	s16 =	simm.s32 @!p0 $0x780  }
0xd4: {  	[tilespmem:s16], [sflag:$0x4] =	stream.linear.gather @!p0 [hbm4b:s17+s7], $0x80, $0x38;
	[tilespmem:$0xA00] =	vst v63  }
0xd5: {  	s14 =	smov.u32 @p0 s15;
	s18 =	rddreg [dreg:$0x7];
	s16 =	simm.s32 @!p0 $0x800  }
0xd6: {  	[tilespmem:s16], [sflag:$0x5] =	stream.linear.gather @!p0 [hbm4b:s18+s7], $0x80, $0x38;
	[tilespmem:$0xA00] =	vst v63  }
0xd7: {  	s14 =	sshrl.u32 s14, $0x3;
	s17 =	rddreg [dreg:$0x8];
	s16 =	simm.s32 @!p0 $0x880  }
0xd8: {  	[tilespmem:s16], [sflag:$0x6] =	stream.linear.gather @!p0 [hbm4b:s17+s7], $0x80, $0x38;
	[tilespmem:$0xA00] =	vst v63  }
0xd9: {  	s14 =	sadd.s32 s5, s14;
	s18 =	rddreg [dreg:$0x9];
	s16 =	simm.s32 @!p0 $0x900  }
0xda: {  	[tilespmem:s16], [sflag:$0x7] =	stream.linear.gather @!p0 [hbm4b:s18+s7], $0x80, $0x38;
	[tilespmem:$0xA00] =	vst v63  }
0xdb: {  	s18 =	sadd.s32 $0x70, s14  }
0xdc: {  	[tilespmem:s20], [sflag:$0x8] =	stream.linear.gather [hbm4b:s18+s4], $0x80, $0x38;
	[tilespmem:$0xA00] =	vst v63  }
0xdd: {  	_ =	swait.ge [sflag:s21], $0x80  }
0xde: {  	[sflag:s21] =	ssyncset.done $0x0  }
0xdf: {  	[sflag:s21] =	ssyncadd.s32 $0xFFFFFF80  }
0xe0: {  	[spmem:s2] =	stream.indirect.scatter.add.f32 [tilespmem:s24], [sflag:$0x9], $0x1, s23, s22, $0xb8;
	[tilespmem:$0xA00] =	vst v63  }
0xe1: {  	_ =	swait.ge [sflag:s25], $0x80  }
0xe2: {  	[sflag:s25] =	ssyncset.done $0x0  }
0xe3: {  	[sflag:s25] =	ssyncadd.s32 $0xFFFFFF80  }
0xe4: {  	[spmem:s2] =	stream.indirect.scatter.add.f32 [tilespmem:s24], [sflag:$0xA], $0x1, s26, s22, $0xb8;
	[tilespmem:$0xA00] =	vst v63  }
0xe5: {  	_ =	swait.ge [sflag:s28], $0x80  }
0xe6: {  	[sflag:s28] =	ssyncset.done $0x0  }
0xe7: {  	[sflag:s28] =	ssyncadd.s32 $0xFFFFFF80  }
0xe8: {  	[spmem:s2] =	stream.indirect.scatter.add.f32 [tilespmem:s24], [sflag:$0xB], $0x1, s29, s22, $0xb8;
	[tilespmem:$0xA00] =	vst v63  }
0xe9: {  	_ =	swait.ge [sflag:s30], $0x80  }
0xea: {  	[sflag:s30] =	ssyncset.done $0x0  }
0xeb: {  	[sflag:s30] =	ssyncadd.s32 $0xFFFFFF80  }
0xec: {  	[spmem:s2] =	stream.indirect.scatter.add.f32 [tilespmem:s24], [sflag:$0xC], $0x1, s31, s22, $0xb8;
	[tilespmem:$0xA00] =	vst v63  }
0xed: {  	_ =	swait.ge [sflag:s1], $0x80  }
0xee: {  	[sflag:s1] =	ssyncset.done $0x0  }
0xef: {  	[sflag:s1] =	ssyncadd.s32 $0xFFFFFF80  }
0xf0: {  	[spmem:s2] =	stream.indirect.scatter.add.f32 [tilespmem:s24], [sflag:$0xD], $0x1, s0, s22, $0xb8;
	[tilespmem:$0xA00] =	vst v63  }
0xf1: {  	_ =	swait.ge [sflag:s8], $0x80  }
0xf2: {  	s13 =	sadd.s32 $0x80, s13;
	[sflag:s8] =	ssyncset.done $0x0  }
0xf3: {  	p1 =	sne.s32 s13, $0x480;
	[sflag:s8] =	ssyncadd.s32 $0xFFFFFF80  }
0xf4: {  	[spmem:s2] =	stream.indirect.scatter.add.f32 [tilespmem:s24], [sflag:$0xE], $0x1, s9, s22, $0xb8;
	[tilespmem:$0xA00] =	vst v63  }
.Ltmp0:
0xf5: {  	_ = 	snop;
	(pc) =	sbr.rel @p1 .LBB2_2-.Ltmp0, $4  }
0xf6: {  	_ =	swait.ge [sflag:s10], $0x80  }
0xf7: {  	s15 =	sadd.s32 $0x400, s15;
	[sflag:s10] =	ssyncset.done $0x0  }
0xf8: {  	p0 =	sne.s32 s12, $0x0;
	s19 =	rddreg [dreg:$0x11];
	[sflag:s10] =	ssyncadd.s32 $0xFFFFFF80  }
0xf9: {  	[spmem:s2] =	stream.indirect.scatter.add.f32 [tilespmem:s24], [sflag:$0xF], $0x1, s19, s22, $0xb8;
	[tilespmem:$0xA00] =	vst v63  }
0xfa: {  	_ =	swait.ge [sflag:s11], $0x80  }
0xfb: {  	[sflag:s11] =	ssyncset.done $0x0  }
0xfc: {  	s7 =	simm.s32 @p0 $0x9;
	[sflag:s11] =	ssyncadd.s32 $0xFFFFFF80  }
0xfd: {  	[spmem:s2] =	stream.indirect.scatter.add.f32 [tilespmem:s24], [sflag:$0x10], $0x1, s20, s22, $0xb8;
	[tilespmem:$0xA00] =	vst v63  }
0xfe: {  	_ =	swait.ge @p0 [sflag:s7], $0x80  }
0xff: {  	s14 =	simm.s32 @p0 $0x600;
	s13 =	rddreg [dreg:$0xa];
	[sflag:s7] =	ssyncset.done @p0 $0x0  }
0x100: {  	[sflag:s7] =	ssyncadd.s32 @p0 $0xFFFFFF80;
	s7 =	simm.s32 @p0 $0x0;
	s13 =	sadd.s32 @p0 s12, s13  }
0x101: {  	[tilespmem:s14], [sflag:$0x1] =	stream.linear.gather @p0 [hbm4b:s13+s7], $0x80, $0x38;
	[tilespmem:$0xA00] =	vst v63  }
0x102: {  	s13 =	simm.s32 @p0 $0xA  }
0x103: {  	_ =	swait.ge @p0 [sflag:s13], $0x80  }
0x104: {  	s14 =	rddreg [dreg:$0x10];
	[sflag:s13] =	ssyncset.done @p0 $0x0  }
0x105: {  	[sflag:s13] =	ssyncadd.s32 @p0 $0xFFFFFF80;
	s13 =	simm.s32 @p0 $0x680;
	s14 =	sadd.s32 @p0 s12, s14  }
0x106: {  	[tilespmem:s13], [sflag:$0x2] =	stream.linear.gather @p0 [hbm4b:s14+s7], $0x80, $0x38;
	[tilespmem:$0xA00] =	vst v63  }
0x107: {  	s13 =	simm.s32 @p0 $0xB  }
0x108: {  	_ =	swait.ge @p0 [sflag:s13], $0x80  }
0x109: {  	s14 =	rddreg [dreg:$0xf];
	[sflag:s13] =	ssyncset.done @p0 $0x0  }
0x10a: {  	[sflag:s13] =	ssyncadd.s32 @p0 $0xFFFFFF80;
	s13 =	simm.s32 @p0 $0x700;
	s14 =	sadd.s32 @p0 s12, s14  }
0x10b: {  	[tilespmem:s13], [sflag:$0x3] =	stream.linear.gather @p0 [hbm4b:s14+s7], $0x80, $0x38;
	[tilespmem:$0xA00] =	vst v63  }
0x10c: {  	s13 =	simm.s32 @p0 $0xC  }
0x10d: {  	_ =	swait.ge @p0 [sflag:s13], $0x80  }
0x10e: {  	s14 =	rddreg [dreg:$0xe];
	[sflag:s13] =	ssyncset.done @p0 $0x0  }
0x10f: {  	[sflag:s13] =	ssyncadd.s32 @p0 $0xFFFFFF80;
	s13 =	simm.s32 @p0 $0x780;
	s14 =	sadd.s32 @p0 s12, s14  }
0x110: {  	[tilespmem:s13], [sflag:$0x4] =	stream.linear.gather @p0 [hbm4b:s14+s7], $0x80, $0x38;
	[tilespmem:$0xA00] =	vst v63  }
0x111: {  	s13 =	simm.s32 @p0 $0xD  }
0x112: {  	_ =	swait.ge @p0 [sflag:s13], $0x80  }
0x113: {  	s14 =	rddreg [dreg:$0xd];
	[sflag:s13] =	ssyncset.done @p0 $0x0  }
0x114: {  	[sflag:s13] =	ssyncadd.s32 @p0 $0xFFFFFF80;
	s13 =	simm.s32 @p0 $0x800;
	s14 =	sadd.s32 @p0 s12, s14  }
0x115: {  	[tilespmem:s13], [sflag:$0x5] =	stream.linear.gather @p0 [hbm4b:s14+s7], $0x80, $0x38;
	[tilespmem:$0xA00] =	vst v63  }
0x116: {  	s13 =	simm.s32 @p0 $0xE  }
0x117: {  	_ =	swait.ge @p0 [sflag:s13], $0x80  }
0x118: {  	s14 =	rddreg [dreg:$0xc];
	[sflag:s13] =	ssyncset.done @p0 $0x0  }
0x119: {  	[sflag:s13] =	ssyncadd.s32 @p0 $0xFFFFFF80;
	s13 =	simm.s32 @p0 $0x880;
	s14 =	sadd.s32 @p0 s12, s14  }
0x11a: {  	[tilespmem:s13], [sflag:$0x6] =	stream.linear.gather @p0 [hbm4b:s14+s7], $0x80, $0x38;
	[tilespmem:$0xA00] =	vst v63  }
0x11b: {  	s13 =	simm.s32 @p0 $0xF  }
0x11c: {  	_ =	swait.ge @p0 [sflag:s13], $0x80  }
0x11d: {  	[sflag:s13] =	ssyncset.done @p0 $0x0  }
0x11e: {  	s14 =	rddreg [dreg:$0xb];
	[sflag:s13] =	ssyncadd.s32 @p0 $0xFFFFFF80  }
0x11f: {  	s13 =	simm.s32 @p0 $0x900;
	s12 =	sadd.s32 @p0 s12, s14;
	s14 =	simm.s32 @p0 $0x10  }
0x120: {  	[tilespmem:s13], [sflag:$0x7] =	stream.linear.gather @p0 [hbm4b:s12+s7], $0x80, $0x38;
	[tilespmem:$0xA00] =	vst v63  }
0x121: {  	_ =	swait.ge @p0 [sflag:s14], $0x80  }
0x122: {  	[sflag:s14] =	ssyncset.done @p0 $0x0  }
0x123: {  	s7 =	simm.s32 @!p0 $0x0;
	s12 =	simm.s32 @!p0 $0x600;
	[sflag:s14] =	ssyncadd.s32 @p0 $0xFFFFFF80  }
0x124: {  	[tilespmem:s12], [sflag:$0x1] =	stream.linear.gather @!p0 [hbm4b:s6+s7], $0x80, $0x38;
	[tilespmem:$0xA00] =	vst v63  }
0x125: {  	s13 =	rddreg [dreg:$0x4];
	s12 =	simm.s32 @!p0 $0x680  }
0x126: {  	[tilespmem:s12], [sflag:$0x2] =	stream.linear.gather @!p0 [hbm4b:s13+s7], $0x80, $0x38;
	[tilespmem:$0xA00] =	vst v63  }
0x127: {  	s14 =	rddreg [dreg:$0x5];
	s12 =	simm.s32 @!p0 $0x700  }
0x128: {  	[tilespmem:s12], [sflag:$0x3] =	stream.linear.gather @!p0 [hbm4b:s14+s7], $0x80, $0x38;
	[tilespmem:$0xA00] =	vst v63  }
0x129: {  	s13 =	rddreg [dreg:$0x6];
	s12 =	simm.s32 @!p0 $0x780  }
0x12a: {  	[tilespmem:s12], [sflag:$0x4] =	stream.linear.gather @!p0 [hbm4b:s13+s7], $0x80, $0x38;
	[tilespmem:$0xA00] =	vst v63  }
0x12b: {  	s14 =	rddreg [dreg:$0x7];
	s12 =	simm.s32 @!p0 $0x800  }
0x12c: {  	[tilespmem:s12], [sflag:$0x5] =	stream.linear.gather @!p0 [hbm4b:s14+s7], $0x80, $0x38;
	[tilespmem:$0xA00] =	vst v63  }
0x12d: {  	s13 =	rddreg [dreg:$0x8];
	s12 =	simm.s32 @!p0 $0x880  }
0x12e: {  	[tilespmem:s12], [sflag:$0x6] =	stream.linear.gather @!p0 [hbm4b:s13+s7], $0x80, $0x38;
	[tilespmem:$0xA00] =	vst v63  }
0x12f: {  	s14 =	rddreg [dreg:$0x9];
	s12 =	simm.s32 @!p0 $0x900  }
0x130: {  	[tilespmem:s12], [sflag:$0x7] =	stream.linear.gather @!p0 [hbm4b:s14+s7], $0x80, $0x38;
	[tilespmem:$0xA00] =	vst v63  }
0x131: {  	s7 =	smov.u32 s3  }
0x132: {  	s7 =	smov.u32 @p0 s15  }
0x133: {  	s7 =	sshrl.u32 s7, $0x3  }
0x134: {  	s7 =	sadd.s32 s5, s7  }
0x135: {  	s7 =	sadd.s32 $0x70, s7  }
0x136: {  	[tilespmem:s20], [sflag:$0x8] =	stream.linear.gather [hbm4b:s7+s4], $0x80, $0x38;
	[tilespmem:$0xA00] =	vst v63  }
0x137: {  	_ =	swait.ge [sflag:s21], $0x80  }
0x138: {  	[sflag:s21] =	ssyncset.done $0x0  }
0x139: {  	[sflag:s21] =	ssyncadd.s32 $0xFFFFFF80  }
0x13a: {  	[spmem:s2] =	stream.indirect.scatter.add.f32 [tilespmem:s24], [sflag:$0x9], $0x1, s23, s22, $0xb8;
	[tilespmem:$0xA00] =	vst v63  }
0x13b: {  	_ =	swait.ge [sflag:s25], $0x80  }
0x13c: {  	[sflag:s25] =	ssyncset.done $0x0  }
0x13d: {  	[sflag:s25] =	ssyncadd.s32 $0xFFFFFF80  }
0x13e: {  	[spmem:s2] =	stream.indirect.scatter.add.f32 [tilespmem:s24], [sflag:$0xA], $0x1, s26, s22, $0xb8;
	[tilespmem:$0xA00] =	vst v63  }
0x13f: {  	_ =	swait.ge [sflag:s28], $0x80  }
0x140: {  	[sflag:s28] =	ssyncset.done $0x0  }
0x141: {  	[sflag:s28] =	ssyncadd.s32 $0xFFFFFF80  }
0x142: {  	[spmem:s2] =	stream.indirect.scatter.add.f32 [tilespmem:s24], [sflag:$0xB], $0x1, s29, s22, $0xb8;
	[tilespmem:$0xA00] =	vst v63  }
0x143: {  	_ =	swait.ge [sflag:s30], $0x80  }
0x144: {  	[sflag:s30] =	ssyncset.done $0x0  }
0x145: {  	[sflag:s30] =	ssyncadd.s32 $0xFFFFFF80  }
0x146: {  	[spmem:s2] =	stream.indirect.scatter.add.f32 [tilespmem:s24], [sflag:$0xC], $0x1, s31, s22, $0xb8;
	[tilespmem:$0xA00] =	vst v63  }
0x147: {  	_ =	swait.ge [sflag:s1], $0x80  }
0x148: {  	[sflag:s1] =	ssyncset.done $0x0  }
0x149: {  	[sflag:s1] =	ssyncadd.s32 $0xFFFFFF80  }
0x14a: {  	[spmem:s2] =	stream.indirect.scatter.add.f32 [tilespmem:s24], [sflag:$0xD], $0x1, s0, s22, $0xb8;
	[tilespmem:$0xA00] =	vst v63  }
0x14b: {  	_ =	swait.ge [sflag:s8], $0x80  }
0x14c: {  	[sflag:s8] =	ssyncset.done $0x0  }
0x14d: {  	[sflag:s8] =	ssyncadd.s32 $0xFFFFFF80  }
0x14e: {  	[spmem:s2] =	stream.indirect.scatter.add.f32 [tilespmem:s24], [sflag:$0xE], $0x1, s9, s22, $0xb8;
	[tilespmem:$0xA00] =	vst v63  }
0x14f: {  	_ =	swait.ge [sflag:s10], $0x80  }
0x150: {  	[sflag:s10] =	ssyncset.done $0x0  }
0x151: {  	s17 =	rddreg [dreg:$0x11];
	[sflag:s10] =	ssyncadd.s32 $0xFFFFFF80  }
0x152: {  	[spmem:s2] =	stream.indirect.scatter.add.f32 [tilespmem:s24], [sflag:$0xF], $0x1, s17, s22, $0xb8;
	[tilespmem:$0xA00] =	vst v63  }
0x153: {  	_ =	swait.ge [sflag:s11], $0x80  }
0x154: {  	[sflag:s11] =	ssyncset.done $0x0  }
0x155: {  	s12 =	simm.s32 $0x9;
	[sflag:s11] =	ssyncadd.s32 $0xFFFFFF80  }
0x156: {  	[spmem:s2] =	stream.indirect.scatter.add.f32 [tilespmem:s24], [sflag:$0x10], $0x1, s20, s22, $0xb8;
	[tilespmem:$0xA00] =	vst v63  }
0x157: {  	_ =	swait.ge [sflag:s12], $0x80  }
0x158: {  	[sflag:s12] =	ssyncset.done $0x0  }
0x159: {  	s13 =	simm.s32 $0xA;
	[sflag:s12] =	ssyncadd.s32 $0xFFFFFF80  }
0x15a: {  	_ =	swait.ge [sflag:s13], $0x80  }
0x15b: {  	[sflag:s13] =	ssyncset.done $0x0  }
0x15c: {  	s14 =	simm.s32 $0xB;
	[sflag:s13] =	ssyncadd.s32 $0xFFFFFF80  }
0x15d: {  	_ =	swait.ge [sflag:s14], $0x80  }
0x15e: {  	[sflag:s14] =	ssyncset.done $0x0  }
0x15f: {  	s15 =	simm.s32 $0xC;
	[sflag:s14] =	ssyncadd.s32 $0xFFFFFF80  }
0x160: {  	_ =	swait.ge [sflag:s15], $0x80  }
0x161: {  	[sflag:s15] =	ssyncset.done $0x0  }
0x162: {  	s16 =	simm.s32 $0xD;
	[sflag:s15] =	ssyncadd.s32 $0xFFFFFF80  }
0x163: {  	_ =	swait.ge [sflag:s16], $0x80  }
0x164: {  	[sflag:s16] =	ssyncset.done $0x0  }
0x165: {  	s17 =	simm.s32 $0xE;
	[sflag:s16] =	ssyncadd.s32 $0xFFFFFF80  }
0x166: {  	_ =	swait.ge [sflag:s17], $0x80  }
0x167: {  	[sflag:s17] =	ssyncset.done $0x0  }
0x168: {  	s18 =	simm.s32 $0xF;
	[sflag:s17] =	ssyncadd.s32 $0xFFFFFF80  }
0x169: {  	_ =	swait.ge [sflag:s18], $0x80  }
0x16a: {  	[sflag:s18] =	ssyncset.done $0x0  }
0x16b: {  	[sflag:s18] =	ssyncadd.s32 $0xFFFFFF80;
	s18 =	simm.s32 $0x10  }
0x16c: {  	_ =	swait.ge [sflag:s18], $0x80  }
0x16d: {  	[sflag:s18] =	ssyncset.done $0x0  }
0x16e: {  	s19 =	rddreg [dreg:$0x13];
	[sflag:s18] =	ssyncadd.s32 $0xFFFFFF80  }
0x16f: {  	[tilespmem:s23], [sflag:$0x1] =	stream.linear.gather [hbm4b:s19+s4], $0x80, $0x38;
	[tilespmem:$0xA00] =	vst v63  }
0x170: {  	s19 =	rddreg [dreg:$0x14]  }
0x171: {  	[tilespmem:s26], [sflag:$0x2] =	stream.linear.gather [hbm4b:s19+s4], $0x80, $0x38;
	[tilespmem:$0xA00] =	vst v63  }
0x172: {  	s19 =	rddreg [dreg:$0x15]  }
0x173: {  	[tilespmem:s29], [sflag:$0x3] =	stream.linear.gather [hbm4b:s19+s4], $0x80, $0x38;
	[tilespmem:$0xA00] =	vst v63  }
0x174: {  	s19 =	rddreg [dreg:$0x16]  }
0x175: {  	[tilespmem:s31], [sflag:$0x4] =	stream.linear.gather [hbm4b:s19+s4], $0x80, $0x38;
	[tilespmem:$0xA00] =	vst v63  }
0x176: {  	s19 =	rddreg [dreg:$0x17]  }
0x177: {  	[tilespmem:s0], [sflag:$0x5] =	stream.linear.gather [hbm4b:s19+s4], $0x80, $0x38;
	[tilespmem:$0xA00] =	vst v63  }
0x178: {  	s19 =	rddreg [dreg:$0x18]  }
0x179: {  	[tilespmem:s9], [sflag:$0x6] =	stream.linear.gather [hbm4b:s19+s4], $0x80, $0x38;
	[tilespmem:$0xA00] =	vst v63  }
0x17a: {  	_ =	swait.ge [sflag:s21], $0x80  }
0x17b: {  	[sflag:s21] =	ssyncset.done $0x0  }
0x17c: {  	[sflag:s21] =	ssyncadd.s32 $0xFFFFFF80  }
0x17d: {  	[spmem:s2] =	stream.indirect.scatter.add.f32 [tilespmem:s24], [sflag:$0x9], $0x1, s23, s22, $0xb8;
	[tilespmem:$0xA00] =	vst v63  }
0x17e: {  	_ =	swait.ge [sflag:s25], $0x80  }
0x17f: {  	[sflag:s25] =	ssyncset.done $0x0  }
0x180: {  	[sflag:s25] =	ssyncadd.s32 $0xFFFFFF80  }
0x181: {  	[spmem:s2] =	stream.indirect.scatter.add.f32 [tilespmem:s24], [sflag:$0xA], $0x1, s26, s22, $0xb8;
	[tilespmem:$0xA00] =	vst v63  }
0x182: {  	_ =	swait.ge [sflag:s28], $0x80  }
0x183: {  	[sflag:s28] =	ssyncset.done $0x0  }
0x184: {  	[sflag:s28] =	ssyncadd.s32 $0xFFFFFF80  }
0x185: {  	[spmem:s2] =	stream.indirect.scatter.add.f32 [tilespmem:s24], [sflag:$0xB], $0x1, s29, s22, $0xb8;
	[tilespmem:$0xA00] =	vst v63  }
0x186: {  	_ =	swait.ge [sflag:s30], $0x80  }
0x187: {  	[sflag:s30] =	ssyncset.done $0x0  }
0x188: {  	[sflag:s30] =	ssyncadd.s32 $0xFFFFFF80  }
0x189: {  	[spmem:s2] =	stream.indirect.scatter.add.f32 [tilespmem:s24], [sflag:$0xC], $0x1, s31, s22, $0xb8;
	[tilespmem:$0xA00] =	vst v63  }
0x18a: {  	_ =	swait.ge [sflag:s1], $0x80  }
0x18b: {  	[sflag:s1] =	ssyncset.done $0x0  }
0x18c: {  	[sflag:s1] =	ssyncadd.s32 $0xFFFFFF80  }
0x18d: {  	[spmem:s2] =	stream.indirect.scatter.add.f32 [tilespmem:s24], [sflag:$0xD], $0x1, s0, s22, $0xb8;
	[tilespmem:$0xA00] =	vst v63  }
0x18e: {  	_ =	swait.ge [sflag:s8], $0x80  }
0x18f: {  	[sflag:s8] =	ssyncset.done $0x0  }
0x190: {  	[sflag:s8] =	ssyncadd.s32 $0xFFFFFF80  }
0x191: {  	[spmem:s2] =	stream.indirect.scatter.add.f32 [tilespmem:s24], [sflag:$0xE], $0x1, s9, s22, $0xb8;
	[tilespmem:$0xA00] =	vst v63  }
0x192: {  	_ =	swait.ge [sflag:s12], $0x80  }
0x193: {  	[sflag:s12] =	ssyncset.done $0x0  }
0x194: {  	[sflag:s12] =	ssyncadd.s32 $0xFFFFFF80  }
0x195: {  	_ =	swait.ge [sflag:s13], $0x80  }
0x196: {  	[sflag:s13] =	ssyncset.done $0x0  }
0x197: {  	[sflag:s13] =	ssyncadd.s32 $0xFFFFFF80  }
0x198: {  	_ =	swait.ge [sflag:s14], $0x80  }
0x199: {  	[sflag:s14] =	ssyncset.done $0x0  }
0x19a: {  	[sflag:s14] =	ssyncadd.s32 $0xFFFFFF80  }
0x19b: {  	_ =	swait.ge [sflag:s15], $0x80  }
0x19c: {  	[sflag:s15] =	ssyncset.done $0x0  }
0x19d: {  	[sflag:s15] =	ssyncadd.s32 $0xFFFFFF80  }
0x19e: {  	_ =	swait.ge [sflag:s16], $0x80  }
0x19f: {  	[sflag:s16] =	ssyncset.done $0x0  }
0x1a0: {  	[sflag:s16] =	ssyncadd.s32 $0xFFFFFF80  }
0x1a1: {  	_ =	swait.ge [sflag:s17], $0x80  }
0x1a2: {  	s14 =	simm.s32 $0x11;
	[sflag:s17] =	ssyncset.done $0x0  }
0x1a3: {  	s16 =	simm.s32 $0x580;
	s15 =	rddreg [dreg:$0x19];
	[sflag:s17] =	ssyncadd.s32 $0xFFFFFF80  }
0x1a4: {  	[tilespmem:s16], [sflag:$0x11] =	stream.linear.gather [hbm4b:s15+s4], $0x10, $0x38;
	[tilespmem:$0xA00] =	vst v63  }
0x1a5: {  	_ =	swait.ge [sflag:s14], $0x10  }
0x1a6: {  	[sflag:s14] =	ssyncset.done $0x0  }
0x1a7: {  	[sflag:s14] =	ssyncadd.s32 $0xFFFFFFF0  }
0x1a8: {  	[spmem:s2] =	stream.indirect.scatter.add.f32 [tilespmem:s24], [sflag:$0x11], $0x1, s16, s18, $0xb8;
	[tilespmem:$0xA00] =	vst v63  }
0x1a9: {  	_ =	swait.ge [sflag:s14], $0x10  }
0x1aa: {  	[sflag:s14] =	ssyncset.done $0x0  }
0x1ab: {  	[sflag:s14] =	ssyncadd.s32 $0xFFFFFFF0  }
0x1ac: {  	[bflag:$0x0] =	sbarrier.arrive $0xFFFF  }
0x1ad: {  	s12 =	simm.s32 $0x280;
	s13 =	rddreg [dreg:$0x12]  }
0x1ae: {  	[tilespmem:s12], [sflag:$0x11] =	stream.linear.gather [spmem:s13], $0x280, $0x38;
	[tilespmem:$0xA00] =	vst v63  }
0x1af: {  	_ =	swait.ge [sflag:s14], $0x280  }
0x1b0: {  	[sflag:s14] =	ssyncset.done $0x0  }
0x1b1: {  	s17 =	rddreg [dreg:$0x1c];
	[sflag:s14] =	ssyncadd.s32 $0xFFFFFD80  }
0x1b2: {  	[hbm4b:s17+s4] =	stream.linear.scatter [tilespmem:s12], [sflag:$0x11], $0x280, $0x38;
	[tilespmem:$0xA00] =	vst v63  }
0x1b3: {  	_ =	swait.ge [sflag:s14], $0x280  }
0x1b4: {  	s18 =	rddreg [dreg:$0x1d]  }
0x1b5: {  	s19 =	rddreg [dreg:$0x1b];
	s15 =	sadd.s32 $0x1, s18  }
0x1b6: {  	p0 =	sne.s32 s15, s19  }
.Ltmp1:
0x1b7: {  	_ = 	snop;
	(pc) =	sbr.rel @p0 .LBB2_1-.Ltmp1, $3  }
0x1b8: {  	_ =	sdelay $0x1  }
0x1b9: {  	[sflag:s14] =	ssyncset.done $0x0  }
0x1ba: {  	[sflag:s14] =	ssyncadd.s32 $0xFFFFFD80  }
0x1bb: {  	_ =	sfence.sel $0x180000  }
0x1bc: {  	[bflag:$0x0] =	sbarrier.arrive $0xFFFF  }
0x1bd: {  	_ =	strace $0x90000047  }
0x1be: {  	s0 =	stileid.u32;
	[bflag:$0x2] =	sbarrier.arrive $0xFFFF  }
0x1bf: {  	p0 =	sne.s32 s0, $0x0;
	s0 =	rddreg [dreg:$0x3]  }
0x1c0: {  	s0 =	sadd.s32 @!p0 $0x100000, s0  }
0x1c1: {  	[sflag:s0] =	ssyncadd.tile.s32 @!p0 $0x1;
	_ =	shalt  }
.Lfunc_end2:
_tile_overlayer_lowered:
.L_overlay_start_2:
0x1c2: {  	(tag) =	ssettag $0x2  }
0x1c3: {  	s0 =	rddreg [dreg:$0x0];
	s2 =	stileid.u32  }
0x1c4: {  	s1 =	rddreg [dreg:$0x1];
	p0 =	sne.s32 s2, $0x0  }
0x1c5: {  	s3 =	rddreg [dreg:$0x2];
	[bflag:$0x3] =	sbarrier.arrive $0xFFFF;
	s2 =	simm.s32 @!p0 $0x1C11  }
0x1c6: {  	[timem:s3], [sflag:s2] =	dma.local @!p0 [hbm:s0], s1  }
0x1c7: {  	s0 =	simm.s32 @!p0 $0x11  }
0x1c8: {  	_ =	swait.ge @!p0 [sflag:s0], s1  }
0x1c9: {  	s1 =	ssub.s32 @!p0 $0x0, s1;
	[sflag:s0] =	ssyncset.done @!p0 $0x0  }
0x1ca: {  	[sflag:s0] =	ssyncadd.s32 @!p0 s1  }
0x1cb: {  	[bflag:$0x3] =	sbarrier.arrive $0xFFFF  }
0x1cc: {  	_ =	shalt  }

// kernel: kernel.14.cloned.1.call-start
scs
__scs_entry_jumppad:
0x0: {  	(pc) =	sbr.rel $0x88, $3  }
0x1: {  	(tag) =	ssettag $0x0;
	lr =	simm.s32 $0x1  }
0x2: {  	[smem:$0x3F95] =	sst lr;
	_ =	strace $0xD0000000  }
0x3: {  	_ = 	snop  }
0x4: {  	_ = 	snop  }
0x5: {  	_ = 	snop  }
0x6: {  	_ = 	snop  }
0x7: {  	_ = 	snop  }
__scs_overlays_trampoline_lowered:
0x8: {  	[smem:$0x3FA4] =	sst s0  }
0x9: {  	[smem:$0x3FA5] =	sst s1  }
0xa: {  	[smem:$0x3FA6] =	sst s2  }
0xb: {  	[smem:$0x3FA7] =	sst s3  }
0xc: {  	[smem:$0x3FA8] =	sst s4  }
0xd: {  	[smem:$0x3FA9] =	sst s5  }
0xe: {  	[smem:$0x3FAA] =	sst s6  }
0xf: {  	[smem:$0x3FAB] =	sst s7  }
0x10: {  	[smem:$0x3FAC] =	sst s8  }
0x11: {  	[smem:$0x3FAD] =	sst s9;
	s0 =	simm.s32 @!p0 $0x0  }
0x12: {  	s1 =	sld [smem:$0x3F93];
	s0 =	simm.s32 @p0 $0x1  }
0x13: {  	[smem:$0x3FAE] =	sst s0;
	s0 =	simm.s32 @!p1 $0x0  }
0x14: {  	s2 =	sld [smem:$0x3F92];
	s0 =	simm.s32 @p1 $0x1  }
0x15: {  	[smem:$0x3FAF] =	sst s0;
	s0 =	simm.s32 @!p2 $0x0  }
0x16: {  	s3 =	sld [smem:$0x3FDB];
	s0 =	simm.s32 @p2 $0x1  }
0x17: {  	s4 =	simm.s32 $0x1BF5;
	[smem:$0x3FB1] =	sst s0  }
0x18: {  	s0 =	sld [smem:$0x3F94];
	_ =	swait.ge [sflag:s4], $0x0  }
0x19: {  	s7 =	sld [smem:$0x3F95]  }
0x1a: {  	s8 =	sadd.s32 $0xFFFFE003, lr  }
0x1b: {  	s9 =	sadd.s32 $0xFFFFFEF7, lr;
	s5 =	simm.s32 $0xFFFFFFFF;
	p2 =	slt.u32 s8, $0xFFFFF086  }
0x1c: {  	p1 =	slt.u32 s9, $0xF7A;
	s5 =	simm.s32 @!p2 $0x0  }
0x1d: {  	s5 =	simm.s32 @p1 $0x1;
	p0 =	seq.s32 s7, s2  }
0x1e: {  	s7 =	smul.u32 @!p0 $0xF7A, s2;
	p2 =	seq.s32 @!p0 s5, $0x0  }
0x1f: {  	s9 =	smul.u32 $0xF7A, s1;
	s8 =	simm.s32 @!p0 $0x1BF5;
	p2 =	por !p2, p0  }
0x20: {  	[sflag:s8] =	ssyncset.s32 @!p0 $0xFFFFF086;
	s6 =	sadd.s32 @!p0 s3, s7;
	s7 =	simm.s32 @!p0 $0x108  }
0x21: {  	s3 =	sadd.s32 s3, s9;
	s6 =	sadd.s32 @!p0 $0x88, s6;
	s7 =	simm.s32 @p2 $0x1082  }
0x22: {  	[simem:s7], [sflag:s8] =	dma.local @!p0 [hbm:s6], $0xF7A  }
0x23: {  	s9 =	sor.u32 $0xD0000000, s2;
	s6 =	simm.s32 $0x108;
	_ =	swait.ge @!p0 [sflag:s8], $0x0  }
0x24: {  	s3 =	sadd.s32 $0x88, s3;
	s6 =	simm.s32 @!p1 $0x1082;
	[sflag:s4] =	ssyncset.s32 $0xFFFFF086  }
0x25: {  	[simem:s6], [sflag:s4] =	dma.local [hbm:s3], $0xF7A  }
0x26: {  	[smem:$0x3F95] =	sst s1;
	(tag) =	ssettag s2;
	_ =	strace s9  }
0x27: {  	s1 =	sld [smem:$0x3FA5]  }
0x28: {  	s2 =	sld [smem:$0x3FA6]  }
0x29: {  	s4 =	sld [smem:$0x3FA8]  }
0x2a: {  	p0 =	seq.s32 s5, $0x0;
	s5 =	sld [smem:$0x3FA9]  }
0x2b: {  	s6 =	sld [smem:$0x3FAA]  }
0x2c: {  	s7 =	sld [smem:$0x3FAB]  }
0x2d: {  	s3 =	simm.s32 $0x108;
	s8 =	sld [smem:$0x3FAC]  }
0x2e: {  	s3 =	simm.s32 @!p0 $0x1082;
	s9 =	sld [smem:$0x3FAD]  }
0x2f: {  	lr =	sadd.s32 s0, s3;
	s0 =	sld [smem:$0x3FA4]  }
0x30: {  	s3 =	sld [smem:$0x3FA7]  }
0x31: {  	[smem:$0x3FB0] =	sst s10  }
0x32: {  	s10 =	sld [smem:$0x3FAE];
	_ =	sdelay $0x3  }
0x33: {  	p0 =	seq.s32 s10, $0x1;
	s10 =	sld [smem:$0x3FB0];
	_ =	sdelay $0x3  }
0x34: {  	[smem:$0x3FB0] =	sst s10  }
0x35: {  	s10 =	sld [smem:$0x3FAF];
	_ =	sdelay $0x3  }
0x36: {  	p1 =	seq.s32 s10, $0x1;
	s10 =	sld [smem:$0x3FB0];
	_ =	sdelay $0x3  }
0x37: {  	[smem:$0x3FB0] =	sst s10  }
0x38: {  	s10 =	sld [smem:$0x3FB1]  }
0x39: {  	_ = 	snop;
	(pc) =	sbr.ind lr, $3  }
0x3a: {  	_ = 	snop  }
0x3b: {  	_ = 	snop  }
0x3c: {  	p2 =	seq.s32 s10, $0x1;
	s10 =	sld [smem:$0x3FB0]  }
0x3d: {  	_ =	shalt  }
0x3e: {  	_ =	shalt  }
0x3f: {  	_ =	shalt  }
0x40: {  	_ =	shalt  }
0x41: {  	_ =	shalt  }
0x42: {  	_ =	shalt  }
0x43: {  	_ =	shalt  }
0x44: {  	_ =	shalt  }
0x45: {  	_ =	shalt  }
0x46: {  	_ =	shalt  }
0x47: {  	_ =	shalt  }
0x48: {  	_ =	shalt  }
0x49: {  	_ =	shalt  }
0x4a: {  	_ =	shalt  }
0x4b: {  	_ =	shalt  }
0x4c: {  	_ =	shalt  }
0x4d: {  	_ =	shalt  }
0x4e: {  	_ =	shalt  }
0x4f: {  	_ =	shalt  }
0x50: {  	_ =	shalt  }
0x51: {  	_ =	shalt  }
0x52: {  	_ =	shalt  }
0x53: {  	_ =	shalt  }
0x54: {  	_ =	shalt  }
0x55: {  	_ =	shalt  }
0x56: {  	_ =	shalt  }
0x57: {  	_ =	shalt  }
0x58: {  	_ =	shalt  }
0x59: {  	_ =	shalt  }
0x5a: {  	_ =	shalt  }
0x5b: {  	_ =	shalt  }
0x5c: {  	_ =	shalt  }
0x5d: {  	_ =	shalt  }
0x5e: {  	_ =	shalt  }
0x5f: {  	_ =	shalt  }
0x60: {  	_ =	shalt  }
0x61: {  	_ =	shalt  }
0x62: {  	_ =	shalt  }
0x63: {  	_ =	shalt  }
0x64: {  	_ =	shalt  }
0x65: {  	_ =	shalt  }
0x66: {  	_ =	shalt  }
0x67: {  	_ =	shalt  }
0x68: {  	_ =	shalt  }
0x69: {  	_ =	shalt  }
0x6a: {  	_ =	shalt  }
0x6b: {  	_ =	shalt  }
0x6c: {  	_ =	shalt  }
0x6d: {  	_ =	shalt  }
0x6e: {  	_ =	shalt  }
0x6f: {  	_ =	shalt  }
0x70: {  	_ =	shalt  }
0x71: {  	_ =	shalt  }
0x72: {  	_ =	shalt  }
0x73: {  	_ =	shalt  }
0x74: {  	_ =	shalt  }
0x75: {  	_ =	shalt  }
0x76: {  	_ =	shalt  }
0x77: {  	_ =	shalt  }
0x78: {  	_ =	shalt  }
0x79: {  	_ =	shalt  }
0x7a: {  	_ =	shalt  }
0x7b: {  	_ =	shalt  }
0x7c: {  	_ =	shalt  }
0x7d: {  	_ =	shalt  }
0x7e: {  	_ =	shalt  }
0x7f: {  	_ =	shalt  }
0x80: {  	_ =	shalt  }
0x81: {  	_ =	shalt  }
0x82: {  	_ =	shalt  }
0x83: {  	_ =	shalt  }
0x84: {  	_ =	shalt  }
0x85: {  	_ =	shalt  }
0x86: {  	_ =	shalt  }
0x87: {  	_ =	shalt  }
.Lfunc_end0:
.L_simem_size_0:
called_computation.1_lowered:
.L_overlay_start_0:
0x88: {  	s2 =	sld [smem:$0x3FD9]  }
0x89: {  	s3 =	sld [smem:$0x3FFE];
	_ =	sdelay $0x1  }
0x8a: {  	s1 =	srdreg.scid  }
0x8b: {  	s0 =	sand.u32 $0x1, s1  }
0x8c: {  	s16 =	sshll.u32 s0, $0xA;
	s2 =	sadd.s32 s3, s2  }
0x8d: {  	s2 =	sadd.s32 s2, s16  }
0x8e: {  	[smem:$0x3FBC] =	sst s2  }
0x8f: {  	_ = 	snop  }
0x90: {  	(tm) =	ssettm $0x1  }
0x91: {  	s17 =	sld [smem:$0x3FFB];
	_ =	sdelay $0x3  }
0x92: {  	_ =	strace s17  }
0x93: {  	s2 =	sld [smem:$0x3FFC];
	_ =	sdelay $0x3  }
0x94: {  	_ =	strace s2  }
0x95: {  	s2 =	sld [smem:$0x3FFD];
	_ =	sdelay $0x3  }
0x96: {  	_ =	strace s2  }
0x97: {  	_ =	strace $0x8FFFFFFF  }
0x98: {  	s18 =	sld [smem:$0x3FDB];
	_ =	sdelay $0x1  }
0x99: {  	s19 =	simm.s32 $_scs_section_size  }
0x9a: {  	s4 =	simm.s32 $_size__tile_overlayer_lowered;
	s5 =	simm.s32 $_tile_overlayer_lowered  }
0x9b: {  	s22 =	simm.s32 $0x1BFF;
	s21 =	sshll.u32 s5, $0x1;
	s2 =	sadd.s32 s19, s18  }
0x9c: {  	s6 =	simm.s32 $0x0;
	s20 =	sshll.u32 s4, $0x1;
	s4 =	sadd.s32 s21, s2  }
0x9d: {  	[timem:s6], [sflag:s22] =	dma.local [hbm:s4], s20  }
0x9e: {  	_ =	swait.ge [sflag:s22], s20  }
0x9f: {  	s3 =	ssub.s32 $0x0, s20;
	[sflag:s22] =	ssyncset.done $0x0  }
0xa0: {  	[sflag:s22] =	ssyncadd.s32 s3;
	_ =	sdelay $0x1  }
0xa1: {  	s23 =	simm.s32 $0x1B8B  }
0xa2: {  	_ =	swait.ge [sflag:s23], $0x1  }
0xa3: {  	[sflag:s23] =	ssyncset.done $0x0  }
0xa4: {  	s25 =	simm.s32 $0x1B8E;
	s24 =	sld [smem:$0x3FFE];
	[sflag:s23] =	ssyncadd.s32 $0xFFFFFFFF  }
0xa5: {  	s26 =	simm.s32 $execute0_lowered;
	[smem:$0x3FD2] =	sst s25  }
0xa6: {  	s4 =	sshll.u32 s26, $0x1;
	_ =	strace $0x80000049;
	[dreg:$0x1] =	wrdreg $0xFFFFFFFF  }
0xa7: {  	s28 =	simm.s32 $_size_execute0_lowered;
	s2 =	sadd.s32 s2, s4;
	[dreg:$0x0] =	wrdreg $0x0  }
0xa8: {  	s4 =	sshll.u32 s28, $0x1;
	[dreg:$0x2] =	wrdreg s2  }
0xa9: {  	[dreg:$0x3] =	wrdreg s4  }
0xaa: {  	[dreg:$0x4] =	wrdreg $0xC0  }
0xab: {  	_ =	task [dreg:s6], $0x5FFFF  }
0xac: {  	[dreg:$0x1] =	wrdreg $0xFFFFFFFF  }
0xad: {  	[dreg:$0x0] =	wrdreg $0x60  }
0xae: {  	[dreg:$0x2] =	wrdreg s24  }
0xaf: {  	[dreg:$0x3] =	wrdreg $0x0  }
0xb0: {  	[dreg:$0x4] =	wrdreg $0x9  }
0xb1: {  	_ =	task.clear_ibuf [dreg:s6], $0x5FFFF;
	_ =	strace $0x90000049  }
0xb2: {  	s29 =	simm.s32 $0x9;
	_ =	strace $0x8000004B  }
0xb3: {  	_ =	swait.ge [sflag:s29], $0x1  }
0xb4: {  	[sflag:s29] =	ssyncadd.s32 $0xFFFFFFFF  }
0xb5: {  	_ =	strace $0x9000004B  }
0xb6: {  	_ =	sfence  }
0xb7: {  	s30 =	sld [smem:$0x0];
	_ =	sdelay $0x2  }
0xb8: {  	s31 =	sshll.u32 s1, $0xD;
	s1 =	sshrl.u32 s1, $0x2  }
0xb9: {  	s3 =	sand.u32 $0x4000, s31;
	s1 =	sadd.s32 s1, s30  }
0xba: {  	s0 =	sor.u32 s3, s0;
	s1 =	sshll.u32 s1, $0x11  }
0xbb: {  	s0 =	sor.u32 s1, s0  }
0xbc: {  	s0 =	sadd.s32 $0x8F2B, s0  }
0xbd: {  	[sflag:s0] =	ssyncadd.remote.s32 $0x1  }
0xbe: {  	_ =	sfence.sel $0xFFFF  }
0xbf: {  	[dreg:$0x0] =	wrdreg $0xFFFFFFFF;
	(pc) =	sbr.abs _section_cstart, $3  }
0xc0: {  	[dreg:$0x1] =	wrdreg $0xFFFFFFFF  }
0xc1: {  	_ =	task.clear_ibuf [dreg:s6], $0x2FFFF;
	_ =	strace $0x9FFFFFFF  }
0xc2: {  	(tm) =	ssettm $0x7FFFFFFF  }
0xc3: {  	_ =	shalt  }
tec
execute0_lowered:
.L_overlay_start_1:
0x0: {  	(tag) =	ssettag $0x1  }
0x1: {  	s0 =	srdreg.scid  }
0x2: {  	s1 =	rddreg [dreg:$0x0];
	s6 =	stileid.u32  }
0x3: {  	s2 =	rddreg [dreg:$0x1];
	s4 =	simm.s32 $0x0;
	s28 =	simm.s32 $0x1CE80  }
0x4: {  	s0 =	sand.u32 $0x1, s0;
	[smem:$0x7FF] =	sst s4;
	s16 =	smul.u32 $0x14000, s6  }
0x5: {  	s5 =	sadd.s32 $0x16E00, s1;
	s12 =	sadd.s32 $0xD000, s1;
	s20 =	smul.u32 $0x50000, s6  }
0x6: {  	s3 =	sshll.u32 s0, $0x4;
	_ =	strace $0x8000004A;
	s7 =	smul.u32 $0x140000, s0  }
0x7: {  	s18 =	ssub.s32 $0x2, s0;
	s3 =	sor.u32 s6, s3;
	s9 =	sshrl.u32 s16, $0x3  }
0x8: {  	[dreg:$0xa] =	wrdreg s12;
	s11 =	smul.u32 $0x2710, s3;
	s9 =	sadd.s32 s9, s1  }
0x9: {  	s10 =	sshrl.u32 s18, $0x1;
	s3 =	sadd.s32 s16, s7;
	s29 =	sadd.s32 $0x3EE00, s9  }
0xa: {  	s3 =	sshrl.u32 s3, $0x3;
	s17 =	sshrl.u32 s11, $0x3;
	[dreg:$0xe] =	wrdreg s29  }
0xb: {  	s19 =	sadd.s32 $0x28, s11;
	s31 =	sadd.s32 $0x2698, s11;
	[dreg:$0x9] =	wrdreg s11  }
0xc: {  	s8 =	sadd.s32 s17, s1;
	s1 =	sadd.s32 s3, s1;
	s21 =	sadd.s32 s12, s17  }
0xd: {  	s9 =	sshrl.u32 s31, $0x3;
	s31 =	simm.s32 $0x1BA80;
	[dreg:$0xb] =	wrdreg s21  }
0xe: {  	s7 =	sshrl.u32 s19, $0x3;
	s8 =	sadd.s32 $0x3200, s8;
	[dreg:$0x8] =	wrdreg s31  }
0xf: {  	s3 =	ssub.s32 s18, s10;
	s22 =	sadd.s32 s12, s7;
	[dreg:$0xc] =	wrdreg s8  }
0x10: {  	s10 =	sshrl.u32 s20, $0x2;
	s24 =	sadd.s32 $0xA, s21;
	[dreg:$0x3] =	wrdreg s22  }
0x11: {  	s0 =	smul.u32 $0x27100, s0;
	s26 =	sadd.s32 s10, s2;
	[dreg:$0x4] =	wrdreg s24  }
0x12: {  	s23 =	sadd.s32 $0x78, s11;
	s30 =	sadd.s32 $0x14, s21;
	[dreg:$0xd] =	wrdreg s26  }
0x13: {  	s14 =	sadd.s32 $0x26E8, s11;
	s13 =	sadd.s32 $0x4CE, s21;
	[dreg:$0x6] =	wrdreg s30  }
0x14: {  	s11 =	simm.s32 $0x9;
	s4 =	sadd.s32 s12, s9;
	[dreg:$0xf] =	wrdreg s13  }
0x15: {  	s7 =	sshrl.u32 s23, $0x3;
	s15 =	sadd.s32 $0x4D8, s21;
	[dreg:$0x10] =	wrdreg s4  }
0x16: {  	s10 =	smul.u32 $0x2710, s6;
	s18 =	sadd.s32 $0x66E00, s1;
	[dreg:$0x11] =	wrdreg s15  }
0x17: {  	s20 =	smax.u32 s3, $0x1;
	s25 =	sadd.s32 s12, s7;
	[dreg:$0x14] =	wrdreg s18  }
0x18: {  	s4 =	sshrl.u32 s14, $0x3;
	[dreg:$0x15] =	wrdreg s20;
	s30 =	simm.s32 $0x16980  }
0x19: {  	s7 =	simm.s32 $0x13;
	s15 =	simm.s32 $0x4;
	[dreg:$0x5] =	wrdreg s25  }
0x1a: {  	s20 =	simm.s32 $0xB;
	s17 =	sadd.s32 s12, s4;
	[dreg:$0x7] =	wrdreg s30  }
0x1b: {  	s16 =	sadd.s32 s10, s0;
	s10 =	simm.s32 $0x3;
	[dreg:$0x13] =	wrdreg s17  }
0x1c: {  	s19 =	sadd.s32 $0xA0, s16;
	s21 =	sshrl.u32 s16, $0x3;
	s22 =	sadd.s32 $0x78, s16  }
0x1d: {  	s23 =	sadd.s32 $0x50, s16;
	[dreg:$0x12] =	wrdreg s16;
	s24 =	sadd.s32 $0x28, s16  }
0x1e: {  	s16 =	simm.s32 $0xA;
	s0 =	sshrl.u32 s19, $0x3;
	s1 =	sadd.s32 s21, s12  }
0x1f: {  	s25 =	sshrl.u32 s23, $0x3;
	s26 =	sshrl.u32 s24, $0x3;
	s23 =	simm.s32 $0x16A00  }
0x20: {  	s19 =	simm.s32 $0x5;
	[dreg:$0x16] =	wrdreg s1;
	s0 =	sadd.s32 s0, s12  }
0x21: {  	s29 =	sadd.s32 s26, s12;
	[dreg:$0x17] =	wrdreg s0;
	s0 =	sshrl.u32 s22, $0x3  }
0x22: {  	s21 =	simm.s32 $0x6;
	[dreg:$0x1a] =	wrdreg s29;
	s0 =	sadd.s32 s0, s12  }
0x23: {  	s22 =	simm.s32 $0xC;
	[dreg:$0x18] =	wrdreg s0;
	s0 =	sadd.s32 s25, s12  }
0x24: {  	s25 =	simm.s32 $0x28;
	[dreg:$0x19] =	wrdreg s0;
	s0 =	simm.s32 $0x0  }
.LBB2_1:
0x25: {  	[dreg:$0x1b] =	wrdreg s0  }
0x26: {  	s6 =	simm.s32 $0x0;
	s1 =	rddreg [dreg:$0xc];
	s3 =	simm.s32 $0x14000  }
0x27: {  	[tilespmem:s3], [sflag:$0x13] =	stream.linear.gather [hbm4b:s1+s6], $0x2710, $0x38;
	[tilespmem:$0x1E280] =	vst v63  }
0x28: {  	s29 =	stileid.u32;
	_ =	swait.ge [sflag:s7], $0x2710  }
0x29: {  	s1 =	sshll.u32 s29, $0x6;
	s3 =	rddreg [dreg:$0xd]  }
0x2a: {  	s30 =	sor.u32 $0x1C13, s1;
	s8 =	rddreg [dreg:$0xe]  }
0x2b: {  	[sflag:s7] =	ssyncset.done $0x0;
	[dreg:$0x1c] =	wrdreg s30;
	s4 =	sshrl.u32 s3, $0x3  }
0x2c: {  	[sflag:s7] =	ssyncadd.s32 $0xFFFFD8F0;
	[dreg:$0x1d] =	wrdreg s4  }
0x2d: {  	[spmem:s4], [sflag:s30] =	dma.local [hbm:s8], $0x2800  }
0x2e: {  	_ =	swait.ge [sflag:s7], $0x2800  }
0x2f: {  	[sflag:s7] =	ssyncset.done $0x0  }
0x30: {  	p0 =	por $0x0, $0x0;
	[sflag:s7] =	ssyncadd.s32 $0xFFFFD800  }
0x31: {  	s3 =	simm.s32 @p0 $0xD;
	[bflag:$0x0] =	sbarrier.arrive $0xFFFF  }
0x32: {  	_ =	swait.ge @p0 [sflag:s3], $0x1400  }
0x33: {  	s9 =	simm.s32 @p0 $0xE;
	s1 =	simm.s32 @p0 $0x14000;
	[sflag:s3] =	ssyncset.done @p0 $0x0  }
0x34: {  	s4 =	simm.s32 @p0 $0x16A80;
	[sflag:s3] =	ssyncadd.s32 @p0 $0xFFFFEC00;
	s3 =	simm.s32 @p0 $0x28  }
0x35: {  	[tilespmem:s4], [sflag:$0x7] =	stream.indirect.gather @p0 [hbm4b:s5+s3], $0x80, s1, s3, $0xb8;
	[tilespmem:$0x1E280] =	vst v63  }
0x36: {  	s7 =	simm.s32 @p0 $0x16780;
	s17 =	rddreg [dreg:$0x16];
	s4 =	simm.s32 @p0 $0x0  }
0x37: {  	[tilespmem:s7], [sflag:$0x1] =	stream.linear.gather @p0 [hbm4b:s17+s4], $0x28, $0x38;
	[tilespmem:$0x1E280] =	vst v63  }
0x38: {  	_ =	swait.ge @p0 [sflag:s9], $0x1400  }
0x39: {  	[sflag:s9] =	ssyncset.done @p0 $0x0  }
0x3a: {  	s7 =	simm.s32 @p0 $0x14028;
	[sflag:s9] =	ssyncadd.s32 @p0 $0xFFFFEC00;
	s9 =	simm.s32 @p0 $0x17E80  }
0x3b: {  	[tilespmem:s9], [sflag:$0x8] =	stream.indirect.gather @p0 [hbm4b:s5+s3], $0x80, s7, s3, $0xb8;
	[tilespmem:$0x1E280] =	vst v63  }
0x3c: {  	s26 =	rddreg [dreg:$0x1a];
	s7 =	simm.s32 @p0 $0x16800;
	s9 =	simm.s32 @p0 $0xF  }
0x3d: {  	[tilespmem:s7], [sflag:$0x2] =	stream.linear.gather @p0 [hbm4b:s26+s4], $0x28, $0x38;
	[tilespmem:$0x1E280] =	vst v63  }
0x3e: {  	_ =	swait.ge @p0 [sflag:s9], $0x1400  }
0x3f: {  	[sflag:s9] =	ssyncset.done @p0 $0x0  }
0x40: {  	s7 =	simm.s32 @p0 $0x14050;
	[sflag:s9] =	ssyncadd.s32 @p0 $0xFFFFEC00;
	s9 =	simm.s32 @p0 $0x19280  }
0x41: {  	[tilespmem:s9], [sflag:$0x9] =	stream.indirect.gather @p0 [hbm4b:s5+s3], $0x80, s7, s3, $0xb8;
	[tilespmem:$0x1E280] =	vst v63  }
0x42: {  	s24 =	rddreg [dreg:$0x19];
	s7 =	simm.s32 @p0 $0x16880;
	s9 =	simm.s32 @p0 $0x10  }
0x43: {  	[tilespmem:s7], [sflag:$0x3] =	stream.linear.gather @p0 [hbm4b:s24+s4], $0x28, $0x38;
	[tilespmem:$0x1E280] =	vst v63  }
0x44: {  	_ =	swait.ge @p0 [sflag:s9], $0x1400  }
0x45: {  	[sflag:s9] =	ssyncset.done @p0 $0x0  }
0x46: {  	s7 =	simm.s32 @p0 $0x14078;
	[sflag:s9] =	ssyncadd.s32 @p0 $0xFFFFEC00;
	s9 =	simm.s32 @p0 $0x1A680  }
0x47: {  	[tilespmem:s9], [sflag:$0xA] =	stream.indirect.gather @p0 [hbm4b:s5+s3], $0x80, s7, s3, $0xb8;
	[tilespmem:$0x1E280] =	vst v63  }
0x48: {  	s18 =	rddreg [dreg:$0x18];
	s7 =	simm.s32 @p0 $0x16900;
	s9 =	simm.s32 @p0 $0x11  }
0x49: {  	[tilespmem:s7], [sflag:$0x4] =	stream.linear.gather @p0 [hbm4b:s18+s4], $0x28, $0x38;
	[tilespmem:$0x1E280] =	vst v63  }
0x4a: {  	_ =	swait.ge @p0 [sflag:s9], $0x1400  }
0x4b: {  	[sflag:s9] =	ssyncset.done @p0 $0x0  }
0x4c: {  	s7 =	simm.s32 @p0 $0x140A0;
	[sflag:s9] =	ssyncadd.s32 @p0 $0xFFFFEC00;
	s9 =	simm.s32 @p0 $0x1BA80  }
0x4d: {  	[tilespmem:s9], [sflag:$0xB] =	stream.indirect.gather @p0 [hbm4b:s5+s3], $0x80, s7, s3, $0xb8;
	[tilespmem:$0x1E280] =	vst v63  }
0x4e: {  	s14 =	rddreg [dreg:$0x17];
	s3 =	simm.s32 @p0 $0x16980;
	s7 =	simm.s32 @p0 $0x12  }
0x4f: {  	[tilespmem:s3], [sflag:$0x5] =	stream.linear.gather @p0 [hbm4b:s14+s4], $0x28, $0x38;
	[tilespmem:$0x1E280] =	vst v63  }
0x50: {  	_ =	swait.ge @p0 [sflag:s7], $0x1400  }
0x51: {  	s3 =	simm.s32 @!p0 $0x16A80;
	[sflag:s7] =	ssyncset.done @p0 $0x0  }
0x52: {  	s4 =	simm.s32 @!p0 $0x28;
	[sflag:s7] =	ssyncadd.s32 @p0 $0xFFFFEC00;
	s7 =	simm.s32 @!p0 $0x14000  }
0x53: {  	[tilespmem:s3], [sflag:$0x7] =	stream.indirect.gather @!p0 [hbm4b:s5+s4], $0x80, s7, s4, $0xb8;
	[tilespmem:$0x1E280] =	vst v63  }
0x54: {  	s8 =	rddreg [dreg:$0xb];
	s3 =	simm.s32 @!p0 $0x0;
	s7 =	simm.s32 @!p0 $0x16780  }
0x55: {  	[tilespmem:s7], [sflag:$0x1] =	stream.linear.gather @!p0 [hbm4b:s8+s3], $0x28, $0x38;
	[tilespmem:$0x1E280] =	vst v63  }
0x56: {  	s9 =	simm.s32 @!p0 $0x17E80;
	s7 =	simm.s32 @!p0 $0x14028  }
0x57: {  	[tilespmem:s9], [sflag:$0x8] =	stream.indirect.gather @!p0 [hbm4b:s5+s4], $0x80, s7, s4, $0xb8;
	[tilespmem:$0x1E280] =	vst v63  }
0x58: {  	s12 =	rddreg [dreg:$0x3];
	s7 =	simm.s32 @!p0 $0x16800  }
0x59: {  	[tilespmem:s7], [sflag:$0x2] =	stream.linear.gather @!p0 [hbm4b:s12+s3], $0x28, $0x38;
	[tilespmem:$0x1E280] =	vst v63  }
0x5a: {  	s9 =	simm.s32 @!p0 $0x19280;
	s7 =	simm.s32 @!p0 $0x14050  }
0x5b: {  	[tilespmem:s9], [sflag:$0x9] =	stream.indirect.gather @!p0 [hbm4b:s5+s4], $0x80, s7, s4, $0xb8;
	[tilespmem:$0x1E280] =	vst v63  }
0x5c: {  	s12 =	rddreg [dreg:$0x4];
	s7 =	simm.s32 @!p0 $0x16880  }
0x5d: {  	[tilespmem:s7], [sflag:$0x3] =	stream.linear.gather @!p0 [hbm4b:s12+s3], $0x28, $0x38;
	[tilespmem:$0x1E280] =	vst v63  }
0x5e: {  	s13 =	rddreg [dreg:$0x9];
	s9 =	simm.s32 @!p0 $0x1A680;
	s7 =	simm.s32 @!p0 $0x14078  }
0x5f: {  	[tilespmem:s9], [sflag:$0xA] =	stream.indirect.gather @!p0 [hbm4b:s5+s4], $0x80, s7, s4, $0xb8;
	[tilespmem:$0x1E280] =	vst v63  }
0x60: {  	s1 =	simm.s32 @!p0 $0x14000;
	s12 =	rddreg [dreg:$0x5];
	s7 =	simm.s32 @!p0 $0x16900  }
0x61: {  	[tilespmem:s7], [sflag:$0x4] =	stream.linear.gather @!p0 [hbm4b:s12+s3], $0x28, $0x38;
	[tilespmem:$0x1E280] =	vst v63  }
0x62: {  	s8 =	rddreg [dreg:$0x12];
	s9 =	simm.s32 @!p0 $0x1BA80;
	s7 =	simm.s32 @!p0 $0x140A0  }
0x63: {  	[tilespmem:s9], [sflag:$0xB] =	stream.indirect.gather @!p0 [hbm4b:s5+s4], $0x80, s7, s4, $0xb8;
	[tilespmem:$0x1E280] =	vst v63  }
0x64: {  	s13 =	smov.u32 @p0 s8;
	s12 =	rddreg [dreg:$0x6];
	s7 =	simm.s32 @!p0 $0x16980  }
0x65: {  	[tilespmem:s7], [sflag:$0x5] =	stream.linear.gather @!p0 [hbm4b:s12+s3], $0x28, $0x38;
	[tilespmem:$0x1E280] =	vst v63  }
0x66: {  	s1 =	sadd.s32 $0xC8, s1;
	s9 =	sadd.s32 $0xC8, s13  }
0x67: {  	[tilespmem:s28], [sflag:$0xC] =	stream.indirect.gather [hbm4b:s5+s25], $0x80, s1, s25, $0xb8;
	[tilespmem:$0x1E280] =	vst v63  }
0x68: {  	s13 =	sshrl.u32 s9, $0x3;
	s28 =	rddreg [dreg:$0xa]  }
0x69: {  	s29 =	simm.s32 $0x1;
	s1 =	sadd.s32 s28, s13  }
0x6a: {  	[tilespmem:s23], [sflag:$0x6] =	stream.linear.gather [hbm4b:s1+s6], $0x28, $0x38;
	[tilespmem:$0x1E280] =	vst v63  }
0x6b: {  	_ =	swait.ge [sflag:s29], $0x28  }
0x6c: {  	[sflag:s29] =	ssyncset.done $0x0  }
0x6d: {  	s30 =	simm.s32 $0x7;
	[sflag:s29] =	ssyncadd.s32 $0xFFFFFFD8  }
0x6e: {  	_ =	swait.ge [sflag:s30], $0x1400  }
0x6f: {  	s4 =	simm.s32 $0x2;
	[sflag:s30] =	ssyncset.done $0x0  }
0x70: {  	s3 =	simm.s32 $0x16A80;
	s1 =	simm.s32 $0x16780;
	[sflag:s30] =	ssyncadd.s32 $0xFFFFEC00  }
0x71: {  	[spmem:s2] =	stream.indirect.scatter.add.f32 [tilespmem:s3], [sflag:$0xD], $0x80, s1, s25, $0xb8;
	[tilespmem:$0x1E280] =	vst v63  }
0x72: {  	_ =	swait.ge [sflag:s4], $0x28  }
0x73: {  	[sflag:s4] =	ssyncset.done $0x0  }
0x74: {  	s6 =	simm.s32 $0x8;
	[sflag:s4] =	ssyncadd.s32 $0xFFFFFFD8  }
0x75: {  	_ =	swait.ge [sflag:s6], $0x1400  }
0x76: {  	[sflag:s6] =	ssyncset.done $0x0  }
0x77: {  	s9 =	simm.s32 $0x17E80;
	s7 =	simm.s32 $0x16800;
	[sflag:s6] =	ssyncadd.s32 $0xFFFFEC00  }
0x78: {  	[spmem:s2] =	stream.indirect.scatter.add.f32 [tilespmem:s9], [sflag:$0xE], $0x80, s7, s25, $0xb8;
	[tilespmem:$0x1E280] =	vst v63  }
0x79: {  	_ =	swait.ge [sflag:s10], $0x28  }
0x7a: {  	[sflag:s10] =	ssyncset.done $0x0  }
0x7b: {  	[sflag:s10] =	ssyncadd.s32 $0xFFFFFFD8  }
0x7c: {  	_ =	swait.ge [sflag:s11], $0x1400  }
0x7d: {  	[sflag:s11] =	ssyncset.done $0x0  }
0x7e: {  	s12 =	simm.s32 $0x16880;
	s13 =	simm.s32 $0x19280;
	[sflag:s11] =	ssyncadd.s32 $0xFFFFEC00  }
0x7f: {  	[spmem:s2] =	stream.indirect.scatter.add.f32 [tilespmem:s13], [sflag:$0xF], $0x80, s12, s25, $0xb8;
	[tilespmem:$0x1E280] =	vst v63  }
0x80: {  	_ =	swait.ge [sflag:s15], $0x28  }
0x81: {  	[sflag:s15] =	ssyncset.done $0x0  }
0x82: {  	[sflag:s15] =	ssyncadd.s32 $0xFFFFFFD8  }
0x83: {  	_ =	swait.ge [sflag:s16], $0x1400  }
0x84: {  	[sflag:s16] =	ssyncset.done $0x0  }
0x85: {  	s28 =	simm.s32 $0x1A680;
	s23 =	simm.s32 $0x16900;
	[sflag:s16] =	ssyncadd.s32 $0xFFFFEC00  }
0x86: {  	[spmem:s2] =	stream.indirect.scatter.add.f32 [tilespmem:s28], [sflag:$0x10], $0x80, s23, s25, $0xb8;
	[tilespmem:$0x1E280] =	vst v63  }
0x87: {  	_ =	swait.ge [sflag:s19], $0x28  }
0x88: {  	[sflag:s19] =	ssyncset.done $0x0  }
0x89: {  	[sflag:s19] =	ssyncadd.s32 $0xFFFFFFD8  }
0x8a: {  	_ =	swait.ge [sflag:s20], $0x1400  }
0x8b: {  	s29 =	rddreg [dreg:$0x7];
	[sflag:s20] =	ssyncset.done $0x0  }
0x8c: {  	s30 =	rddreg [dreg:$0x8];
	[sflag:s20] =	ssyncadd.s32 $0xFFFFEC00  }
0x8d: {  	[spmem:s2] =	stream.indirect.scatter.add.f32 [tilespmem:s30], [sflag:$0x11], $0x80, s29, s25, $0xb8;
	[tilespmem:$0x1E280] =	vst v63  }
0x8e: {  	s31 =	sadd.s32 $0x1E, s24;
	s24 =	sadd.s32 $0x1E, s14;
	_ =	swait.ge [sflag:s21], $0x28  }
0x8f: {  	s14 =	sadd.s32 $0xF0, s8;
	s1 =	sadd.s32 $0x1E, s26;
	[sflag:s21] =	ssyncset.done $0x0  }
0x90: {  	s3 =	sadd.s32 $0x1E, s18;
	s9 =	simm.s32 $0x780;
	[sflag:s21] =	ssyncadd.s32 $0xFFFFFFD8  }
0x91: {  	s7 =	sadd.s32 $0x1E, s17;
	s12 =	simm.s32 $0x3C0;
	_ =	swait.ge [sflag:s22], $0x1400  }
.LBB2_2:
0x92: {  	p1 =	sne.s32 s12, $0x0;
	[sflag:s22] =	ssyncset.done $0x0;
	s23 =	simm.s32 $0x1CE80  }
0x93: {  	s0 =	simm.s32 $0x16A00;
	s4 =	simm.s32 @p1 $0xD;
	[sflag:s22] =	ssyncadd.s32 $0xFFFFEC00  }
0x94: {  	[spmem:s2] =	stream.indirect.scatter.add.f32 [tilespmem:s23], [sflag:$0x12], $0x80, s0, s25, $0xb8;
	[tilespmem:$0x1E280] =	vst v63  }
0x95: {  	_ =	swait.ge @p1 [sflag:s4], $0x1400  }
0x96: {  	s12 =	sshra.s32 @p1 s12, $0x2;
	s18 =	simm.s32 @p1 $0x28;
	[sflag:s4] =	ssyncset.done @p1 $0x0  }
0x97: {  	s13 =	sadd.s32 @p1 $0x14000, s12;
	[sflag:s4] =	ssyncadd.s32 @p1 $0xFFFFEC00;
	s4 =	simm.s32 @p1 $0x16A80  }
0x98: {  	[tilespmem:s4], [sflag:$0x7] =	stream.indirect.gather @p1 [hbm4b:s5+s18], $0x80, s13, s18, $0xb8;
	[tilespmem:$0x1E280] =	vst v63  }
0x99: {  	s28 =	simm.s32 @p1 $0x16780;
	s29 =	simm.s32 @p1 $0xE;
	s4 =	simm.s32 @p1 $0x0  }
0x9a: {  	[tilespmem:s28], [sflag:$0x1] =	stream.linear.gather @p1 [hbm4b:s7+s4], $0x28, $0x38;
	[tilespmem:$0x1E280] =	vst v63  }
0x9b: {  	s17 =	sadd.s32 @p1 $0x14028, s12;
	s8 =	sadd.s32 @p1 $0x14050, s12;
	_ =	swait.ge @p1 [sflag:s29], $0x1400  }
0x9c: {  	s26 =	sadd.s32 @p1 $0x14078, s12;
	s28 =	sadd.s32 @p1 $0x140A0, s12;
	[sflag:s29] =	ssyncset.done @p1 $0x0  }
0x9d: {  	s12 =	rddreg [dreg:$0x9];
	[sflag:s29] =	ssyncadd.s32 @p1 $0xFFFFEC00;
	s29 =	simm.s32 @p1 $0x17E80  }
0x9e: {  	[tilespmem:s29], [sflag:$0x8] =	stream.indirect.gather @p1 [hbm4b:s5+s18], $0x80, s17, s18, $0xb8;
	[tilespmem:$0x1E280] =	vst v63  }
0x9f: {  	s30 =	simm.s32 @p1 $0xF;
	s12 =	smov.u32 @p1 s14;
	s29 =	simm.s32 @p1 $0x16800  }
0xa0: {  	[tilespmem:s29], [sflag:$0x2] =	stream.linear.gather @p1 [hbm4b:s1+s4], $0x28, $0x38;
	[tilespmem:$0x1E280] =	vst v63  }
0xa1: {  	s12 =	sadd.s32 $0xC8, s12;
	_ =	swait.ge @p1 [sflag:s30], $0x1400  }
0xa2: {  	s6 =	smov.u32 s9;
	s17 =	sshrl.u32 s12, $0x3;
	[sflag:s30] =	ssyncset.done @p1 $0x0  }
0xa3: {  	s12 =	smov.u32 s6;
	s6 =	simm.s32 @p1 $0x19280;
	[sflag:s30] =	ssyncadd.s32 @p1 $0xFFFFEC00  }
0xa4: {  	[tilespmem:s6], [sflag:$0x9] =	stream.indirect.gather @p1 [hbm4b:s5+s18], $0x80, s8, s18, $0xb8;
	[tilespmem:$0x1E280] =	vst v63  }
0xa5: {  	s6 =	simm.s32 @p1 $0x16880;
	s8 =	simm.s32 @p1 $0x10  }
0xa6: {  	[tilespmem:s6], [sflag:$0x3] =	stream.linear.gather @p1 [hbm4b:s31+s4], $0x28, $0x38;
	[tilespmem:$0x1E280] =	vst v63  }
0xa7: {  	_ =	swait.ge @p1 [sflag:s8], $0x1400  }
0xa8: {  	[sflag:s8] =	ssyncset.done @p1 $0x0  }
0xa9: {  	s6 =	simm.s32 @p1 $0x1A680;
	[sflag:s8] =	ssyncadd.s32 @p1 $0xFFFFEC00  }
0xaa: {  	[tilespmem:s6], [sflag:$0xA] =	stream.indirect.gather @p1 [hbm4b:s5+s18], $0x80, s26, s18, $0xb8;
	[tilespmem:$0x1E280] =	vst v63  }
0xab: {  	s8 =	simm.s32 @p1 $0x11;
	s6 =	simm.s32 @p1 $0x16900  }
0xac: {  	[tilespmem:s6], [sflag:$0x4] =	stream.linear.gather @p1 [hbm4b:s3+s4], $0x28, $0x38;
	[tilespmem:$0x1E280] =	vst v63  }
0xad: {  	_ =	swait.ge @p1 [sflag:s8], $0x1400  }
0xae: {  	[sflag:s8] =	ssyncset.done @p1 $0x0  }
0xaf: {  	s6 =	simm.s32 @p1 $0x1BA80;
	[sflag:s8] =	ssyncadd.s32 @p1 $0xFFFFEC00  }
0xb0: {  	[tilespmem:s6], [sflag:$0xB] =	stream.indirect.gather @p1 [hbm4b:s5+s18], $0x80, s28, s18, $0xb8;
	[tilespmem:$0x1E280] =	vst v63  }
0xb1: {  	s8 =	simm.s32 @p1 $0x12;
	s6 =	simm.s32 @p1 $0x16980  }
0xb2: {  	[tilespmem:s6], [sflag:$0x5] =	stream.linear.gather @p1 [hbm4b:s24+s4], $0x28, $0x38;
	[tilespmem:$0x1E280] =	vst v63  }
0xb3: {  	_ =	swait.ge @p1 [sflag:s8], $0x1400  }
0xb4: {  	s4 =	simm.s32 @!p1 $0x16A80;
	[sflag:s8] =	ssyncset.done @p1 $0x0  }
0xb5: {  	s6 =	simm.s32 @!p1 $0x28;
	[sflag:s8] =	ssyncadd.s32 @p1 $0xFFFFEC00;
	s8 =	simm.s32 @!p1 $0x14000  }
0xb6: {  	[tilespmem:s4], [sflag:$0x7] =	stream.indirect.gather @!p1 [hbm4b:s5+s6], $0x80, s8, s6, $0xb8;
	[tilespmem:$0x1E280] =	vst v63  }
0xb7: {  	s18 =	rddreg [dreg:$0xb];
	s4 =	simm.s32 @!p1 $0x0;
	s8 =	simm.s32 @!p1 $0x16780  }
0xb8: {  	[tilespmem:s8], [sflag:$0x1] =	stream.linear.gather @!p1 [hbm4b:s18+s4], $0x28, $0x38;
	[tilespmem:$0x1E280] =	vst v63  }
0xb9: {  	s8 =	simm.s32 @!p1 $0x14028;
	s18 =	simm.s32 @!p1 $0x17E80  }
0xba: {  	[tilespmem:s18], [sflag:$0x8] =	stream.indirect.gather @!p1 [hbm4b:s5+s6], $0x80, s8, s6, $0xb8;
	[tilespmem:$0x1E280] =	vst v63  }
0xbb: {  	s26 =	rddreg [dreg:$0x3];
	s8 =	simm.s32 @!p1 $0x16800  }
0xbc: {  	[tilespmem:s8], [sflag:$0x2] =	stream.linear.gather @!p1 [hbm4b:s26+s4], $0x28, $0x38;
	[tilespmem:$0x1E280] =	vst v63  }
0xbd: {  	s18 =	simm.s32 @!p1 $0x19280;
	s8 =	simm.s32 @!p1 $0x14050  }
0xbe: {  	[tilespmem:s18], [sflag:$0x9] =	stream.indirect.gather @!p1 [hbm4b:s5+s6], $0x80, s8, s6, $0xb8;
	[tilespmem:$0x1E280] =	vst v63  }
0xbf: {  	s26 =	rddreg [dreg:$0x4];
	s8 =	simm.s32 @!p1 $0x16880  }
0xc0: {  	[tilespmem:s8], [sflag:$0x3] =	stream.linear.gather @!p1 [hbm4b:s26+s4], $0x28, $0x38;
	[tilespmem:$0x1E280] =	vst v63  }
0xc1: {  	s18 =	simm.s32 @!p1 $0x1A680;
	s8 =	simm.s32 @!p1 $0x14078  }
0xc2: {  	[tilespmem:s18], [sflag:$0xA] =	stream.indirect.gather @!p1 [hbm4b:s5+s6], $0x80, s8, s6, $0xb8;
	[tilespmem:$0x1E280] =	vst v63  }
0xc3: {  	s26 =	rddreg [dreg:$0x5];
	s8 =	simm.s32 @!p1 $0x16900  }
0xc4: {  	[tilespmem:s8], [sflag:$0x4] =	stream.linear.gather @!p1 [hbm4b:s26+s4], $0x28, $0x38;
	[tilespmem:$0x1E280] =	vst v63  }
0xc5: {  	s18 =	simm.s32 @!p1 $0x1BA80;
	s8 =	simm.s32 @!p1 $0x140A0  }
0xc6: {  	[tilespmem:s18], [sflag:$0xB] =	stream.indirect.gather @!p1 [hbm4b:s5+s6], $0x80, s8, s6, $0xb8;
	[tilespmem:$0x1E280] =	vst v63  }
0xc7: {  	s13 =	simm.s32 @!p1 $0x14000;
	s26 =	rddreg [dreg:$0x6];
	s6 =	simm.s32 @!p1 $0x16980  }
0xc8: {  	[tilespmem:s6], [sflag:$0x5] =	stream.linear.gather @!p1 [hbm4b:s26+s4], $0x28, $0x38;
	[tilespmem:$0x1E280] =	vst v63  }
0xc9: {  	s13 =	sadd.s32 $0xC8, s13;
	s18 =	rddreg [dreg:$0xa]  }
0xca: {  	[tilespmem:s23], [sflag:$0xC] =	stream.indirect.gather [hbm4b:s5+s25], $0x80, s13, s25, $0xb8;
	[tilespmem:$0x1E280] =	vst v63  }
0xcb: {  	s4 =	sadd.s32 s18, s17;
	s26 =	simm.s32 $0x1;
	s23 =	simm.s32 $0x0  }
0xcc: {  	[tilespmem:s0], [sflag:$0x6] =	stream.linear.gather [hbm4b:s4+s23], $0x28, $0x38;
	[tilespmem:$0x1E280] =	vst v63  }
0xcd: {  	_ =	swait.ge [sflag:s26], $0x28  }
0xce: {  	[sflag:s26] =	ssyncset.done $0x0  }
0xcf: {  	s28 =	simm.s32 $0x7;
	[sflag:s26] =	ssyncadd.s32 $0xFFFFFFD8  }
0xd0: {  	_ =	swait.ge [sflag:s28], $0x1400  }
0xd1: {  	s29 =	simm.s32 $0x16780;
	[sflag:s28] =	ssyncset.done $0x0  }
0xd2: {  	s30 =	simm.s32 $0x16A80;
	s6 =	simm.s32 $0x2;
	[sflag:s28] =	ssyncadd.s32 $0xFFFFEC00  }
0xd3: {  	[spmem:s2] =	stream.indirect.scatter.add.f32 [tilespmem:s30], [sflag:$0xD], $0x80, s29, s25, $0xb8;
	[tilespmem:$0x1E280] =	vst v63  }
0xd4: {  	_ =	swait.ge [sflag:s6], $0x28  }
0xd5: {  	[sflag:s6] =	ssyncset.done $0x0  }
0xd6: {  	s8 =	simm.s32 $0x8;
	[sflag:s6] =	ssyncadd.s32 $0xFFFFFFD8  }
0xd7: {  	_ =	swait.ge [sflag:s8], $0x1400  }
0xd8: {  	[sflag:s8] =	ssyncset.done $0x0  }
0xd9: {  	s17 =	simm.s32 $0x17E80;
	s13 =	simm.s32 $0x16800;
	[sflag:s8] =	ssyncadd.s32 $0xFFFFEC00  }
0xda: {  	[spmem:s2] =	stream.indirect.scatter.add.f32 [tilespmem:s17], [sflag:$0xE], $0x80, s13, s25, $0xb8;
	[tilespmem:$0x1E280] =	vst v63  }
0xdb: {  	_ =	swait.ge [sflag:s10], $0x28  }
0xdc: {  	[sflag:s10] =	ssyncset.done $0x0  }
0xdd: {  	[sflag:s10] =	ssyncadd.s32 $0xFFFFFFD8  }
0xde: {  	_ =	swait.ge [sflag:s11], $0x1400  }
0xdf: {  	[sflag:s11] =	ssyncset.done $0x0  }
0xe0: {  	s18 =	simm.s32 $0x16880;
	s23 =	simm.s32 $0x19280;
	[sflag:s11] =	ssyncadd.s32 $0xFFFFEC00  }
0xe1: {  	[spmem:s2] =	stream.indirect.scatter.add.f32 [tilespmem:s23], [sflag:$0xF], $0x80, s18, s25, $0xb8;
	[tilespmem:$0x1E280] =	vst v63  }
0xe2: {  	_ =	swait.ge [sflag:s15], $0x28  }
0xe3: {  	[sflag:s15] =	ssyncset.done $0x0  }
0xe4: {  	[sflag:s15] =	ssyncadd.s32 $0xFFFFFFD8  }
0xe5: {  	_ =	swait.ge [sflag:s16], $0x1400  }
0xe6: {  	[sflag:s16] =	ssyncset.done $0x0  }
0xe7: {  	s26 =	simm.s32 $0x16900;
	s28 =	simm.s32 $0x1A680;
	[sflag:s16] =	ssyncadd.s32 $0xFFFFEC00  }
0xe8: {  	[spmem:s2] =	stream.indirect.scatter.add.f32 [tilespmem:s28], [sflag:$0x10], $0x80, s26, s25, $0xb8;
	[tilespmem:$0x1E280] =	vst v63  }
0xe9: {  	_ =	swait.ge [sflag:s19], $0x28  }
0xea: {  	[sflag:s19] =	ssyncset.done $0x0  }
0xeb: {  	[sflag:s19] =	ssyncadd.s32 $0xFFFFFFD8  }
0xec: {  	_ =	swait.ge [sflag:s20], $0x1400  }
0xed: {  	s9 =	sadd.s32 $0x3C0, s9;
	[sflag:s20] =	ssyncset.done $0x0;
	s29 =	rddreg [dreg:$0x7]  }
0xee: {  	p0 =	sne.s32 s9, $0x99C0;
	s30 =	rddreg [dreg:$0x8];
	[sflag:s20] =	ssyncadd.s32 $0xFFFFEC00  }
0xef: {  	[spmem:s2] =	stream.indirect.scatter.add.f32 [tilespmem:s30], [sflag:$0x11], $0x80, s29, s25, $0xb8;
	[tilespmem:$0x1E280] =	vst v63  }
.Ltmp0:
0xf0: {  	_ = 	snop;
	(pc) =	sbr.rel @p0 .LBB2_2-.Ltmp0, $4  }
0xf1: {  	_ =	swait.ge [sflag:s21], $0x28  }
0xf2: {  	s7 =	sadd.s32 $0x1E, s7;
	s14 =	sadd.s32 $0xF0, s14;
	[sflag:s21] =	ssyncset.done $0x0  }
0xf3: {  	s1 =	sadd.s32 $0x1E, s1;
	s31 =	sadd.s32 $0x1E, s31;
	[sflag:s21] =	ssyncadd.s32 $0xFFFFFFD8  }
0xf4: {  	s3 =	sadd.s32 $0x1E, s3;
	s24 =	sadd.s32 $0x1E, s24;
	_ =	swait.ge [sflag:s22], $0x1400  }
0xf5: {  	p0 =	sne.s32 s12, $0x0;
	[sflag:s22] =	ssyncset.done $0x0;
	s13 =	simm.s32 $0x1CE80  }
0xf6: {  	s0 =	simm.s32 $0x16A00;
	s4 =	simm.s32 @p0 $0xD;
	[sflag:s22] =	ssyncadd.s32 $0xFFFFEC00  }
0xf7: {  	[spmem:s2] =	stream.indirect.scatter.add.f32 [tilespmem:s13], [sflag:$0x12], $0x80, s0, s25, $0xb8;
	[tilespmem:$0x1E280] =	vst v63  }
0xf8: {  	_ =	swait.ge @p0 [sflag:s4], $0x1400  }
0xf9: {  	s6 =	sshra.s32 @p0 s12, $0x2;
	s8 =	simm.s32 @p0 $0x16A80;
	[sflag:s4] =	ssyncset.done @p0 $0x0  }
0xfa: {  	s9 =	sadd.s32 @p0 $0x14000, s6;
	[sflag:s4] =	ssyncadd.s32 @p0 $0xFFFFEC00;
	s4 =	simm.s32 @p0 $0x28  }
0xfb: {  	[tilespmem:s8], [sflag:$0x7] =	stream.indirect.gather @p0 [hbm4b:s5+s4], $0x80, s9, s4, $0xb8;
	[tilespmem:$0x1E280] =	vst v63  }
0xfc: {  	s12 =	simm.s32 @p0 $0x16780;
	s8 =	simm.s32 @p0 $0x0  }
0xfd: {  	[tilespmem:s12], [sflag:$0x1] =	stream.linear.gather @p0 [hbm4b:s7+s8], $0x28, $0x38;
	[tilespmem:$0x1E280] =	vst v63  }
0xfe: {  	s7 =	simm.s32 @p0 $0xE  }
0xff: {  	_ =	swait.ge @p0 [sflag:s7], $0x1400  }
0x100: {  	[sflag:s7] =	ssyncset.done @p0 $0x0  }
0x101: {  	s12 =	sadd.s32 @p0 $0x14028, s6;
	[sflag:s7] =	ssyncadd.s32 @p0 $0xFFFFEC00;
	s7 =	simm.s32 @p0 $0x17E80  }
0x102: {  	[tilespmem:s7], [sflag:$0x8] =	stream.indirect.gather @p0 [hbm4b:s5+s4], $0x80, s12, s4, $0xb8;
	[tilespmem:$0x1E280] =	vst v63  }
0x103: {  	s7 =	simm.s32 @p0 $0x16800  }
0x104: {  	[tilespmem:s7], [sflag:$0x2] =	stream.linear.gather @p0 [hbm4b:s1+s8], $0x28, $0x38;
	[tilespmem:$0x1E280] =	vst v63  }
0x105: {  	s1 =	simm.s32 @p0 $0xF  }
0x106: {  	_ =	swait.ge @p0 [sflag:s1], $0x1400  }
0x107: {  	[sflag:s1] =	ssyncset.done @p0 $0x0  }
0x108: {  	s7 =	sadd.s32 @p0 $0x14050, s6;
	[sflag:s1] =	ssyncadd.s32 @p0 $0xFFFFEC00;
	s1 =	simm.s32 @p0 $0x19280  }
0x109: {  	[tilespmem:s1], [sflag:$0x9] =	stream.indirect.gather @p0 [hbm4b:s5+s4], $0x80, s7, s4, $0xb8;
	[tilespmem:$0x1E280] =	vst v63  }
0x10a: {  	s1 =	simm.s32 @p0 $0x16880  }
0x10b: {  	[tilespmem:s1], [sflag:$0x3] =	stream.linear.gather @p0 [hbm4b:s31+s8], $0x28, $0x38;
	[tilespmem:$0x1E280] =	vst v63  }
0x10c: {  	s1 =	simm.s32 @p0 $0x10  }
0x10d: {  	_ =	swait.ge @p0 [sflag:s1], $0x1400  }
0x10e: {  	[sflag:s1] =	ssyncset.done @p0 $0x0  }
0x10f: {  	s7 =	sadd.s32 @p0 $0x14078, s6;
	[sflag:s1] =	ssyncadd.s32 @p0 $0xFFFFEC00;
	s1 =	simm.s32 @p0 $0x1A680  }
0x110: {  	[tilespmem:s1], [sflag:$0xA] =	stream.indirect.gather @p0 [hbm4b:s5+s4], $0x80, s7, s4, $0xb8;
	[tilespmem:$0x1E280] =	vst v63  }
0x111: {  	s1 =	simm.s32 @p0 $0x16900  }
0x112: {  	[tilespmem:s1], [sflag:$0x4] =	stream.linear.gather @p0 [hbm4b:s3+s8], $0x28, $0x38;
	[tilespmem:$0x1E280] =	vst v63  }
0x113: {  	s1 =	simm.s32 @p0 $0x11  }
0x114: {  	_ =	swait.ge @p0 [sflag:s1], $0x1400  }
0x115: {  	[sflag:s1] =	ssyncset.done @p0 $0x0  }
0x116: {  	s3 =	sadd.s32 @p0 $0x140A0, s6;
	[sflag:s1] =	ssyncadd.s32 @p0 $0xFFFFEC00;
	s1 =	simm.s32 @p0 $0x1BA80  }
0x117: {  	[tilespmem:s1], [sflag:$0xB] =	stream.indirect.gather @p0 [hbm4b:s5+s4], $0x80, s3, s4, $0xb8;
	[tilespmem:$0x1E280] =	vst v63  }
0x118: {  	s1 =	simm.s32 @p0 $0x16980;
	s3 =	simm.s32 @p0 $0x12  }
0x119: {  	[tilespmem:s1], [sflag:$0x5] =	stream.linear.gather @p0 [hbm4b:s24+s8], $0x28, $0x38;
	[tilespmem:$0x1E280] =	vst v63  }
0x11a: {  	_ =	swait.ge @p0 [sflag:s3], $0x1400  }
0x11b: {  	s4 =	simm.s32 @!p0 $0x14000;
	[sflag:s3] =	ssyncset.done @p0 $0x0  }
0x11c: {  	s1 =	simm.s32 @!p0 $0x16A80;
	[sflag:s3] =	ssyncadd.s32 @p0 $0xFFFFEC00;
	s3 =	simm.s32 @!p0 $0x28  }
0x11d: {  	[tilespmem:s1], [sflag:$0x7] =	stream.indirect.gather @!p0 [hbm4b:s5+s3], $0x80, s4, s3, $0xb8;
	[tilespmem:$0x1E280] =	vst v63  }
0x11e: {  	s6 =	rddreg [dreg:$0xb];
	s1 =	simm.s32 @!p0 $0x0;
	s4 =	simm.s32 @!p0 $0x16780  }
0x11f: {  	[tilespmem:s4], [sflag:$0x1] =	stream.linear.gather @!p0 [hbm4b:s6+s1], $0x28, $0x38;
	[tilespmem:$0x1E280] =	vst v63  }
0x120: {  	s4 =	simm.s32 @!p0 $0x14028;
	s6 =	simm.s32 @!p0 $0x17E80  }
0x121: {  	[tilespmem:s6], [sflag:$0x8] =	stream.indirect.gather @!p0 [hbm4b:s5+s3], $0x80, s4, s3, $0xb8;
	[tilespmem:$0x1E280] =	vst v63  }
0x122: {  	s7 =	rddreg [dreg:$0x3];
	s4 =	simm.s32 @!p0 $0x16800  }
0x123: {  	[tilespmem:s4], [sflag:$0x2] =	stream.linear.gather @!p0 [hbm4b:s7+s1], $0x28, $0x38;
	[tilespmem:$0x1E280] =	vst v63  }
0x124: {  	s6 =	simm.s32 @!p0 $0x19280;
	s4 =	simm.s32 @!p0 $0x14050  }
0x125: {  	[tilespmem:s6], [sflag:$0x9] =	stream.indirect.gather @!p0 [hbm4b:s5+s3], $0x80, s4, s3, $0xb8;
	[tilespmem:$0x1E280] =	vst v63  }
0x126: {  	s7 =	rddreg [dreg:$0x4];
	s4 =	simm.s32 @!p0 $0x16880  }
0x127: {  	[tilespmem:s4], [sflag:$0x3] =	stream.linear.gather @!p0 [hbm4b:s7+s1], $0x28, $0x38;
	[tilespmem:$0x1E280] =	vst v63  }
0x128: {  	s6 =	simm.s32 @!p0 $0x1A680;
	s4 =	simm.s32 @!p0 $0x14078  }
0x129: {  	[tilespmem:s6], [sflag:$0xA] =	stream.indirect.gather @!p0 [hbm4b:s5+s3], $0x80, s4, s3, $0xb8;
	[tilespmem:$0x1E280] =	vst v63  }
0x12a: {  	s7 =	rddreg [dreg:$0x5];
	s4 =	simm.s32 @!p0 $0x16900  }
0x12b: {  	[tilespmem:s4], [sflag:$0x4] =	stream.linear.gather @!p0 [hbm4b:s7+s1], $0x28, $0x38;
	[tilespmem:$0x1E280] =	vst v63  }
0x12c: {  	s6 =	simm.s32 @!p0 $0x1BA80;
	s4 =	simm.s32 @!p0 $0x140A0  }
0x12d: {  	[tilespmem:s6], [sflag:$0xB] =	stream.indirect.gather @!p0 [hbm4b:s5+s3], $0x80, s4, s3, $0xb8;
	[tilespmem:$0x1E280] =	vst v63  }
0x12e: {  	s7 =	rddreg [dreg:$0x6];
	s3 =	simm.s32 @!p0 $0x16980  }
0x12f: {  	[tilespmem:s3], [sflag:$0x5] =	stream.linear.gather @!p0 [hbm4b:s7+s1], $0x28, $0x38;
	[tilespmem:$0x1E280] =	vst v63  }
0x130: {  	s1 =	rddreg [dreg:$0x9]  }
0x131: {  	s9 =	simm.s32 @!p0 $0x14000;
	s1 =	smov.u32 @p0 s14  }
0x132: {  	s23 =	sadd.s32 $0xC8, s9;
	s1 =	sadd.s32 $0xC8, s1  }
0x133: {  	[tilespmem:s13], [sflag:$0xC] =	stream.indirect.gather [hbm4b:s5+s25], $0x80, s23, s25, $0xb8;
	[tilespmem:$0x1E280] =	vst v63  }
0x134: {  	s24 =	rddreg [dreg:$0xa];
	s1 =	sshrl.u32 s1, $0x3  }
0x135: {  	s26 =	simm.s32 $0x1;
	s4 =	simm.s32 $0x0;
	s1 =	sadd.s32 s24, s1  }
0x136: {  	[tilespmem:s0], [sflag:$0x6] =	stream.linear.gather [hbm4b:s1+s4], $0x28, $0x38;
	[tilespmem:$0x1E280] =	vst v63  }
0x137: {  	_ =	swait.ge [sflag:s26], $0x28  }
0x138: {  	[sflag:s26] =	ssyncset.done $0x0  }
0x139: {  	s6 =	simm.s32 $0x7;
	[sflag:s26] =	ssyncadd.s32 $0xFFFFFFD8  }
0x13a: {  	_ =	swait.ge [sflag:s6], $0x1400  }
0x13b: {  	s29 =	simm.s32 $0x2;
	[sflag:s6] =	ssyncset.done $0x0  }
0x13c: {  	s9 =	simm.s32 $0x16A80;
	s8 =	simm.s32 $0x16780;
	[sflag:s6] =	ssyncadd.s32 $0xFFFFEC00  }
0x13d: {  	[spmem:s2] =	stream.indirect.scatter.add.f32 [tilespmem:s9], [sflag:$0xD], $0x80, s8, s25, $0xb8;
	[tilespmem:$0x1E280] =	vst v63  }
0x13e: {  	_ =	swait.ge [sflag:s29], $0x28  }
0x13f: {  	[sflag:s29] =	ssyncset.done $0x0  }
0x140: {  	s12 =	simm.s32 $0x8;
	[sflag:s29] =	ssyncadd.s32 $0xFFFFFFD8  }
0x141: {  	_ =	swait.ge [sflag:s12], $0x1400  }
0x142: {  	[sflag:s12] =	ssyncset.done $0x0  }
0x143: {  	s17 =	simm.s32 $0x17E80;
	s14 =	simm.s32 $0x16800;
	[sflag:s12] =	ssyncadd.s32 $0xFFFFEC00  }
0x144: {  	[spmem:s2] =	stream.indirect.scatter.add.f32 [tilespmem:s17], [sflag:$0xE], $0x80, s14, s25, $0xb8;
	[tilespmem:$0x1E280] =	vst v63  }
0x145: {  	_ =	swait.ge [sflag:s10], $0x28  }
0x146: {  	[sflag:s10] =	ssyncset.done $0x0  }
0x147: {  	[sflag:s10] =	ssyncadd.s32 $0xFFFFFFD8  }
0x148: {  	_ =	swait.ge [sflag:s11], $0x1400  }
0x149: {  	[sflag:s11] =	ssyncset.done $0x0  }
0x14a: {  	s18 =	simm.s32 $0x16880;
	s24 =	simm.s32 $0x19280;
	[sflag:s11] =	ssyncadd.s32 $0xFFFFEC00  }
0x14b: {  	[spmem:s2] =	stream.indirect.scatter.add.f32 [tilespmem:s24], [sflag:$0xF], $0x80, s18, s25, $0xb8;
	[tilespmem:$0x1E280] =	vst v63  }
0x14c: {  	_ =	swait.ge [sflag:s15], $0x28  }
0x14d: {  	[sflag:s15] =	ssyncset.done $0x0  }
0x14e: {  	[sflag:s15] =	ssyncadd.s32 $0xFFFFFFD8  }
0x14f: {  	_ =	swait.ge [sflag:s16], $0x1400  }
0x150: {  	[sflag:s16] =	ssyncset.done $0x0  }
0x151: {  	s26 =	simm.s32 $0x16900;
	s29 =	simm.s32 $0x1A680;
	[sflag:s16] =	ssyncadd.s32 $0xFFFFEC00  }
0x152: {  	[spmem:s2] =	stream.indirect.scatter.add.f32 [tilespmem:s29], [sflag:$0x10], $0x80, s26, s25, $0xb8;
	[tilespmem:$0x1E280] =	vst v63  }
0x153: {  	_ =	swait.ge [sflag:s19], $0x28  }
0x154: {  	[sflag:s19] =	ssyncset.done $0x0  }
0x155: {  	[sflag:s19] =	ssyncadd.s32 $0xFFFFFFD8  }
0x156: {  	_ =	swait.ge [sflag:s20], $0x1400  }
0x157: {  	s30 =	rddreg [dreg:$0x7];
	[sflag:s20] =	ssyncset.done $0x0  }
0x158: {  	s31 =	rddreg [dreg:$0x8];
	[sflag:s20] =	ssyncadd.s32 $0xFFFFEC00  }
0x159: {  	[spmem:s2] =	stream.indirect.scatter.add.f32 [tilespmem:s31], [sflag:$0x11], $0x80, s30, s25, $0xb8;
	[tilespmem:$0x1E280] =	vst v63  }
0x15a: {  	_ =	swait.ge [sflag:s21], $0x28  }
0x15b: {  	[sflag:s21] =	ssyncset.done $0x0  }
0x15c: {  	[sflag:s21] =	ssyncadd.s32 $0xFFFFFFD8  }
0x15d: {  	_ =	swait.ge [sflag:s22], $0x1400  }
0x15e: {  	[sflag:s22] =	ssyncset.done $0x0  }
0x15f: {  	s1 =	simm.s32 $0xD;
	[sflag:s22] =	ssyncadd.s32 $0xFFFFEC00  }
0x160: {  	[spmem:s2] =	stream.indirect.scatter.add.f32 [tilespmem:s13], [sflag:$0x12], $0x80, s0, s25, $0xb8;
	[tilespmem:$0x1E280] =	vst v63  }
0x161: {  	_ =	swait.ge [sflag:s1], $0x1400  }
0x162: {  	[sflag:s1] =	ssyncset.done $0x0  }
0x163: {  	s3 =	simm.s32 $0xE;
	[sflag:s1] =	ssyncadd.s32 $0xFFFFEC00  }
0x164: {  	_ =	swait.ge [sflag:s3], $0x1400  }
0x165: {  	[sflag:s3] =	ssyncset.done $0x0  }
0x166: {  	s7 =	simm.s32 $0xF;
	[sflag:s3] =	ssyncadd.s32 $0xFFFFEC00  }
0x167: {  	_ =	swait.ge [sflag:s7], $0x1400  }
0x168: {  	[sflag:s7] =	ssyncset.done $0x0  }
0x169: {  	s13 =	simm.s32 $0x10;
	[sflag:s7] =	ssyncadd.s32 $0xFFFFEC00  }
0x16a: {  	_ =	swait.ge [sflag:s13], $0x1400  }
0x16b: {  	[sflag:s13] =	ssyncset.done $0x0  }
0x16c: {  	s30 =	simm.s32 $0x11;
	[sflag:s13] =	ssyncadd.s32 $0xFFFFEC00  }
0x16d: {  	_ =	swait.ge [sflag:s30], $0x1400  }
0x16e: {  	[sflag:s30] =	ssyncset.done $0x0  }
0x16f: {  	s31 =	simm.s32 $0x12;
	[sflag:s30] =	ssyncadd.s32 $0xFFFFEC00  }
0x170: {  	_ =	swait.ge [sflag:s31], $0x1400  }
0x171: {  	[sflag:s31] =	ssyncset.done $0x0  }
0x172: {  	s7 =	simm.s32 $0x13;
	s0 =	rddreg [dreg:$0xf];
	[sflag:s31] =	ssyncadd.s32 $0xFFFFEC00  }
0x173: {  	[tilespmem:s8], [sflag:$0x13] =	stream.linear.gather [hbm4b:s0+s4], $0x28, $0x38;
	[tilespmem:$0x1E280] =	vst v63  }
0x174: {  	_ =	swait.ge [sflag:s7], $0x28  }
0x175: {  	[sflag:s7] =	ssyncset.done $0x0  }
0x176: {  	s3 =	simm.s32 $0x16670;
	[sflag:s7] =	ssyncadd.s32 $0xFFFFFFD8  }
0x177: {  	[tilespmem:s9], [sflag:$0x7] =	stream.indirect.gather [hbm4b:s5+s25], $0x80, s3, s25, $0xb8;
	[tilespmem:$0x1E280] =	vst v63  }
0x178: {  	_ =	swait.ge [sflag:s6], $0x1400  }
0x179: {  	[sflag:s6] =	ssyncset.done $0x0  }
0x17a: {  	[sflag:s6] =	ssyncadd.s32 $0xFFFFEC00  }
0x17b: {  	[spmem:s2] =	stream.indirect.scatter.add.f32 [tilespmem:s9], [sflag:$0x13], $0x80, s8, s25, $0xb8;
	[tilespmem:$0x1E280] =	vst v63  }
0x17c: {  	_ =	swait.ge [sflag:s7], $0x1400  }
0x17d: {  	[sflag:s7] =	ssyncset.done $0x0  }
0x17e: {  	s8 =	rddreg [dreg:$0x10];
	[sflag:s7] =	ssyncadd.s32 $0xFFFFEC00  }
0x17f: {  	[tilespmem:s14], [sflag:$0x13] =	stream.linear.gather [hbm4b:s8+s4], $0x28, $0x38;
	[tilespmem:$0x1E280] =	vst v63  }
0x180: {  	_ =	swait.ge [sflag:s7], $0x28  }
0x181: {  	[sflag:s7] =	ssyncset.done $0x0  }
0x182: {  	s9 =	simm.s32 $0x16698;
	[sflag:s7] =	ssyncadd.s32 $0xFFFFFFD8  }
0x183: {  	[tilespmem:s17], [sflag:$0x8] =	stream.indirect.gather [hbm4b:s5+s25], $0x80, s9, s25, $0xb8;
	[tilespmem:$0x1E280] =	vst v63  }
0x184: {  	_ =	swait.ge [sflag:s12], $0x1400  }
0x185: {  	[sflag:s12] =	ssyncset.done $0x0  }
0x186: {  	[sflag:s12] =	ssyncadd.s32 $0xFFFFEC00  }
0x187: {  	[spmem:s2] =	stream.indirect.scatter.add.f32 [tilespmem:s17], [sflag:$0x13], $0x80, s14, s25, $0xb8;
	[tilespmem:$0x1E280] =	vst v63  }
0x188: {  	_ =	swait.ge [sflag:s7], $0x1400  }
0x189: {  	[sflag:s7] =	ssyncset.done $0x0  }
0x18a: {  	s13 =	rddreg [dreg:$0x11];
	[sflag:s7] =	ssyncadd.s32 $0xFFFFEC00  }
0x18b: {  	[tilespmem:s18], [sflag:$0x13] =	stream.linear.gather [hbm4b:s13+s4], $0x28, $0x38;
	[tilespmem:$0x1E280] =	vst v63  }
0x18c: {  	_ =	swait.ge [sflag:s7], $0x28  }
0x18d: {  	[sflag:s7] =	ssyncset.done $0x0  }
0x18e: {  	s14 =	simm.s32 $0x166C0;
	[sflag:s7] =	ssyncadd.s32 $0xFFFFFFD8  }
0x18f: {  	[tilespmem:s24], [sflag:$0x9] =	stream.indirect.gather [hbm4b:s5+s25], $0x80, s14, s25, $0xb8;
	[tilespmem:$0x1E280] =	vst v63  }
0x190: {  	_ =	swait.ge [sflag:s11], $0x1400  }
0x191: {  	[sflag:s11] =	ssyncset.done $0x0  }
0x192: {  	[sflag:s11] =	ssyncadd.s32 $0xFFFFEC00  }
0x193: {  	[spmem:s2] =	stream.indirect.scatter.add.f32 [tilespmem:s24], [sflag:$0x13], $0x80, s18, s25, $0xb8;
	[tilespmem:$0x1E280] =	vst v63  }
0x194: {  	_ =	swait.ge [sflag:s7], $0x1400  }
0x195: {  	[sflag:s7] =	ssyncset.done $0x0  }
0x196: {  	s17 =	rddreg [dreg:$0x13];
	[sflag:s7] =	ssyncadd.s32 $0xFFFFEC00  }
0x197: {  	[tilespmem:s26], [sflag:$0x13] =	stream.linear.gather [hbm4b:s17+s4], $0x28, $0x38;
	[tilespmem:$0x1E280] =	vst v63  }
0x198: {  	_ =	swait.ge [sflag:s7], $0x28  }
0x199: {  	[sflag:s7] =	ssyncset.done $0x0  }
0x19a: {  	s18 =	simm.s32 $0x166E8;
	[sflag:s7] =	ssyncadd.s32 $0xFFFFFFD8  }
0x19b: {  	[tilespmem:s29], [sflag:$0xA] =	stream.indirect.gather [hbm4b:s5+s25], $0x80, s18, s25, $0xb8;
	[tilespmem:$0x1E280] =	vst v63  }
0x19c: {  	_ =	swait.ge [sflag:s16], $0x1400  }
0x19d: {  	[sflag:s16] =	ssyncset.done $0x0  }
0x19e: {  	[sflag:s16] =	ssyncadd.s32 $0xFFFFEC00  }
0x19f: {  	[spmem:s2] =	stream.indirect.scatter.add.f32 [tilespmem:s29], [sflag:$0x13], $0x80, s26, s25, $0xb8;
	[tilespmem:$0x1E280] =	vst v63  }
0x1a0: {  	_ =	swait.ge [sflag:s7], $0x1400  }
0x1a1: {  	[sflag:s7] =	ssyncset.done $0x0  }
0x1a2: {  	[sflag:s7] =	ssyncadd.s32 $0xFFFFEC00  }
0x1a3: {  	[bflag:$0x0] =	sbarrier.arrive $0xFFFF  }
0x1a4: {  	s24 =	rddreg [dreg:$0x14]  }
0x1a5: {  	s26 =	rddreg [dreg:$0x1c]  }
0x1a6: {  	s29 =	rddreg [dreg:$0x1d]  }
0x1a7: {  	[hbm:s24], [sflag:s26] =	dma.local [spmem:s29], $0x2800  }
0x1a8: {  	_ =	swait.ge [sflag:s7], $0x2800  }
0x1a9: {  	s30 =	rddreg [dreg:$0x1b]  }
0x1aa: {  	s31 =	rddreg [dreg:$0x15];
	s0 =	sadd.s32 $0x1, s30  }
0x1ab: {  	p0 =	sne.s32 s0, s31  }
.Ltmp1:
0x1ac: {  	_ = 	snop;
	(pc) =	sbr.rel @p0 .LBB2_1-.Ltmp1, $3  }
0x1ad: {  	_ =	sdelay $0x1  }
0x1ae: {  	[sflag:s7] =	ssyncset.done $0x0  }
0x1af: {  	s28 =	simm.s32 $0x1CE80;
	s23 =	simm.s32 $0x16A00;
	[sflag:s7] =	ssyncadd.s32 $0xFFFFD800  }
0x1b0: {  	_ =	sfence.sel $0x180000  }
0x1b1: {  	[bflag:$0x0] =	sbarrier.arrive $0xFFFF  }
0x1b2: {  	_ =	strace $0x9000004A  }
0x1b3: {  	s0 =	stileid.u32;
	[bflag:$0x2] =	sbarrier.arrive $0xFFFF  }
0x1b4: {  	p0 =	sne.s32 s0, $0x0;
	s0 =	rddreg [dreg:$0x2]  }
0x1b5: {  	s0 =	sadd.s32 @!p0 $0x100000, s0  }
0x1b6: {  	[sflag:s0] =	ssyncadd.tile.s32 @!p0 $0x1;
	_ =	shalt  }
.Lfunc_end2:
_tile_overlayer_lowered:
.L_overlay_start_2:
0x1b7: {  	(tag) =	ssettag $0x2  }
0x1b8: {  	s0 =	rddreg [dreg:$0x0];
	s2 =	stileid.u32  }
0x1b9: {  	s1 =	rddreg [dreg:$0x1];
	p0 =	sne.s32 s2, $0x0  }
0x1ba: {  	s3 =	rddreg [dreg:$0x2];
	[bflag:$0x3] =	sbarrier.arrive $0xFFFF;
	s2 =	simm.s32 @!p0 $0x1C13  }
0x1bb: {  	[timem:s3], [sflag:s2] =	dma.local @!p0 [hbm:s0], s1  }
0x1bc: {  	s0 =	simm.s32 @!p0 $0x13  }
0x1bd: {  	_ =	swait.ge @!p0 [sflag:s0], s1  }
0x1be: {  	s1 =	ssub.s32 @!p0 $0x0, s1;
	[sflag:s0] =	ssyncset.done @!p0 $0x0  }
0x1bf: {  	[sflag:s0] =	ssyncadd.s32 @!p0 s1  }
0x1c0: {  	[bflag:$0x3] =	sbarrier.arrive $0xFFFF  }
0x1c1: {  	_ =	shalt  }

// kernel: kernel.17.cloned.1.call-start
scs
__scs_entry_jumppad:
0x0: {  	(pc) =	sbr.rel $0x88, $3  }
0x1: {  	(tag) =	ssettag $0x0;
	lr =	simm.s32 $0x1  }
0x2: {  	[smem:$0x3F95] =	sst lr;
	_ =	strace $0xD0000000  }
0x3: {  	_ = 	snop  }
0x4: {  	_ = 	snop  }
0x5: {  	_ = 	snop  }
0x6: {  	_ = 	snop  }
0x7: {  	_ = 	snop  }
__scs_overlays_trampoline_lowered:
0x8: {  	[smem:$0x3FA4] =	sst s0  }
0x9: {  	[smem:$0x3FA5] =	sst s1  }
0xa: {  	[smem:$0x3FA6] =	sst s2  }
0xb: {  	[smem:$0x3FA7] =	sst s3  }
0xc: {  	[smem:$0x3FA8] =	sst s4  }
0xd: {  	[smem:$0x3FA9] =	sst s5  }
0xe: {  	[smem:$0x3FAA] =	sst s6  }
0xf: {  	[smem:$0x3FAB] =	sst s7  }
0x10: {  	[smem:$0x3FAC] =	sst s8  }
0x11: {  	[smem:$0x3FAD] =	sst s9;
	s0 =	simm.s32 @!p0 $0x0  }
0x12: {  	s1 =	sld [smem:$0x3F93];
	s0 =	simm.s32 @p0 $0x1  }
0x13: {  	[smem:$0x3FAE] =	sst s0;
	s0 =	simm.s32 @!p1 $0x0  }
0x14: {  	s2 =	sld [smem:$0x3F92];
	s0 =	simm.s32 @p1 $0x1  }
0x15: {  	[smem:$0x3FAF] =	sst s0;
	s0 =	simm.s32 @!p2 $0x0  }
0x16: {  	s3 =	sld [smem:$0x3FDB];
	s0 =	simm.s32 @p2 $0x1  }
0x17: {  	s4 =	simm.s32 $0x1BF5;
	[smem:$0x3FB1] =	sst s0  }
0x18: {  	s0 =	sld [smem:$0x3F94];
	_ =	swait.ge [sflag:s4], $0x0  }
0x19: {  	s7 =	sld [smem:$0x3F95]  }
0x1a: {  	s8 =	sadd.s32 $0xFFFFE003, lr  }
0x1b: {  	s9 =	sadd.s32 $0xFFFFFEF7, lr;
	s5 =	simm.s32 $0xFFFFFFFF;
	p2 =	slt.u32 s8, $0xFFFFF086  }
0x1c: {  	p1 =	slt.u32 s9, $0xF7A;
	s5 =	simm.s32 @!p2 $0x0  }
0x1d: {  	s5 =	simm.s32 @p1 $0x1;
	p0 =	seq.s32 s7, s2  }
0x1e: {  	s7 =	smul.u32 @!p0 $0xF7A, s2;
	p2 =	seq.s32 @!p0 s5, $0x0  }
0x1f: {  	s9 =	smul.u32 $0xF7A, s1;
	s8 =	simm.s32 @!p0 $0x1BF5;
	p2 =	por !p2, p0  }
0x20: {  	[sflag:s8] =	ssyncset.s32 @!p0 $0xFFFFF086;
	s6 =	sadd.s32 @!p0 s3, s7;
	s7 =	simm.s32 @!p0 $0x108  }
0x21: {  	s3 =	sadd.s32 s3, s9;
	s6 =	sadd.s32 @!p0 $0x88, s6;
	s7 =	simm.s32 @p2 $0x1082  }
0x22: {  	[simem:s7], [sflag:s8] =	dma.local @!p0 [hbm:s6], $0xF7A  }
0x23: {  	s9 =	sor.u32 $0xD0000000, s2;
	s6 =	simm.s32 $0x108;
	_ =	swait.ge @!p0 [sflag:s8], $0x0  }
0x24: {  	s3 =	sadd.s32 $0x88, s3;
	s6 =	simm.s32 @!p1 $0x1082;
	[sflag:s4] =	ssyncset.s32 $0xFFFFF086  }
0x25: {  	[simem:s6], [sflag:s4] =	dma.local [hbm:s3], $0xF7A  }
0x26: {  	[smem:$0x3F95] =	sst s1;
	(tag) =	ssettag s2;
	_ =	strace s9  }
0x27: {  	s1 =	sld [smem:$0x3FA5]  }
0x28: {  	s2 =	sld [smem:$0x3FA6]  }
0x29: {  	s4 =	sld [smem:$0x3FA8]  }
0x2a: {  	p0 =	seq.s32 s5, $0x0;
	s5 =	sld [smem:$0x3FA9]  }
0x2b: {  	s6 =	sld [smem:$0x3FAA]  }
0x2c: {  	s7 =	sld [smem:$0x3FAB]  }
0x2d: {  	s3 =	simm.s32 $0x108;
	s8 =	sld [smem:$0x3FAC]  }
0x2e: {  	s3 =	simm.s32 @!p0 $0x1082;
	s9 =	sld [smem:$0x3FAD]  }
0x2f: {  	lr =	sadd.s32 s0, s3;
	s0 =	sld [smem:$0x3FA4]  }
0x30: {  	s3 =	sld [smem:$0x3FA7]  }
0x31: {  	[smem:$0x3FB0] =	sst s10  }
0x32: {  	s10 =	sld [smem:$0x3FAE];
	_ =	sdelay $0x3  }
0x33: {  	p0 =	seq.s32 s10, $0x1;
	s10 =	sld [smem:$0x3FB0];
	_ =	sdelay $0x3  }
0x34: {  	[smem:$0x3FB0] =	sst s10  }
0x35: {  	s10 =	sld [smem:$0x3FAF];
	_ =	sdelay $0x3  }
0x36: {  	p1 =	seq.s32 s10, $0x1;
	s10 =	sld [smem:$0x3FB0];
	_ =	sdelay $0x3  }
0x37: {  	[smem:$0x3FB0] =	sst s10  }
0x38: {  	s10 =	sld [smem:$0x3FB1]  }
0x39: {  	_ = 	snop;
	(pc) =	sbr.ind lr, $3  }
0x3a: {  	_ = 	snop  }
0x3b: {  	_ = 	snop  }
0x3c: {  	p2 =	seq.s32 s10, $0x1;
	s10 =	sld [smem:$0x3FB0]  }
0x3d: {  	_ =	shalt  }
0x3e: {  	_ =	shalt  }
0x3f: {  	_ =	shalt  }
0x40: {  	_ =	shalt  }
0x41: {  	_ =	shalt  }
0x42: {  	_ =	shalt  }
0x43: {  	_ =	shalt  }
0x44: {  	_ =	shalt  }
0x45: {  	_ =	shalt  }
0x46: {  	_ =	shalt  }
0x47: {  	_ =	shalt  }
0x48: {  	_ =	shalt  }
0x49: {  	_ =	shalt  }
0x4a: {  	_ =	shalt  }
0x4b: {  	_ =	shalt  }
0x4c: {  	_ =	shalt  }
0x4d: {  	_ =	shalt  }
0x4e: {  	_ =	shalt  }
0x4f: {  	_ =	shalt  }
0x50: {  	_ =	shalt  }
0x51: {  	_ =	shalt  }
0x52: {  	_ =	shalt  }
0x53: {  	_ =	shalt  }
0x54: {  	_ =	shalt  }
0x55: {  	_ =	shalt  }
0x56: {  	_ =	shalt  }
0x57: {  	_ =	shalt  }
0x58: {  	_ =	shalt  }
0x59: {  	_ =	shalt  }
0x5a: {  	_ =	shalt  }
0x5b: {  	_ =	shalt  }
0x5c: {  	_ =	shalt  }
0x5d: {  	_ =	shalt  }
0x5e: {  	_ =	shalt  }
0x5f: {  	_ =	shalt  }
0x60: {  	_ =	shalt  }
0x61: {  	_ =	shalt  }
0x62: {  	_ =	shalt  }
0x63: {  	_ =	shalt  }
0x64: {  	_ =	shalt  }
0x65: {  	_ =	shalt  }
0x66: {  	_ =	shalt  }
0x67: {  	_ =	shalt  }
0x68: {  	_ =	shalt  }
0x69: {  	_ =	shalt  }
0x6a: {  	_ =	shalt  }
0x6b: {  	_ =	shalt  }
0x6c: {  	_ =	shalt  }
0x6d: {  	_ =	shalt  }
0x6e: {  	_ =	shalt  }
0x6f: {  	_ =	shalt  }
0x70: {  	_ =	shalt  }
0x71: {  	_ =	shalt  }
0x72: {  	_ =	shalt  }
0x73: {  	_ =	shalt  }
0x74: {  	_ =	shalt  }
0x75: {  	_ =	shalt  }
0x76: {  	_ =	shalt  }
0x77: {  	_ =	shalt  }
0x78: {  	_ =	shalt  }
0x79: {  	_ =	shalt  }
0x7a: {  	_ =	shalt  }
0x7b: {  	_ =	shalt  }
0x7c: {  	_ =	shalt  }
0x7d: {  	_ =	shalt  }
0x7e: {  	_ =	shalt  }
0x7f: {  	_ =	shalt  }
0x80: {  	_ =	shalt  }
0x81: {  	_ =	shalt  }
0x82: {  	_ =	shalt  }
0x83: {  	_ =	shalt  }
0x84: {  	_ =	shalt  }
0x85: {  	_ =	shalt  }
0x86: {  	_ =	shalt  }
0x87: {  	_ =	shalt  }
.Lfunc_end0:
.L_simem_size_0:
called_computation.2_lowered:
.L_overlay_start_0:
0x88: {  	s2 =	sld [smem:$0x3FD9]  }
0x89: {  	s3 =	sld [smem:$0x3FFE];
	_ =	sdelay $0x1  }
0x8a: {  	s1 =	srdreg.scid  }
0x8b: {  	s0 =	sand.u32 $0x1, s1  }
0x8c: {  	s16 =	sshll.u32 s0, $0xA;
	s2 =	sadd.s32 s3, s2  }
0x8d: {  	s2 =	sadd.s32 s2, s16  }
0x8e: {  	[smem:$0x3FBC] =	sst s2  }
0x8f: {  	_ = 	snop  }
0x90: {  	(tm) =	ssettm $0x1  }
0x91: {  	s17 =	sld [smem:$0x3FFB];
	_ =	sdelay $0x3  }
0x92: {  	_ =	strace s17  }
0x93: {  	s2 =	sld [smem:$0x3FFC];
	_ =	sdelay $0x3  }
0x94: {  	_ =	strace s2  }
0x95: {  	s2 =	sld [smem:$0x3FFD];
	_ =	sdelay $0x3  }
0x96: {  	_ =	strace s2  }
0x97: {  	_ =	strace $0x8FFFFFFF  }
0x98: {  	s18 =	sld [smem:$0x3FDB];
	_ =	sdelay $0x1  }
0x99: {  	s19 =	simm.s32 $_scs_section_size  }
0x9a: {  	s4 =	simm.s32 $_size__tile_overlayer_lowered;
	s5 =	simm.s32 $_tile_overlayer_lowered  }
0x9b: {  	s22 =	simm.s32 $0x1BFF;
	s21 =	sshll.u32 s5, $0x1;
	s2 =	sadd.s32 s19, s18  }
0x9c: {  	s6 =	simm.s32 $0x0;
	s20 =	sshll.u32 s4, $0x1;
	s4 =	sadd.s32 s21, s2  }
0x9d: {  	[timem:s6], [sflag:s22] =	dma.local [hbm:s4], s20  }
0x9e: {  	_ =	swait.ge [sflag:s22], s20  }
0x9f: {  	s3 =	ssub.s32 $0x0, s20;
	[sflag:s22] =	ssyncset.done $0x0  }
0xa0: {  	[sflag:s22] =	ssyncadd.s32 s3;
	_ =	sdelay $0x1  }
0xa1: {  	s23 =	simm.s32 $0x1B8B  }
0xa2: {  	_ =	swait.ge [sflag:s23], $0x1  }
0xa3: {  	[sflag:s23] =	ssyncset.done $0x0  }
0xa4: {  	s25 =	simm.s32 $0x1B8E;
	s24 =	sld [smem:$0x3FFE];
	[sflag:s23] =	ssyncadd.s32 $0xFFFFFFFF  }
0xa5: {  	s26 =	simm.s32 $execute0_lowered;
	[smem:$0x3FD2] =	sst s25  }
0xa6: {  	s4 =	sshll.u32 s26, $0x1;
	_ =	strace $0x8000004C;
	[dreg:$0x1] =	wrdreg $0xFFFFFFFF  }
0xa7: {  	s28 =	simm.s32 $_size_execute0_lowered;
	s2 =	sadd.s32 s2, s4;
	[dreg:$0x0] =	wrdreg $0x0  }
0xa8: {  	s4 =	sshll.u32 s28, $0x1;
	[dreg:$0x2] =	wrdreg s2  }
0xa9: {  	[dreg:$0x3] =	wrdreg s4  }
0xaa: {  	[dreg:$0x4] =	wrdreg $0xC0  }
0xab: {  	_ =	task [dreg:s6], $0x5FFFF  }
0xac: {  	[dreg:$0x1] =	wrdreg $0xFFFFFFFF  }
0xad: {  	[dreg:$0x0] =	wrdreg $0x60  }
0xae: {  	[dreg:$0x2] =	wrdreg s24  }
0xaf: {  	[dreg:$0x3] =	wrdreg $0x0  }
0xb0: {  	[dreg:$0x4] =	wrdreg $0x9  }
0xb1: {  	_ =	task.clear_ibuf [dreg:s6], $0x5FFFF;
	_ =	strace $0x9000004C  }
0xb2: {  	s29 =	simm.s32 $0x9;
	_ =	strace $0x8000004E  }
0xb3: {  	_ =	swait.ge [sflag:s29], $0x1  }
0xb4: {  	[sflag:s29] =	ssyncadd.s32 $0xFFFFFFFF  }
0xb5: {  	_ =	strace $0x9000004E  }
0xb6: {  	_ =	sfence  }
0xb7: {  	s30 =	sld [smem:$0x0];
	_ =	sdelay $0x2  }
0xb8: {  	s31 =	sshll.u32 s1, $0xD;
	s1 =	sshrl.u32 s1, $0x2  }
0xb9: {  	s3 =	sand.u32 $0x4000, s31;
	s1 =	sadd.s32 s1, s30  }
0xba: {  	s0 =	sor.u32 s3, s0;
	s1 =	sshll.u32 s1, $0x11  }
0xbb: {  	s0 =	sor.u32 s1, s0  }
0xbc: {  	s0 =	sadd.s32 $0x8F2B, s0  }
0xbd: {  	[sflag:s0] =	ssyncadd.remote.s32 $0x1  }
0xbe: {  	_ =	sfence.sel $0xFFFF  }
0xbf: {  	[dreg:$0x0] =	wrdreg $0xFFFFFFFF;
	(pc) =	sbr.abs _section_cstart, $3  }
0xc0: {  	[dreg:$0x1] =	wrdreg $0xFFFFFFFF  }
0xc1: {  	_ =	task.clear_ibuf [dreg:s6], $0x2FFFF;
	_ =	strace $0x9FFFFFFF  }
0xc2: {  	(tm) =	ssettm $0x7FFFFFFF  }
0xc3: {  	_ =	shalt  }
tec
execute0_lowered:
.L_overlay_start_1:
0x0: {  	(tag) =	ssettag $0x1  }
0x1: {  	s0 =	srdreg.scid  }
0x2: {  	s1 =	rddreg [dreg:$0x0];
	s6 =	stileid.u32  }
0x3: {  	s2 =	rddreg [dreg:$0x1];
	s4 =	simm.s32 $0x0;
	s28 =	simm.s32 $0x1CE80  }
0x4: {  	s0 =	sand.u32 $0x1, s0;
	[smem:$0x7FF] =	sst s4;
	s16 =	smul.u32 $0x14000, s6  }
0x5: {  	s5 =	sadd.s32 $0x16E00, s1;
	s12 =	sadd.s32 $0xD000, s1;
	s20 =	smul.u32 $0x50000, s6  }
0x6: {  	s3 =	sshll.u32 s0, $0x4;
	_ =	strace $0x8000004D;
	s7 =	smul.u32 $0x140000, s0  }
0x7: {  	s18 =	ssub.s32 $0x2, s0;
	s3 =	sor.u32 s6, s3;
	s9 =	sshrl.u32 s16, $0x3  }
0x8: {  	[dreg:$0xa] =	wrdreg s12;
	s11 =	smul.u32 $0x2710, s3;
	s9 =	sadd.s32 s9, s1  }
0x9: {  	s10 =	sshrl.u32 s18, $0x1;
	s3 =	sadd.s32 s16, s7;
	s29 =	sadd.s32 $0x3EE00, s9  }
0xa: {  	s3 =	sshrl.u32 s3, $0x3;
	s17 =	sshrl.u32 s11, $0x3;
	[dreg:$0xe] =	wrdreg s29  }
0xb: {  	s19 =	sadd.s32 $0x28, s11;
	s31 =	sadd.s32 $0x2698, s11;
	[dreg:$0x9] =	wrdreg s11  }
0xc: {  	s8 =	sadd.s32 s17, s1;
	s1 =	sadd.s32 s3, s1;
	s21 =	sadd.s32 s12, s17  }
0xd: {  	s9 =	sshrl.u32 s31, $0x3;
	s31 =	simm.s32 $0x1BA80;
	[dreg:$0xb] =	wrdreg s21  }
0xe: {  	s7 =	sshrl.u32 s19, $0x3;
	s8 =	sadd.s32 $0x3200, s8;
	[dreg:$0x8] =	wrdreg s31  }
0xf: {  	s3 =	ssub.s32 s18, s10;
	s22 =	sadd.s32 s12, s7;
	[dreg:$0xc] =	wrdreg s8  }
0x10: {  	s10 =	sshrl.u32 s20, $0x2;
	s24 =	sadd.s32 $0xA, s21;
	[dreg:$0x3] =	wrdreg s22  }
0x11: {  	s0 =	smul.u32 $0x27100, s0;
	s26 =	sadd.s32 s10, s2;
	[dreg:$0x4] =	wrdreg s24  }
0x12: {  	s23 =	sadd.s32 $0x78, s11;
	s30 =	sadd.s32 $0x14, s21;
	[dreg:$0xd] =	wrdreg s26  }
0x13: {  	s14 =	sadd.s32 $0x26E8, s11;
	s13 =	sadd.s32 $0x4CE, s21;
	[dreg:$0x6] =	wrdreg s30  }
0x14: {  	s11 =	simm.s32 $0x9;
	s4 =	sadd.s32 s12, s9;
	[dreg:$0xf] =	wrdreg s13  }
0x15: {  	s7 =	sshrl.u32 s23, $0x3;
	s15 =	sadd.s32 $0x4D8, s21;
	[dreg:$0x10] =	wrdreg s4  }
0x16: {  	s10 =	smul.u32 $0x2710, s6;
	s18 =	sadd.s32 $0x66E00, s1;
	[dreg:$0x11] =	wrdreg s15  }
0x17: {  	s20 =	smax.u32 s3, $0x1;
	s25 =	sadd.s32 s12, s7;
	[dreg:$0x14] =	wrdreg s18  }
0x18: {  	s4 =	sshrl.u32 s14, $0x3;
	[dreg:$0x15] =	wrdreg s20;
	s30 =	simm.s32 $0x16980  }
0x19: {  	s7 =	simm.s32 $0x13;
	s15 =	simm.s32 $0x4;
	[dreg:$0x5] =	wrdreg s25  }
0x1a: {  	s20 =	simm.s32 $0xB;
	s17 =	sadd.s32 s12, s4;
	[dreg:$0x7] =	wrdreg s30  }
0x1b: {  	s16 =	sadd.s32 s10, s0;
	s10 =	simm.s32 $0x3;
	[dreg:$0x13] =	wrdreg s17  }
0x1c: {  	s19 =	sadd.s32 $0xA0, s16;
	s21 =	sshrl.u32 s16, $0x3;
	s22 =	sadd.s32 $0x78, s16  }
0x1d: {  	s23 =	sadd.s32 $0x50, s16;
	[dreg:$0x12] =	wrdreg s16;
	s24 =	sadd.s32 $0x28, s16  }
0x1e: {  	s16 =	simm.s32 $0xA;
	s0 =	sshrl.u32 s19, $0x3;
	s1 =	sadd.s32 s21, s12  }
0x1f: {  	s25 =	sshrl.u32 s23, $0x3;
	s26 =	sshrl.u32 s24, $0x3;
	s23 =	simm.s32 $0x16A00  }
0x20: {  	s19 =	simm.s32 $0x5;
	[dreg:$0x16] =	wrdreg s1;
	s0 =	sadd.s32 s0, s12  }
0x21: {  	s29 =	sadd.s32 s26, s12;
	[dreg:$0x17] =	wrdreg s0;
	s0 =	sshrl.u32 s22, $0x3  }
0x22: {  	s21 =	simm.s32 $0x6;
	[dreg:$0x1a] =	wrdreg s29;
	s0 =	sadd.s32 s0, s12  }
0x23: {  	s22 =	simm.s32 $0xC;
	[dreg:$0x18] =	wrdreg s0;
	s0 =	sadd.s32 s25, s12  }
0x24: {  	s25 =	simm.s32 $0x28;
	[dreg:$0x19] =	wrdreg s0;
	s0 =	simm.s32 $0x0  }
.LBB2_1:
0x25: {  	[dreg:$0x1b] =	wrdreg s0  }
0x26: {  	s6 =	simm.s32 $0x0;
	s1 =	rddreg [dreg:$0xc];
	s3 =	simm.s32 $0x14000  }
0x27: {  	[tilespmem:s3], [sflag:$0x13] =	stream.linear.gather [hbm4b:s1+s6], $0x2710, $0x38;
	[tilespmem:$0x1E280] =	vst v63  }
0x28: {  	s29 =	stileid.u32;
	_ =	swait.ge [sflag:s7], $0x2710  }
0x29: {  	s1 =	sshll.u32 s29, $0x6;
	s3 =	rddreg [dreg:$0xd]  }
0x2a: {  	s30 =	sor.u32 $0x1C13, s1;
	s8 =	rddreg [dreg:$0xe]  }
0x2b: {  	[sflag:s7] =	ssyncset.done $0x0;
	[dreg:$0x1c] =	wrdreg s30;
	s4 =	sshrl.u32 s3, $0x3  }
0x2c: {  	[sflag:s7] =	ssyncadd.s32 $0xFFFFD8F0;
	[dreg:$0x1d] =	wrdreg s4  }
0x2d: {  	[spmem:s4], [sflag:s30] =	dma.local [hbm:s8], $0x2800  }
0x2e: {  	_ =	swait.ge [sflag:s7], $0x2800  }
0x2f: {  	[sflag:s7] =	ssyncset.done $0x0  }
0x30: {  	p0 =	por $0x0, $0x0;
	[sflag:s7] =	ssyncadd.s32 $0xFFFFD800  }
0x31: {  	s3 =	simm.s32 @p0 $0xD;
	[bflag:$0x0] =	sbarrier.arrive $0xFFFF  }
0x32: {  	_ =	swait.ge @p0 [sflag:s3], $0x1400  }
0x33: {  	s9 =	simm.s32 @p0 $0xE;
	s1 =	simm.s32 @p0 $0x14000;
	[sflag:s3] =	ssyncset.done @p0 $0x0  }
0x34: {  	s4 =	simm.s32 @p0 $0x16A80;
	[sflag:s3] =	ssyncadd.s32 @p0 $0xFFFFEC00;
	s3 =	simm.s32 @p0 $0x28  }
0x35: {  	[tilespmem:s4], [sflag:$0x7] =	stream.indirect.gather @p0 [hbm4b:s5+s3], $0x80, s1, s3, $0xb8;
	[tilespmem:$0x1E280] =	vst v63  }
0x36: {  	s7 =	simm.s32 @p0 $0x16780;
	s17 =	rddreg [dreg:$0x16];
	s4 =	simm.s32 @p0 $0x0  }
0x37: {  	[tilespmem:s7], [sflag:$0x1] =	stream.linear.gather @p0 [hbm4b:s17+s4], $0x28, $0x38;
	[tilespmem:$0x1E280] =	vst v63  }
0x38: {  	_ =	swait.ge @p0 [sflag:s9], $0x1400  }
0x39: {  	[sflag:s9] =	ssyncset.done @p0 $0x0  }
0x3a: {  	s7 =	simm.s32 @p0 $0x14028;
	[sflag:s9] =	ssyncadd.s32 @p0 $0xFFFFEC00;
	s9 =	simm.s32 @p0 $0x17E80  }
0x3b: {  	[tilespmem:s9], [sflag:$0x8] =	stream.indirect.gather @p0 [hbm4b:s5+s3], $0x80, s7, s3, $0xb8;
	[tilespmem:$0x1E280] =	vst v63  }
0x3c: {  	s26 =	rddreg [dreg:$0x1a];
	s7 =	simm.s32 @p0 $0x16800;
	s9 =	simm.s32 @p0 $0xF  }
0x3d: {  	[tilespmem:s7], [sflag:$0x2] =	stream.linear.gather @p0 [hbm4b:s26+s4], $0x28, $0x38;
	[tilespmem:$0x1E280] =	vst v63  }
0x3e: {  	_ =	swait.ge @p0 [sflag:s9], $0x1400  }
0x3f: {  	[sflag:s9] =	ssyncset.done @p0 $0x0  }
0x40: {  	s7 =	simm.s32 @p0 $0x14050;
	[sflag:s9] =	ssyncadd.s32 @p0 $0xFFFFEC00;
	s9 =	simm.s32 @p0 $0x19280  }
0x41: {  	[tilespmem:s9], [sflag:$0x9] =	stream.indirect.gather @p0 [hbm4b:s5+s3], $0x80, s7, s3, $0xb8;
	[tilespmem:$0x1E280] =	vst v63  }
0x42: {  	s24 =	rddreg [dreg:$0x19];
	s7 =	simm.s32 @p0 $0x16880;
	s9 =	simm.s32 @p0 $0x10  }
0x43: {  	[tilespmem:s7], [sflag:$0x3] =	stream.linear.gather @p0 [hbm4b:s24+s4], $0x28, $0x38;
	[tilespmem:$0x1E280] =	vst v63  }
0x44: {  	_ =	swait.ge @p0 [sflag:s9], $0x1400  }
0x45: {  	[sflag:s9] =	ssyncset.done @p0 $0x0  }
0x46: {  	s7 =	simm.s32 @p0 $0x14078;
	[sflag:s9] =	ssyncadd.s32 @p0 $0xFFFFEC00;
	s9 =	simm.s32 @p0 $0x1A680  }
0x47: {  	[tilespmem:s9], [sflag:$0xA] =	stream.indirect.gather @p0 [hbm4b:s5+s3], $0x80, s7, s3, $0xb8;
	[tilespmem:$0x1E280] =	vst v63  }
0x48: {  	s18 =	rddreg [dreg:$0x18];
	s7 =	simm.s32 @p0 $0x16900;
	s9 =	simm.s32 @p0 $0x11  }
0x49: {  	[tilespmem:s7], [sflag:$0x4] =	stream.linear.gather @p0 [hbm4b:s18+s4], $0x28, $0x38;
	[tilespmem:$0x1E280] =	vst v63  }
0x4a: {  	_ =	swait.ge @p0 [sflag:s9], $0x1400  }
0x4b: {  	[sflag:s9] =	ssyncset.done @p0 $0x0  }
0x4c: {  	s7 =	simm.s32 @p0 $0x140A0;
	[sflag:s9] =	ssyncadd.s32 @p0 $0xFFFFEC00;
	s9 =	simm.s32 @p0 $0x1BA80  }
0x4d: {  	[tilespmem:s9], [sflag:$0xB] =	stream.indirect.gather @p0 [hbm4b:s5+s3], $0x80, s7, s3, $0xb8;
	[tilespmem:$0x1E280] =	vst v63  }
0x4e: {  	s14 =	rddreg [dreg:$0x17];
	s3 =	simm.s32 @p0 $0x16980;
	s7 =	simm.s32 @p0 $0x12  }
0x4f: {  	[tilespmem:s3], [sflag:$0x5] =	stream.linear.gather @p0 [hbm4b:s14+s4], $0x28, $0x38;
	[tilespmem:$0x1E280] =	vst v63  }
0x50: {  	_ =	swait.ge @p0 [sflag:s7], $0x1400  }
0x51: {  	s3 =	simm.s32 @!p0 $0x16A80;
	[sflag:s7] =	ssyncset.done @p0 $0x0  }
0x52: {  	s4 =	simm.s32 @!p0 $0x28;
	[sflag:s7] =	ssyncadd.s32 @p0 $0xFFFFEC00;
	s7 =	simm.s32 @!p0 $0x14000  }
0x53: {  	[tilespmem:s3], [sflag:$0x7] =	stream.indirect.gather @!p0 [hbm4b:s5+s4], $0x80, s7, s4, $0xb8;
	[tilespmem:$0x1E280] =	vst v63  }
0x54: {  	s8 =	rddreg [dreg:$0xb];
	s3 =	simm.s32 @!p0 $0x0;
	s7 =	simm.s32 @!p0 $0x16780  }
0x55: {  	[tilespmem:s7], [sflag:$0x1] =	stream.linear.gather @!p0 [hbm4b:s8+s3], $0x28, $0x38;
	[tilespmem:$0x1E280] =	vst v63  }
0x56: {  	s9 =	simm.s32 @!p0 $0x17E80;
	s7 =	simm.s32 @!p0 $0x14028  }
0x57: {  	[tilespmem:s9], [sflag:$0x8] =	stream.indirect.gather @!p0 [hbm4b:s5+s4], $0x80, s7, s4, $0xb8;
	[tilespmem:$0x1E280] =	vst v63  }
0x58: {  	s12 =	rddreg [dreg:$0x3];
	s7 =	simm.s32 @!p0 $0x16800  }
0x59: {  	[tilespmem:s7], [sflag:$0x2] =	stream.linear.gather @!p0 [hbm4b:s12+s3], $0x28, $0x38;
	[tilespmem:$0x1E280] =	vst v63  }
0x5a: {  	s9 =	simm.s32 @!p0 $0x19280;
	s7 =	simm.s32 @!p0 $0x14050  }
0x5b: {  	[tilespmem:s9], [sflag:$0x9] =	stream.indirect.gather @!p0 [hbm4b:s5+s4], $0x80, s7, s4, $0xb8;
	[tilespmem:$0x1E280] =	vst v63  }
0x5c: {  	s12 =	rddreg [dreg:$0x4];
	s7 =	simm.s32 @!p0 $0x16880  }
0x5d: {  	[tilespmem:s7], [sflag:$0x3] =	stream.linear.gather @!p0 [hbm4b:s12+s3], $0x28, $0x38;
	[tilespmem:$0x1E280] =	vst v63  }
0x5e: {  	s13 =	rddreg [dreg:$0x9];
	s9 =	simm.s32 @!p0 $0x1A680;
	s7 =	simm.s32 @!p0 $0x14078  }
0x5f: {  	[tilespmem:s9], [sflag:$0xA] =	stream.indirect.gather @!p0 [hbm4b:s5+s4], $0x80, s7, s4, $0xb8;
	[tilespmem:$0x1E280] =	vst v63  }
0x60: {  	s1 =	simm.s32 @!p0 $0x14000;
	s12 =	rddreg [dreg:$0x5];
	s7 =	simm.s32 @!p0 $0x16900  }
0x61: {  	[tilespmem:s7], [sflag:$0x4] =	stream.linear.gather @!p0 [hbm4b:s12+s3], $0x28, $0x38;
	[tilespmem:$0x1E280] =	vst v63  }
0x62: {  	s8 =	rddreg [dreg:$0x12];
	s9 =	simm.s32 @!p0 $0x1BA80;
	s7 =	simm.s32 @!p0 $0x140A0  }
0x63: {  	[tilespmem:s9], [sflag:$0xB] =	stream.indirect.gather @!p0 [hbm4b:s5+s4], $0x80, s7, s4, $0xb8;
	[tilespmem:$0x1E280] =	vst v63  }
0x64: {  	s13 =	smov.u32 @p0 s8;
	s12 =	rddreg [dreg:$0x6];
	s7 =	simm.s32 @!p0 $0x16980  }
0x65: {  	[tilespmem:s7], [sflag:$0x5] =	stream.linear.gather @!p0 [hbm4b:s12+s3], $0x28, $0x38;
	[tilespmem:$0x1E280] =	vst v63  }
0x66: {  	s1 =	sadd.s32 $0xC8, s1;
	s9 =	sadd.s32 $0xC8, s13  }
0x67: {  	[tilespmem:s28], [sflag:$0xC] =	stream.indirect.gather [hbm4b:s5+s25], $0x80, s1, s25, $0xb8;
	[tilespmem:$0x1E280] =	vst v63  }
0x68: {  	s13 =	sshrl.u32 s9, $0x3;
	s28 =	rddreg [dreg:$0xa]  }
0x69: {  	s29 =	simm.s32 $0x1;
	s1 =	sadd.s32 s28, s13  }
0x6a: {  	[tilespmem:s23], [sflag:$0x6] =	stream.linear.gather [hbm4b:s1+s6], $0x28, $0x38;
	[tilespmem:$0x1E280] =	vst v63  }
0x6b: {  	_ =	swait.ge [sflag:s29], $0x28  }
0x6c: {  	[sflag:s29] =	ssyncset.done $0x0  }
0x6d: {  	s30 =	simm.s32 $0x7;
	[sflag:s29] =	ssyncadd.s32 $0xFFFFFFD8  }
0x6e: {  	_ =	swait.ge [sflag:s30], $0x1400  }
0x6f: {  	s4 =	simm.s32 $0x2;
	[sflag:s30] =	ssyncset.done $0x0  }
0x70: {  	s3 =	simm.s32 $0x16A80;
	s1 =	simm.s32 $0x16780;
	[sflag:s30] =	ssyncadd.s32 $0xFFFFEC00  }
0x71: {  	[spmem:s2] =	stream.indirect.scatter.add.f32 [tilespmem:s3], [sflag:$0xD], $0x80, s1, s25, $0xb8;
	[tilespmem:$0x1E280] =	vst v63  }
0x72: {  	_ =	swait.ge [sflag:s4], $0x28  }
0x73: {  	[sflag:s4] =	ssyncset.done $0x0  }
0x74: {  	s6 =	simm.s32 $0x8;
	[sflag:s4] =	ssyncadd.s32 $0xFFFFFFD8  }
0x75: {  	_ =	swait.ge [sflag:s6], $0x1400  }
0x76: {  	[sflag:s6] =	ssyncset.done $0x0  }
0x77: {  	s9 =	simm.s32 $0x17E80;
	s7 =	simm.s32 $0x16800;
	[sflag:s6] =	ssyncadd.s32 $0xFFFFEC00  }
0x78: {  	[spmem:s2] =	stream.indirect.scatter.add.f32 [tilespmem:s9], [sflag:$0xE], $0x80, s7, s25, $0xb8;
	[tilespmem:$0x1E280] =	vst v63  }
0x79: {  	_ =	swait.ge [sflag:s10], $0x28  }
0x7a: {  	[sflag:s10] =	ssyncset.done $0x0  }
0x7b: {  	[sflag:s10] =	ssyncadd.s32 $0xFFFFFFD8  }
0x7c: {  	_ =	swait.ge [sflag:s11], $0x1400  }
0x7d: {  	[sflag:s11] =	ssyncset.done $0x0  }
0x7e: {  	s12 =	simm.s32 $0x16880;
	s13 =	simm.s32 $0x19280;
	[sflag:s11] =	ssyncadd.s32 $0xFFFFEC00  }
0x7f: {  	[spmem:s2] =	stream.indirect.scatter.add.f32 [tilespmem:s13], [sflag:$0xF], $0x80, s12, s25, $0xb8;
	[tilespmem:$0x1E280] =	vst v63  }
0x80: {  	_ =	swait.ge [sflag:s15], $0x28  }
0x81: {  	[sflag:s15] =	ssyncset.done $0x0  }
0x82: {  	[sflag:s15] =	ssyncadd.s32 $0xFFFFFFD8  }
0x83: {  	_ =	swait.ge [sflag:s16], $0x1400  }
0x84: {  	[sflag:s16] =	ssyncset.done $0x0  }
0x85: {  	s28 =	simm.s32 $0x1A680;
	s23 =	simm.s32 $0x16900;
	[sflag:s16] =	ssyncadd.s32 $0xFFFFEC00  }
0x86: {  	[spmem:s2] =	stream.indirect.scatter.add.f32 [tilespmem:s28], [sflag:$0x10], $0x80, s23, s25, $0xb8;
	[tilespmem:$0x1E280] =	vst v63  }
0x87: {  	_ =	swait.ge [sflag:s19], $0x28  }
0x88: {  	[sflag:s19] =	ssyncset.done $0x0  }
0x89: {  	[sflag:s19] =	ssyncadd.s32 $0xFFFFFFD8  }
0x8a: {  	_ =	swait.ge [sflag:s20], $0x1400  }
0x8b: {  	s29 =	rddreg [dreg:$0x7];
	[sflag:s20] =	ssyncset.done $0x0  }
0x8c: {  	s30 =	rddreg [dreg:$0x8];
	[sflag:s20] =	ssyncadd.s32 $0xFFFFEC00  }
0x8d: {  	[spmem:s2] =	stream.indirect.scatter.add.f32 [tilespmem:s30], [sflag:$0x11], $0x80, s29, s25, $0xb8;
	[tilespmem:$0x1E280] =	vst v63  }
0x8e: {  	s31 =	sadd.s32 $0x1E, s24;
	s24 =	sadd.s32 $0x1E, s14;
	_ =	swait.ge [sflag:s21], $0x28  }
0x8f: {  	s14 =	sadd.s32 $0xF0, s8;
	s1 =	sadd.s32 $0x1E, s26;
	[sflag:s21] =	ssyncset.done $0x0  }
0x90: {  	s3 =	sadd.s32 $0x1E, s18;
	s9 =	simm.s32 $0x780;
	[sflag:s21] =	ssyncadd.s32 $0xFFFFFFD8  }
0x91: {  	s7 =	sadd.s32 $0x1E, s17;
	s12 =	simm.s32 $0x3C0;
	_ =	swait.ge [sflag:s22], $0x1400  }
.LBB2_2:
0x92: {  	p1 =	sne.s32 s12, $0x0;
	[sflag:s22] =	ssyncset.done $0x0;
	s23 =	simm.s32 $0x1CE80  }
0x93: {  	s0 =	simm.s32 $0x16A00;
	s4 =	simm.s32 @p1 $0xD;
	[sflag:s22] =	ssyncadd.s32 $0xFFFFEC00  }
0x94: {  	[spmem:s2] =	stream.indirect.scatter.add.f32 [tilespmem:s23], [sflag:$0x12], $0x80, s0, s25, $0xb8;
	[tilespmem:$0x1E280] =	vst v63  }
0x95: {  	_ =	swait.ge @p1 [sflag:s4], $0x1400  }
0x96: {  	s12 =	sshra.s32 @p1 s12, $0x2;
	s18 =	simm.s32 @p1 $0x28;
	[sflag:s4] =	ssyncset.done @p1 $0x0  }
0x97: {  	s13 =	sadd.s32 @p1 $0x14000, s12;
	[sflag:s4] =	ssyncadd.s32 @p1 $0xFFFFEC00;
	s4 =	simm.s32 @p1 $0x16A80  }
0x98: {  	[tilespmem:s4], [sflag:$0x7] =	stream.indirect.gather @p1 [hbm4b:s5+s18], $0x80, s13, s18, $0xb8;
	[tilespmem:$0x1E280] =	vst v63  }
0x99: {  	s28 =	simm.s32 @p1 $0x16780;
	s29 =	simm.s32 @p1 $0xE;
	s4 =	simm.s32 @p1 $0x0  }
0x9a: {  	[tilespmem:s28], [sflag:$0x1] =	stream.linear.gather @p1 [hbm4b:s7+s4], $0x28, $0x38;
	[tilespmem:$0x1E280] =	vst v63  }
0x9b: {  	s17 =	sadd.s32 @p1 $0x14028, s12;
	s8 =	sadd.s32 @p1 $0x14050, s12;
	_ =	swait.ge @p1 [sflag:s29], $0x1400  }
0x9c: {  	s26 =	sadd.s32 @p1 $0x14078, s12;
	s28 =	sadd.s32 @p1 $0x140A0, s12;
	[sflag:s29] =	ssyncset.done @p1 $0x0  }
0x9d: {  	s12 =	rddreg [dreg:$0x9];
	[sflag:s29] =	ssyncadd.s32 @p1 $0xFFFFEC00;
	s29 =	simm.s32 @p1 $0x17E80  }
0x9e: {  	[tilespmem:s29], [sflag:$0x8] =	stream.indirect.gather @p1 [hbm4b:s5+s18], $0x80, s17, s18, $0xb8;
	[tilespmem:$0x1E280] =	vst v63  }
0x9f: {  	s30 =	simm.s32 @p1 $0xF;
	s12 =	smov.u32 @p1 s14;
	s29 =	simm.s32 @p1 $0x16800  }
0xa0: {  	[tilespmem:s29], [sflag:$0x2] =	stream.linear.gather @p1 [hbm4b:s1+s4], $0x28, $0x38;
	[tilespmem:$0x1E280] =	vst v63  }
0xa1: {  	s12 =	sadd.s32 $0xC8, s12;
	_ =	swait.ge @p1 [sflag:s30], $0x1400  }
0xa2: {  	s6 =	smov.u32 s9;
	s17 =	sshrl.u32 s12, $0x3;
	[sflag:s30] =	ssyncset.done @p1 $0x0  }
0xa3: {  	s12 =	smov.u32 s6;
	s6 =	simm.s32 @p1 $0x19280;
	[sflag:s30] =	ssyncadd.s32 @p1 $0xFFFFEC00  }
0xa4: {  	[tilespmem:s6], [sflag:$0x9] =	stream.indirect.gather @p1 [hbm4b:s5+s18], $0x80, s8, s18, $0xb8;
	[tilespmem:$0x1E280] =	vst v63  }
0xa5: {  	s6 =	simm.s32 @p1 $0x16880;
	s8 =	simm.s32 @p1 $0x10  }
0xa6: {  	[tilespmem:s6], [sflag:$0x3] =	stream.linear.gather @p1 [hbm4b:s31+s4], $0x28, $0x38;
	[tilespmem:$0x1E280] =	vst v63  }
0xa7: {  	_ =	swait.ge @p1 [sflag:s8], $0x1400  }
0xa8: {  	[sflag:s8] =	ssyncset.done @p1 $0x0  }
0xa9: {  	s6 =	simm.s32 @p1 $0x1A680;
	[sflag:s8] =	ssyncadd.s32 @p1 $0xFFFFEC00  }
0xaa: {  	[tilespmem:s6], [sflag:$0xA] =	stream.indirect.gather @p1 [hbm4b:s5+s18], $0x80, s26, s18, $0xb8;
	[tilespmem:$0x1E280] =	vst v63  }
0xab: {  	s8 =	simm.s32 @p1 $0x11;
	s6 =	simm.s32 @p1 $0x16900  }
0xac: {  	[tilespmem:s6], [sflag:$0x4] =	stream.linear.gather @p1 [hbm4b:s3+s4], $0x28, $0x38;
	[tilespmem:$0x1E280] =	vst v63  }
0xad: {  	_ =	swait.ge @p1 [sflag:s8], $0x1400  }
0xae: {  	[sflag:s8] =	ssyncset.done @p1 $0x0  }
0xaf: {  	s6 =	simm.s32 @p1 $0x1BA80;
	[sflag:s8] =	ssyncadd.s32 @p1 $0xFFFFEC00  }
0xb0: {  	[tilespmem:s6], [sflag:$0xB] =	stream.indirect.gather @p1 [hbm4b:s5+s18], $0x80, s28, s18, $0xb8;
	[tilespmem:$0x1E280] =	vst v63  }
0xb1: {  	s8 =	simm.s32 @p1 $0x12;
	s6 =	simm.s32 @p1 $0x16980  }
0xb2: {  	[tilespmem:s6], [sflag:$0x5] =	stream.linear.gather @p1 [hbm4b:s24+s4], $0x28, $0x38;
	[tilespmem:$0x1E280] =	vst v63  }
0xb3: {  	_ =	swait.ge @p1 [sflag:s8], $0x1400  }
0xb4: {  	s4 =	simm.s32 @!p1 $0x16A80;
	[sflag:s8] =	ssyncset.done @p1 $0x0  }
0xb5: {  	s6 =	simm.s32 @!p1 $0x28;
	[sflag:s8] =	ssyncadd.s32 @p1 $0xFFFFEC00;
	s8 =	simm.s32 @!p1 $0x14000  }
0xb6: {  	[tilespmem:s4], [sflag:$0x7] =	stream.indirect.gather @!p1 [hbm4b:s5+s6], $0x80, s8, s6, $0xb8;
	[tilespmem:$0x1E280] =	vst v63  }
0xb7: {  	s18 =	rddreg [dreg:$0xb];
	s4 =	simm.s32 @!p1 $0x0;
	s8 =	simm.s32 @!p1 $0x16780  }
0xb8: {  	[tilespmem:s8], [sflag:$0x1] =	stream.linear.gather @!p1 [hbm4b:s18+s4], $0x28, $0x38;
	[tilespmem:$0x1E280] =	vst v63  }
0xb9: {  	s8 =	simm.s32 @!p1 $0x14028;
	s18 =	simm.s32 @!p1 $0x17E80  }
0xba: {  	[tilespmem:s18], [sflag:$0x8] =	stream.indirect.gather @!p1 [hbm4b:s5+s6], $0x80, s8, s6, $0xb8;
	[tilespmem:$0x1E280] =	vst v63  }
0xbb: {  	s26 =	rddreg [dreg:$0x3];
	s8 =	simm.s32 @!p1 $0x16800  }
0xbc: {  	[tilespmem:s8], [sflag:$0x2] =	stream.linear.gather @!p1 [hbm4b:s26+s4], $0x28, $0x38;
	[tilespmem:$0x1E280] =	vst v63  }
0xbd: {  	s18 =	simm.s32 @!p1 $0x19280;
	s8 =	simm.s32 @!p1 $0x14050  }
0xbe: {  	[tilespmem:s18], [sflag:$0x9] =	stream.indirect.gather @!p1 [hbm4b:s5+s6], $0x80, s8, s6, $0xb8;
	[tilespmem:$0x1E280] =	vst v63  }
0xbf: {  	s26 =	rddreg [dreg:$0x4];
	s8 =	simm.s32 @!p1 $0x16880  }
0xc0: {  	[tilespmem:s8], [sflag:$0x3] =	stream.linear.gather @!p1 [hbm4b:s26+s4], $0x28, $0x38;
	[tilespmem:$0x1E280] =	vst v63  }
0xc1: {  	s18 =	simm.s32 @!p1 $0x1A680;
	s8 =	simm.s32 @!p1 $0x14078  }
0xc2: {  	[tilespmem:s18], [sflag:$0xA] =	stream.indirect.gather @!p1 [hbm4b:s5+s6], $0x80, s8, s6, $0xb8;
	[tilespmem:$0x1E280] =	vst v63  }
0xc3: {  	s26 =	rddreg [dreg:$0x5];
	s8 =	simm.s32 @!p1 $0x16900  }
0xc4: {  	[tilespmem:s8], [sflag:$0x4] =	stream.linear.gather @!p1 [hbm4b:s26+s4], $0x28, $0x38;
	[tilespmem:$0x1E280] =	vst v63  }
0xc5: {  	s18 =	simm.s32 @!p1 $0x1BA80;
	s8 =	simm.s32 @!p1 $0x140A0  }
0xc6: {  	[tilespmem:s18], [sflag:$0xB] =	stream.indirect.gather @!p1 [hbm4b:s5+s6], $0x80, s8, s6, $0xb8;
	[tilespmem:$0x1E280] =	vst v63  }
0xc7: {  	s13 =	simm.s32 @!p1 $0x14000;
	s26 =	rddreg [dreg:$0x6];
	s6 =	simm.s32 @!p1 $0x16980  }
0xc8: {  	[tilespmem:s6], [sflag:$0x5] =	stream.linear.gather @!p1 [hbm4b:s26+s4], $0x28, $0x38;
	[tilespmem:$0x1E280] =	vst v63  }
0xc9: {  	s13 =	sadd.s32 $0xC8, s13;
	s18 =	rddreg [dreg:$0xa]  }
0xca: {  	[tilespmem:s23], [sflag:$0xC] =	stream.indirect.gather [hbm4b:s5+s25], $0x80, s13, s25, $0xb8;
	[tilespmem:$0x1E280] =	vst v63  }
0xcb: {  	s4 =	sadd.s32 s18, s17;
	s26 =	simm.s32 $0x1;
	s23 =	simm.s32 $0x0  }
0xcc: {  	[tilespmem:s0], [sflag:$0x6] =	stream.linear.gather [hbm4b:s4+s23], $0x28, $0x38;
	[tilespmem:$0x1E280] =	vst v63  }
0xcd: {  	_ =	swait.ge [sflag:s26], $0x28  }
0xce: {  	[sflag:s26] =	ssyncset.done $0x0  }
0xcf: {  	s28 =	simm.s32 $0x7;
	[sflag:s26] =	ssyncadd.s32 $0xFFFFFFD8  }
0xd0: {  	_ =	swait.ge [sflag:s28], $0x1400  }
0xd1: {  	s29 =	simm.s32 $0x16780;
	[sflag:s28] =	ssyncset.done $0x0  }
0xd2: {  	s30 =	simm.s32 $0x16A80;
	s6 =	simm.s32 $0x2;
	[sflag:s28] =	ssyncadd.s32 $0xFFFFEC00  }
0xd3: {  	[spmem:s2] =	stream.indirect.scatter.add.f32 [tilespmem:s30], [sflag:$0xD], $0x80, s29, s25, $0xb8;
	[tilespmem:$0x1E280] =	vst v63  }
0xd4: {  	_ =	swait.ge [sflag:s6], $0x28  }
0xd5: {  	[sflag:s6] =	ssyncset.done $0x0  }
0xd6: {  	s8 =	simm.s32 $0x8;
	[sflag:s6] =	ssyncadd.s32 $0xFFFFFFD8  }
0xd7: {  	_ =	swait.ge [sflag:s8], $0x1400  }
0xd8: {  	[sflag:s8] =	ssyncset.done $0x0  }
0xd9: {  	s17 =	simm.s32 $0x17E80;
	s13 =	simm.s32 $0x16800;
	[sflag:s8] =	ssyncadd.s32 $0xFFFFEC00  }
0xda: {  	[spmem:s2] =	stream.indirect.scatter.add.f32 [tilespmem:s17], [sflag:$0xE], $0x80, s13, s25, $0xb8;
	[tilespmem:$0x1E280] =	vst v63  }
0xdb: {  	_ =	swait.ge [sflag:s10], $0x28  }
0xdc: {  	[sflag:s10] =	ssyncset.done $0x0  }
0xdd: {  	[sflag:s10] =	ssyncadd.s32 $0xFFFFFFD8  }
0xde: {  	_ =	swait.ge [sflag:s11], $0x1400  }
0xdf: {  	[sflag:s11] =	ssyncset.done $0x0  }
0xe0: {  	s18 =	simm.s32 $0x16880;
	s23 =	simm.s32 $0x19280;
	[sflag:s11] =	ssyncadd.s32 $0xFFFFEC00  }
0xe1: {  	[spmem:s2] =	stream.indirect.scatter.add.f32 [tilespmem:s23], [sflag:$0xF], $0x80, s18, s25, $0xb8;
	[tilespmem:$0x1E280] =	vst v63  }
0xe2: {  	_ =	swait.ge [sflag:s15], $0x28  }
0xe3: {  	[sflag:s15] =	ssyncset.done $0x0  }
0xe4: {  	[sflag:s15] =	ssyncadd.s32 $0xFFFFFFD8  }
0xe5: {  	_ =	swait.ge [sflag:s16], $0x1400  }
0xe6: {  	[sflag:s16] =	ssyncset.done $0x0  }
0xe7: {  	s26 =	simm.s32 $0x16900;
	s28 =	simm.s32 $0x1A680;
	[sflag:s16] =	ssyncadd.s32 $0xFFFFEC00  }
0xe8: {  	[spmem:s2] =	stream.indirect.scatter.add.f32 [tilespmem:s28], [sflag:$0x10], $0x80, s26, s25, $0xb8;
	[tilespmem:$0x1E280] =	vst v63  }
0xe9: {  	_ =	swait.ge [sflag:s19], $0x28  }
0xea: {  	[sflag:s19] =	ssyncset.done $0x0  }
0xeb: {  	[sflag:s19] =	ssyncadd.s32 $0xFFFFFFD8  }
0xec: {  	_ =	swait.ge [sflag:s20], $0x1400  }
0xed: {  	s9 =	sadd.s32 $0x3C0, s9;
	[sflag:s20] =	ssyncset.done $0x0;
	s29 =	rddreg [dreg:$0x7]  }
0xee: {  	p0 =	sne.s32 s9, $0x99C0;
	s30 =	rddreg [dreg:$0x8];
	[sflag:s20] =	ssyncadd.s32 $0xFFFFEC00  }
0xef: {  	[spmem:s2] =	stream.indirect.scatter.add.f32 [tilespmem:s30], [sflag:$0x11], $0x80, s29, s25, $0xb8;
	[tilespmem:$0x1E280] =	vst v63  }
.Ltmp0:
0xf0: {  	_ = 	snop;
	(pc) =	sbr.rel @p0 .LBB2_2-.Ltmp0, $4  }
0xf1: {  	_ =	swait.ge [sflag:s21], $0x28  }
0xf2: {  	s7 =	sadd.s32 $0x1E, s7;
	s14 =	sadd.s32 $0xF0, s14;
	[sflag:s21] =	ssyncset.done $0x0  }
0xf3: {  	s1 =	sadd.s32 $0x1E, s1;
	s31 =	sadd.s32 $0x1E, s31;
	[sflag:s21] =	ssyncadd.s32 $0xFFFFFFD8  }
0xf4: {  	s3 =	sadd.s32 $0x1E, s3;
	s24 =	sadd.s32 $0x1E, s24;
	_ =	swait.ge [sflag:s22], $0x1400  }
0xf5: {  	p0 =	sne.s32 s12, $0x0;
	[sflag:s22] =	ssyncset.done $0x0;
	s13 =	simm.s32 $0x1CE80  }
0xf6: {  	s0 =	simm.s32 $0x16A00;
	s4 =	simm.s32 @p0 $0xD;
	[sflag:s22] =	ssyncadd.s32 $0xFFFFEC00  }
0xf7: {  	[spmem:s2] =	stream.indirect.scatter.add.f32 [tilespmem:s13], [sflag:$0x12], $0x80, s0, s25, $0xb8;
	[tilespmem:$0x1E280] =	vst v63  }
0xf8: {  	_ =	swait.ge @p0 [sflag:s4], $0x1400  }
0xf9: {  	s6 =	sshra.s32 @p0 s12, $0x2;
	s8 =	simm.s32 @p0 $0x16A80;
	[sflag:s4] =	ssyncset.done @p0 $0x0  }
0xfa: {  	s9 =	sadd.s32 @p0 $0x14000, s6;
	[sflag:s4] =	ssyncadd.s32 @p0 $0xFFFFEC00;
	s4 =	simm.s32 @p0 $0x28  }
0xfb: {  	[tilespmem:s8], [sflag:$0x7] =	stream.indirect.gather @p0 [hbm4b:s5+s4], $0x80, s9, s4, $0xb8;
	[tilespmem:$0x1E280] =	vst v63  }
0xfc: {  	s12 =	simm.s32 @p0 $0x16780;
	s8 =	simm.s32 @p0 $0x0  }
0xfd: {  	[tilespmem:s12], [sflag:$0x1] =	stream.linear.gather @p0 [hbm4b:s7+s8], $0x28, $0x38;
	[tilespmem:$0x1E280] =	vst v63  }
0xfe: {  	s7 =	simm.s32 @p0 $0xE  }
0xff: {  	_ =	swait.ge @p0 [sflag:s7], $0x1400  }
0x100: {  	[sflag:s7] =	ssyncset.done @p0 $0x0  }
0x101: {  	s12 =	sadd.s32 @p0 $0x14028, s6;
	[sflag:s7] =	ssyncadd.s32 @p0 $0xFFFFEC00;
	s7 =	simm.s32 @p0 $0x17E80  }
0x102: {  	[tilespmem:s7], [sflag:$0x8] =	stream.indirect.gather @p0 [hbm4b:s5+s4], $0x80, s12, s4, $0xb8;
	[tilespmem:$0x1E280] =	vst v63  }
0x103: {  	s7 =	simm.s32 @p0 $0x16800  }
0x104: {  	[tilespmem:s7], [sflag:$0x2] =	stream.linear.gather @p0 [hbm4b:s1+s8], $0x28, $0x38;
	[tilespmem:$0x1E280] =	vst v63  }
0x105: {  	s1 =	simm.s32 @p0 $0xF  }
0x106: {  	_ =	swait.ge @p0 [sflag:s1], $0x1400  }
0x107: {  	[sflag:s1] =	ssyncset.done @p0 $0x0  }
0x108: {  	s7 =	sadd.s32 @p0 $0x14050, s6;
	[sflag:s1] =	ssyncadd.s32 @p0 $0xFFFFEC00;
	s1 =	simm.s32 @p0 $0x19280  }
0x109: {  	[tilespmem:s1], [sflag:$0x9] =	stream.indirect.gather @p0 [hbm4b:s5+s4], $0x80, s7, s4, $0xb8;
	[tilespmem:$0x1E280] =	vst v63  }
0x10a: {  	s1 =	simm.s32 @p0 $0x16880  }
0x10b: {  	[tilespmem:s1], [sflag:$0x3] =	stream.linear.gather @p0 [hbm4b:s31+s8], $0x28, $0x38;
	[tilespmem:$0x1E280] =	vst v63  }
0x10c: {  	s1 =	simm.s32 @p0 $0x10  }
0x10d: {  	_ =	swait.ge @p0 [sflag:s1], $0x1400  }
0x10e: {  	[sflag:s1] =	ssyncset.done @p0 $0x0  }
0x10f: {  	s7 =	sadd.s32 @p0 $0x14078, s6;
	[sflag:s1] =	ssyncadd.s32 @p0 $0xFFFFEC00;
	s1 =	simm.s32 @p0 $0x1A680  }
0x110: {  	[tilespmem:s1], [sflag:$0xA] =	stream.indirect.gather @p0 [hbm4b:s5+s4], $0x80, s7, s4, $0xb8;
	[tilespmem:$0x1E280] =	vst v63  }
0x111: {  	s1 =	simm.s32 @p0 $0x16900  }
0x112: {  	[tilespmem:s1], [sflag:$0x4] =	stream.linear.gather @p0 [hbm4b:s3+s8], $0x28, $0x38;
	[tilespmem:$0x1E280] =	vst v63  }
0x113: {  	s1 =	simm.s32 @p0 $0x11  }
0x114: {  	_ =	swait.ge @p0 [sflag:s1], $0x1400  }
0x115: {  	[sflag:s1] =	ssyncset.done @p0 $0x0  }
0x116: {  	s3 =	sadd.s32 @p0 $0x140A0, s6;
	[sflag:s1] =	ssyncadd.s32 @p0 $0xFFFFEC00;
	s1 =	simm.s32 @p0 $0x1BA80  }
0x117: {  	[tilespmem:s1], [sflag:$0xB] =	stream.indirect.gather @p0 [hbm4b:s5+s4], $0x80, s3, s4, $0xb8;
	[tilespmem:$0x1E280] =	vst v63  }
0x118: {  	s1 =	simm.s32 @p0 $0x16980;
	s3 =	simm.s32 @p0 $0x12  }
0x119: {  	[tilespmem:s1], [sflag:$0x5] =	stream.linear.gather @p0 [hbm4b:s24+s8], $0x28, $0x38;
	[tilespmem:$0x1E280] =	vst v63  }
0x11a: {  	_ =	swait.ge @p0 [sflag:s3], $0x1400  }
0x11b: {  	s4 =	simm.s32 @!p0 $0x14000;
	[sflag:s3] =	ssyncset.done @p0 $0x0  }
0x11c: {  	s1 =	simm.s32 @!p0 $0x16A80;
	[sflag:s3] =	ssyncadd.s32 @p0 $0xFFFFEC00;
	s3 =	simm.s32 @!p0 $0x28  }
0x11d: {  	[tilespmem:s1], [sflag:$0x7] =	stream.indirect.gather @!p0 [hbm4b:s5+s3], $0x80, s4, s3, $0xb8;
	[tilespmem:$0x1E280] =	vst v63  }
0x11e: {  	s6 =	rddreg [dreg:$0xb];
	s1 =	simm.s32 @!p0 $0x0;
	s4 =	simm.s32 @!p0 $0x16780  }
0x11f: {  	[tilespmem:s4], [sflag:$0x1] =	stream.linear.gather @!p0 [hbm4b:s6+s1], $0x28, $0x38;
	[tilespmem:$0x1E280] =	vst v63  }
0x120: {  	s4 =	simm.s32 @!p0 $0x14028;
	s6 =	simm.s32 @!p0 $0x17E80  }
0x121: {  	[tilespmem:s6], [sflag:$0x8] =	stream.indirect.gather @!p0 [hbm4b:s5+s3], $0x80, s4, s3, $0xb8;
	[tilespmem:$0x1E280] =	vst v63  }
0x122: {  	s7 =	rddreg [dreg:$0x3];
	s4 =	simm.s32 @!p0 $0x16800  }
0x123: {  	[tilespmem:s4], [sflag:$0x2] =	stream.linear.gather @!p0 [hbm4b:s7+s1], $0x28, $0x38;
	[tilespmem:$0x1E280] =	vst v63  }
0x124: {  	s6 =	simm.s32 @!p0 $0x19280;
	s4 =	simm.s32 @!p0 $0x14050  }
0x125: {  	[tilespmem:s6], [sflag:$0x9] =	stream.indirect.gather @!p0 [hbm4b:s5+s3], $0x80, s4, s3, $0xb8;
	[tilespmem:$0x1E280] =	vst v63  }
0x126: {  	s7 =	rddreg [dreg:$0x4];
	s4 =	simm.s32 @!p0 $0x16880  }
0x127: {  	[tilespmem:s4], [sflag:$0x3] =	stream.linear.gather @!p0 [hbm4b:s7+s1], $0x28, $0x38;
	[tilespmem:$0x1E280] =	vst v63  }
0x128: {  	s6 =	simm.s32 @!p0 $0x1A680;
	s4 =	simm.s32 @!p0 $0x14078  }
0x129: {  	[tilespmem:s6], [sflag:$0xA] =	stream.indirect.gather @!p0 [hbm4b:s5+s3], $0x80, s4, s3, $0xb8;
	[tilespmem:$0x1E280] =	vst v63  }
0x12a: {  	s7 =	rddreg [dreg:$0x5];
	s4 =	simm.s32 @!p0 $0x16900  }
0x12b: {  	[tilespmem:s4], [sflag:$0x4] =	stream.linear.gather @!p0 [hbm4b:s7+s1], $0x28, $0x38;
	[tilespmem:$0x1E280] =	vst v63  }
0x12c: {  	s6 =	simm.s32 @!p0 $0x1BA80;
	s4 =	simm.s32 @!p0 $0x140A0  }
0x12d: {  	[tilespmem:s6], [sflag:$0xB] =	stream.indirect.gather @!p0 [hbm4b:s5+s3], $0x80, s4, s3, $0xb8;
	[tilespmem:$0x1E280] =	vst v63  }
0x12e: {  	s7 =	rddreg [dreg:$0x6];
	s3 =	simm.s32 @!p0 $0x16980  }
0x12f: {  	[tilespmem:s3], [sflag:$0x5] =	stream.linear.gather @!p0 [hbm4b:s7+s1], $0x28, $0x38;
	[tilespmem:$0x1E280] =	vst v63  }
0x130: {  	s1 =	rddreg [dreg:$0x9]  }
0x131: {  	s9 =	simm.s32 @!p0 $0x14000;
	s1 =	smov.u32 @p0 s14  }
0x132: {  	s23 =	sadd.s32 $0xC8, s9;
	s1 =	sadd.s32 $0xC8, s1  }
0x133: {  	[tilespmem:s13], [sflag:$0xC] =	stream.indirect.gather [hbm4b:s5+s25], $0x80, s23, s25, $0xb8;
	[tilespmem:$0x1E280] =	vst v63  }
0x134: {  	s24 =	rddreg [dreg:$0xa];
	s1 =	sshrl.u32 s1, $0x3  }
0x135: {  	s26 =	simm.s32 $0x1;
	s4 =	simm.s32 $0x0;
	s1 =	sadd.s32 s24, s1  }
0x136: {  	[tilespmem:s0], [sflag:$0x6] =	stream.linear.gather [hbm4b:s1+s4], $0x28, $0x38;
	[tilespmem:$0x1E280] =	vst v63  }
0x137: {  	_ =	swait.ge [sflag:s26], $0x28  }
0x138: {  	[sflag:s26] =	ssyncset.done $0x0  }
0x139: {  	s6 =	simm.s32 $0x7;
	[sflag:s26] =	ssyncadd.s32 $0xFFFFFFD8  }
0x13a: {  	_ =	swait.ge [sflag:s6], $0x1400  }
0x13b: {  	s29 =	simm.s32 $0x2;
	[sflag:s6] =	ssyncset.done $0x0  }
0x13c: {  	s9 =	simm.s32 $0x16A80;
	s8 =	simm.s32 $0x16780;
	[sflag:s6] =	ssyncadd.s32 $0xFFFFEC00  }
0x13d: {  	[spmem:s2] =	stream.indirect.scatter.add.f32 [tilespmem:s9], [sflag:$0xD], $0x80, s8, s25, $0xb8;
	[tilespmem:$0x1E280] =	vst v63  }
0x13e: {  	_ =	swait.ge [sflag:s29], $0x28  }
0x13f: {  	[sflag:s29] =	ssyncset.done $0x0  }
0x140: {  	s12 =	simm.s32 $0x8;
	[sflag:s29] =	ssyncadd.s32 $0xFFFFFFD8  }
0x141: {  	_ =	swait.ge [sflag:s12], $0x1400  }
0x142: {  	[sflag:s12] =	ssyncset.done $0x0  }
0x143: {  	s17 =	simm.s32 $0x17E80;
	s14 =	simm.s32 $0x16800;
	[sflag:s12] =	ssyncadd.s32 $0xFFFFEC00  }
0x144: {  	[spmem:s2] =	stream.indirect.scatter.add.f32 [tilespmem:s17], [sflag:$0xE], $0x80, s14, s25, $0xb8;
	[tilespmem:$0x1E280] =	vst v63  }
0x145: {  	_ =	swait.ge [sflag:s10], $0x28  }
0x146: {  	[sflag:s10] =	ssyncset.done $0x0  }
0x147: {  	[sflag:s10] =	ssyncadd.s32 $0xFFFFFFD8  }
0x148: {  	_ =	swait.ge [sflag:s11], $0x1400  }
0x149: {  	[sflag:s11] =	ssyncset.done $0x0  }
0x14a: {  	s18 =	simm.s32 $0x16880;
	s24 =	simm.s32 $0x19280;
	[sflag:s11] =	ssyncadd.s32 $0xFFFFEC00  }
0x14b: {  	[spmem:s2] =	stream.indirect.scatter.add.f32 [tilespmem:s24], [sflag:$0xF], $0x80, s18, s25, $0xb8;
	[tilespmem:$0x1E280] =	vst v63  }
0x14c: {  	_ =	swait.ge [sflag:s15], $0x28  }
0x14d: {  	[sflag:s15] =	ssyncset.done $0x0  }
0x14e: {  	[sflag:s15] =	ssyncadd.s32 $0xFFFFFFD8  }
0x14f: {  	_ =	swait.ge [sflag:s16], $0x1400  }
0x150: {  	[sflag:s16] =	ssyncset.done $0x0  }
0x151: {  	s26 =	simm.s32 $0x16900;
	s29 =	simm.s32 $0x1A680;
	[sflag:s16] =	ssyncadd.s32 $0xFFFFEC00  }
0x152: {  	[spmem:s2] =	stream.indirect.scatter.add.f32 [tilespmem:s29], [sflag:$0x10], $0x80, s26, s25, $0xb8;
	[tilespmem:$0x1E280] =	vst v63  }
0x153: {  	_ =	swait.ge [sflag:s19], $0x28  }
0x154: {  	[sflag:s19] =	ssyncset.done $0x0  }
0x155: {  	[sflag:s19] =	ssyncadd.s32 $0xFFFFFFD8  }
0x156: {  	_ =	swait.ge [sflag:s20], $0x1400  }
0x157: {  	s30 =	rddreg [dreg:$0x7];
	[sflag:s20] =	ssyncset.done $0x0  }
0x158: {  	s31 =	rddreg [dreg:$0x8];
	[sflag:s20] =	ssyncadd.s32 $0xFFFFEC00  }
0x159: {  	[spmem:s2] =	stream.indirect.scatter.add.f32 [tilespmem:s31], [sflag:$0x11], $0x80, s30, s25, $0xb8;
	[tilespmem:$0x1E280] =	vst v63  }
0x15a: {  	_ =	swait.ge [sflag:s21], $0x28  }
0x15b: {  	[sflag:s21] =	ssyncset.done $0x0  }
0x15c: {  	[sflag:s21] =	ssyncadd.s32 $0xFFFFFFD8  }
0x15d: {  	_ =	swait.ge [sflag:s22], $0x1400  }
0x15e: {  	[sflag:s22] =	ssyncset.done $0x0  }
0x15f: {  	s1 =	simm.s32 $0xD;
	[sflag:s22] =	ssyncadd.s32 $0xFFFFEC00  }
0x160: {  	[spmem:s2] =	stream.indirect.scatter.add.f32 [tilespmem:s13], [sflag:$0x12], $0x80, s0, s25, $0xb8;
	[tilespmem:$0x1E280] =	vst v63  }
0x161: {  	_ =	swait.ge [sflag:s1], $0x1400  }
0x162: {  	[sflag:s1] =	ssyncset.done $0x0  }
0x163: {  	s3 =	simm.s32 $0xE;
	[sflag:s1] =	ssyncadd.s32 $0xFFFFEC00  }
0x164: {  	_ =	swait.ge [sflag:s3], $0x1400  }
0x165: {  	[sflag:s3] =	ssyncset.done $0x0  }
0x166: {  	s7 =	simm.s32 $0xF;
	[sflag:s3] =	ssyncadd.s32 $0xFFFFEC00  }
0x167: {  	_ =	swait.ge [sflag:s7], $0x1400  }
0x168: {  	[sflag:s7] =	ssyncset.done $0x0  }
0x169: {  	s13 =	simm.s32 $0x10;
	[sflag:s7] =	ssyncadd.s32 $0xFFFFEC00  }
0x16a: {  	_ =	swait.ge [sflag:s13], $0x1400  }
0x16b: {  	[sflag:s13] =	ssyncset.done $0x0  }
0x16c: {  	s30 =	simm.s32 $0x11;
	[sflag:s13] =	ssyncadd.s32 $0xFFFFEC00  }
0x16d: {  	_ =	swait.ge [sflag:s30], $0x1400  }
0x16e: {  	[sflag:s30] =	ssyncset.done $0x0  }
0x16f: {  	s31 =	simm.s32 $0x12;
	[sflag:s30] =	ssyncadd.s32 $0xFFFFEC00  }
0x170: {  	_ =	swait.ge [sflag:s31], $0x1400  }
0x171: {  	[sflag:s31] =	ssyncset.done $0x0  }
0x172: {  	s7 =	simm.s32 $0x13;
	s0 =	rddreg [dreg:$0xf];
	[sflag:s31] =	ssyncadd.s32 $0xFFFFEC00  }
0x173: {  	[tilespmem:s8], [sflag:$0x13] =	stream.linear.gather [hbm4b:s0+s4], $0x28, $0x38;
	[tilespmem:$0x1E280] =	vst v63  }
0x174: {  	_ =	swait.ge [sflag:s7], $0x28  }
0x175: {  	[sflag:s7] =	ssyncset.done $0x0  }
0x176: {  	s3 =	simm.s32 $0x16670;
	[sflag:s7] =	ssyncadd.s32 $0xFFFFFFD8  }
0x177: {  	[tilespmem:s9], [sflag:$0x7] =	stream.indirect.gather [hbm4b:s5+s25], $0x80, s3, s25, $0xb8;
	[tilespmem:$0x1E280] =	vst v63  }
0x178: {  	_ =	swait.ge [sflag:s6], $0x1400  }
0x179: {  	[sflag:s6] =	ssyncset.done $0x0  }
0x17a: {  	[sflag:s6] =	ssyncadd.s32 $0xFFFFEC00  }
0x17b: {  	[spmem:s2] =	stream.indirect.scatter.add.f32 [tilespmem:s9], [sflag:$0x13], $0x80, s8, s25, $0xb8;
	[tilespmem:$0x1E280] =	vst v63  }
0x17c: {  	_ =	swait.ge [sflag:s7], $0x1400  }
0x17d: {  	[sflag:s7] =	ssyncset.done $0x0  }
0x17e: {  	s8 =	rddreg [dreg:$0x10];
	[sflag:s7] =	ssyncadd.s32 $0xFFFFEC00  }
0x17f: {  	[tilespmem:s14], [sflag:$0x13] =	stream.linear.gather [hbm4b:s8+s4], $0x28, $0x38;
	[tilespmem:$0x1E280] =	vst v63  }
0x180: {  	_ =	swait.ge [sflag:s7], $0x28  }
0x181: {  	[sflag:s7] =	ssyncset.done $0x0  }
0x182: {  	s9 =	simm.s32 $0x16698;
	[sflag:s7] =	ssyncadd.s32 $0xFFFFFFD8  }
0x183: {  	[tilespmem:s17], [sflag:$0x8] =	stream.indirect.gather [hbm4b:s5+s25], $0x80, s9, s25, $0xb8;
	[tilespmem:$0x1E280] =	vst v63  }
0x184: {  	_ =	swait.ge [sflag:s12], $0x1400  }
0x185: {  	[sflag:s12] =	ssyncset.done $0x0  }
0x186: {  	[sflag:s12] =	ssyncadd.s32 $0xFFFFEC00  }
0x187: {  	[spmem:s2] =	stream.indirect.scatter.add.f32 [tilespmem:s17], [sflag:$0x13], $0x80, s14, s25, $0xb8;
	[tilespmem:$0x1E280] =	vst v63  }
0x188: {  	_ =	swait.ge [sflag:s7], $0x1400  }
0x189: {  	[sflag:s7] =	ssyncset.done $0x0  }
0x18a: {  	s13 =	rddreg [dreg:$0x11];
	[sflag:s7] =	ssyncadd.s32 $0xFFFFEC00  }
0x18b: {  	[tilespmem:s18], [sflag:$0x13] =	stream.linear.gather [hbm4b:s13+s4], $0x28, $0x38;
	[tilespmem:$0x1E280] =	vst v63  }
0x18c: {  	_ =	swait.ge [sflag:s7], $0x28  }
0x18d: {  	[sflag:s7] =	ssyncset.done $0x0  }
0x18e: {  	s14 =	simm.s32 $0x166C0;
	[sflag:s7] =	ssyncadd.s32 $0xFFFFFFD8  }
0x18f: {  	[tilespmem:s24], [sflag:$0x9] =	stream.indirect.gather [hbm4b:s5+s25], $0x80, s14, s25, $0xb8;
	[tilespmem:$0x1E280] =	vst v63  }
0x190: {  	_ =	swait.ge [sflag:s11], $0x1400  }
0x191: {  	[sflag:s11] =	ssyncset.done $0x0  }
0x192: {  	[sflag:s11] =	ssyncadd.s32 $0xFFFFEC00  }
0x193: {  	[spmem:s2] =	stream.indirect.scatter.add.f32 [tilespmem:s24], [sflag:$0x13], $0x80, s18, s25, $0xb8;
	[tilespmem:$0x1E280] =	vst v63  }
0x194: {  	_ =	swait.ge [sflag:s7], $0x1400  }
0x195: {  	[sflag:s7] =	ssyncset.done $0x0  }
0x196: {  	s17 =	rddreg [dreg:$0x13];
	[sflag:s7] =	ssyncadd.s32 $0xFFFFEC00  }
0x197: {  	[tilespmem:s26], [sflag:$0x13] =	stream.linear.gather [hbm4b:s17+s4], $0x28, $0x38;
	[tilespmem:$0x1E280] =	vst v63  }
0x198: {  	_ =	swait.ge [sflag:s7], $0x28  }
0x199: {  	[sflag:s7] =	ssyncset.done $0x0  }
0x19a: {  	s18 =	simm.s32 $0x166E8;
	[sflag:s7] =	ssyncadd.s32 $0xFFFFFFD8  }
0x19b: {  	[tilespmem:s29], [sflag:$0xA] =	stream.indirect.gather [hbm4b:s5+s25], $0x80, s18, s25, $0xb8;
	[tilespmem:$0x1E280] =	vst v63  }
0x19c: {  	_ =	swait.ge [sflag:s16], $0x1400  }
0x19d: {  	[sflag:s16] =	ssyncset.done $0x0  }
0x19e: {  	[sflag:s16] =	ssyncadd.s32 $0xFFFFEC00  }
0x19f: {  	[spmem:s2] =	stream.indirect.scatter.add.f32 [tilespmem:s29], [sflag:$0x13], $0x80, s26, s25, $0xb8;
	[tilespmem:$0x1E280] =	vst v63  }
0x1a0: {  	_ =	swait.ge [sflag:s7], $0x1400  }
0x1a1: {  	[sflag:s7] =	ssyncset.done $0x0  }
0x1a2: {  	[sflag:s7] =	ssyncadd.s32 $0xFFFFEC00  }
0x1a3: {  	[bflag:$0x0] =	sbarrier.arrive $0xFFFF  }
0x1a4: {  	s24 =	rddreg [dreg:$0x14]  }
0x1a5: {  	s26 =	rddreg [dreg:$0x1c]  }
0x1a6: {  	s29 =	rddreg [dreg:$0x1d]  }
0x1a7: {  	[hbm:s24], [sflag:s26] =	dma.local [spmem:s29], $0x2800  }
0x1a8: {  	_ =	swait.ge [sflag:s7], $0x2800  }
0x1a9: {  	s30 =	rddreg [dreg:$0x1b]  }
0x1aa: {  	s31 =	rddreg [dreg:$0x15];
	s0 =	sadd.s32 $0x1, s30  }
0x1ab: {  	p0 =	sne.s32 s0, s31  }
.Ltmp1:
0x1ac: {  	_ = 	snop;
	(pc) =	sbr.rel @p0 .LBB2_1-.Ltmp1, $3  }
0x1ad: {  	_ =	sdelay $0x1  }
0x1ae: {  	[sflag:s7] =	ssyncset.done $0x0  }
0x1af: {  	s28 =	simm.s32 $0x1CE80;
	s23 =	simm.s32 $0x16A00;
	[sflag:s7] =	ssyncadd.s32 $0xFFFFD800  }
0x1b0: {  	_ =	sfence.sel $0x180000  }
0x1b1: {  	[bflag:$0x0] =	sbarrier.arrive $0xFFFF  }
0x1b2: {  	_ =	strace $0x9000004D  }
0x1b3: {  	s0 =	stileid.u32;
	[bflag:$0x2] =	sbarrier.arrive $0xFFFF  }
0x1b4: {  	p0 =	sne.s32 s0, $0x0;
	s0 =	rddreg [dreg:$0x2]  }
0x1b5: {  	s0 =	sadd.s32 @!p0 $0x100000, s0  }
0x1b6: {  	[sflag:s0] =	ssyncadd.tile.s32 @!p0 $0x1;
	_ =	shalt  }
.Lfunc_end2:
_tile_overlayer_lowered:
.L_overlay_start_2:
0x1b7: {  	(tag) =	ssettag $0x2  }
0x1b8: {  	s0 =	rddreg [dreg:$0x0];
	s2 =	stileid.u32  }
0x1b9: {  	s1 =	rddreg [dreg:$0x1];
	p0 =	sne.s32 s2, $0x0  }
0x1ba: {  	s3 =	rddreg [dreg:$0x2];
	[bflag:$0x3] =	sbarrier.arrive $0xFFFF;
	s2 =	simm.s32 @!p0 $0x1C13  }
0x1bb: {  	[timem:s3], [sflag:s2] =	dma.local @!p0 [hbm:s0], s1  }
0x1bc: {  	s0 =	simm.s32 @!p0 $0x13  }
0x1bd: {  	_ =	swait.ge @!p0 [sflag:s0], s1  }
0x1be: {  	s1 =	ssub.s32 @!p0 $0x0, s1;
	[sflag:s0] =	ssyncset.done @!p0 $0x0  }
0x1bf: {  	[sflag:s0] =	ssyncadd.s32 @!p0 s1  }
0x1c0: {  	[bflag:$0x3] =	sbarrier.arrive $0xFFFF  }
0x1c1: {  	_ =	shalt  }

// kernel: kernel.20.cloned.1.call-start
scs
__scs_entry_jumppad:
0x0: {  	(pc) =	sbr.rel $0x88, $3  }
0x1: {  	(tag) =	ssettag $0x0;
	lr =	simm.s32 $0x1  }
0x2: {  	[smem:$0x3F95] =	sst lr;
	_ =	strace $0xD0000000  }
0x3: {  	_ = 	snop  }
0x4: {  	_ = 	snop  }
0x5: {  	_ = 	snop  }
0x6: {  	_ = 	snop  }
0x7: {  	_ = 	snop  }
__scs_overlays_trampoline_lowered:
0x8: {  	[smem:$0x3FA4] =	sst s0  }
0x9: {  	[smem:$0x3FA5] =	sst s1  }
0xa: {  	[smem:$0x3FA6] =	sst s2  }
0xb: {  	[smem:$0x3FA7] =	sst s3  }
0xc: {  	[smem:$0x3FA8] =	sst s4  }
0xd: {  	[smem:$0x3FA9] =	sst s5  }
0xe: {  	[smem:$0x3FAA] =	sst s6  }
0xf: {  	[smem:$0x3FAB] =	sst s7  }
0x10: {  	[smem:$0x3FAC] =	sst s8  }
0x11: {  	[smem:$0x3FAD] =	sst s9;
	s0 =	simm.s32 @!p0 $0x0  }
0x12: {  	s1 =	sld [smem:$0x3F93];
	s0 =	simm.s32 @p0 $0x1  }
0x13: {  	[smem:$0x3FAE] =	sst s0;
	s0 =	simm.s32 @!p1 $0x0  }
0x14: {  	s2 =	sld [smem:$0x3F92];
	s0 =	simm.s32 @p1 $0x1  }
0x15: {  	[smem:$0x3FAF] =	sst s0;
	s0 =	simm.s32 @!p2 $0x0  }
0x16: {  	s3 =	sld [smem:$0x3FDB];
	s0 =	simm.s32 @p2 $0x1  }
0x17: {  	s4 =	simm.s32 $0x1BF5;
	[smem:$0x3FB1] =	sst s0  }
0x18: {  	s0 =	sld [smem:$0x3F94];
	_ =	swait.ge [sflag:s4], $0x0  }
0x19: {  	s7 =	sld [smem:$0x3F95]  }
0x1a: {  	s8 =	sadd.s32 $0xFFFFE003, lr  }
0x1b: {  	s9 =	sadd.s32 $0xFFFFFEF7, lr;
	s5 =	simm.s32 $0xFFFFFFFF;
	p2 =	slt.u32 s8, $0xFFFFF086  }
0x1c: {  	p1 =	slt.u32 s9, $0xF7A;
	s5 =	simm.s32 @!p2 $0x0  }
0x1d: {  	s5 =	simm.s32 @p1 $0x1;
	p0 =	seq.s32 s7, s2  }
0x1e: {  	s7 =	smul.u32 @!p0 $0xF7A, s2;
	p2 =	seq.s32 @!p0 s5, $0x0  }
0x1f: {  	s9 =	smul.u32 $0xF7A, s1;
	s8 =	simm.s32 @!p0 $0x1BF5;
	p2 =	por !p2, p0  }
0x20: {  	[sflag:s8] =	ssyncset.s32 @!p0 $0xFFFFF086;
	s6 =	sadd.s32 @!p0 s3, s7;
	s7 =	simm.s32 @!p0 $0x108  }
0x21: {  	s3 =	sadd.s32 s3, s9;
	s6 =	sadd.s32 @!p0 $0x88, s6;
	s7 =	simm.s32 @p2 $0x1082  }
0x22: {  	[simem:s7], [sflag:s8] =	dma.local @!p0 [hbm:s6], $0xF7A  }
0x23: {  	s9 =	sor.u32 $0xD0000000, s2;
	s6 =	simm.s32 $0x108;
	_ =	swait.ge @!p0 [sflag:s8], $0x0  }
0x24: {  	s3 =	sadd.s32 $0x88, s3;
	s6 =	simm.s32 @!p1 $0x1082;
	[sflag:s4] =	ssyncset.s32 $0xFFFFF086  }
0x25: {  	[simem:s6], [sflag:s4] =	dma.local [hbm:s3], $0xF7A  }
0x26: {  	[smem:$0x3F95] =	sst s1;
	(tag) =	ssettag s2;
	_ =	strace s9  }
0x27: {  	s1 =	sld [smem:$0x3FA5]  }
0x28: {  	s2 =	sld [smem:$0x3FA6]  }
0x29: {  	s4 =	sld [smem:$0x3FA8]  }
0x2a: {  	p0 =	seq.s32 s5, $0x0;
	s5 =	sld [smem:$0x3FA9]  }
0x2b: {  	s6 =	sld [smem:$0x3FAA]  }
0x2c: {  	s7 =	sld [smem:$0x3FAB]  }
0x2d: {  	s3 =	simm.s32 $0x108;
	s8 =	sld [smem:$0x3FAC]  }
0x2e: {  	s3 =	simm.s32 @!p0 $0x1082;
	s9 =	sld [smem:$0x3FAD]  }
0x2f: {  	lr =	sadd.s32 s0, s3;
	s0 =	sld [smem:$0x3FA4]  }
0x30: {  	s3 =	sld [smem:$0x3FA7]  }
0x31: {  	[smem:$0x3FB0] =	sst s10  }
0x32: {  	s10 =	sld [smem:$0x3FAE];
	_ =	sdelay $0x3  }
0x33: {  	p0 =	seq.s32 s10, $0x1;
	s10 =	sld [smem:$0x3FB0];
	_ =	sdelay $0x3  }
0x34: {  	[smem:$0x3FB0] =	sst s10  }
0x35: {  	s10 =	sld [smem:$0x3FAF];
	_ =	sdelay $0x3  }
0x36: {  	p1 =	seq.s32 s10, $0x1;
	s10 =	sld [smem:$0x3FB0];
	_ =	sdelay $0x3  }
0x37: {  	[smem:$0x3FB0] =	sst s10  }
0x38: {  	s10 =	sld [smem:$0x3FB1]  }
0x39: {  	_ = 	snop;
	(pc) =	sbr.ind lr, $3  }
0x3a: {  	_ = 	snop  }
0x3b: {  	_ = 	snop  }
0x3c: {  	p2 =	seq.s32 s10, $0x1;
	s10 =	sld [smem:$0x3FB0]  }
0x3d: {  	_ =	shalt  }
0x3e: {  	_ =	shalt  }
0x3f: {  	_ =	shalt  }
0x40: {  	_ =	shalt  }
0x41: {  	_ =	shalt  }
0x42: {  	_ =	shalt  }
0x43: {  	_ =	shalt  }
0x44: {  	_ =	shalt  }
0x45: {  	_ =	shalt  }
0x46: {  	_ =	shalt  }
0x47: {  	_ =	shalt  }
0x48: {  	_ =	shalt  }
0x49: {  	_ =	shalt  }
0x4a: {  	_ =	shalt  }
0x4b: {  	_ =	shalt  }
0x4c: {  	_ =	shalt  }
0x4d: {  	_ =	shalt  }
0x4e: {  	_ =	shalt  }
0x4f: {  	_ =	shalt  }
0x50: {  	_ =	shalt  }
0x51: {  	_ =	shalt  }
0x52: {  	_ =	shalt  }
0x53: {  	_ =	shalt  }
0x54: {  	_ =	shalt  }
0x55: {  	_ =	shalt  }
0x56: {  	_ =	shalt  }
0x57: {  	_ =	shalt  }
0x58: {  	_ =	shalt  }
0x59: {  	_ =	shalt  }
0x5a: {  	_ =	shalt  }
0x5b: {  	_ =	shalt  }
0x5c: {  	_ =	shalt  }
0x5d: {  	_ =	shalt  }
0x5e: {  	_ =	shalt  }
0x5f: {  	_ =	shalt  }
0x60: {  	_ =	shalt  }
0x61: {  	_ =	shalt  }
0x62: {  	_ =	shalt  }
0x63: {  	_ =	shalt  }
0x64: {  	_ =	shalt  }
0x65: {  	_ =	shalt  }
0x66: {  	_ =	shalt  }
0x67: {  	_ =	shalt  }
0x68: {  	_ =	shalt  }
0x69: {  	_ =	shalt  }
0x6a: {  	_ =	shalt  }
0x6b: {  	_ =	shalt  }
0x6c: {  	_ =	shalt  }
0x6d: {  	_ =	shalt  }
0x6e: {  	_ =	shalt  }
0x6f: {  	_ =	shalt  }
0x70: {  	_ =	shalt  }
0x71: {  	_ =	shalt  }
0x72: {  	_ =	shalt  }
0x73: {  	_ =	shalt  }
0x74: {  	_ =	shalt  }
0x75: {  	_ =	shalt  }
0x76: {  	_ =	shalt  }
0x77: {  	_ =	shalt  }
0x78: {  	_ =	shalt  }
0x79: {  	_ =	shalt  }
0x7a: {  	_ =	shalt  }
0x7b: {  	_ =	shalt  }
0x7c: {  	_ =	shalt  }
0x7d: {  	_ =	shalt  }
0x7e: {  	_ =	shalt  }
0x7f: {  	_ =	shalt  }
0x80: {  	_ =	shalt  }
0x81: {  	_ =	shalt  }
0x82: {  	_ =	shalt  }
0x83: {  	_ =	shalt  }
0x84: {  	_ =	shalt  }
0x85: {  	_ =	shalt  }
0x86: {  	_ =	shalt  }
0x87: {  	_ =	shalt  }
.Lfunc_end0:
.L_simem_size_0:
called_computation.3_lowered:
.L_overlay_start_0:
0x88: {  	s2 =	sld [smem:$0x3FD9]  }
0x89: {  	s3 =	sld [smem:$0x3FFE];
	_ =	sdelay $0x1  }
0x8a: {  	s1 =	srdreg.scid  }
0x8b: {  	s0 =	sand.u32 $0x1, s1  }
0x8c: {  	s16 =	sshll.u32 s0, $0xA;
	s2 =	sadd.s32 s3, s2  }
0x8d: {  	s2 =	sadd.s32 s2, s16  }
0x8e: {  	[smem:$0x3FBC] =	sst s2  }
0x8f: {  	_ = 	snop  }
0x90: {  	(tm) =	ssettm $0x1  }
0x91: {  	s17 =	sld [smem:$0x3FFB];
	_ =	sdelay $0x3  }
0x92: {  	_ =	strace s17  }
0x93: {  	s2 =	sld [smem:$0x3FFC];
	_ =	sdelay $0x3  }
0x94: {  	_ =	strace s2  }
0x95: {  	s2 =	sld [smem:$0x3FFD];
	_ =	sdelay $0x3  }
0x96: {  	_ =	strace s2  }
0x97: {  	_ =	strace $0x8FFFFFFF  }
0x98: {  	s18 =	sld [smem:$0x3FDB];
	_ =	sdelay $0x1  }
0x99: {  	s19 =	simm.s32 $_scs_section_size  }
0x9a: {  	s4 =	simm.s32 $_size__tile_overlayer_lowered;
	s5 =	simm.s32 $_tile_overlayer_lowered  }
0x9b: {  	s22 =	simm.s32 $0x1BFF;
	s21 =	sshll.u32 s5, $0x1;
	s2 =	sadd.s32 s19, s18  }
0x9c: {  	s6 =	simm.s32 $0x0;
	s20 =	sshll.u32 s4, $0x1;
	s4 =	sadd.s32 s21, s2  }
0x9d: {  	[timem:s6], [sflag:s22] =	dma.local [hbm:s4], s20  }
0x9e: {  	_ =	swait.ge [sflag:s22], s20  }
0x9f: {  	s3 =	ssub.s32 $0x0, s20;
	[sflag:s22] =	ssyncset.done $0x0  }
0xa0: {  	[sflag:s22] =	ssyncadd.s32 s3;
	_ =	sdelay $0x1  }
0xa1: {  	s23 =	simm.s32 $0x1B8B  }
0xa2: {  	_ =	swait.ge [sflag:s23], $0x1  }
0xa3: {  	[sflag:s23] =	ssyncset.done $0x0  }
0xa4: {  	s25 =	simm.s32 $0x1B8E;
	s24 =	sld [smem:$0x3FFE];
	[sflag:s23] =	ssyncadd.s32 $0xFFFFFFFF  }
0xa5: {  	s26 =	simm.s32 $execute0_lowered;
	[smem:$0x3FD2] =	sst s25  }
0xa6: {  	s4 =	sshll.u32 s26, $0x1;
	_ =	strace $0x8000004F;
	[dreg:$0x1] =	wrdreg $0xFFFFFFFF  }
0xa7: {  	s28 =	simm.s32 $_size_execute0_lowered;
	s2 =	sadd.s32 s2, s4;
	[dreg:$0x0] =	wrdreg $0x0  }
0xa8: {  	s4 =	sshll.u32 s28, $0x1;
	[dreg:$0x2] =	wrdreg s2  }
0xa9: {  	[dreg:$0x3] =	wrdreg s4  }
0xaa: {  	[dreg:$0x4] =	wrdreg $0xC0  }
0xab: {  	_ =	task [dreg:s6], $0x5FFFF  }
0xac: {  	[dreg:$0x1] =	wrdreg $0xFFFFFFFF  }
0xad: {  	[dreg:$0x0] =	wrdreg $0x60  }
0xae: {  	[dreg:$0x2] =	wrdreg s24  }
0xaf: {  	[dreg:$0x3] =	wrdreg $0x0  }
0xb0: {  	[dreg:$0x4] =	wrdreg $0x9  }
0xb1: {  	_ =	task.clear_ibuf [dreg:s6], $0x5FFFF;
	_ =	strace $0x9000004F  }
0xb2: {  	s29 =	simm.s32 $0x9;
	_ =	strace $0x80000051  }
0xb3: {  	_ =	swait.ge [sflag:s29], $0x1  }
0xb4: {  	[sflag:s29] =	ssyncadd.s32 $0xFFFFFFFF  }
0xb5: {  	_ =	strace $0x90000051  }
0xb6: {  	_ =	sfence  }
0xb7: {  	s30 =	sld [smem:$0x0];
	_ =	sdelay $0x2  }
0xb8: {  	s31 =	sshll.u32 s1, $0xD;
	s1 =	sshrl.u32 s1, $0x2  }
0xb9: {  	s3 =	sand.u32 $0x4000, s31;
	s1 =	sadd.s32 s1, s30  }
0xba: {  	s0 =	sor.u32 s3, s0;
	s1 =	sshll.u32 s1, $0x11  }
0xbb: {  	s0 =	sor.u32 s1, s0  }
0xbc: {  	s0 =	sadd.s32 $0x8F2B, s0  }
0xbd: {  	[sflag:s0] =	ssyncadd.remote.s32 $0x1  }
0xbe: {  	_ =	sfence.sel $0xFFFF  }
0xbf: {  	[dreg:$0x0] =	wrdreg $0xFFFFFFFF;
	(pc) =	sbr.abs _section_cstart, $3  }
0xc0: {  	[dreg:$0x1] =	wrdreg $0xFFFFFFFF  }
0xc1: {  	_ =	task.clear_ibuf [dreg:s6], $0x2FFFF;
	_ =	strace $0x9FFFFFFF  }
0xc2: {  	(tm) =	ssettm $0x7FFFFFFF  }
0xc3: {  	_ =	shalt  }
tec
execute0_lowered:
.L_overlay_start_1:
0x0: {  	(tag) =	ssettag $0x1  }
0x1: {  	s0 =	srdreg.scid  }
0x2: {  	s1 =	rddreg [dreg:$0x0];
	s6 =	stileid.u32  }
0x3: {  	s2 =	rddreg [dreg:$0x1];
	s4 =	simm.s32 $0x0;
	s28 =	simm.s32 $0x1CE80  }
0x4: {  	s0 =	sand.u32 $0x1, s0;
	[smem:$0x7FF] =	sst s4;
	s16 =	smul.u32 $0x14000, s6  }
0x5: {  	s5 =	sadd.s32 $0x16E00, s1;
	s12 =	sadd.s32 $0xD000, s1;
	s20 =	smul.u32 $0x50000, s6  }
0x6: {  	s3 =	sshll.u32 s0, $0x4;
	_ =	strace $0x80000050;
	s7 =	smul.u32 $0x140000, s0  }
0x7: {  	s18 =	ssub.s32 $0x2, s0;
	s3 =	sor.u32 s6, s3;
	s9 =	sshrl.u32 s16, $0x3  }
0x8: {  	[dreg:$0xa] =	wrdreg s12;
	s11 =	smul.u32 $0x2710, s3;
	s9 =	sadd.s32 s9, s1  }
0x9: {  	s10 =	sshrl.u32 s18, $0x1;
	s3 =	sadd.s32 s16, s7;
	s29 =	sadd.s32 $0x3EE00, s9  }
0xa: {  	s3 =	sshrl.u32 s3, $0x3;
	s17 =	sshrl.u32 s11, $0x3;
	[dreg:$0xe] =	wrdreg s29  }
0xb: {  	s19 =	sadd.s32 $0x28, s11;
	s31 =	sadd.s32 $0x2698, s11;
	[dreg:$0x9] =	wrdreg s11  }
0xc: {  	s8 =	sadd.s32 s17, s1;
	s1 =	sadd.s32 s3, s1;
	s21 =	sadd.s32 s12, s17  }
0xd: {  	s9 =	sshrl.u32 s31, $0x3;
	s31 =	simm.s32 $0x1BA80;
	[dreg:$0xb] =	wrdreg s21  }
0xe: {  	s7 =	sshrl.u32 s19, $0x3;
	s8 =	sadd.s32 $0x3200, s8;
	[dreg:$0x8] =	wrdreg s31  }
0xf: {  	s3 =	ssub.s32 s18, s10;
	s22 =	sadd.s32 s12, s7;
	[dreg:$0xc] =	wrdreg s8  }
0x10: {  	s10 =	sshrl.u32 s20, $0x2;
	s24 =	sadd.s32 $0xA, s21;
	[dreg:$0x3] =	wrdreg s22  }
0x11: {  	s0 =	smul.u32 $0x27100, s0;
	s26 =	sadd.s32 s10, s2;
	[dreg:$0x4] =	wrdreg s24  }
0x12: {  	s23 =	sadd.s32 $0x78, s11;
	s30 =	sadd.s32 $0x14, s21;
	[dreg:$0xd] =	wrdreg s26  }
0x13: {  	s14 =	sadd.s32 $0x26E8, s11;
	s13 =	sadd.s32 $0x4CE, s21;
	[dreg:$0x6] =	wrdreg s30  }
0x14: {  	s11 =	simm.s32 $0x9;
	s4 =	sadd.s32 s12, s9;
	[dreg:$0xf] =	wrdreg s13  }
0x15: {  	s7 =	sshrl.u32 s23, $0x3;
	s15 =	sadd.s32 $0x4D8, s21;
	[dreg:$0x10] =	wrdreg s4  }
0x16: {  	s10 =	smul.u32 $0x2710, s6;
	s18 =	sadd.s32 $0x66E00, s1;
	[dreg:$0x11] =	wrdreg s15  }
0x17: {  	s20 =	smax.u32 s3, $0x1;
	s25 =	sadd.s32 s12, s7;
	[dreg:$0x14] =	wrdreg s18  }
0x18: {  	s4 =	sshrl.u32 s14, $0x3;
	[dreg:$0x15] =	wrdreg s20;
	s30 =	simm.s32 $0x16980  }
0x19: {  	s7 =	simm.s32 $0x13;
	s15 =	simm.s32 $0x4;
	[dreg:$0x5] =	wrdreg s25  }
0x1a: {  	s20 =	simm.s32 $0xB;
	s17 =	sadd.s32 s12, s4;
	[dreg:$0x7] =	wrdreg s30  }
0x1b: {  	s16 =	sadd.s32 s10, s0;
	s10 =	simm.s32 $0x3;
	[dreg:$0x13] =	wrdreg s17  }
0x1c: {  	s19 =	sadd.s32 $0xA0, s16;
	s21 =	sshrl.u32 s16, $0x3;
	s22 =	sadd.s32 $0x78, s16  }
0x1d: {  	s23 =	sadd.s32 $0x50, s16;
	[dreg:$0x12] =	wrdreg s16;
	s24 =	sadd.s32 $0x28, s16  }
0x1e: {  	s16 =	simm.s32 $0xA;
	s0 =	sshrl.u32 s19, $0x3;
	s1 =	sadd.s32 s21, s12  }
0x1f: {  	s25 =	sshrl.u32 s23, $0x3;
	s26 =	sshrl.u32 s24, $0x3;
	s23 =	simm.s32 $0x16A00  }
0x20: {  	s19 =	simm.s32 $0x5;
	[dreg:$0x16] =	wrdreg s1;
	s0 =	sadd.s32 s0, s12  }
0x21: {  	s29 =	sadd.s32 s26, s12;
	[dreg:$0x17] =	wrdreg s0;
	s0 =	sshrl.u32 s22, $0x3  }
0x22: {  	s21 =	simm.s32 $0x6;
	[dreg:$0x1a] =	wrdreg s29;
	s0 =	sadd.s32 s0, s12  }
0x23: {  	s22 =	simm.s32 $0xC;
	[dreg:$0x18] =	wrdreg s0;
	s0 =	sadd.s32 s25, s12  }
0x24: {  	s25 =	simm.s32 $0x28;
	[dreg:$0x19] =	wrdreg s0;
	s0 =	simm.s32 $0x0  }
.LBB2_1:
0x25: {  	[dreg:$0x1b] =	wrdreg s0  }
0x26: {  	s6 =	simm.s32 $0x0;
	s1 =	rddreg [dreg:$0xc];
	s3 =	simm.s32 $0x14000  }
0x27: {  	[tilespmem:s3], [sflag:$0x13] =	stream.linear.gather [hbm4b:s1+s6], $0x2710, $0x38;
	[tilespmem:$0x1E280] =	vst v63  }
0x28: {  	s29 =	stileid.u32;
	_ =	swait.ge [sflag:s7], $0x2710  }
0x29: {  	s1 =	sshll.u32 s29, $0x6;
	s3 =	rddreg [dreg:$0xd]  }
0x2a: {  	s30 =	sor.u32 $0x1C13, s1;
	s8 =	rddreg [dreg:$0xe]  }
0x2b: {  	[sflag:s7] =	ssyncset.done $0x0;
	[dreg:$0x1c] =	wrdreg s30;
	s4 =	sshrl.u32 s3, $0x3  }
0x2c: {  	[sflag:s7] =	ssyncadd.s32 $0xFFFFD8F0;
	[dreg:$0x1d] =	wrdreg s4  }
0x2d: {  	[spmem:s4], [sflag:s30] =	dma.local [hbm:s8], $0x2800  }
0x2e: {  	_ =	swait.ge [sflag:s7], $0x2800  }
0x2f: {  	[sflag:s7] =	ssyncset.done $0x0  }
0x30: {  	p0 =	por $0x0, $0x0;
	[sflag:s7] =	ssyncadd.s32 $0xFFFFD800  }
0x31: {  	s3 =	simm.s32 @p0 $0xD;
	[bflag:$0x0] =	sbarrier.arrive $0xFFFF  }
0x32: {  	_ =	swait.ge @p0 [sflag:s3], $0x1400  }
0x33: {  	s9 =	simm.s32 @p0 $0xE;
	s1 =	simm.s32 @p0 $0x14000;
	[sflag:s3] =	ssyncset.done @p0 $0x0  }
0x34: {  	s4 =	simm.s32 @p0 $0x16A80;
	[sflag:s3] =	ssyncadd.s32 @p0 $0xFFFFEC00;
	s3 =	simm.s32 @p0 $0x28  }
0x35: {  	[tilespmem:s4], [sflag:$0x7] =	stream.indirect.gather @p0 [hbm4b:s5+s3], $0x80, s1, s3, $0xb8;
	[tilespmem:$0x1E280] =	vst v63  }
0x36: {  	s7 =	simm.s32 @p0 $0x16780;
	s17 =	rddreg [dreg:$0x16];
	s4 =	simm.s32 @p0 $0x0  }
0x37: {  	[tilespmem:s7], [sflag:$0x1] =	stream.linear.gather @p0 [hbm4b:s17+s4], $0x28, $0x38;
	[tilespmem:$0x1E280] =	vst v63  }
0x38: {  	_ =	swait.ge @p0 [sflag:s9], $0x1400  }
0x39: {  	[sflag:s9] =	ssyncset.done @p0 $0x0  }
0x3a: {  	s7 =	simm.s32 @p0 $0x14028;
	[sflag:s9] =	ssyncadd.s32 @p0 $0xFFFFEC00;
	s9 =	simm.s32 @p0 $0x17E80  }
0x3b: {  	[tilespmem:s9], [sflag:$0x8] =	stream.indirect.gather @p0 [hbm4b:s5+s3], $0x80, s7, s3, $0xb8;
	[tilespmem:$0x1E280] =	vst v63  }
0x3c: {  	s26 =	rddreg [dreg:$0x1a];
	s7 =	simm.s32 @p0 $0x16800;
	s9 =	simm.s32 @p0 $0xF  }
0x3d: {  	[tilespmem:s7], [sflag:$0x2] =	stream.linear.gather @p0 [hbm4b:s26+s4], $0x28, $0x38;
	[tilespmem:$0x1E280] =	vst v63  }
0x3e: {  	_ =	swait.ge @p0 [sflag:s9], $0x1400  }
0x3f: {  	[sflag:s9] =	ssyncset.done @p0 $0x0  }
0x40: {  	s7 =	simm.s32 @p0 $0x14050;
	[sflag:s9] =	ssyncadd.s32 @p0 $0xFFFFEC00;
	s9 =	simm.s32 @p0 $0x19280  }
0x41: {  	[tilespmem:s9], [sflag:$0x9] =	stream.indirect.gather @p0 [hbm4b:s5+s3], $0x80, s7, s3, $0xb8;
	[tilespmem:$0x1E280] =	vst v63  }
0x42: {  	s24 =	rddreg [dreg:$0x19];
	s7 =	simm.s32 @p0 $0x16880;
	s9 =	simm.s32 @p0 $0x10  }
0x43: {  	[tilespmem:s7], [sflag:$0x3] =	stream.linear.gather @p0 [hbm4b:s24+s4], $0x28, $0x38;
	[tilespmem:$0x1E280] =	vst v63  }
0x44: {  	_ =	swait.ge @p0 [sflag:s9], $0x1400  }
0x45: {  	[sflag:s9] =	ssyncset.done @p0 $0x0  }
0x46: {  	s7 =	simm.s32 @p0 $0x14078;
	[sflag:s9] =	ssyncadd.s32 @p0 $0xFFFFEC00;
	s9 =	simm.s32 @p0 $0x1A680  }
0x47: {  	[tilespmem:s9], [sflag:$0xA] =	stream.indirect.gather @p0 [hbm4b:s5+s3], $0x80, s7, s3, $0xb8;
	[tilespmem:$0x1E280] =	vst v63  }
0x48: {  	s18 =	rddreg [dreg:$0x18];
	s7 =	simm.s32 @p0 $0x16900;
	s9 =	simm.s32 @p0 $0x11  }
0x49: {  	[tilespmem:s7], [sflag:$0x4] =	stream.linear.gather @p0 [hbm4b:s18+s4], $0x28, $0x38;
	[tilespmem:$0x1E280] =	vst v63  }
0x4a: {  	_ =	swait.ge @p0 [sflag:s9], $0x1400  }
0x4b: {  	[sflag:s9] =	ssyncset.done @p0 $0x0  }
0x4c: {  	s7 =	simm.s32 @p0 $0x140A0;
	[sflag:s9] =	ssyncadd.s32 @p0 $0xFFFFEC00;
	s9 =	simm.s32 @p0 $0x1BA80  }
0x4d: {  	[tilespmem:s9], [sflag:$0xB] =	stream.indirect.gather @p0 [hbm4b:s5+s3], $0x80, s7, s3, $0xb8;
	[tilespmem:$0x1E280] =	vst v63  }
0x4e: {  	s14 =	rddreg [dreg:$0x17];
	s3 =	simm.s32 @p0 $0x16980;
	s7 =	simm.s32 @p0 $0x12  }
0x4f: {  	[tilespmem:s3], [sflag:$0x5] =	stream.linear.gather @p0 [hbm4b:s14+s4], $0x28, $0x38;
	[tilespmem:$0x1E280] =	vst v63  }
0x50: {  	_ =	swait.ge @p0 [sflag:s7], $0x1400  }
0x51: {  	s3 =	simm.s32 @!p0 $0x16A80;
	[sflag:s7] =	ssyncset.done @p0 $0x0  }
0x52: {  	s4 =	simm.s32 @!p0 $0x28;
	[sflag:s7] =	ssyncadd.s32 @p0 $0xFFFFEC00;
	s7 =	simm.s32 @!p0 $0x14000  }
0x53: {  	[tilespmem:s3], [sflag:$0x7] =	stream.indirect.gather @!p0 [hbm4b:s5+s4], $0x80, s7, s4, $0xb8;
	[tilespmem:$0x1E280] =	vst v63  }
0x54: {  	s8 =	rddreg [dreg:$0xb];
	s3 =	simm.s32 @!p0 $0x0;
	s7 =	simm.s32 @!p0 $0x16780  }
0x55: {  	[tilespmem:s7], [sflag:$0x1] =	stream.linear.gather @!p0 [hbm4b:s8+s3], $0x28, $0x38;
	[tilespmem:$0x1E280] =	vst v63  }
0x56: {  	s9 =	simm.s32 @!p0 $0x17E80;
	s7 =	simm.s32 @!p0 $0x14028  }
0x57: {  	[tilespmem:s9], [sflag:$0x8] =	stream.indirect.gather @!p0 [hbm4b:s5+s4], $0x80, s7, s4, $0xb8;
	[tilespmem:$0x1E280] =	vst v63  }
0x58: {  	s12 =	rddreg [dreg:$0x3];
	s7 =	simm.s32 @!p0 $0x16800  }
0x59: {  	[tilespmem:s7], [sflag:$0x2] =	stream.linear.gather @!p0 [hbm4b:s12+s3], $0x28, $0x38;
	[tilespmem:$0x1E280] =	vst v63  }
0x5a: {  	s9 =	simm.s32 @!p0 $0x19280;
	s7 =	simm.s32 @!p0 $0x14050  }
0x5b: {  	[tilespmem:s9], [sflag:$0x9] =	stream.indirect.gather @!p0 [hbm4b:s5+s4], $0x80, s7, s4, $0xb8;
	[tilespmem:$0x1E280] =	vst v63  }
0x5c: {  	s12 =	rddreg [dreg:$0x4];
	s7 =	simm.s32 @!p0 $0x16880  }
0x5d: {  	[tilespmem:s7], [sflag:$0x3] =	stream.linear.gather @!p0 [hbm4b:s12+s3], $0x28, $0x38;
	[tilespmem:$0x1E280] =	vst v63  }
0x5e: {  	s13 =	rddreg [dreg:$0x9];
	s9 =	simm.s32 @!p0 $0x1A680;
	s7 =	simm.s32 @!p0 $0x14078  }
0x5f: {  	[tilespmem:s9], [sflag:$0xA] =	stream.indirect.gather @!p0 [hbm4b:s5+s4], $0x80, s7, s4, $0xb8;
	[tilespmem:$0x1E280] =	vst v63  }
0x60: {  	s1 =	simm.s32 @!p0 $0x14000;
	s12 =	rddreg [dreg:$0x5];
	s7 =	simm.s32 @!p0 $0x16900  }
0x61: {  	[tilespmem:s7], [sflag:$0x4] =	stream.linear.gather @!p0 [hbm4b:s12+s3], $0x28, $0x38;
	[tilespmem:$0x1E280] =	vst v63  }
0x62: {  	s8 =	rddreg [dreg:$0x12];
	s9 =	simm.s32 @!p0 $0x1BA80;
	s7 =	simm.s32 @!p0 $0x140A0  }
0x63: {  	[tilespmem:s9], [sflag:$0xB] =	stream.indirect.gather @!p0 [hbm4b:s5+s4], $0x80, s7, s4, $0xb8;
	[tilespmem:$0x1E280] =	vst v63  }
0x64: {  	s13 =	smov.u32 @p0 s8;
	s12 =	rddreg [dreg:$0x6];
	s7 =	simm.s32 @!p0 $0x16980  }
0x65: {  	[tilespmem:s7], [sflag:$0x5] =	stream.linear.gather @!p0 [hbm4b:s12+s3], $0x28, $0x38;
	[tilespmem:$0x1E280] =	vst v63  }
0x66: {  	s1 =	sadd.s32 $0xC8, s1;
	s9 =	sadd.s32 $0xC8, s13  }
0x67: {  	[tilespmem:s28], [sflag:$0xC] =	stream.indirect.gather [hbm4b:s5+s25], $0x80, s1, s25, $0xb8;
	[tilespmem:$0x1E280] =	vst v63  }
0x68: {  	s13 =	sshrl.u32 s9, $0x3;
	s28 =	rddreg [dreg:$0xa]  }
0x69: {  	s29 =	simm.s32 $0x1;
	s1 =	sadd.s32 s28, s13  }
0x6a: {  	[tilespmem:s23], [sflag:$0x6] =	stream.linear.gather [hbm4b:s1+s6], $0x28, $0x38;
	[tilespmem:$0x1E280] =	vst v63  }
0x6b: {  	_ =	swait.ge [sflag:s29], $0x28  }
0x6c: {  	[sflag:s29] =	ssyncset.done $0x0  }
0x6d: {  	s30 =	simm.s32 $0x7;
	[sflag:s29] =	ssyncadd.s32 $0xFFFFFFD8  }
0x6e: {  	_ =	swait.ge [sflag:s30], $0x1400  }
0x6f: {  	s4 =	simm.s32 $0x2;
	[sflag:s30] =	ssyncset.done $0x0  }
0x70: {  	s3 =	simm.s32 $0x16A80;
	s1 =	simm.s32 $0x16780;
	[sflag:s30] =	ssyncadd.s32 $0xFFFFEC00  }
0x71: {  	[spmem:s2] =	stream.indirect.scatter.add.f32 [tilespmem:s3], [sflag:$0xD], $0x80, s1, s25, $0xb8;
	[tilespmem:$0x1E280] =	vst v63  }
0x72: {  	_ =	swait.ge [sflag:s4], $0x28  }
0x73: {  	[sflag:s4] =	ssyncset.done $0x0  }
0x74: {  	s6 =	simm.s32 $0x8;
	[sflag:s4] =	ssyncadd.s32 $0xFFFFFFD8  }
0x75: {  	_ =	swait.ge [sflag:s6], $0x1400  }
0x76: {  	[sflag:s6] =	ssyncset.done $0x0  }
0x77: {  	s9 =	simm.s32 $0x17E80;
	s7 =	simm.s32 $0x16800;
	[sflag:s6] =	ssyncadd.s32 $0xFFFFEC00  }
0x78: {  	[spmem:s2] =	stream.indirect.scatter.add.f32 [tilespmem:s9], [sflag:$0xE], $0x80, s7, s25, $0xb8;
	[tilespmem:$0x1E280] =	vst v63  }
0x79: {  	_ =	swait.ge [sflag:s10], $0x28  }
0x7a: {  	[sflag:s10] =	ssyncset.done $0x0  }
0x7b: {  	[sflag:s10] =	ssyncadd.s32 $0xFFFFFFD8  }
0x7c: {  	_ =	swait.ge [sflag:s11], $0x1400  }
0x7d: {  	[sflag:s11] =	ssyncset.done $0x0  }
0x7e: {  	s12 =	simm.s32 $0x16880;
	s13 =	simm.s32 $0x19280;
	[sflag:s11] =	ssyncadd.s32 $0xFFFFEC00  }
0x7f: {  	[spmem:s2] =	stream.indirect.scatter.add.f32 [tilespmem:s13], [sflag:$0xF], $0x80, s12, s25, $0xb8;
	[tilespmem:$0x1E280] =	vst v63  }
0x80: {  	_ =	swait.ge [sflag:s15], $0x28  }
0x81: {  	[sflag:s15] =	ssyncset.done $0x0  }
0x82: {  	[sflag:s15] =	ssyncadd.s32 $0xFFFFFFD8  }
0x83: {  	_ =	swait.ge [sflag:s16], $0x1400  }
0x84: {  	[sflag:s16] =	ssyncset.done $0x0  }
0x85: {  	s28 =	simm.s32 $0x1A680;
	s23 =	simm.s32 $0x16900;
	[sflag:s16] =	ssyncadd.s32 $0xFFFFEC00  }
0x86: {  	[spmem:s2] =	stream.indirect.scatter.add.f32 [tilespmem:s28], [sflag:$0x10], $0x80, s23, s25, $0xb8;
	[tilespmem:$0x1E280] =	vst v63  }
0x87: {  	_ =	swait.ge [sflag:s19], $0x28  }
0x88: {  	[sflag:s19] =	ssyncset.done $0x0  }
0x89: {  	[sflag:s19] =	ssyncadd.s32 $0xFFFFFFD8  }
0x8a: {  	_ =	swait.ge [sflag:s20], $0x1400  }
0x8b: {  	s29 =	rddreg [dreg:$0x7];
	[sflag:s20] =	ssyncset.done $0x0  }
0x8c: {  	s30 =	rddreg [dreg:$0x8];
	[sflag:s20] =	ssyncadd.s32 $0xFFFFEC00  }
0x8d: {  	[spmem:s2] =	stream.indirect.scatter.add.f32 [tilespmem:s30], [sflag:$0x11], $0x80, s29, s25, $0xb8;
	[tilespmem:$0x1E280] =	vst v63  }
0x8e: {  	s31 =	sadd.s32 $0x1E, s24;
	s24 =	sadd.s32 $0x1E, s14;
	_ =	swait.ge [sflag:s21], $0x28  }
0x8f: {  	s14 =	sadd.s32 $0xF0, s8;
	s1 =	sadd.s32 $0x1E, s26;
	[sflag:s21] =	ssyncset.done $0x0  }
0x90: {  	s3 =	sadd.s32 $0x1E, s18;
	s9 =	simm.s32 $0x780;
	[sflag:s21] =	ssyncadd.s32 $0xFFFFFFD8  }
0x91: {  	s7 =	sadd.s32 $0x1E, s17;
	s12 =	simm.s32 $0x3C0;
	_ =	swait.ge [sflag:s22], $0x1400  }
.LBB2_2:
0x92: {  	p1 =	sne.s32 s12, $0x0;
	[sflag:s22] =	ssyncset.done $0x0;
	s23 =	simm.s32 $0x1CE80  }
0x93: {  	s0 =	simm.s32 $0x16A00;
	s4 =	simm.s32 @p1 $0xD;
	[sflag:s22] =	ssyncadd.s32 $0xFFFFEC00  }
0x94: {  	[spmem:s2] =	stream.indirect.scatter.add.f32 [tilespmem:s23], [sflag:$0x12], $0x80, s0, s25, $0xb8;
	[tilespmem:$0x1E280] =	vst v63  }
0x95: {  	_ =	swait.ge @p1 [sflag:s4], $0x1400  }
0x96: {  	s12 =	sshra.s32 @p1 s12, $0x2;
	s18 =	simm.s32 @p1 $0x28;
	[sflag:s4] =	ssyncset.done @p1 $0x0  }
0x97: {  	s13 =	sadd.s32 @p1 $0x14000, s12;
	[sflag:s4] =	ssyncadd.s32 @p1 $0xFFFFEC00;
	s4 =	simm.s32 @p1 $0x16A80  }
0x98: {  	[tilespmem:s4], [sflag:$0x7] =	stream.indirect.gather @p1 [hbm4b:s5+s18], $0x80, s13, s18, $0xb8;
	[tilespmem:$0x1E280] =	vst v63  }
0x99: {  	s28 =	simm.s32 @p1 $0x16780;
	s29 =	simm.s32 @p1 $0xE;
	s4 =	simm.s32 @p1 $0x0  }
0x9a: {  	[tilespmem:s28], [sflag:$0x1] =	stream.linear.gather @p1 [hbm4b:s7+s4], $0x28, $0x38;
	[tilespmem:$0x1E280] =	vst v63  }
0x9b: {  	s17 =	sadd.s32 @p1 $0x14028, s12;
	s8 =	sadd.s32 @p1 $0x14050, s12;
	_ =	swait.ge @p1 [sflag:s29], $0x1400  }
0x9c: {  	s26 =	sadd.s32 @p1 $0x14078, s12;
	s28 =	sadd.s32 @p1 $0x140A0, s12;
	[sflag:s29] =	ssyncset.done @p1 $0x0  }
0x9d: {  	s12 =	rddreg [dreg:$0x9];
	[sflag:s29] =	ssyncadd.s32 @p1 $0xFFFFEC00;
	s29 =	simm.s32 @p1 $0x17E80  }
0x9e: {  	[tilespmem:s29], [sflag:$0x8] =	stream.indirect.gather @p1 [hbm4b:s5+s18], $0x80, s17, s18, $0xb8;
	[tilespmem:$0x1E280] =	vst v63  }
0x9f: {  	s30 =	simm.s32 @p1 $0xF;
	s12 =	smov.u32 @p1 s14;
	s29 =	simm.s32 @p1 $0x16800  }
0xa0: {  	[tilespmem:s29], [sflag:$0x2] =	stream.linear.gather @p1 [hbm4b:s1+s4], $0x28, $0x38;
	[tilespmem:$0x1E280] =	vst v63  }
0xa1: {  	s12 =	sadd.s32 $0xC8, s12;
	_ =	swait.ge @p1 [sflag:s30], $0x1400  }
0xa2: {  	s6 =	smov.u32 s9;
	s17 =	sshrl.u32 s12, $0x3;
	[sflag:s30] =	ssyncset.done @p1 $0x0  }
0xa3: {  	s12 =	smov.u32 s6;
	s6 =	simm.s32 @p1 $0x19280;
	[sflag:s30] =	ssyncadd.s32 @p1 $0xFFFFEC00  }
0xa4: {  	[tilespmem:s6], [sflag:$0x9] =	stream.indirect.gather @p1 [hbm4b:s5+s18], $0x80, s8, s18, $0xb8;
	[tilespmem:$0x1E280] =	vst v63  }
0xa5: {  	s6 =	simm.s32 @p1 $0x16880;
	s8 =	simm.s32 @p1 $0x10  }
0xa6: {  	[tilespmem:s6], [sflag:$0x3] =	stream.linear.gather @p1 [hbm4b:s31+s4], $0x28, $0x38;
	[tilespmem:$0x1E280] =	vst v63  }
0xa7: {  	_ =	swait.ge @p1 [sflag:s8], $0x1400  }
0xa8: {  	[sflag:s8] =	ssyncset.done @p1 $0x0  }
0xa9: {  	s6 =	simm.s32 @p1 $0x1A680;
	[sflag:s8] =	ssyncadd.s32 @p1 $0xFFFFEC00  }
0xaa: {  	[tilespmem:s6], [sflag:$0xA] =	stream.indirect.gather @p1 [hbm4b:s5+s18], $0x80, s26, s18, $0xb8;
	[tilespmem:$0x1E280] =	vst v63  }
0xab: {  	s8 =	simm.s32 @p1 $0x11;
	s6 =	simm.s32 @p1 $0x16900  }
0xac: {  	[tilespmem:s6], [sflag:$0x4] =	stream.linear.gather @p1 [hbm4b:s3+s4], $0x28, $0x38;
	[tilespmem:$0x1E280] =	vst v63  }
0xad: {  	_ =	swait.ge @p1 [sflag:s8], $0x1400  }
0xae: {  	[sflag:s8] =	ssyncset.done @p1 $0x0  }
0xaf: {  	s6 =	simm.s32 @p1 $0x1BA80;
	[sflag:s8] =	ssyncadd.s32 @p1 $0xFFFFEC00  }
0xb0: {  	[tilespmem:s6], [sflag:$0xB] =	stream.indirect.gather @p1 [hbm4b:s5+s18], $0x80, s28, s18, $0xb8;
	[tilespmem:$0x1E280] =	vst v63  }
0xb1: {  	s8 =	simm.s32 @p1 $0x12;
	s6 =	simm.s32 @p1 $0x16980  }
0xb2: {  	[tilespmem:s6], [sflag:$0x5] =	stream.linear.gather @p1 [hbm4b:s24+s4], $0x28, $0x38;
	[tilespmem:$0x1E280] =	vst v63  }
0xb3: {  	_ =	swait.ge @p1 [sflag:s8], $0x1400  }
0xb4: {  	s4 =	simm.s32 @!p1 $0x16A80;
	[sflag:s8] =	ssyncset.done @p1 $0x0  }
0xb5: {  	s6 =	simm.s32 @!p1 $0x28;
	[sflag:s8] =	ssyncadd.s32 @p1 $0xFFFFEC00;
	s8 =	simm.s32 @!p1 $0x14000  }
0xb6: {  	[tilespmem:s4], [sflag:$0x7] =	stream.indirect.gather @!p1 [hbm4b:s5+s6], $0x80, s8, s6, $0xb8;
	[tilespmem:$0x1E280] =	vst v63  }
0xb7: {  	s18 =	rddreg [dreg:$0xb];
	s4 =	simm.s32 @!p1 $0x0;
	s8 =	simm.s32 @!p1 $0x16780  }
0xb8: {  	[tilespmem:s8], [sflag:$0x1] =	stream.linear.gather @!p1 [hbm4b:s18+s4], $0x28, $0x38;
	[tilespmem:$0x1E280] =	vst v63  }
0xb9: {  	s8 =	simm.s32 @!p1 $0x14028;
	s18 =	simm.s32 @!p1 $0x17E80  }
0xba: {  	[tilespmem:s18], [sflag:$0x8] =	stream.indirect.gather @!p1 [hbm4b:s5+s6], $0x80, s8, s6, $0xb8;
	[tilespmem:$0x1E280] =	vst v63  }
0xbb: {  	s26 =	rddreg [dreg:$0x3];
	s8 =	simm.s32 @!p1 $0x16800  }
0xbc: {  	[tilespmem:s8], [sflag:$0x2] =	stream.linear.gather @!p1 [hbm4b:s26+s4], $0x28, $0x38;
	[tilespmem:$0x1E280] =	vst v63  }
0xbd: {  	s18 =	simm.s32 @!p1 $0x19280;
	s8 =	simm.s32 @!p1 $0x14050  }
0xbe: {  	[tilespmem:s18], [sflag:$0x9] =	stream.indirect.gather @!p1 [hbm4b:s5+s6], $0x80, s8, s6, $0xb8;
	[tilespmem:$0x1E280] =	vst v63  }
0xbf: {  	s26 =	rddreg [dreg:$0x4];
	s8 =	simm.s32 @!p1 $0x16880  }
0xc0: {  	[tilespmem:s8], [sflag:$0x3] =	stream.linear.gather @!p1 [hbm4b:s26+s4], $0x28, $0x38;
	[tilespmem:$0x1E280] =	vst v63  }
0xc1: {  	s18 =	simm.s32 @!p1 $0x1A680;
	s8 =	simm.s32 @!p1 $0x14078  }
0xc2: {  	[tilespmem:s18], [sflag:$0xA] =	stream.indirect.gather @!p1 [hbm4b:s5+s6], $0x80, s8, s6, $0xb8;
	[tilespmem:$0x1E280] =	vst v63  }
0xc3: {  	s26 =	rddreg [dreg:$0x5];
	s8 =	simm.s32 @!p1 $0x16900  }
0xc4: {  	[tilespmem:s8], [sflag:$0x4] =	stream.linear.gather @!p1 [hbm4b:s26+s4], $0x28, $0x38;
	[tilespmem:$0x1E280] =	vst v63  }
0xc5: {  	s18 =	simm.s32 @!p1 $0x1BA80;
	s8 =	simm.s32 @!p1 $0x140A0  }
0xc6: {  	[tilespmem:s18], [sflag:$0xB] =	stream.indirect.gather @!p1 [hbm4b:s5+s6], $0x80, s8, s6, $0xb8;
	[tilespmem:$0x1E280] =	vst v63  }
0xc7: {  	s13 =	simm.s32 @!p1 $0x14000;
	s26 =	rddreg [dreg:$0x6];
	s6 =	simm.s32 @!p1 $0x16980  }
0xc8: {  	[tilespmem:s6], [sflag:$0x5] =	stream.linear.gather @!p1 [hbm4b:s26+s4], $0x28, $0x38;
	[tilespmem:$0x1E280] =	vst v63  }
0xc9: {  	s13 =	sadd.s32 $0xC8, s13;
	s18 =	rddreg [dreg:$0xa]  }
0xca: {  	[tilespmem:s23], [sflag:$0xC] =	stream.indirect.gather [hbm4b:s5+s25], $0x80, s13, s25, $0xb8;
	[tilespmem:$0x1E280] =	vst v63  }
0xcb: {  	s4 =	sadd.s32 s18, s17;
	s26 =	simm.s32 $0x1;
	s23 =	simm.s32 $0x0  }
0xcc: {  	[tilespmem:s0], [sflag:$0x6] =	stream.linear.gather [hbm4b:s4+s23], $0x28, $0x38;
	[tilespmem:$0x1E280] =	vst v63  }
0xcd: {  	_ =	swait.ge [sflag:s26], $0x28  }
0xce: {  	[sflag:s26] =	ssyncset.done $0x0  }
0xcf: {  	s28 =	simm.s32 $0x7;
	[sflag:s26] =	ssyncadd.s32 $0xFFFFFFD8  }
0xd0: {  	_ =	swait.ge [sflag:s28], $0x1400  }
0xd1: {  	s29 =	simm.s32 $0x16780;
	[sflag:s28] =	ssyncset.done $0x0  }
0xd2: {  	s30 =	simm.s32 $0x16A80;
	s6 =	simm.s32 $0x2;
	[sflag:s28] =	ssyncadd.s32 $0xFFFFEC00  }
0xd3: {  	[spmem:s2] =	stream.indirect.scatter.add.f32 [tilespmem:s30], [sflag:$0xD], $0x80, s29, s25, $0xb8;
	[tilespmem:$0x1E280] =	vst v63  }
0xd4: {  	_ =	swait.ge [sflag:s6], $0x28  }
0xd5: {  	[sflag:s6] =	ssyncset.done $0x0  }
0xd6: {  	s8 =	simm.s32 $0x8;
	[sflag:s6] =	ssyncadd.s32 $0xFFFFFFD8  }
0xd7: {  	_ =	swait.ge [sflag:s8], $0x1400  }
0xd8: {  	[sflag:s8] =	ssyncset.done $0x0  }
0xd9: {  	s17 =	simm.s32 $0x17E80;
	s13 =	simm.s32 $0x16800;
	[sflag:s8] =	ssyncadd.s32 $0xFFFFEC00  }
0xda: {  	[spmem:s2] =	stream.indirect.scatter.add.f32 [tilespmem:s17], [sflag:$0xE], $0x80, s13, s25, $0xb8;
	[tilespmem:$0x1E280] =	vst v63  }
0xdb: {  	_ =	swait.ge [sflag:s10], $0x28  }
0xdc: {  	[sflag:s10] =	ssyncset.done $0x0  }
0xdd: {  	[sflag:s10] =	ssyncadd.s32 $0xFFFFFFD8  }
0xde: {  	_ =	swait.ge [sflag:s11], $0x1400  }
0xdf: {  	[sflag:s11] =	ssyncset.done $0x0  }
0xe0: {  	s18 =	simm.s32 $0x16880;
	s23 =	simm.s32 $0x19280;
	[sflag:s11] =	ssyncadd.s32 $0xFFFFEC00  }
0xe1: {  	[spmem:s2] =	stream.indirect.scatter.add.f32 [tilespmem:s23], [sflag:$0xF], $0x80, s18, s25, $0xb8;
	[tilespmem:$0x1E280] =	vst v63  }
0xe2: {  	_ =	swait.ge [sflag:s15], $0x28  }
0xe3: {  	[sflag:s15] =	ssyncset.done $0x0  }
0xe4: {  	[sflag:s15] =	ssyncadd.s32 $0xFFFFFFD8  }
0xe5: {  	_ =	swait.ge [sflag:s16], $0x1400  }
0xe6: {  	[sflag:s16] =	ssyncset.done $0x0  }
0xe7: {  	s26 =	simm.s32 $0x16900;
	s28 =	simm.s32 $0x1A680;
	[sflag:s16] =	ssyncadd.s32 $0xFFFFEC00  }
0xe8: {  	[spmem:s2] =	stream.indirect.scatter.add.f32 [tilespmem:s28], [sflag:$0x10], $0x80, s26, s25, $0xb8;
	[tilespmem:$0x1E280] =	vst v63  }
0xe9: {  	_ =	swait.ge [sflag:s19], $0x28  }
0xea: {  	[sflag:s19] =	ssyncset.done $0x0  }
0xeb: {  	[sflag:s19] =	ssyncadd.s32 $0xFFFFFFD8  }
0xec: {  	_ =	swait.ge [sflag:s20], $0x1400  }
0xed: {  	s9 =	sadd.s32 $0x3C0, s9;
	[sflag:s20] =	ssyncset.done $0x0;
	s29 =	rddreg [dreg:$0x7]  }
0xee: {  	p0 =	sne.s32 s9, $0x99C0;
	s30 =	rddreg [dreg:$0x8];
	[sflag:s20] =	ssyncadd.s32 $0xFFFFEC00  }
0xef: {  	[spmem:s2] =	stream.indirect.scatter.add.f32 [tilespmem:s30], [sflag:$0x11], $0x80, s29, s25, $0xb8;
	[tilespmem:$0x1E280] =	vst v63  }
.Ltmp0:
0xf0: {  	_ = 	snop;
	(pc) =	sbr.rel @p0 .LBB2_2-.Ltmp0, $4  }
0xf1: {  	_ =	swait.ge [sflag:s21], $0x28  }
0xf2: {  	s7 =	sadd.s32 $0x1E, s7;
	s14 =	sadd.s32 $0xF0, s14;
	[sflag:s21] =	ssyncset.done $0x0  }
0xf3: {  	s1 =	sadd.s32 $0x1E, s1;
	s31 =	sadd.s32 $0x1E, s31;
	[sflag:s21] =	ssyncadd.s32 $0xFFFFFFD8  }
0xf4: {  	s3 =	sadd.s32 $0x1E, s3;
	s24 =	sadd.s32 $0x1E, s24;
	_ =	swait.ge [sflag:s22], $0x1400  }
0xf5: {  	p0 =	sne.s32 s12, $0x0;
	[sflag:s22] =	ssyncset.done $0x0;
	s13 =	simm.s32 $0x1CE80  }
0xf6: {  	s0 =	simm.s32 $0x16A00;
	s4 =	simm.s32 @p0 $0xD;
	[sflag:s22] =	ssyncadd.s32 $0xFFFFEC00  }
0xf7: {  	[spmem:s2] =	stream.indirect.scatter.add.f32 [tilespmem:s13], [sflag:$0x12], $0x80, s0, s25, $0xb8;
	[tilespmem:$0x1E280] =	vst v63  }
0xf8: {  	_ =	swait.ge @p0 [sflag:s4], $0x1400  }
0xf9: {  	s6 =	sshra.s32 @p0 s12, $0x2;
	s8 =	simm.s32 @p0 $0x16A80;
	[sflag:s4] =	ssyncset.done @p0 $0x0  }
0xfa: {  	s9 =	sadd.s32 @p0 $0x14000, s6;
	[sflag:s4] =	ssyncadd.s32 @p0 $0xFFFFEC00;
	s4 =	simm.s32 @p0 $0x28  }
0xfb: {  	[tilespmem:s8], [sflag:$0x7] =	stream.indirect.gather @p0 [hbm4b:s5+s4], $0x80, s9, s4, $0xb8;
	[tilespmem:$0x1E280] =	vst v63  }
0xfc: {  	s12 =	simm.s32 @p0 $0x16780;
	s8 =	simm.s32 @p0 $0x0  }
0xfd: {  	[tilespmem:s12], [sflag:$0x1] =	stream.linear.gather @p0 [hbm4b:s7+s8], $0x28, $0x38;
	[tilespmem:$0x1E280] =	vst v63  }
0xfe: {  	s7 =	simm.s32 @p0 $0xE  }
0xff: {  	_ =	swait.ge @p0 [sflag:s7], $0x1400  }
0x100: {  	[sflag:s7] =	ssyncset.done @p0 $0x0  }
0x101: {  	s12 =	sadd.s32 @p0 $0x14028, s6;
	[sflag:s7] =	ssyncadd.s32 @p0 $0xFFFFEC00;
	s7 =	simm.s32 @p0 $0x17E80  }
0x102: {  	[tilespmem:s7], [sflag:$0x8] =	stream.indirect.gather @p0 [hbm4b:s5+s4], $0x80, s12, s4, $0xb8;
	[tilespmem:$0x1E280] =	vst v63  }
0x103: {  	s7 =	simm.s32 @p0 $0x16800  }
0x104: {  	[tilespmem:s7], [sflag:$0x2] =	stream.linear.gather @p0 [hbm4b:s1+s8], $0x28, $0x38;
	[tilespmem:$0x1E280] =	vst v63  }
0x105: {  	s1 =	simm.s32 @p0 $0xF  }
0x106: {  	_ =	swait.ge @p0 [sflag:s1], $0x1400  }
0x107: {  	[sflag:s1] =	ssyncset.done @p0 $0x0  }
0x108: {  	s7 =	sadd.s32 @p0 $0x14050, s6;
	[sflag:s1] =	ssyncadd.s32 @p0 $0xFFFFEC00;
	s1 =	simm.s32 @p0 $0x19280  }
0x109: {  	[tilespmem:s1], [sflag:$0x9] =	stream.indirect.gather @p0 [hbm4b:s5+s4], $0x80, s7, s4, $0xb8;
	[tilespmem:$0x1E280] =	vst v63  }
0x10a: {  	s1 =	simm.s32 @p0 $0x16880  }
0x10b: {  	[tilespmem:s1], [sflag:$0x3] =	stream.linear.gather @p0 [hbm4b:s31+s8], $0x28, $0x38;
	[tilespmem:$0x1E280] =	vst v63  }
0x10c: {  	s1 =	simm.s32 @p0 $0x10  }
0x10d: {  	_ =	swait.ge @p0 [sflag:s1], $0x1400  }
0x10e: {  	[sflag:s1] =	ssyncset.done @p0 $0x0  }
0x10f: {  	s7 =	sadd.s32 @p0 $0x14078, s6;
	[sflag:s1] =	ssyncadd.s32 @p0 $0xFFFFEC00;
	s1 =	simm.s32 @p0 $0x1A680  }
0x110: {  	[tilespmem:s1], [sflag:$0xA] =	stream.indirect.gather @p0 [hbm4b:s5+s4], $0x80, s7, s4, $0xb8;
	[tilespmem:$0x1E280] =	vst v63  }
0x111: {  	s1 =	simm.s32 @p0 $0x16900  }
0x112: {  	[tilespmem:s1], [sflag:$0x4] =	stream.linear.gather @p0 [hbm4b:s3+s8], $0x28, $0x38;
	[tilespmem:$0x1E280] =	vst v63  }
0x113: {  	s1 =	simm.s32 @p0 $0x11  }
0x114: {  	_ =	swait.ge @p0 [sflag:s1], $0x1400  }
0x115: {  	[sflag:s1] =	ssyncset.done @p0 $0x0  }
0x116: {  	s3 =	sadd.s32 @p0 $0x140A0, s6;
	[sflag:s1] =	ssyncadd.s32 @p0 $0xFFFFEC00;
	s1 =	simm.s32 @p0 $0x1BA80  }
0x117: {  	[tilespmem:s1], [sflag:$0xB] =	stream.indirect.gather @p0 [hbm4b:s5+s4], $0x80, s3, s4, $0xb8;
	[tilespmem:$0x1E280] =	vst v63  }
0x118: {  	s1 =	simm.s32 @p0 $0x16980;
	s3 =	simm.s32 @p0 $0x12  }
0x119: {  	[tilespmem:s1], [sflag:$0x5] =	stream.linear.gather @p0 [hbm4b:s24+s8], $0x28, $0x38;
	[tilespmem:$0x1E280] =	vst v63  }
0x11a: {  	_ =	swait.ge @p0 [sflag:s3], $0x1400  }
0x11b: {  	s4 =	simm.s32 @!p0 $0x14000;
	[sflag:s3] =	ssyncset.done @p0 $0x0  }
0x11c: {  	s1 =	simm.s32 @!p0 $0x16A80;
	[sflag:s3] =	ssyncadd.s32 @p0 $0xFFFFEC00;
	s3 =	simm.s32 @!p0 $0x28  }
0x11d: {  	[tilespmem:s1], [sflag:$0x7] =	stream.indirect.gather @!p0 [hbm4b:s5+s3], $0x80, s4, s3, $0xb8;
	[tilespmem:$0x1E280] =	vst v63  }
0x11e: {  	s6 =	rddreg [dreg:$0xb];
	s1 =	simm.s32 @!p0 $0x0;
	s4 =	simm.s32 @!p0 $0x16780  }
0x11f: {  	[tilespmem:s4], [sflag:$0x1] =	stream.linear.gather @!p0 [hbm4b:s6+s1], $0x28, $0x38;
	[tilespmem:$0x1E280] =	vst v63  }
0x120: {  	s4 =	simm.s32 @!p0 $0x14028;
	s6 =	simm.s32 @!p0 $0x17E80  }
0x121: {  	[tilespmem:s6], [sflag:$0x8] =	stream.indirect.gather @!p0 [hbm4b:s5+s3], $0x80, s4, s3, $0xb8;
	[tilespmem:$0x1E280] =	vst v63  }
0x122: {  	s7 =	rddreg [dreg:$0x3];
	s4 =	simm.s32 @!p0 $0x16800  }
0x123: {  	[tilespmem:s4], [sflag:$0x2] =	stream.linear.gather @!p0 [hbm4b:s7+s1], $0x28, $0x38;
	[tilespmem:$0x1E280] =	vst v63  }
0x124: {  	s6 =	simm.s32 @!p0 $0x19280;
	s4 =	simm.s32 @!p0 $0x14050  }
0x125: {  	[tilespmem:s6], [sflag:$0x9] =	stream.indirect.gather @!p0 [hbm4b:s5+s3], $0x80, s4, s3, $0xb8;
	[tilespmem:$0x1E280] =	vst v63  }
0x126: {  	s7 =	rddreg [dreg:$0x4];
	s4 =	simm.s32 @!p0 $0x16880  }
0x127: {  	[tilespmem:s4], [sflag:$0x3] =	stream.linear.gather @!p0 [hbm4b:s7+s1], $0x28, $0x38;
	[tilespmem:$0x1E280] =	vst v63  }
0x128: {  	s6 =	simm.s32 @!p0 $0x1A680;
	s4 =	simm.s32 @!p0 $0x14078  }
0x129: {  	[tilespmem:s6], [sflag:$0xA] =	stream.indirect.gather @!p0 [hbm4b:s5+s3], $0x80, s4, s3, $0xb8;
	[tilespmem:$0x1E280] =	vst v63  }
0x12a: {  	s7 =	rddreg [dreg:$0x5];
	s4 =	simm.s32 @!p0 $0x16900  }
0x12b: {  	[tilespmem:s4], [sflag:$0x4] =	stream.linear.gather @!p0 [hbm4b:s7+s1], $0x28, $0x38;
	[tilespmem:$0x1E280] =	vst v63  }
0x12c: {  	s6 =	simm.s32 @!p0 $0x1BA80;
	s4 =	simm.s32 @!p0 $0x140A0  }
0x12d: {  	[tilespmem:s6], [sflag:$0xB] =	stream.indirect.gather @!p0 [hbm4b:s5+s3], $0x80, s4, s3, $0xb8;
	[tilespmem:$0x1E280] =	vst v63  }
0x12e: {  	s7 =	rddreg [dreg:$0x6];
	s3 =	simm.s32 @!p0 $0x16980  }
0x12f: {  	[tilespmem:s3], [sflag:$0x5] =	stream.linear.gather @!p0 [hbm4b:s7+s1], $0x28, $0x38;
	[tilespmem:$0x1E280] =	vst v63  }
0x130: {  	s1 =	rddreg [dreg:$0x9]  }
0x131: {  	s9 =	simm.s32 @!p0 $0x14000;
	s1 =	smov.u32 @p0 s14  }
0x132: {  	s23 =	sadd.s32 $0xC8, s9;
	s1 =	sadd.s32 $0xC8, s1  }
0x133: {  	[tilespmem:s13], [sflag:$0xC] =	stream.indirect.gather [hbm4b:s5+s25], $0x80, s23, s25, $0xb8;
	[tilespmem:$0x1E280] =	vst v63  }
0x134: {  	s24 =	rddreg [dreg:$0xa];
	s1 =	sshrl.u32 s1, $0x3  }
0x135: {  	s26 =	simm.s32 $0x1;
	s4 =	simm.s32 $0x0;
	s1 =	sadd.s32 s24, s1  }
0x136: {  	[tilespmem:s0], [sflag:$0x6] =	stream.linear.gather [hbm4b:s1+s4], $0x28, $0x38;
	[tilespmem:$0x1E280] =	vst v63  }
0x137: {  	_ =	swait.ge [sflag:s26], $0x28  }
0x138: {  	[sflag:s26] =	ssyncset.done $0x0  }
0x139: {  	s6 =	simm.s32 $0x7;
	[sflag:s26] =	ssyncadd.s32 $0xFFFFFFD8  }
0x13a: {  	_ =	swait.ge [sflag:s6], $0x1400  }
0x13b: {  	s29 =	simm.s32 $0x2;
	[sflag:s6] =	ssyncset.done $0x0  }
0x13c: {  	s9 =	simm.s32 $0x16A80;
	s8 =	simm.s32 $0x16780;
	[sflag:s6] =	ssyncadd.s32 $0xFFFFEC00  }
0x13d: {  	[spmem:s2] =	stream.indirect.scatter.add.f32 [tilespmem:s9], [sflag:$0xD], $0x80, s8, s25, $0xb8;
	[tilespmem:$0x1E280] =	vst v63  }
0x13e: {  	_ =	swait.ge [sflag:s29], $0x28  }
0x13f: {  	[sflag:s29] =	ssyncset.done $0x0  }
0x140: {  	s12 =	simm.s32 $0x8;
	[sflag:s29] =	ssyncadd.s32 $0xFFFFFFD8  }
0x141: {  	_ =	swait.ge [sflag:s12], $0x1400  }
0x142: {  	[sflag:s12] =	ssyncset.done $0x0  }
0x143: {  	s17 =	simm.s32 $0x17E80;
	s14 =	simm.s32 $0x16800;
	[sflag:s12] =	ssyncadd.s32 $0xFFFFEC00  }
0x144: {  	[spmem:s2] =	stream.indirect.scatter.add.f32 [tilespmem:s17], [sflag:$0xE], $0x80, s14, s25, $0xb8;
	[tilespmem:$0x1E280] =	vst v63  }
0x145: {  	_ =	swait.ge [sflag:s10], $0x28  }
0x146: {  	[sflag:s10] =	ssyncset.done $0x0  }
0x147: {  	[sflag:s10] =	ssyncadd.s32 $0xFFFFFFD8  }
0x148: {  	_ =	swait.ge [sflag:s11], $0x1400  }
0x149: {  	[sflag:s11] =	ssyncset.done $0x0  }
0x14a: {  	s18 =	simm.s32 $0x16880;
	s24 =	simm.s32 $0x19280;
	[sflag:s11] =	ssyncadd.s32 $0xFFFFEC00  }
0x14b: {  	[spmem:s2] =	stream.indirect.scatter.add.f32 [tilespmem:s24], [sflag:$0xF], $0x80, s18, s25, $0xb8;
	[tilespmem:$0x1E280] =	vst v63  }
0x14c: {  	_ =	swait.ge [sflag:s15], $0x28  }
0x14d: {  	[sflag:s15] =	ssyncset.done $0x0  }
0x14e: {  	[sflag:s15] =	ssyncadd.s32 $0xFFFFFFD8  }
0x14f: {  	_ =	swait.ge [sflag:s16], $0x1400  }
0x150: {  	[sflag:s16] =	ssyncset.done $0x0  }
0x151: {  	s26 =	simm.s32 $0x16900;
	s29 =	simm.s32 $0x1A680;
	[sflag:s16] =	ssyncadd.s32 $0xFFFFEC00  }
0x152: {  	[spmem:s2] =	stream.indirect.scatter.add.f32 [tilespmem:s29], [sflag:$0x10], $0x80, s26, s25, $0xb8;
	[tilespmem:$0x1E280] =	vst v63  }
0x153: {  	_ =	swait.ge [sflag:s19], $0x28  }
0x154: {  	[sflag:s19] =	ssyncset.done $0x0  }
0x155: {  	[sflag:s19] =	ssyncadd.s32 $0xFFFFFFD8  }
0x156: {  	_ =	swait.ge [sflag:s20], $0x1400  }
0x157: {  	s30 =	rddreg [dreg:$0x7];
	[sflag:s20] =	ssyncset.done $0x0  }
0x158: {  	s31 =	rddreg [dreg:$0x8];
	[sflag:s20] =	ssyncadd.s32 $0xFFFFEC00  }
0x159: {  	[spmem:s2] =	stream.indirect.scatter.add.f32 [tilespmem:s31], [sflag:$0x11], $0x80, s30, s25, $0xb8;
	[tilespmem:$0x1E280] =	vst v63  }
0x15a: {  	_ =	swait.ge [sflag:s21], $0x28  }
0x15b: {  	[sflag:s21] =	ssyncset.done $0x0  }
0x15c: {  	[sflag:s21] =	ssyncadd.s32 $0xFFFFFFD8  }
0x15d: {  	_ =	swait.ge [sflag:s22], $0x1400  }
0x15e: {  	[sflag:s22] =	ssyncset.done $0x0  }
0x15f: {  	s1 =	simm.s32 $0xD;
	[sflag:s22] =	ssyncadd.s32 $0xFFFFEC00  }
0x160: {  	[spmem:s2] =	stream.indirect.scatter.add.f32 [tilespmem:s13], [sflag:$0x12], $0x80, s0, s25, $0xb8;
	[tilespmem:$0x1E280] =	vst v63  }
0x161: {  	_ =	swait.ge [sflag:s1], $0x1400  }
0x162: {  	[sflag:s1] =	ssyncset.done $0x0  }
0x163: {  	s3 =	simm.s32 $0xE;
	[sflag:s1] =	ssyncadd.s32 $0xFFFFEC00  }
0x164: {  	_ =	swait.ge [sflag:s3], $0x1400  }
0x165: {  	[sflag:s3] =	ssyncset.done $0x0  }
0x166: {  	s7 =	simm.s32 $0xF;
	[sflag:s3] =	ssyncadd.s32 $0xFFFFEC00  }
0x167: {  	_ =	swait.ge [sflag:s7], $0x1400  }
0x168: {  	[sflag:s7] =	ssyncset.done $0x0  }
0x169: {  	s13 =	simm.s32 $0x10;
	[sflag:s7] =	ssyncadd.s32 $0xFFFFEC00  }
0x16a: {  	_ =	swait.ge [sflag:s13], $0x1400  }
0x16b: {  	[sflag:s13] =	ssyncset.done $0x0  }
0x16c: {  	s30 =	simm.s32 $0x11;
	[sflag:s13] =	ssyncadd.s32 $0xFFFFEC00  }
0x16d: {  	_ =	swait.ge [sflag:s30], $0x1400  }
0x16e: {  	[sflag:s30] =	ssyncset.done $0x0  }
0x16f: {  	s31 =	simm.s32 $0x12;
	[sflag:s30] =	ssyncadd.s32 $0xFFFFEC00  }
0x170: {  	_ =	swait.ge [sflag:s31], $0x1400  }
0x171: {  	[sflag:s31] =	ssyncset.done $0x0  }
0x172: {  	s7 =	simm.s32 $0x13;
	s0 =	rddreg [dreg:$0xf];
	[sflag:s31] =	ssyncadd.s32 $0xFFFFEC00  }
0x173: {  	[tilespmem:s8], [sflag:$0x13] =	stream.linear.gather [hbm4b:s0+s4], $0x28, $0x38;
	[tilespmem:$0x1E280] =	vst v63  }
0x174: {  	_ =	swait.ge [sflag:s7], $0x28  }
0x175: {  	[sflag:s7] =	ssyncset.done $0x0  }
0x176: {  	s3 =	simm.s32 $0x16670;
	[sflag:s7] =	ssyncadd.s32 $0xFFFFFFD8  }
0x177: {  	[tilespmem:s9], [sflag:$0x7] =	stream.indirect.gather [hbm4b:s5+s25], $0x80, s3, s25, $0xb8;
	[tilespmem:$0x1E280] =	vst v63  }
0x178: {  	_ =	swait.ge [sflag:s6], $0x1400  }
0x179: {  	[sflag:s6] =	ssyncset.done $0x0  }
0x17a: {  	[sflag:s6] =	ssyncadd.s32 $0xFFFFEC00  }
0x17b: {  	[spmem:s2] =	stream.indirect.scatter.add.f32 [tilespmem:s9], [sflag:$0x13], $0x80, s8, s25, $0xb8;
	[tilespmem:$0x1E280] =	vst v63  }
0x17c: {  	_ =	swait.ge [sflag:s7], $0x1400  }
0x17d: {  	[sflag:s7] =	ssyncset.done $0x0  }
0x17e: {  	s8 =	rddreg [dreg:$0x10];
	[sflag:s7] =	ssyncadd.s32 $0xFFFFEC00  }
0x17f: {  	[tilespmem:s14], [sflag:$0x13] =	stream.linear.gather [hbm4b:s8+s4], $0x28, $0x38;
	[tilespmem:$0x1E280] =	vst v63  }
0x180: {  	_ =	swait.ge [sflag:s7], $0x28  }
0x181: {  	[sflag:s7] =	ssyncset.done $0x0  }
0x182: {  	s9 =	simm.s32 $0x16698;
	[sflag:s7] =	ssyncadd.s32 $0xFFFFFFD8  }
0x183: {  	[tilespmem:s17], [sflag:$0x8] =	stream.indirect.gather [hbm4b:s5+s25], $0x80, s9, s25, $0xb8;
	[tilespmem:$0x1E280] =	vst v63  }
0x184: {  	_ =	swait.ge [sflag:s12], $0x1400  }
0x185: {  	[sflag:s12] =	ssyncset.done $0x0  }
0x186: {  	[sflag:s12] =	ssyncadd.s32 $0xFFFFEC00  }
0x187: {  	[spmem:s2] =	stream.indirect.scatter.add.f32 [tilespmem:s17], [sflag:$0x13], $0x80, s14, s25, $0xb8;
	[tilespmem:$0x1E280] =	vst v63  }
0x188: {  	_ =	swait.ge [sflag:s7], $0x1400  }
0x189: {  	[sflag:s7] =	ssyncset.done $0x0  }
0x18a: {  	s13 =	rddreg [dreg:$0x11];
	[sflag:s7] =	ssyncadd.s32 $0xFFFFEC00  }
0x18b: {  	[tilespmem:s18], [sflag:$0x13] =	stream.linear.gather [hbm4b:s13+s4], $0x28, $0x38;
	[tilespmem:$0x1E280] =	vst v63  }
0x18c: {  	_ =	swait.ge [sflag:s7], $0x28  }
0x18d: {  	[sflag:s7] =	ssyncset.done $0x0  }
0x18e: {  	s14 =	simm.s32 $0x166C0;
	[sflag:s7] =	ssyncadd.s32 $0xFFFFFFD8  }
0x18f: {  	[tilespmem:s24], [sflag:$0x9] =	stream.indirect.gather [hbm4b:s5+s25], $0x80, s14, s25, $0xb8;
	[tilespmem:$0x1E280] =	vst v63  }
0x190: {  	_ =	swait.ge [sflag:s11], $0x1400  }
0x191: {  	[sflag:s11] =	ssyncset.done $0x0  }
0x192: {  	[sflag:s11] =	ssyncadd.s32 $0xFFFFEC00  }
0x193: {  	[spmem:s2] =	stream.indirect.scatter.add.f32 [tilespmem:s24], [sflag:$0x13], $0x80, s18, s25, $0xb8;
	[tilespmem:$0x1E280] =	vst v63  }
0x194: {  	_ =	swait.ge [sflag:s7], $0x1400  }
0x195: {  	[sflag:s7] =	ssyncset.done $0x0  }
0x196: {  	s17 =	rddreg [dreg:$0x13];
	[sflag:s7] =	ssyncadd.s32 $0xFFFFEC00  }
0x197: {  	[tilespmem:s26], [sflag:$0x13] =	stream.linear.gather [hbm4b:s17+s4], $0x28, $0x38;
	[tilespmem:$0x1E280] =	vst v63  }
0x198: {  	_ =	swait.ge [sflag:s7], $0x28  }
0x199: {  	[sflag:s7] =	ssyncset.done $0x0  }
0x19a: {  	s18 =	simm.s32 $0x166E8;
	[sflag:s7] =	ssyncadd.s32 $0xFFFFFFD8  }
0x19b: {  	[tilespmem:s29], [sflag:$0xA] =	stream.indirect.gather [hbm4b:s5+s25], $0x80, s18, s25, $0xb8;
	[tilespmem:$0x1E280] =	vst v63  }
0x19c: {  	_ =	swait.ge [sflag:s16], $0x1400  }
0x19d: {  	[sflag:s16] =	ssyncset.done $0x0  }
0x19e: {  	[sflag:s16] =	ssyncadd.s32 $0xFFFFEC00  }
0x19f: {  	[spmem:s2] =	stream.indirect.scatter.add.f32 [tilespmem:s29], [sflag:$0x13], $0x80, s26, s25, $0xb8;
	[tilespmem:$0x1E280] =	vst v63  }
0x1a0: {  	_ =	swait.ge [sflag:s7], $0x1400  }
0x1a1: {  	[sflag:s7] =	ssyncset.done $0x0  }
0x1a2: {  	[sflag:s7] =	ssyncadd.s32 $0xFFFFEC00  }
0x1a3: {  	[bflag:$0x0] =	sbarrier.arrive $0xFFFF  }
0x1a4: {  	s24 =	rddreg [dreg:$0x14]  }
0x1a5: {  	s26 =	rddreg [dreg:$0x1c]  }
0x1a6: {  	s29 =	rddreg [dreg:$0x1d]  }
0x1a7: {  	[hbm:s24], [sflag:s26] =	dma.local [spmem:s29], $0x2800  }
0x1a8: {  	_ =	swait.ge [sflag:s7], $0x2800  }
0x1a9: {  	s30 =	rddreg [dreg:$0x1b]  }
0x1aa: {  	s31 =	rddreg [dreg:$0x15];
	s0 =	sadd.s32 $0x1, s30  }
0x1ab: {  	p0 =	sne.s32 s0, s31  }
.Ltmp1:
0x1ac: {  	_ = 	snop;
	(pc) =	sbr.rel @p0 .LBB2_1-.Ltmp1, $3  }
0x1ad: {  	_ =	sdelay $0x1  }
0x1ae: {  	[sflag:s7] =	ssyncset.done $0x0  }
0x1af: {  	s28 =	simm.s32 $0x1CE80;
	s23 =	simm.s32 $0x16A00;
	[sflag:s7] =	ssyncadd.s32 $0xFFFFD800  }
0x1b0: {  	_ =	sfence.sel $0x180000  }
0x1b1: {  	[bflag:$0x0] =	sbarrier.arrive $0xFFFF  }
0x1b2: {  	_ =	strace $0x90000050  }
0x1b3: {  	s0 =	stileid.u32;
	[bflag:$0x2] =	sbarrier.arrive $0xFFFF  }
0x1b4: {  	p0 =	sne.s32 s0, $0x0;
	s0 =	rddreg [dreg:$0x2]  }
0x1b5: {  	s0 =	sadd.s32 @!p0 $0x100000, s0  }
0x1b6: {  	[sflag:s0] =	ssyncadd.tile.s32 @!p0 $0x1;
	_ =	shalt  }
.Lfunc_end2:
_tile_overlayer_lowered:
.L_overlay_start_2:
0x1b7: {  	(tag) =	ssettag $0x2  }
0x1b8: {  	s0 =	rddreg [dreg:$0x0];
	s2 =	stileid.u32  }
0x1b9: {  	s1 =	rddreg [dreg:$0x1];
	p0 =	sne.s32 s2, $0x0  }
0x1ba: {  	s3 =	rddreg [dreg:$0x2];
	[bflag:$0x3] =	sbarrier.arrive $0xFFFF;
	s2 =	simm.s32 @!p0 $0x1C13  }
0x1bb: {  	[timem:s3], [sflag:s2] =	dma.local @!p0 [hbm:s0], s1  }
0x1bc: {  	s0 =	simm.s32 @!p0 $0x13  }
0x1bd: {  	_ =	swait.ge @!p0 [sflag:s0], s1  }
0x1be: {  	s1 =	ssub.s32 @!p0 $0x0, s1;
	[sflag:s0] =	ssyncset.done @!p0 $0x0  }
0x1bf: {  	[sflag:s0] =	ssyncadd.s32 @!p0 s1  }
0x1c0: {  	[bflag:$0x3] =	sbarrier.arrive $0xFFFF  }
0x1c1: {  	_ =	shalt  }

</sc_bundles>
